<compile_context>
chip_gen: v7x
topology: tpu7x:2x2x1
jax: 0.10.2.dev20260603
libtpu: 0.0.44.dev20260713+nightly
codegen_flags: <defaults>
</compile_context>

<pallas_src>
import functools

import jax
import jax.numpy as jnp
from jax import lax
from jax.experimental import pallas as pl
from jax.experimental.pallas import tpu as pltpu
from jax.experimental.pallas import tpu_sc as plsc

N_NODES = 10000
HID = 16
EDGE_DIM = 4
N_GRAPHS = 64
ZCOLS = HID * HID + HID

NC = 2
NS = 16
BE = 128
EPW = 5120
E_PAD = NC * NS * EPW
N_ACC = 10112
STRIPE = N_ACC // NS

BN_BLK = 2000


def _recip(x):
    r = 1.0 / x
    return r * (2.0 - x * r)


def _rsqrt_acc(x):
    r = lax.rsqrt(x)
    return 0.5 * r * (3.0 - x * r * r)


def _dot(a, b):
    return jnp.dot(a, b, preferred_element_type=jnp.float32,
                   precision=lax.Precision.HIGHEST)


def _bfdot(a, b):
    return jnp.dot(a.astype(jnp.bfloat16), b.astype(jnp.bfloat16),
                   preferred_element_type=jnp.float32)


def _z_body(h_ref, c_ref, z_ref):
    z_ref[...] = _dot(h_ref[...], c_ref[...])


def _z_call(h, C):
    in_c = h.shape[-1]
    return pl.pallas_call(
        _z_body,
        grid=(N_NODES // BN_BLK,),
        in_specs=[
            pl.BlockSpec((BN_BLK, in_c), lambda i: (i, 0)),
            pl.BlockSpec((in_c, ZCOLS), lambda i: (0, 0)),
        ],
        out_specs=pl.BlockSpec((BN_BLK, ZCOLS), lambda i: (i, 0)),
        out_shape=jax.ShapeDtypeStruct((N_NODES, ZCOLS), jnp.float32),
    )(h, C)


NB = EPW // BE


@functools.lru_cache(maxsize=None)
def _sc_call():
    mesh = plsc.VectorSubcoreMesh(core_axis_name="c", subcore_axis_name="s")

    @functools.partial(
        pl.kernel,
        mesh=mesh,
        compiler_params=pltpu.CompilerParams(use_tc_tiling_on_sc=False),
        out_type=jax.ShapeDtypeStruct((NC, N_ACC, 32), jnp.float32),
        scratch_types=[
            pltpu.VMEM((NB, BE), jnp.int32),
            pltpu.VMEM((NB, BE), jnp.int32),
            pltpu.VMEM((EPW * EDGE_DIM,), jnp.float32),
            pltpu.VMEM((EDGE_DIM, HID), jnp.float32),
            pltpu.VMEM((1, HID), jnp.float32),
            pltpu.VMEM((BE, ZCOLS), jnp.float32),
            pltpu.VMEM((BE, ZCOLS), jnp.float32),
            pltpu.VMEM((BE, 32), jnp.float32),
            pltpu.VMEM_SHARED((N_ACC, 32), jnp.float32),
            pltpu.SemaphoreType.DMA,
            pltpu.SemaphoreType.DMA,
        ],
    )
    def k(z_hbm, ea_hbm, ew1_hbm, eb1_hbm, src_hbm, dst_hbm, zrow_hbm, out_hbm,
          sidx_v, didx_v, ea_v, ew1_v, eb1_v, rows_v0, rows_v1, msg_v,
          acc, gsem0, gsem1):
        cid = lax.axis_index("c")
        sid = lax.axis_index("s")
        wid = cid * NS + sid

        pltpu.sync_copy(zrow_hbm, acc.at[pl.ds(sid * STRIPE, STRIPE)])

        pltpu.sync_copy(src_hbm.at[pl.ds(wid * NB, NB)], sidx_v)
        pltpu.sync_copy(dst_hbm.at[pl.ds(wid * NB, NB)], didx_v)
        pltpu.sync_copy(ea_hbm.at[pl.ds(wid * EPW * EDGE_DIM, EPW * EDGE_DIM)], ea_v)
        pltpu.sync_copy(ew1_hbm, ew1_v)
        pltpu.sync_copy(eb1_hbm, eb1_v)

        lane = lax.iota(jnp.int32, 16)
        onevec = jnp.where(lane == 0, 1.0, 0.0).astype(jnp.float32)

        def fill(i, _):
            msg_v[i, pl.ds(HID, 16)] = onevec
            return 0
        lax.fori_loop(0, BE, fill, 0)

        plsc.subcore_barrier()

        def issue(j, rows_v, gsem):
            pltpu.async_copy(z_hbm.at[sidx_v.at[j]], rows_v, gsem)

        def wait(rows_v, gsem):
            pltpu.make_async_copy(z_hbm.at[sidx_v.at[0]], rows_v, gsem).wait()

        def compute_scatter(j, rows_v):
            w0 = ew1_v[0, pl.ds(0, HID)]
            w1 = ew1_v[1, pl.ds(0, HID)]
            w2 = ew1_v[2, pl.ds(0, HID)]
            w3 = ew1_v[3, pl.ds(0, HID)]
            bv = eb1_v[0, pl.ds(0, HID)]

            def pairfn(m, _):
                av = ea_v[pl.ds(j * (BE * EDGE_DIM) + m * (2 * EDGE_DIM), 16)]
                for half in range(2):
                    e = 2 * m + half
                    o4 = half * EDGE_DIM
                    hv = ((((av[o4] * w0) + av[o4 + 1] * w1)
                           + av[o4 + 2] * w2) + av[o4 + 3] * w3) + bv
                    hv = jnp.maximum(hv, 0.0)
                    accs = [rows_v[e, pl.ds(HID * HID, 16)],
                            hv[0] * rows_v[e, pl.ds(0, 16)],
                            hv[1] * rows_v[e, pl.ds(HID, 16)],
                            hv[2] * rows_v[e, pl.ds(2 * HID, 16)]]
                    for kk in range(3, HID):
                        accs[kk % 4] = accs[kk % 4] + hv[kk] * rows_v[e, pl.ds(HID * kk, 16)]
                    msg_v[e, pl.ds(0, 16)] = (accs[0] + accs[1]) + (accs[2] + accs[3])
                return 0
            lax.fori_loop(0, BE // 2, pairfn, 0)
            pltpu.sync_copy(msg_v, acc.at[didx_v.at[j]], add=True)

        issue(0, rows_v0, gsem0)

        def pair(p, _):
            j = 2 * p
            issue(j + 1, rows_v1, gsem1)
            wait(rows_v0, gsem0)
            compute_scatter(j, rows_v0)

            @pl.when(p < NB // 2 - 1)
            def _():
                issue(j + 2, rows_v0, gsem0)
            wait(rows_v1, gsem1)
            compute_scatter(j + 1, rows_v1)
            return 0
        lax.fori_loop(0, NB // 2, pair, 0)

        plsc.subcore_barrier()
        pltpu.sync_copy(acc.at[pl.ds(sid * STRIPE, STRIPE)],
                        out_hbm.at[cid, pl.ds(sid * STRIPE, STRIPE)])

    return k


def _c1_body(p_ref, h_ref, root_ref, bias_ref, t_ref, st_ref):
    i = pl.program_id(0)
    p0 = p_ref[0]
    p1 = p_ref[1]
    s = p0[:, 0:HID] + p1[:, 0:HID]
    cnt = p0[:, HID:HID + 1] + p1[:, HID:HID + 1]
    agg = s * _recip(jnp.maximum(cnt, 1.0))
    t = agg + _bfdot(h_ref[...], root_ref[...]) + bias_ref[...]
    t_ref[...] = t
    blk = jnp.concatenate(
        [jnp.sum(t, axis=0, keepdims=True), jnp.sum(t * t, axis=0, keepdims=True)],
        axis=0)

    @pl.when(i == 0)
    def _():
        st_ref[...] = blk

    @pl.when(i > 0)
    def _():
        st_ref[...] = st_ref[...] + blk


def _c1_call(P, h, root, bias):
    in_c = h.shape[-1]
    return pl.pallas_call(
        _c1_body,
        grid=(N_NODES // BN_BLK,),
        in_specs=[
            pl.BlockSpec((NC, BN_BLK, 32), lambda i: (0, i, 0)),
            pl.BlockSpec((BN_BLK, in_c), lambda i: (i, 0)),
            pl.BlockSpec((in_c, HID), lambda i: (0, 0)),
            pl.BlockSpec((1, HID), lambda i: (0, 0)),
        ],
        out_specs=[
            pl.BlockSpec((BN_BLK, HID), lambda i: (i, 0)),
            pl.BlockSpec((2, HID), lambda i: (0, 0)),
        ],
        out_shape=[
            jax.ShapeDtypeStruct((N_NODES, HID), jnp.float32),
            jax.ShapeDtypeStruct((2, HID), jnp.float32),
        ],
    )(P, h, root, bias)


def _c2_body_res(t_ref, st_ref, g_ref, b_ref, hp_ref, o_ref):
    mean = st_ref[0:1, :] * (1.0 / N_NODES)
    var = st_ref[1:2, :] * (1.0 / N_NODES) - mean * mean
    xn = (t_ref[...] - mean) * _rsqrt_acc(var + 1e-5) * g_ref[...] + b_ref[...]
    o_ref[...] = jnp.maximum(xn, 0.0) + hp_ref[...]


def _c2_body_nores(t_ref, st_ref, g_ref, b_ref, o_ref):
    mean = st_ref[0:1, :] * (1.0 / N_NODES)
    var = st_ref[1:2, :] * (1.0 / N_NODES) - mean * mean
    xn = (t_ref[...] - mean) * _rsqrt_acc(var + 1e-5) * g_ref[...] + b_ref[...]
    o_ref[...] = jnp.maximum(xn, 0.0)


def _c2_call(residual, t, st, g, b, h_prev):
    in_specs = [
        pl.BlockSpec((BN_BLK, HID), lambda i: (i, 0)),
        pl.BlockSpec((2, HID), lambda i: (0, 0)),
        pl.BlockSpec((1, HID), lambda i: (0, 0)),
        pl.BlockSpec((1, HID), lambda i: (0, 0)),
    ]
    args = [t, st, g, b]
    if residual:
        in_specs.append(pl.BlockSpec((BN_BLK, HID), lambda i: (i, 0)))
        args.append(h_prev)
    return pl.pallas_call(
        _c2_body_res if residual else _c2_body_nores,
        grid=(N_NODES // BN_BLK,),
        in_specs=in_specs,
        out_specs=pl.BlockSpec((BN_BLK, HID), lambda i: (i, 0)),
        out_shape=jax.ShapeDtypeStruct((N_NODES, HID), jnp.float32),
    )(*args)


def _pool_body(h_ref, b_ref, out_ref, acc_s, cnt_s):
    i = pl.program_id(0)
    nsteps = pl.num_programs(0)
    bids = b_ref[:, 0]
    oh = (bids[:, None] == lax.broadcasted_iota(jnp.int32, (1, N_GRAPHS), 1)
          ).astype(jnp.float32)
    ssum = lax.dot_general(oh, h_ref[...], (((0,), (0,)), ((), ())),
                           preferred_element_type=jnp.float32,
                           precision=lax.Precision.HIGHEST)
    scnt = jnp.sum(oh, axis=0, keepdims=True)

    @pl.when(i == 0)
    def _():
        acc_s[...] = ssum
        cnt_s[...] = scnt

    @pl.when(i > 0)
    def _():
        acc_s[...] = acc_s[...] + ssum
        cnt_s[...] = cnt_s[...] + scnt

    @pl.when(i == nsteps - 1)
    def _():
        out_ref[...] = acc_s[...] * _recip(
            jnp.maximum(jnp.reshape(cnt_s[...], (N_GRAPHS, 1)), 1.0))


def _pool_call(h, batch2d):
    return pl.pallas_call(
        _pool_body,
        grid=(N_NODES // BN_BLK,),
        in_specs=[
            pl.BlockSpec((BN_BLK, HID), lambda i: (i, 0)),
            pl.BlockSpec((BN_BLK, 1), lambda i: (i, 0)),
        ],
        out_specs=pl.BlockSpec((N_GRAPHS, HID), lambda i: (0, 0)),
        out_shape=jax.ShapeDtypeStruct((N_GRAPHS, HID), jnp.float32),
        scratch_shapes=[
            pltpu.VMEM((N_GRAPHS, HID), jnp.float32),
            pltpu.VMEM((1, N_GRAPHS), jnp.float32),
        ],
    )(h, batch2d)


def kernel(x, edge_index, batch, edge_attr, params):
    E = edge_attr.shape[0]
    npad = E_PAD - E
    src_p = jnp.concatenate(
        [edge_index[0], jnp.zeros((npad,), jnp.int32)]).reshape(E_PAD // BE, BE)
    dst_p = jnp.concatenate(
        [edge_index[1], jnp.full((npad,), N_NODES, jnp.int32)]).reshape(E_PAD // BE, BE)
    ea_p = jnp.concatenate(
        [edge_attr, jnp.zeros((npad, EDGE_DIM), jnp.float32)]
    ).astype(jnp.bfloat16).astype(jnp.float32).reshape(-1)
    zeros_stripe = jnp.zeros((STRIPE, 32), jnp.float32)

    h = x
    for l, p in enumerate(params["convs"]):
        in_c = h.shape[-1]
        T = p["ew2"].reshape(HID, in_c, HID).transpose(1, 0, 2).reshape(in_c, HID * HID)
        C = jnp.concatenate([T, p["eb2"].reshape(in_c, HID)], axis=1)
        Z = _z_call(h, C)
        ew1_bf = p["ew1"].astype(jnp.bfloat16).astype(jnp.float32)
        P = _sc_call()(Z, ea_p, ew1_bf, p["eb1"][None, :], src_p, dst_p,
                       zeros_stripe)
        t, st = _c1_call(P, h, p["root"], p["bias"][None, :])
        h = _c2_call(l > 0, t, st, p["bn_g"][None, :], p["bn_b"][None, :], h)

    pooled = _pool_call(h, batch[:, None])
    h1 = jax.nn.relu(pooled @ params["lin1_w"] + params["lin1_b"])
    return h1 @ params["lin2_w"] + params["lin2_b"]

# --- scband reference (transcript-rebuilt; emitter-appended) ---
"""Pipeline reference for scband-nnconv-model-13202729468407 (READ-ONLY COPY).

The authoritative reference and input builder live on the scoring server;
editing this copy changes nothing except your own understanding.
"""

import jax, jax.numpy as jnp
import numpy as np

N_NODES = 10000
N_EDGES = 160000
IN_CH = 64
HID = 16
N_LAYERS = 3
EDGE_DIM = 4
N_GRAPHS = 64


def _segment_mean(data, ids, num):
    s = jax.ops.segment_sum(data, ids, num_segments=num)
    c = jax.ops.segment_sum(jnp.ones((data.shape[0], 1), data.dtype), ids, num_segments=num)
    return s / jnp.clip(c, 1.0, None)


def _make_params(key):
    params = {"convs": []}
    for l in range(N_LAYERS):
        in_c = IN_CH if l == 0 else HID
        key, k1, k2, k3 = jax.random.split(key, 4)
        p = {
            "ew1": jax.random.normal(k1, (EDGE_DIM, HID), jnp.float32) / np.sqrt(EDGE_DIM),
            "eb1": jnp.zeros((HID,), jnp.float32),
            "ew2": jax.random.normal(k2, (HID, in_c * HID), jnp.float32) / np.sqrt(float(HID * in_c)),
            "eb2": jnp.zeros((in_c * HID,), jnp.float32),
            "root": jax.random.normal(k3, (in_c, HID), jnp.float32) / np.sqrt(float(in_c)),
            "bias": jnp.zeros((HID,), jnp.float32),
            "bn_g": jnp.ones((HID,), jnp.float32),
            "bn_b": jnp.zeros((HID,), jnp.float32),
        }
        params["convs"].append(p)
    key, k1, k2 = jax.random.split(key, 3)
    params["lin1_w"] = jax.random.normal(k1, (HID, HID // 2), jnp.float32) / np.sqrt(float(HID))
    params["lin1_b"] = jnp.zeros((HID // 2,), jnp.float32)
    params["lin2_w"] = jax.random.normal(k2, (HID // 2, 1), jnp.float32) / np.sqrt(float(HID // 2))
    params["lin2_b"] = jnp.zeros((1,), jnp.float32)
    return params


def setup_inputs(seed: int = 0):
    key = jax.random.key(seed)
    k1, k2, k3, k4, k5 = jax.random.split(key, 5)
    x = jax.random.normal(k1, (N_NODES, IN_CH), jnp.float32)
    edge_index = jax.random.randint(k2, (2, N_EDGES), 0, N_NODES, jnp.int32)
    batch = jnp.sort(jax.random.randint(k3, (N_NODES,), 0, N_GRAPHS, jnp.int32))
    edge_attr = jax.random.normal(k4, (N_EDGES, EDGE_DIM), jnp.float32)
    params = _make_params(k5)
    return {"x": x, "edge_index": edge_index, "batch": batch, "edge_attr": edge_attr, "params": params}


def _forward(x, edge_attr, params, edge_index, batch):
    src = edge_index[0]
    dst = edge_index[1]
    h = x
    for l, p in enumerate(params["convs"]):
        in_c = h.shape[-1]
        # edge network: MLP(edge_attr) -> per-edge weight matrix [E, in_c, HID]
        he = jax.nn.relu(edge_attr @ p["ew1"] + p["eb1"])
        w = (he @ p["ew2"] + p["eb2"]).reshape(-1, in_c, HID)
        # message: x_src (gather) bmm per-edge weight
        msg = jnp.einsum('ei,eio->eo', h[src], w)
        # aggr='mean' over incoming edges at dst (scatter-add + count)
        agg = _segment_mean(msg, dst, N_NODES)
        # root weight + bias
        x_new = agg + h @ p["root"] + p["bias"]
        # BatchNorm1d (training-mode batch statistics, deterministic)
        mean = jnp.mean(x_new, axis=0)
        var = jnp.var(x_new, axis=0)
        x_new = (x_new - mean) / jnp.sqrt(var + 1e-5) * p["bn_g"] + p["bn_b"]
        x_new = jax.nn.relu(x_new)
        if l > 0 and h.shape[-1] == x_new.shape[-1]:
            h = h + x_new
        else:
            h = x_new
    # global_mean_pool over graph ids
    pooled = _segment_mean(h, batch, N_GRAPHS)
    # dropout is identity in eval / deterministic reference
    h1 = jax.nn.relu(pooled @ params["lin1_w"] + params["lin1_b"])
    out = h1 @ params["lin2_w"] + params["lin2_b"]
    return out


def reference(x, edge_index, batch, edge_attr, params):
    return _forward(x, edge_attr, params, edge_index, batch)

if __name__ == "__main__":
    import jax
    _d = setup_inputs()
    print(jax.jit(kernel)(*tuple(_d.values())))

</pallas_src>

<mosaic_0001>
#map = affine_map<(d0, d1) -> (0, 0)>
#map1 = affine_map<(d0, d1) -> (0)>
#map2 = affine_map<(d0, d1) -> (0, 0, 0)>
module attributes {stable_mosaic.version = 14 : i64} {
  func.func @k(%arg0: i32, %arg1: i32, %arg2: memref<10000x272xf32, #tpu.memory_space<hbm>>, %arg3: memref<655360xf32, #tpu.memory_space<hbm>>, %arg4: memref<4x16xf32, #tpu.memory_space<hbm>>, %arg5: memref<1x16xf32, #tpu.memory_space<hbm>>, %arg6: memref<1280x128xi32, #tpu.memory_space<hbm>>, %arg7: memref<1280x128xi32, #tpu.memory_space<hbm>>, %arg8: memref<632x32xf32, #tpu.memory_space<hbm>>, %arg9: memref<2x10112x32xf32, #tpu.memory_space<hbm>>, %arg10: memref<40x128xi32, #tpu.memory_space<vmem>>, %arg11: memref<40x128xi32, #tpu.memory_space<vmem>>, %arg12: memref<20480xf32, #tpu.memory_space<vmem>>, %arg13: memref<4x16xf32, #tpu.memory_space<vmem>>, %arg14: memref<1x16xf32, #tpu.memory_space<vmem>>, %arg15: memref<128x272xf32, #tpu.memory_space<vmem>>, %arg16: memref<128x272xf32, #tpu.memory_space<vmem>>, %arg17: memref<128x32xf32, #tpu.memory_space<vmem>>, %arg18: memref<10112x32xf32, #tpu.memory_space<vmem_shared>>, %arg19: memref<!tpu.dma_semaphore, #tpu.memory_space<semaphore_mem>>, %arg20: memref<!tpu.dma_semaphore, #tpu.memory_space<semaphore_mem>>) attributes {dimension_semantics = [#tpu.dimension_semantics<core_parallel>, #tpu.dimension_semantics<subcore_parallel>], iteration_bounds = array<i64: 2, 16>, scalar_prefetch = 0 : i64, scratch_operands = 11 : i64, tpu.core_type = #tpu.core_type<sc_vector_subcore>, window_params = [{transform_indices = #map}, {transform_indices = #map1}, {transform_indices = #map}, {transform_indices = #map}, {transform_indices = #map}, {transform_indices = #map}, {transform_indices = #map}, {transform_indices = #map2}]} {
    %mul3A = arith.constant 16 : i32
    %mul3A_0 = arith.muli %arg0, %mul3A : i32
    %add3A = arith.addi %mul3A_0, %arg1 : i32
    %mul3A_1 = arith.constant 632 : i32
    %mul3A_2 = arith.muli %arg1, %mul3A_1 : i32
    "tpu.region"() ({
      %run_scoped3A = tpu.sem_alloc : memref<!tpu.dma_semaphore, #tpu.memory_space<semaphore_mem>>
      %dma_start3A_39 = arith.constant 0 : i32
      %dma_start3A_40 = tpu.memref_slice %arg18[%mul3A_2, %dma_start3A_39] : memref<10112x32xf32, #tpu.memory_space<vmem_shared>> -> memref<632x32xf32, #tpu.memory_space<vmem_shared>>
      tpu.enqueue_dma source(%arg8 : memref<632x32xf32, #tpu.memory_space<hbm>>) target(%dma_start3A_40 : memref<632x32xf32, #tpu.memory_space<vmem_shared>>) target_semaphore(%run_scoped3A : memref<!tpu.dma_semaphore, #tpu.memory_space<semaphore_mem>>)
      %dma_wait3A = arith.constant 0 : i32
      %dma_wait3A_41 = tpu.memref_slice %arg18[%mul3A_2, %dma_wait3A] : memref<10112x32xf32, #tpu.memory_space<vmem_shared>> -> memref<632x32xf32, #tpu.memory_space<vmem_shared>>
      tpu.wait_dma2 semaphore(%run_scoped3A : memref<!tpu.dma_semaphore, #tpu.memory_space<semaphore_mem>>) src(%arg8 : memref<632x32xf32, #tpu.memory_space<hbm>>) dst(%dma_wait3A_41 : memref<632x32xf32, #tpu.memory_space<vmem_shared>>)
      tpu.yield
    }) : () -> ()
    %mul3A_3 = arith.constant 40 : i32
    %mul3A_4 = arith.muli %add3A, %mul3A_3 : i32
    "tpu.region"() ({
      %run_scoped3A = tpu.sem_alloc : memref<!tpu.dma_semaphore, #tpu.memory_space<semaphore_mem>>
      %dma_start3A_39 = arith.constant 0 : i32
      %dma_start3A_40 = tpu.memref_slice %arg6[%mul3A_4, %dma_start3A_39] : memref<1280x128xi32, #tpu.memory_space<hbm>> -> memref<40x128xi32, #tpu.memory_space<hbm>>
      %dma_start3A_41 = arith.constant 0 : i32
      %dma_start3A_42 = tpu.memref_slice %arg6[%mul3A_4, %dma_start3A_41] : memref<1280x128xi32, #tpu.memory_space<hbm>> -> memref<40x128xi32, #tpu.memory_space<hbm>>
      tpu.enqueue_dma source(%dma_start3A_42 : memref<40x128xi32, #tpu.memory_space<hbm>>) target(%arg10 : memref<40x128xi32, #tpu.memory_space<vmem>>) target_semaphore(%run_scoped3A : memref<!tpu.dma_semaphore, #tpu.memory_space<semaphore_mem>>)
      %dma_wait3A = arith.constant 0 : i32
      %dma_wait3A_43 = tpu.memref_slice %arg6[%mul3A_4, %dma_wait3A] : memref<1280x128xi32, #tpu.memory_space<hbm>> -> memref<40x128xi32, #tpu.memory_space<hbm>>
      %dma_wait3A_44 = arith.constant 0 : i32
      %dma_wait3A_45 = tpu.memref_slice %arg6[%mul3A_4, %dma_wait3A_44] : memref<1280x128xi32, #tpu.memory_space<hbm>> -> memref<40x128xi32, #tpu.memory_space<hbm>>
      tpu.wait_dma2 semaphore(%run_scoped3A : memref<!tpu.dma_semaphore, #tpu.memory_space<semaphore_mem>>) src(%dma_wait3A_45 : memref<40x128xi32, #tpu.memory_space<hbm>>) dst(%arg10 : memref<40x128xi32, #tpu.memory_space<vmem>>)
      tpu.yield
    }) : () -> ()
    %mul3A_5 = arith.constant 40 : i32
    %mul3A_6 = arith.muli %add3A, %mul3A_5 : i32
    "tpu.region"() ({
      %run_scoped3A = tpu.sem_alloc : memref<!tpu.dma_semaphore, #tpu.memory_space<semaphore_mem>>
      %dma_start3A_39 = arith.constant 0 : i32
      %dma_start3A_40 = tpu.memref_slice %arg7[%mul3A_6, %dma_start3A_39] : memref<1280x128xi32, #tpu.memory_space<hbm>> -> memref<40x128xi32, #tpu.memory_space<hbm>>
      %dma_start3A_41 = arith.constant 0 : i32
      %dma_start3A_42 = tpu.memref_slice %arg7[%mul3A_6, %dma_start3A_41] : memref<1280x128xi32, #tpu.memory_space<hbm>> -> memref<40x128xi32, #tpu.memory_space<hbm>>
      tpu.enqueue_dma source(%dma_start3A_42 : memref<40x128xi32, #tpu.memory_space<hbm>>) target(%arg11 : memref<40x128xi32, #tpu.memory_space<vmem>>) target_semaphore(%run_scoped3A : memref<!tpu.dma_semaphore, #tpu.memory_space<semaphore_mem>>)
      %dma_wait3A = arith.constant 0 : i32
      %dma_wait3A_43 = tpu.memref_slice %arg7[%mul3A_6, %dma_wait3A] : memref<1280x128xi32, #tpu.memory_space<hbm>> -> memref<40x128xi32, #tpu.memory_space<hbm>>
      %dma_wait3A_44 = arith.constant 0 : i32
      %dma_wait3A_45 = tpu.memref_slice %arg7[%mul3A_6, %dma_wait3A_44] : memref<1280x128xi32, #tpu.memory_space<hbm>> -> memref<40x128xi32, #tpu.memory_space<hbm>>
      tpu.wait_dma2 semaphore(%run_scoped3A : memref<!tpu.dma_semaphore, #tpu.memory_space<semaphore_mem>>) src(%dma_wait3A_45 : memref<40x128xi32, #tpu.memory_space<hbm>>) dst(%arg11 : memref<40x128xi32, #tpu.memory_space<vmem>>)
      tpu.yield
    }) : () -> ()
    %mul3A_7 = arith.constant 5120 : i32
    %mul3A_8 = arith.muli %add3A, %mul3A_7 : i32
    %mul3A_9 = arith.constant 4 : i32
    %mul3A_10 = arith.muli %mul3A_8, %mul3A_9 : i32
    "tpu.region"() ({
      %run_scoped3A = tpu.sem_alloc : memref<!tpu.dma_semaphore, #tpu.memory_space<semaphore_mem>>
      %dma_start3A_39 = tpu.memref_slice %arg3[%mul3A_10] : memref<655360xf32, #tpu.memory_space<hbm>> -> memref<20480xf32, #tpu.memory_space<hbm>>
      %dma_start3A_40 = tpu.memref_slice %arg3[%mul3A_10] : memref<655360xf32, #tpu.memory_space<hbm>> -> memref<20480xf32, #tpu.memory_space<hbm>>
      tpu.enqueue_dma source(%dma_start3A_40 : memref<20480xf32, #tpu.memory_space<hbm>>) target(%arg12 : memref<20480xf32, #tpu.memory_space<vmem>>) target_semaphore(%run_scoped3A : memref<!tpu.dma_semaphore, #tpu.memory_space<semaphore_mem>>)
      %dma_wait3A = tpu.memref_slice %arg3[%mul3A_10] : memref<655360xf32, #tpu.memory_space<hbm>> -> memref<20480xf32, #tpu.memory_space<hbm>>
      %dma_wait3A_41 = tpu.memref_slice %arg3[%mul3A_10] : memref<655360xf32, #tpu.memory_space<hbm>> -> memref<20480xf32, #tpu.memory_space<hbm>>
      tpu.wait_dma2 semaphore(%run_scoped3A : memref<!tpu.dma_semaphore, #tpu.memory_space<semaphore_mem>>) src(%dma_wait3A_41 : memref<20480xf32, #tpu.memory_space<hbm>>) dst(%arg12 : memref<20480xf32, #tpu.memory_space<vmem>>)
      tpu.yield
    }) : () -> ()
    "tpu.region"() ({
      %run_scoped3A = tpu.sem_alloc : memref<!tpu.dma_semaphore, #tpu.memory_space<semaphore_mem>>
      tpu.enqueue_dma source(%arg4 : memref<4x16xf32, #tpu.memory_space<hbm>>) target(%arg13 : memref<4x16xf32, #tpu.memory_space<vmem>>) target_semaphore(%run_scoped3A : memref<!tpu.dma_semaphore, #tpu.memory_space<semaphore_mem>>)
      tpu.wait_dma2 semaphore(%run_scoped3A : memref<!tpu.dma_semaphore, #tpu.memory_space<semaphore_mem>>) src(%arg4 : memref<4x16xf32, #tpu.memory_space<hbm>>) dst(%arg13 : memref<4x16xf32, #tpu.memory_space<vmem>>)
      tpu.yield
    }) : () -> ()
    "tpu.region"() ({
      %run_scoped3A = tpu.sem_alloc : memref<!tpu.dma_semaphore, #tpu.memory_space<semaphore_mem>>
      tpu.enqueue_dma source(%arg5 : memref<1x16xf32, #tpu.memory_space<hbm>>) target(%arg14 : memref<1x16xf32, #tpu.memory_space<vmem>>) target_semaphore(%run_scoped3A : memref<!tpu.dma_semaphore, #tpu.memory_space<semaphore_mem>>)
      tpu.wait_dma2 semaphore(%run_scoped3A : memref<!tpu.dma_semaphore, #tpu.memory_space<semaphore_mem>>) src(%arg5 : memref<1x16xf32, #tpu.memory_space<hbm>>) dst(%arg14 : memref<1x16xf32, #tpu.memory_space<vmem>>)
      tpu.yield
    }) : () -> ()
    %iota3A = tpu.iota {dimensions = array<i32: 0>} : vector<16xi32>
    %eq3A = arith.constant 0 : i32
    %eq3A_11 = vector.broadcast %eq3A : i32 to vector<16xi32>
    %eq3A_12 = arith.cmpi eq, %iota3A, %eq3A_11 : vector<16xi32>
    %jit3A = arith.constant 1.000000e+00 : f32
    %jit3A_13 = arith.constant 0.000000e+00 : f32
    %broadcast_in_dim3A = vector.broadcast %jit3A : f32 to vector<16xf32>
    %broadcast_in_dim3A_14 = vector.broadcast %jit3A_13 : f32 to vector<16xf32>
    %select_n3A = arith.select %eq3A_12, %broadcast_in_dim3A, %broadcast_in_dim3A_14 : vector<16xi1>, vector<16xf32>
    %scan3A = arith.constant 0 : i32
    %scan3A_15 = arith.constant 0 : i32
    %scan3A_16 = arith.constant 128 : i32
    %scan3A_17 = arith.addi %scan3A_15, %scan3A_16 : i32
    %scan3A_18 = arith.constant 1 : i32
    %scan3A_19 = scf.for %scan3A_39 = %scan3A_15 to %scan3A_17 step %scan3A_18 iter_args(%scan3A_40 = %scan3A) -> (i32)  : i32 {
      %swap3A = arith.index_cast %scan3A_39 : i32 to index
      %swap3A_41 = arith.constant 16 : index
      %swap3A_42 = tpu.vector_load %arg17[%swap3A, %swap3A_41] {strides = array<i32>} : memref<128x32xf32, #tpu.memory_space<vmem>>, vector<1x16xf32>,
      %swap3A_43 = vector.shape_cast %swap3A_42 : vector<1x16xf32> to vector<16xf32>
      %swap3A_44 = vector.shape_cast %select_n3A : vector<16xf32> to vector<1x16xf32>
      tpu.vector_store %arg17[%swap3A, %swap3A_41], %swap3A_44 {strides = array<i32>} : memref<128x32xf32, #tpu.memory_space<vmem>>, vector<1x16xf32>,
      %scan3A_45 = arith.constant 0 : i32
      scf.yield %scan3A_45 : i32
    }
    %scan3A_20 = arith.constant 128 : i32
    %barrier3A = arith.constant 0 : index
    tpu.barrier barrier_id(%barrier3A)
    %dma_start3A = arith.constant 0 : i32
    %dma_start3A_21 = arith.constant 0 : i32
    %dma_start3A_22 = tpu.memref_slice %arg10[%dma_start3A, %dma_start3A_21] : memref<40x128xi32, #tpu.memory_space<vmem>> -> memref<1x128xi32, #tpu.memory_space<vmem>>
    %dma_start3A_23 = tpu.memref_squeeze %dma_start3A_22 : memref<1x128xi32, #tpu.memory_space<vmem>> -> memref<128xi32, #tpu.memory_space<vmem>>
    %dma_start3A_24 = arith.constant 0 : i32
    %dma_start3A_25 = arith.constant 0 : i32
    %dma_start3A_26 = tpu.memref_slice %arg2[%dma_start3A_24, %dma_start3A_25] : memref<10000x272xf32, #tpu.memory_space<hbm>> -> memref<10000x272xf32, #tpu.memory_space<hbm>>
    tpu.enqueue_indirect_dma source(%dma_start3A_26 : memref<10000x272xf32, #tpu.memory_space<hbm>>) target(%arg15 : memref<128x272xf32, #tpu.memory_space<vmem>>) offsets(%dma_start3A_23 : memref<128xi32, #tpu.memory_space<vmem>>) semaphore(%arg19 : memref<!tpu.dma_semaphore, #tpu.memory_space<semaphore_mem>>)
    %scan3A_27 = arith.constant 0 : i32
    %scan3A_28 = arith.constant 0 : i32
    %scan3A_29 = arith.constant 20 : i32
    %scan3A_30 = arith.addi %scan3A_28, %scan3A_29 : i32
    %scan3A_31 = arith.constant 1 : i32
    %scan3A_32 = scf.for %scan3A_39 = %scan3A_28 to %scan3A_30 step %scan3A_31 iter_args(%scan3A_40 = %scan3A_27) -> (i32)  : i32 {
      %mul3A_41 = arith.constant 2 : i32
      %mul3A_42 = arith.muli %mul3A_41, %scan3A_39 : i32
      %add3A_43 = arith.constant 1 : i32
      %add3A_44 = arith.addi %mul3A_42, %add3A_43 : i32
      %dma_start3A_45 = arith.constant 0 : i32
      %dma_start3A_46 = tpu.memref_slice %arg10[%add3A_44, %dma_start3A_45] : memref<40x128xi32, #tpu.memory_space<vmem>> -> memref<1x128xi32, #tpu.memory_space<vmem>>
      %dma_start3A_47 = tpu.memref_squeeze %dma_start3A_46 : memref<1x128xi32, #tpu.memory_space<vmem>> -> memref<128xi32, #tpu.memory_space<vmem>>
      %dma_start3A_48 = arith.constant 0 : i32
      %dma_start3A_49 = arith.constant 0 : i32
      %dma_start3A_50 = tpu.memref_slice %arg2[%dma_start3A_48, %dma_start3A_49] : memref<10000x272xf32, #tpu.memory_space<hbm>> -> memref<10000x272xf32, #tpu.memory_space<hbm>>
      tpu.enqueue_indirect_dma source(%dma_start3A_50 : memref<10000x272xf32, #tpu.memory_space<hbm>>) target(%arg16 : memref<128x272xf32, #tpu.memory_space<vmem>>) offsets(%dma_start3A_47 : memref<128xi32, #tpu.memory_space<vmem>>) semaphore(%arg20 : memref<!tpu.dma_semaphore, #tpu.memory_space<semaphore_mem>>)
      %dma_wait3A = arith.constant 0 : i32
      %dma_wait3A_51 = arith.constant 0 : i32
      %dma_wait3A_52 = tpu.memref_slice %arg10[%dma_wait3A, %dma_wait3A_51] : memref<40x128xi32, #tpu.memory_space<vmem>> -> memref<1x128xi32, #tpu.memory_space<vmem>>
      %dma_wait3A_53 = tpu.memref_squeeze %dma_wait3A_52 : memref<1x128xi32, #tpu.memory_space<vmem>> -> memref<128xi32, #tpu.memory_space<vmem>>
      %dma_wait3A_54 = arith.constant 0 : i32
      %dma_wait3A_55 = arith.constant 0 : i32
      %dma_wait3A_56 = tpu.memref_slice %arg2[%dma_wait3A_54, %dma_wait3A_55] : memref<10000x272xf32, #tpu.memory_space<hbm>> -> memref<10000x272xf32, #tpu.memory_space<hbm>>
      tpu.wait_indirect_dma semaphore(%arg19 : memref<!tpu.dma_semaphore, #tpu.memory_space<semaphore_mem>>) src(%dma_wait3A_56 : memref<10000x272xf32, #tpu.memory_space<hbm>>) dst(%arg15 : memref<128x272xf32, #tpu.memory_space<vmem>>)
      %get3A = arith.constant 0 : i32
      %get3A_57 = arith.index_cast %get3A : i32 to index
      %get3A_58 = arith.constant 0 : index
      %get3A_59 = tpu.vector_load %arg13[%get3A_57, %get3A_58] {strides = array<i32>} : memref<4x16xf32, #tpu.memory_space<vmem>>, vector<1x16xf32>,
      %get3A_60 = vector.shape_cast %get3A_59 : vector<1x16xf32> to vector<16xf32>
      %get3A_61 = arith.constant 1 : i32
      %get3A_62 = arith.index_cast %get3A_61 : i32 to index
      %get3A_63 = arith.constant 0 : index
      %get3A_64 = tpu.vector_load %arg13[%get3A_62, %get3A_63] {strides = array<i32>} : memref<4x16xf32, #tpu.memory_space<vmem>>, vector<1x16xf32>,
      %get3A_65 = vector.shape_cast %get3A_64 : vector<1x16xf32> to vector<16xf32>
      %get3A_66 = arith.constant 2 : i32
      %get3A_67 = arith.index_cast %get3A_66 : i32 to index
      %get3A_68 = arith.constant 0 : index
      %get3A_69 = tpu.vector_load %arg13[%get3A_67, %get3A_68] {strides = array<i32>} : memref<4x16xf32, #tpu.memory_space<vmem>>, vector<1x16xf32>,
      %get3A_70 = vector.shape_cast %get3A_69 : vector<1x16xf32> to vector<16xf32>
      %get3A_71 = arith.constant 3 : i32
      %get3A_72 = arith.index_cast %get3A_71 : i32 to index
      %get3A_73 = arith.constant 0 : index
      %get3A_74 = tpu.vector_load %arg13[%get3A_72, %get3A_73] {strides = array<i32>} : memref<4x16xf32, #tpu.memory_space<vmem>>, vector<1x16xf32>,
      %get3A_75 = vector.shape_cast %get3A_74 : vector<1x16xf32> to vector<16xf32>
      %get3A_76 = arith.constant 0 : i32
      %get3A_77 = arith.index_cast %get3A_76 : i32 to index
      %get3A_78 = arith.constant 0 : index
      %get3A_79 = tpu.vector_load %arg14[%get3A_77, %get3A_78] {strides = array<i32>} : memref<1x16xf32, #tpu.memory_space<vmem>>, vector<1x16xf32>,
      %get3A_80 = vector.shape_cast %get3A_79 : vector<1x16xf32> to vector<16xf32>
      %scan3A_81 = arith.constant 0 : i32
      %scan3A_82 = arith.constant 0 : i32
      %scan3A_83 = arith.constant 64 : i32
      %scan3A_84 = arith.addi %scan3A_82, %scan3A_83 : i32
      %scan3A_85 = arith.constant 1 : i32
      %scan3A_86 = scf.for %scan3A_132 = %scan3A_82 to %scan3A_84 step %scan3A_85 iter_args(%scan3A_133 = %scan3A_81) -> (i32)  : i32 {
        %mul3A_134 = arith.constant 512 : i32
        %mul3A_135 = arith.muli %mul3A_42, %mul3A_134 : i32
        %mul3A_136 = arith.constant 8 : i32
        %mul3A_137 = arith.muli %scan3A_132, %mul3A_136 : i32
        %add3A_138 = arith.addi %mul3A_135, %mul3A_137 : i32
        %get3A_139 = arith.index_cast %add3A_138 : i32 to index
        %get3A_140 = tpu.vector_load %arg12[%get3A_139] {strides = array<i32>} : memref<20480xf32, #tpu.memory_space<vmem>>, vector<16xf32>,
        %get3A_141 = vector.shape_cast %get3A_140 : vector<16xf32> to vector<16xf32>
        %mul3A_142 = arith.constant 2 : i32
        %mul3A_143 = arith.muli %mul3A_142, %scan3A_132 : i32
        %add3A_144 = arith.constant 0 : i32
        %add3A_145 = arith.addi %mul3A_143, %add3A_144 : i32
        %slice3A = vector.extract_strided_slice %get3A_141 {offsets = [0], sizes = [1], strides = [1]} : vector<16xf32> to vector<1xf32>
        %squeeze3A = vector.extract %slice3A[0] : f32 from vector<1xf32>
        %mul3A_146 = vector.broadcast %squeeze3A : f32 to vector<16xf32>
        %mul3A_147 = arith.mulf %mul3A_146, %get3A_60 : vector<16xf32>
        %slice3A_148 = vector.extract_strided_slice %get3A_141 {offsets = [1], sizes = [1], strides = [1]} : vector<16xf32> to vector<1xf32>
        %squeeze3A_149 = vector.extract %slice3A_148[0] : f32 from vector<1xf32>
        %mul3A_150 = vector.broadcast %squeeze3A_149 : f32 to vector<16xf32>
        %mul3A_151 = arith.mulf %mul3A_150, %get3A_65 : vector<16xf32>
        %add3A_152 = arith.addf %mul3A_147, %mul3A_151 : vector<16xf32>
        %slice3A_153 = vector.extract_strided_slice %get3A_141 {offsets = [2], sizes = [1], strides = [1]} : vector<16xf32> to vector<1xf32>
        %squeeze3A_154 = vector.extract %slice3A_153[0] : f32 from vector<1xf32>
        %mul3A_155 = vector.broadcast %squeeze3A_154 : f32 to vector<16xf32>
        %mul3A_156 = arith.mulf %mul3A_155, %get3A_70 : vector<16xf32>
        %add3A_157 = arith.addf %add3A_152, %mul3A_156 : vector<16xf32>
        %slice3A_158 = vector.extract_strided_slice %get3A_141 {offsets = [3], sizes = [1], strides = [1]} : vector<16xf32> to vector<1xf32>
        %squeeze3A_159 = vector.extract %slice3A_158[0] : f32 from vector<1xf32>
        %mul3A_160 = vector.broadcast %squeeze3A_159 : f32 to vector<16xf32>
        %mul3A_161 = arith.mulf %mul3A_160, %get3A_75 : vector<16xf32>
        %add3A_162 = arith.addf %add3A_157, %mul3A_161 : vector<16xf32>
        %add3A_163 = arith.addf %add3A_162, %get3A_80 : vector<16xf32>
        %max3A = arith.constant 0.000000e+00 : f32
        %max3A_164 = vector.broadcast %max3A : f32 to vector<16xf32>
        %max3A_165 = arith.maximumf %add3A_163, %max3A_164 : vector<16xf32>
        %get3A_166 = arith.index_cast %add3A_145 : i32 to index
        %get3A_167 = arith.constant 256 : index
        %get3A_168 = tpu.vector_load %arg15[%get3A_166, %get3A_167] {strides = array<i32>} : memref<128x272xf32, #tpu.memory_space<vmem>>, vector<1x16xf32>,
        %get3A_169 = vector.shape_cast %get3A_168 : vector<1x16xf32> to vector<16xf32>
        %slice3A_170 = vector.extract_strided_slice %max3A_165 {offsets = [0], sizes = [1], strides = [1]} : vector<16xf32> to vector<1xf32>
        %squeeze3A_171 = vector.extract %slice3A_170[0] : f32 from vector<1xf32>
        %get3A_172 = arith.index_cast %add3A_145 : i32 to index
        %get3A_173 = arith.constant 0 : index
        %get3A_174 = tpu.vector_load %arg15[%get3A_172, %get3A_173] {strides = array<i32>} : memref<128x272xf32, #tpu.memory_space<vmem>>, vector<1x16xf32>,
        %get3A_175 = vector.shape_cast %get3A_174 : vector<1x16xf32> to vector<16xf32>
        %mul3A_176 = vector.broadcast %squeeze3A_171 : f32 to vector<16xf32>
        %mul3A_177 = arith.mulf %mul3A_176, %get3A_175 : vector<16xf32>
        %slice3A_178 = vector.extract_strided_slice %max3A_165 {offsets = [1], sizes = [1], strides = [1]} : vector<16xf32> to vector<1xf32>
        %squeeze3A_179 = vector.extract %slice3A_178[0] : f32 from vector<1xf32>
        %get3A_180 = arith.index_cast %add3A_145 : i32 to index
        %get3A_181 = arith.constant 16 : index
        %get3A_182 = tpu.vector_load %arg15[%get3A_180, %get3A_181] {strides = array<i32>} : memref<128x272xf32, #tpu.memory_space<vmem>>, vector<1x16xf32>,
        %get3A_183 = vector.shape_cast %get3A_182 : vector<1x16xf32> to vector<16xf32>
        %mul3A_184 = vector.broadcast %squeeze3A_179 : f32 to vector<16xf32>
        %mul3A_185 = arith.mulf %mul3A_184, %get3A_183 : vector<16xf32>
        %slice3A_186 = vector.extract_strided_slice %max3A_165 {offsets = [2], sizes = [1], strides = [1]} : vector<16xf32> to vector<1xf32>
        %squeeze3A_187 = vector.extract %slice3A_186[0] : f32 from vector<1xf32>
        %get3A_188 = arith.index_cast %add3A_145 : i32 to index
        %get3A_189 = arith.constant 32 : index
        %get3A_190 = tpu.vector_load %arg15[%get3A_188, %get3A_189] {strides = array<i32>} : memref<128x272xf32, #tpu.memory_space<vmem>>, vector<1x16xf32>,
        %get3A_191 = vector.shape_cast %get3A_190 : vector<1x16xf32> to vector<16xf32>
        %mul3A_192 = vector.broadcast %squeeze3A_187 : f32 to vector<16xf32>
        %mul3A_193 = arith.mulf %mul3A_192, %get3A_191 : vector<16xf32>
        %slice3A_194 = vector.extract_strided_slice %max3A_165 {offsets = [3], sizes = [1], strides = [1]} : vector<16xf32> to vector<1xf32>
        %squeeze3A_195 = vector.extract %slice3A_194[0] : f32 from vector<1xf32>
        %get3A_196 = arith.index_cast %add3A_145 : i32 to index
        %get3A_197 = arith.constant 48 : index
        %get3A_198 = tpu.vector_load %arg15[%get3A_196, %get3A_197] {strides = array<i32>} : memref<128x272xf32, #tpu.memory_space<vmem>>, vector<1x16xf32>,
        %get3A_199 = vector.shape_cast %get3A_198 : vector<1x16xf32> to vector<16xf32>
        %mul3A_200 = vector.broadcast %squeeze3A_195 : f32 to vector<16xf32>
        %mul3A_201 = arith.mulf %mul3A_200, %get3A_199 : vector<16xf32>
        %add3A_202 = arith.addf %mul3A_193, %mul3A_201 : vector<16xf32>
        %slice3A_203 = vector.extract_strided_slice %max3A_165 {offsets = [4], sizes = [1], strides = [1]} : vector<16xf32> to vector<1xf32>
        %squeeze3A_204 = vector.extract %slice3A_203[0] : f32 from vector<1xf32>
        %get3A_205 = arith.index_cast %add3A_145 : i32 to index
        %get3A_206 = arith.constant 64 : index
        %get3A_207 = tpu.vector_load %arg15[%get3A_205, %get3A_206] {strides = array<i32>} : memref<128x272xf32, #tpu.memory_space<vmem>>, vector<1x16xf32>,
        %get3A_208 = vector.shape_cast %get3A_207 : vector<1x16xf32> to vector<16xf32>
        %mul3A_209 = vector.broadcast %squeeze3A_204 : f32 to vector<16xf32>
        %mul3A_210 = arith.mulf %mul3A_209, %get3A_208 : vector<16xf32>
        %add3A_211 = arith.addf %get3A_169, %mul3A_210 : vector<16xf32>
        %slice3A_212 = vector.extract_strided_slice %max3A_165 {offsets = [5], sizes = [1], strides = [1]} : vector<16xf32> to vector<1xf32>
        %squeeze3A_213 = vector.extract %slice3A_212[0] : f32 from vector<1xf32>
        %get3A_214 = arith.index_cast %add3A_145 : i32 to index
        %get3A_215 = arith.constant 80 : index
        %get3A_216 = tpu.vector_load %arg15[%get3A_214, %get3A_215] {strides = array<i32>} : memref<128x272xf32, #tpu.memory_space<vmem>>, vector<1x16xf32>,
        %get3A_217 = vector.shape_cast %get3A_216 : vector<1x16xf32> to vector<16xf32>
        %mul3A_218 = vector.broadcast %squeeze3A_213 : f32 to vector<16xf32>
        %mul3A_219 = arith.mulf %mul3A_218, %get3A_217 : vector<16xf32>
        %add3A_220 = arith.addf %mul3A_177, %mul3A_219 : vector<16xf32>
        %slice3A_221 = vector.extract_strided_slice %max3A_165 {offsets = [6], sizes = [1], strides = [1]} : vector<16xf32> to vector<1xf32>
        %squeeze3A_222 = vector.extract %slice3A_221[0] : f32 from vector<1xf32>
        %get3A_223 = arith.index_cast %add3A_145 : i32 to index
        %get3A_224 = arith.constant 96 : index
        %get3A_225 = tpu.vector_load %arg15[%get3A_223, %get3A_224] {strides = array<i32>} : memref<128x272xf32, #tpu.memory_space<vmem>>, vector<1x16xf32>,
        %get3A_226 = vector.shape_cast %get3A_225 : vector<1x16xf32> to vector<16xf32>
        %mul3A_227 = vector.broadcast %squeeze3A_222 : f32 to vector<16xf32>
        %mul3A_228 = arith.mulf %mul3A_227, %get3A_226 : vector<16xf32>
        %add3A_229 = arith.addf %mul3A_185, %mul3A_228 : vector<16xf32>
        %slice3A_230 = vector.extract_strided_slice %max3A_165 {offsets = [7], sizes = [1], strides = [1]} : vector<16xf32> to vector<1xf32>
        %squeeze3A_231 = vector.extract %slice3A_230[0] : f32 from vector<1xf32>
        %get3A_232 = arith.index_cast %add3A_145 : i32 to index
        %get3A_233 = arith.constant 112 : index
        %get3A_234 = tpu.vector_load %arg15[%get3A_232, %get3A_233] {strides = array<i32>} : memref<128x272xf32, #tpu.memory_space<vmem>>, vector<1x16xf32>,
        %get3A_235 = vector.shape_cast %get3A_234 : vector<1x16xf32> to vector<16xf32>
        %mul3A_236 = vector.broadcast %squeeze3A_231 : f32 to vector<16xf32>
        %mul3A_237 = arith.mulf %mul3A_236, %get3A_235 : vector<16xf32>
        %add3A_238 = arith.addf %add3A_202, %mul3A_237 : vector<16xf32>
        %slice3A_239 = vector.extract_strided_slice %max3A_165 {offsets = [8], sizes = [1], strides = [1]} : vector<16xf32> to vector<1xf32>
        %squeeze3A_240 = vector.extract %slice3A_239[0] : f32 from vector<1xf32>
        %get3A_241 = arith.index_cast %add3A_145 : i32 to index
        %get3A_242 = arith.constant 128 : index
        %get3A_243 = tpu.vector_load %arg15[%get3A_241, %get3A_242] {strides = array<i32>} : memref<128x272xf32, #tpu.memory_space<vmem>>, vector<1x16xf32>,
        %get3A_244 = vector.shape_cast %get3A_243 : vector<1x16xf32> to vector<16xf32>
        %mul3A_245 = vector.broadcast %squeeze3A_240 : f32 to vector<16xf32>
        %mul3A_246 = arith.mulf %mul3A_245, %get3A_244 : vector<16xf32>
        %add3A_247 = arith.addf %add3A_211, %mul3A_246 : vector<16xf32>
        %slice3A_248 = vector.extract_strided_slice %max3A_165 {offsets = [9], sizes = [1], strides = [1]} : vector<16xf32> to vector<1xf32>
        %squeeze3A_249 = vector.extract %slice3A_248[0] : f32 from vector<1xf32>
        %get3A_250 = arith.index_cast %add3A_145 : i32 to index
        %get3A_251 = arith.constant 144 : index
        %get3A_252 = tpu.vector_load %arg15[%get3A_250, %get3A_251] {strides = array<i32>} : memref<128x272xf32, #tpu.memory_space<vmem>>, vector<1x16xf32>,
        %get3A_253 = vector.shape_cast %get3A_252 : vector<1x16xf32> to vector<16xf32>
        %mul3A_254 = vector.broadcast %squeeze3A_249 : f32 to vector<16xf32>
        %mul3A_255 = arith.mulf %mul3A_254, %get3A_253 : vector<16xf32>
        %add3A_256 = arith.addf %add3A_220, %mul3A_255 : vector<16xf32>
        %slice3A_257 = vector.extract_strided_slice %max3A_165 {offsets = [10], sizes = [1], strides = [1]} : vector<16xf32> to vector<1xf32>
        %squeeze3A_258 = vector.extract %slice3A_257[0] : f32 from vector<1xf32>
        %get3A_259 = arith.index_cast %add3A_145 : i32 to index
        %get3A_260 = arith.constant 160 : index
        %get3A_261 = tpu.vector_load %arg15[%get3A_259, %get3A_260] {strides = array<i32>} : memref<128x272xf32, #tpu.memory_space<vmem>>, vector<1x16xf32>,
        %get3A_262 = vector.shape_cast %get3A_261 : vector<1x16xf32> to vector<16xf32>
        %mul3A_263 = vector.broadcast %squeeze3A_258 : f32 to vector<16xf32>
        %mul3A_264 = arith.mulf %mul3A_263, %get3A_262 : vector<16xf32>
        %add3A_265 = arith.addf %add3A_229, %mul3A_264 : vector<16xf32>
        %slice3A_266 = vector.extract_strided_slice %max3A_165 {offsets = [11], sizes = [1], strides = [1]} : vector<16xf32> to vector<1xf32>
        %squeeze3A_267 = vector.extract %slice3A_266[0] : f32 from vector<1xf32>
        %get3A_268 = arith.index_cast %add3A_145 : i32 to index
        %get3A_269 = arith.constant 176 : index
        %get3A_270 = tpu.vector_load %arg15[%get3A_268, %get3A_269] {strides = array<i32>} : memref<128x272xf32, #tpu.memory_space<vmem>>, vector<1x16xf32>,
        %get3A_271 = vector.shape_cast %get3A_270 : vector<1x16xf32> to vector<16xf32>
        %mul3A_272 = vector.broadcast %squeeze3A_267 : f32 to vector<16xf32>
        %mul3A_273 = arith.mulf %mul3A_272, %get3A_271 : vector<16xf32>
        %add3A_274 = arith.addf %add3A_238, %mul3A_273 : vector<16xf32>
        %slice3A_275 = vector.extract_strided_slice %max3A_165 {offsets = [12], sizes = [1], strides = [1]} : vector<16xf32> to vector<1xf32>
        %squeeze3A_276 = vector.extract %slice3A_275[0] : f32 from vector<1xf32>
        %get3A_277 = arith.index_cast %add3A_145 : i32 to index
        %get3A_278 = arith.constant 192 : index
        %get3A_279 = tpu.vector_load %arg15[%get3A_277, %get3A_278] {strides = array<i32>} : memref<128x272xf32, #tpu.memory_space<vmem>>, vector<1x16xf32>,
        %get3A_280 = vector.shape_cast %get3A_279 : vector<1x16xf32> to vector<16xf32>
        %mul3A_281 = vector.broadcast %squeeze3A_276 : f32 to vector<16xf32>
        %mul3A_282 = arith.mulf %mul3A_281, %get3A_280 : vector<16xf32>
        %add3A_283 = arith.addf %add3A_247, %mul3A_282 : vector<16xf32>
        %slice3A_284 = vector.extract_strided_slice %max3A_165 {offsets = [13], sizes = [1], strides = [1]} : vector<16xf32> to vector<1xf32>
        %squeeze3A_285 = vector.extract %slice3A_284[0] : f32 from vector<1xf32>
        %get3A_286 = arith.index_cast %add3A_145 : i32 to index
        %get3A_287 = arith.constant 208 : index
        %get3A_288 = tpu.vector_load %arg15[%get3A_286, %get3A_287] {strides = array<i32>} : memref<128x272xf32, #tpu.memory_space<vmem>>, vector<1x16xf32>,
        %get3A_289 = vector.shape_cast %get3A_288 : vector<1x16xf32> to vector<16xf32>
        %mul3A_290 = vector.broadcast %squeeze3A_285 : f32 to vector<16xf32>
        %mul3A_291 = arith.mulf %mul3A_290, %get3A_289 : vector<16xf32>
        %add3A_292 = arith.addf %add3A_256, %mul3A_291 : vector<16xf32>
        %slice3A_293 = vector.extract_strided_slice %max3A_165 {offsets = [14], sizes = [1], strides = [1]} : vector<16xf32> to vector<1xf32>
        %squeeze3A_294 = vector.extract %slice3A_293[0] : f32 from vector<1xf32>
        %get3A_295 = arith.index_cast %add3A_145 : i32 to index
        %get3A_296 = arith.constant 224 : index
        %get3A_297 = tpu.vector_load %arg15[%get3A_295, %get3A_296] {strides = array<i32>} : memref<128x272xf32, #tpu.memory_space<vmem>>, vector<1x16xf32>,
        %get3A_298 = vector.shape_cast %get3A_297 : vector<1x16xf32> to vector<16xf32>
        %mul3A_299 = vector.broadcast %squeeze3A_294 : f32 to vector<16xf32>
        %mul3A_300 = arith.mulf %mul3A_299, %get3A_298 : vector<16xf32>
        %add3A_301 = arith.addf %add3A_265, %mul3A_300 : vector<16xf32>
        %slice3A_302 = vector.extract_strided_slice %max3A_165 {offsets = [15], sizes = [1], strides = [1]} : vector<16xf32> to vector<1xf32>
        %squeeze3A_303 = vector.extract %slice3A_302[0] : f32 from vector<1xf32>
        %get3A_304 = arith.index_cast %add3A_145 : i32 to index
        %get3A_305 = arith.constant 240 : index
        %get3A_306 = tpu.vector_load %arg15[%get3A_304, %get3A_305] {strides = array<i32>} : memref<128x272xf32, #tpu.memory_space<vmem>>, vector<1x16xf32>,
        %get3A_307 = vector.shape_cast %get3A_306 : vector<1x16xf32> to vector<16xf32>
        %mul3A_308 = vector.broadcast %squeeze3A_303 : f32 to vector<16xf32>
        %mul3A_309 = arith.mulf %mul3A_308, %get3A_307 : vector<16xf32>
        %add3A_310 = arith.addf %add3A_274, %mul3A_309 : vector<16xf32>
        %add3A_311 = arith.addf %add3A_283, %add3A_292 : vector<16xf32>
        %add3A_312 = arith.addf %add3A_301, %add3A_310 : vector<16xf32>
        %add3A_313 = arith.addf %add3A_311, %add3A_312 : vector<16xf32>
        %swap3A = arith.index_cast %add3A_145 : i32 to index
        %swap3A_314 = arith.constant 0 : index
        %swap3A_315 = tpu.vector_load %arg17[%swap3A, %swap3A_314] {strides = array<i32>} : memref<128x32xf32, #tpu.memory_space<vmem>>, vector<1x16xf32>,
        %swap3A_316 = vector.shape_cast %swap3A_315 : vector<1x16xf32> to vector<16xf32>
        %swap3A_317 = vector.shape_cast %add3A_313 : vector<16xf32> to vector<1x16xf32>
        tpu.vector_store %arg17[%swap3A, %swap3A_314], %swap3A_317 {strides = array<i32>} : memref<128x32xf32, #tpu.memory_space<vmem>>, vector<1x16xf32>,
        %mul3A_318 = arith.constant 2 : i32
        %mul3A_319 = arith.muli %mul3A_318, %scan3A_132 : i32
        %add3A_320 = arith.constant 1 : i32
        %add3A_321 = arith.addi %mul3A_319, %add3A_320 : i32
        %slice3A_322 = vector.extract_strided_slice %get3A_141 {offsets = [4], sizes = [1], strides = [1]} : vector<16xf32> to vector<1xf32>
        %squeeze3A_323 = vector.extract %slice3A_322[0] : f32 from vector<1xf32>
        %mul3A_324 = vector.broadcast %squeeze3A_323 : f32 to vector<16xf32>
        %mul3A_325 = arith.mulf %mul3A_324, %get3A_60 : vector<16xf32>
        %slice3A_326 = vector.extract_strided_slice %get3A_141 {offsets = [5], sizes = [1], strides = [1]} : vector<16xf32> to vector<1xf32>
        %squeeze3A_327 = vector.extract %slice3A_326[0] : f32 from vector<1xf32>
        %mul3A_328 = vector.broadcast %squeeze3A_327 : f32 to vector<16xf32>
        %mul3A_329 = arith.mulf %mul3A_328, %get3A_65 : vector<16xf32>
        %add3A_330 = arith.addf %mul3A_325, %mul3A_329 : vector<16xf32>
        %slice3A_331 = vector.extract_strided_slice %get3A_141 {offsets = [6], sizes = [1], strides = [1]} : vector<16xf32> to vector<1xf32>
        %squeeze3A_332 = vector.extract %slice3A_331[0] : f32 from vector<1xf32>
        %mul3A_333 = vector.broadcast %squeeze3A_332 : f32 to vector<16xf32>
        %mul3A_334 = arith.mulf %mul3A_333, %get3A_70 : vector<16xf32>
        %add3A_335 = arith.addf %add3A_330, %mul3A_334 : vector<16xf32>
        %slice3A_336 = vector.extract_strided_slice %get3A_141 {offsets = [7], sizes = [1], strides = [1]} : vector<16xf32> to vector<1xf32>
        %squeeze3A_337 = vector.extract %slice3A_336[0] : f32 from vector<1xf32>
        %mul3A_338 = vector.broadcast %squeeze3A_337 : f32 to vector<16xf32>
        %mul3A_339 = arith.mulf %mul3A_338, %get3A_75 : vector<16xf32>
        %add3A_340 = arith.addf %add3A_335, %mul3A_339 : vector<16xf32>
        %add3A_341 = arith.addf %add3A_340, %get3A_80 : vector<16xf32>
        %max3A_342 = arith.constant 0.000000e+00 : f32
        %max3A_343 = vector.broadcast %max3A_342 : f32 to vector<16xf32>
        %max3A_344 = arith.maximumf %add3A_341, %max3A_343 : vector<16xf32>
        %get3A_345 = arith.index_cast %add3A_321 : i32 to index
        %get3A_346 = arith.constant 256 : index
        %get3A_347 = tpu.vector_load %arg15[%get3A_345, %get3A_346] {strides = array<i32>} : memref<128x272xf32, #tpu.memory_space<vmem>>, vector<1x16xf32>,
        %get3A_348 = vector.shape_cast %get3A_347 : vector<1x16xf32> to vector<16xf32>
        %slice3A_349 = vector.extract_strided_slice %max3A_344 {offsets = [0], sizes = [1], strides = [1]} : vector<16xf32> to vector<1xf32>
        %squeeze3A_350 = vector.extract %slice3A_349[0] : f32 from vector<1xf32>
        %get3A_351 = arith.index_cast %add3A_321 : i32 to index
        %get3A_352 = arith.constant 0 : index
        %get3A_353 = tpu.vector_load %arg15[%get3A_351, %get3A_352] {strides = array<i32>} : memref<128x272xf32, #tpu.memory_space<vmem>>, vector<1x16xf32>,
        %get3A_354 = vector.shape_cast %get3A_353 : vector<1x16xf32> to vector<16xf32>
        %mul3A_355 = vector.broadcast %squeeze3A_350 : f32 to vector<16xf32>
        %mul3A_356 = arith.mulf %mul3A_355, %get3A_354 : vector<16xf32>
        %slice3A_357 = vector.extract_strided_slice %max3A_344 {offsets = [1], sizes = [1], strides = [1]} : vector<16xf32> to vector<1xf32>
        %squeeze3A_358 = vector.extract %slice3A_357[0] : f32 from vector<1xf32>
        %get3A_359 = arith.index_cast %add3A_321 : i32 to index
        %get3A_360 = arith.constant 16 : index
        %get3A_361 = tpu.vector_load %arg15[%get3A_359, %get3A_360] {strides = array<i32>} : memref<128x272xf32, #tpu.memory_space<vmem>>, vector<1x16xf32>,
        %get3A_362 = vector.shape_cast %get3A_361 : vector<1x16xf32> to vector<16xf32>
        %mul3A_363 = vector.broadcast %squeeze3A_358 : f32 to vector<16xf32>
        %mul3A_364 = arith.mulf %mul3A_363, %get3A_362 : vector<16xf32>
        %slice3A_365 = vector.extract_strided_slice %max3A_344 {offsets = [2], sizes = [1], strides = [1]} : vector<16xf32> to vector<1xf32>
        %squeeze3A_366 = vector.extract %slice3A_365[0] : f32 from vector<1xf32>
        %get3A_367 = arith.index_cast %add3A_321 : i32 to index
        %get3A_368 = arith.constant 32 : index
        %get3A_369 = tpu.vector_load %arg15[%get3A_367, %get3A_368] {strides = array<i32>} : memref<128x272xf32, #tpu.memory_space<vmem>>, vector<1x16xf32>,
        %get3A_370 = vector.shape_cast %get3A_369 : vector<1x16xf32> to vector<16xf32>
        %mul3A_371 = vector.broadcast %squeeze3A_366 : f32 to vector<16xf32>
        %mul3A_372 = arith.mulf %mul3A_371, %get3A_370 : vector<16xf32>
        %slice3A_373 = vector.extract_strided_slice %max3A_344 {offsets = [3], sizes = [1], strides = [1]} : vector<16xf32> to vector<1xf32>
        %squeeze3A_374 = vector.extract %slice3A_373[0] : f32 from vector<1xf32>
        %get3A_375 = arith.index_cast %add3A_321 : i32 to index
        %get3A_376 = arith.constant 48 : index
        %get3A_377 = tpu.vector_load %arg15[%get3A_375, %get3A_376] {strides = array<i32>} : memref<128x272xf32, #tpu.memory_space<vmem>>, vector<1x16xf32>,
        %get3A_378 = vector.shape_cast %get3A_377 : vector<1x16xf32> to vector<16xf32>
        %mul3A_379 = vector.broadcast %squeeze3A_374 : f32 to vector<16xf32>
        %mul3A_380 = arith.mulf %mul3A_379, %get3A_378 : vector<16xf32>
        %add3A_381 = arith.addf %mul3A_372, %mul3A_380 : vector<16xf32>
        %slice3A_382 = vector.extract_strided_slice %max3A_344 {offsets = [4], sizes = [1], strides = [1]} : vector<16xf32> to vector<1xf32>
        %squeeze3A_383 = vector.extract %slice3A_382[0] : f32 from vector<1xf32>
        %get3A_384 = arith.index_cast %add3A_321 : i32 to index
        %get3A_385 = arith.constant 64 : index
        %get3A_386 = tpu.vector_load %arg15[%get3A_384, %get3A_385] {strides = array<i32>} : memref<128x272xf32, #tpu.memory_space<vmem>>, vector<1x16xf32>,
        %get3A_387 = vector.shape_cast %get3A_386 : vector<1x16xf32> to vector<16xf32>
        %mul3A_388 = vector.broadcast %squeeze3A_383 : f32 to vector<16xf32>
        %mul3A_389 = arith.mulf %mul3A_388, %get3A_387 : vector<16xf32>
        %add3A_390 = arith.addf %get3A_348, %mul3A_389 : vector<16xf32>
        %slice3A_391 = vector.extract_strided_slice %max3A_344 {offsets = [5], sizes = [1], strides = [1]} : vector<16xf32> to vector<1xf32>
        %squeeze3A_392 = vector.extract %slice3A_391[0] : f32 from vector<1xf32>
        %get3A_393 = arith.index_cast %add3A_321 : i32 to index
        %get3A_394 = arith.constant 80 : index
        %get3A_395 = tpu.vector_load %arg15[%get3A_393, %get3A_394] {strides = array<i32>} : memref<128x272xf32, #tpu.memory_space<vmem>>, vector<1x16xf32>,
        %get3A_396 = vector.shape_cast %get3A_395 : vector<1x16xf32> to vector<16xf32>
        %mul3A_397 = vector.broadcast %squeeze3A_392 : f32 to vector<16xf32>
        %mul3A_398 = arith.mulf %mul3A_397, %get3A_396 : vector<16xf32>
        %add3A_399 = arith.addf %mul3A_356, %mul3A_398 : vector<16xf32>
        %slice3A_400 = vector.extract_strided_slice %max3A_344 {offsets = [6], sizes = [1], strides = [1]} : vector<16xf32> to vector<1xf32>
        %squeeze3A_401 = vector.extract %slice3A_400[0] : f32 from vector<1xf32>
        %get3A_402 = arith.index_cast %add3A_321 : i32 to index
        %get3A_403 = arith.constant 96 : index
        %get3A_404 = tpu.vector_load %arg15[%get3A_402, %get3A_403] {strides = array<i32>} : memref<128x272xf32, #tpu.memory_space<vmem>>, vector<1x16xf32>,
        %get3A_405 = vector.shape_cast %get3A_404 : vector<1x16xf32> to vector<16xf32>
        %mul3A_406 = vector.broadcast %squeeze3A_401 : f32 to vector<16xf32>
        %mul3A_407 = arith.mulf %mul3A_406, %get3A_405 : vector<16xf32>
        %add3A_408 = arith.addf %mul3A_364, %mul3A_407 : vector<16xf32>
        %slice3A_409 = vector.extract_strided_slice %max3A_344 {offsets = [7], sizes = [1], strides = [1]} : vector<16xf32> to vector<1xf32>
        %squeeze3A_410 = vector.extract %slice3A_409[0] : f32 from vector<1xf32>
        %get3A_411 = arith.index_cast %add3A_321 : i32 to index
        %get3A_412 = arith.constant 112 : index
        %get3A_413 = tpu.vector_load %arg15[%get3A_411, %get3A_412] {strides = array<i32>} : memref<128x272xf32, #tpu.memory_space<vmem>>, vector<1x16xf32>,
        %get3A_414 = vector.shape_cast %get3A_413 : vector<1x16xf32> to vector<16xf32>
        %mul3A_415 = vector.broadcast %squeeze3A_410 : f32 to vector<16xf32>
        %mul3A_416 = arith.mulf %mul3A_415, %get3A_414 : vector<16xf32>
        %add3A_417 = arith.addf %add3A_381, %mul3A_416 : vector<16xf32>
        %slice3A_418 = vector.extract_strided_slice %max3A_344 {offsets = [8], sizes = [1], strides = [1]} : vector<16xf32> to vector<1xf32>
        %squeeze3A_419 = vector.extract %slice3A_418[0] : f32 from vector<1xf32>
        %get3A_420 = arith.index_cast %add3A_321 : i32 to index
        %get3A_421 = arith.constant 128 : index
        %get3A_422 = tpu.vector_load %arg15[%get3A_420, %get3A_421] {strides = array<i32>} : memref<128x272xf32, #tpu.memory_space<vmem>>, vector<1x16xf32>,
        %get3A_423 = vector.shape_cast %get3A_422 : vector<1x16xf32> to vector<16xf32>
        %mul3A_424 = vector.broadcast %squeeze3A_419 : f32 to vector<16xf32>
        %mul3A_425 = arith.mulf %mul3A_424, %get3A_423 : vector<16xf32>
        %add3A_426 = arith.addf %add3A_390, %mul3A_425 : vector<16xf32>
        %slice3A_427 = vector.extract_strided_slice %max3A_344 {offsets = [9], sizes = [1], strides = [1]} : vector<16xf32> to vector<1xf32>
        %squeeze3A_428 = vector.extract %slice3A_427[0] : f32 from vector<1xf32>
        %get3A_429 = arith.index_cast %add3A_321 : i32 to index
        %get3A_430 = arith.constant 144 : index
        %get3A_431 = tpu.vector_load %arg15[%get3A_429, %get3A_430] {strides = array<i32>} : memref<128x272xf32, #tpu.memory_space<vmem>>, vector<1x16xf32>,
        %get3A_432 = vector.shape_cast %get3A_431 : vector<1x16xf32> to vector<16xf32>
        %mul3A_433 = vector.broadcast %squeeze3A_428 : f32 to vector<16xf32>
        %mul3A_434 = arith.mulf %mul3A_433, %get3A_432 : vector<16xf32>
        %add3A_435 = arith.addf %add3A_399, %mul3A_434 : vector<16xf32>
        %slice3A_436 = vector.extract_strided_slice %max3A_344 {offsets = [10], sizes = [1], strides = [1]} : vector<16xf32> to vector<1xf32>
        %squeeze3A_437 = vector.extract %slice3A_436[0] : f32 from vector<1xf32>
        %get3A_438 = arith.index_cast %add3A_321 : i32 to index
        %get3A_439 = arith.constant 160 : index
        %get3A_440 = tpu.vector_load %arg15[%get3A_438, %get3A_439] {strides = array<i32>} : memref<128x272xf32, #tpu.memory_space<vmem>>, vector<1x16xf32>,
        %get3A_441 = vector.shape_cast %get3A_440 : vector<1x16xf32> to vector<16xf32>
        %mul3A_442 = vector.broadcast %squeeze3A_437 : f32 to vector<16xf32>
        %mul3A_443 = arith.mulf %mul3A_442, %get3A_441 : vector<16xf32>
        %add3A_444 = arith.addf %add3A_408, %mul3A_443 : vector<16xf32>
        %slice3A_445 = vector.extract_strided_slice %max3A_344 {offsets = [11], sizes = [1], strides = [1]} : vector<16xf32> to vector<1xf32>
        %squeeze3A_446 = vector.extract %slice3A_445[0] : f32 from vector<1xf32>
        %get3A_447 = arith.index_cast %add3A_321 : i32 to index
        %get3A_448 = arith.constant 176 : index
        %get3A_449 = tpu.vector_load %arg15[%get3A_447, %get3A_448] {strides = array<i32>} : memref<128x272xf32, #tpu.memory_space<vmem>>, vector<1x16xf32>,
        %get3A_450 = vector.shape_cast %get3A_449 : vector<1x16xf32> to vector<16xf32>
        %mul3A_451 = vector.broadcast %squeeze3A_446 : f32 to vector<16xf32>
        %mul3A_452 = arith.mulf %mul3A_451, %get3A_450 : vector<16xf32>
        %add3A_453 = arith.addf %add3A_417, %mul3A_452 : vector<16xf32>
        %slice3A_454 = vector.extract_strided_slice %max3A_344 {offsets = [12], sizes = [1], strides = [1]} : vector<16xf32> to vector<1xf32>
        %squeeze3A_455 = vector.extract %slice3A_454[0] : f32 from vector<1xf32>
        %get3A_456 = arith.index_cast %add3A_321 : i32 to index
        %get3A_457 = arith.constant 192 : index
        %get3A_458 = tpu.vector_load %arg15[%get3A_456, %get3A_457] {strides = array<i32>} : memref<128x272xf32, #tpu.memory_space<vmem>>, vector<1x16xf32>,
        %get3A_459 = vector.shape_cast %get3A_458 : vector<1x16xf32> to vector<16xf32>
        %mul3A_460 = vector.broadcast %squeeze3A_455 : f32 to vector<16xf32>
        %mul3A_461 = arith.mulf %mul3A_460, %get3A_459 : vector<16xf32>
        %add3A_462 = arith.addf %add3A_426, %mul3A_461 : vector<16xf32>
        %slice3A_463 = vector.extract_strided_slice %max3A_344 {offsets = [13], sizes = [1], strides = [1]} : vector<16xf32> to vector<1xf32>
        %squeeze3A_464 = vector.extract %slice3A_463[0] : f32 from vector<1xf32>
        %get3A_465 = arith.index_cast %add3A_321 : i32 to index
        %get3A_466 = arith.constant 208 : index
        %get3A_467 = tpu.vector_load %arg15[%get3A_465, %get3A_466] {strides = array<i32>} : memref<128x272xf32, #tpu.memory_space<vmem>>, vector<1x16xf32>,
        %get3A_468 = vector.shape_cast %get3A_467 : vector<1x16xf32> to vector<16xf32>
        %mul3A_469 = vector.broadcast %squeeze3A_464 : f32 to vector<16xf32>
        %mul3A_470 = arith.mulf %mul3A_469, %get3A_468 : vector<16xf32>
        %add3A_471 = arith.addf %add3A_435, %mul3A_470 : vector<16xf32>
        %slice3A_472 = vector.extract_strided_slice %max3A_344 {offsets = [14], sizes = [1], strides = [1]} : vector<16xf32> to vector<1xf32>
        %squeeze3A_473 = vector.extract %slice3A_472[0] : f32 from vector<1xf32>
        %get3A_474 = arith.index_cast %add3A_321 : i32 to index
        %get3A_475 = arith.constant 224 : index
        %get3A_476 = tpu.vector_load %arg15[%get3A_474, %get3A_475] {strides = array<i32>} : memref<128x272xf32, #tpu.memory_space<vmem>>, vector<1x16xf32>,
        %get3A_477 = vector.shape_cast %get3A_476 : vector<1x16xf32> to vector<16xf32>
        %mul3A_478 = vector.broadcast %squeeze3A_473 : f32 to vector<16xf32>
        %mul3A_479 = arith.mulf %mul3A_478, %get3A_477 : vector<16xf32>
        %add3A_480 = arith.addf %add3A_444, %mul3A_479 : vector<16xf32>
        %slice3A_481 = vector.extract_strided_slice %max3A_344 {offsets = [15], sizes = [1], strides = [1]} : vector<16xf32> to vector<1xf32>
        %squeeze3A_482 = vector.extract %slice3A_481[0] : f32 from vector<1xf32>
        %get3A_483 = arith.index_cast %add3A_321 : i32 to index
        %get3A_484 = arith.constant 240 : index
        %get3A_485 = tpu.vector_load %arg15[%get3A_483, %get3A_484] {strides = array<i32>} : memref<128x272xf32, #tpu.memory_space<vmem>>, vector<1x16xf32>,
        %get3A_486 = vector.shape_cast %get3A_485 : vector<1x16xf32> to vector<16xf32>
        %mul3A_487 = vector.broadcast %squeeze3A_482 : f32 to vector<16xf32>
        %mul3A_488 = arith.mulf %mul3A_487, %get3A_486 : vector<16xf32>
        %add3A_489 = arith.addf %add3A_453, %mul3A_488 : vector<16xf32>
        %add3A_490 = arith.addf %add3A_462, %add3A_471 : vector<16xf32>
        %add3A_491 = arith.addf %add3A_480, %add3A_489 : vector<16xf32>
        %add3A_492 = arith.addf %add3A_490, %add3A_491 : vector<16xf32>
        %swap3A_493 = arith.index_cast %add3A_321 : i32 to index
        %swap3A_494 = arith.constant 0 : index
        %swap3A_495 = tpu.vector_load %arg17[%swap3A_493, %swap3A_494] {strides = array<i32>} : memref<128x32xf32, #tpu.memory_space<vmem>>, vector<1x16xf32>,
        %swap3A_496 = vector.shape_cast %swap3A_495 : vector<1x16xf32> to vector<16xf32>
        %swap3A_497 = vector.shape_cast %add3A_492 : vector<16xf32> to vector<1x16xf32>
        tpu.vector_store %arg17[%swap3A_493, %swap3A_494], %swap3A_497 {strides = array<i32>} : memref<128x32xf32, #tpu.memory_space<vmem>>, vector<1x16xf32>,
        %scan3A_498 = arith.constant 0 : i32
        scf.yield %scan3A_498 : i32
      }
      %scan3A_87 = arith.constant 64 : i32
      "tpu.region"() ({
        %run_scoped3A = tpu.sem_alloc : memref<!tpu.dma_semaphore, #tpu.memory_space<semaphore_mem>>
        %dma_start3A_132 = arith.constant 0 : i32
        %dma_start3A_133 = tpu.memref_slice %arg11[%mul3A_42, %dma_start3A_132] : memref<40x128xi32, #tpu.memory_space<vmem>> -> memref<1x128xi32, #tpu.memory_space<vmem>>
        %dma_start3A_134 = tpu.memref_squeeze %dma_start3A_133 : memref<1x128xi32, #tpu.memory_space<vmem>> -> memref<128xi32, #tpu.memory_space<vmem>>
        %dma_start3A_135 = arith.constant 0 : i32
        %dma_start3A_136 = arith.constant 0 : i32
        %dma_start3A_137 = tpu.memref_slice %arg18[%dma_start3A_135, %dma_start3A_136] : memref<10112x32xf32, #tpu.memory_space<vmem_shared>> -> memref<10112x32xf32, #tpu.memory_space<vmem_shared>>
        tpu.enqueue_indirect_dma source(%arg17 : memref<128x32xf32, #tpu.memory_space<vmem>>) target(%dma_start3A_137 : memref<10112x32xf32, #tpu.memory_space<vmem_shared>>) offsets(%dma_start3A_134 : memref<128xi32, #tpu.memory_space<vmem>>) semaphore(%run_scoped3A : memref<!tpu.dma_semaphore, #tpu.memory_space<semaphore_mem>>) {add = true}
        %dma_wait3A_138 = arith.constant 0 : i32
        %dma_wait3A_139 = tpu.memref_slice %arg11[%mul3A_42, %dma_wait3A_138] : memref<40x128xi32, #tpu.memory_space<vmem>> -> memref<1x128xi32, #tpu.memory_space<vmem>>
        %dma_wait3A_140 = tpu.memref_squeeze %dma_wait3A_139 : memref<1x128xi32, #tpu.memory_space<vmem>> -> memref<128xi32, #tpu.memory_space<vmem>>
        %dma_wait3A_141 = arith.constant 0 : i32
        %dma_wait3A_142 = arith.constant 0 : i32
        %dma_wait3A_143 = tpu.memref_slice %arg18[%dma_wait3A_141, %dma_wait3A_142] : memref<10112x32xf32, #tpu.memory_space<vmem_shared>> -> memref<10112x32xf32, #tpu.memory_space<vmem_shared>>
        tpu.wait_indirect_dma semaphore(%run_scoped3A : memref<!tpu.dma_semaphore, #tpu.memory_space<semaphore_mem>>) src(%arg17 : memref<128x32xf32, #tpu.memory_space<vmem>>) dst(%dma_wait3A_143 : memref<10112x32xf32, #tpu.memory_space<vmem_shared>>)
        tpu.yield
      }) : () -> ()
      %lt3A = arith.constant 19 : i32
      %lt3A_88 = arith.cmpi slt, %scan3A_39, %lt3A : i32
      %convert_element_type3A = arith.extui %lt3A_88 : i1 to i32
      %cond3A = arith.constant 0 : i32
      %cond3A_89 = arith.cmpi ne, %convert_element_type3A, %cond3A : i32
      scf.if %cond3A_89 {
        %add3A_132 = arith.constant 2 : i32
        %add3A_133 = arith.addi %mul3A_42, %add3A_132 : i32
        %dma_start3A_134 = arith.constant 0 : i32
        %dma_start3A_135 = tpu.memref_slice %arg10[%add3A_133, %dma_start3A_134] : memref<40x128xi32, #tpu.memory_space<vmem>> -> memref<1x128xi32, #tpu.memory_space<vmem>>
        %dma_start3A_136 = tpu.memref_squeeze %dma_start3A_135 : memref<1x128xi32, #tpu.memory_space<vmem>> -> memref<128xi32, #tpu.memory_space<vmem>>
        %dma_start3A_137 = arith.constant 0 : i32
        %dma_start3A_138 = arith.constant 0 : i32
        %dma_start3A_139 = tpu.memref_slice %arg2[%dma_start3A_137, %dma_start3A_138] : memref<10000x272xf32, #tpu.memory_space<hbm>> -> memref<10000x272xf32, #tpu.memory_space<hbm>>
        tpu.enqueue_indirect_dma source(%dma_start3A_139 : memref<10000x272xf32, #tpu.memory_space<hbm>>) target(%arg15 : memref<128x272xf32, #tpu.memory_space<vmem>>) offsets(%dma_start3A_136 : memref<128xi32, #tpu.memory_space<vmem>>) semaphore(%arg19 : memref<!tpu.dma_semaphore, #tpu.memory_space<semaphore_mem>>)
      } else {
      }
      %dma_wait3A_90 = arith.constant 0 : i32
      %dma_wait3A_91 = arith.constant 0 : i32
      %dma_wait3A_92 = tpu.memref_slice %arg10[%dma_wait3A_90, %dma_wait3A_91] : memref<40x128xi32, #tpu.memory_space<vmem>> -> memref<1x128xi32, #tpu.memory_space<vmem>>
      %dma_wait3A_93 = tpu.memref_squeeze %dma_wait3A_92 : memref<1x128xi32, #tpu.memory_space<vmem>> -> memref<128xi32, #tpu.memory_space<vmem>>
      %dma_wait3A_94 = arith.constant 0 : i32
      %dma_wait3A_95 = arith.constant 0 : i32
      %dma_wait3A_96 = tpu.memref_slice %arg2[%dma_wait3A_94, %dma_wait3A_95] : memref<10000x272xf32, #tpu.memory_space<hbm>> -> memref<10000x272xf32, #tpu.memory_space<hbm>>
      tpu.wait_indirect_dma semaphore(%arg20 : memref<!tpu.dma_semaphore, #tpu.memory_space<semaphore_mem>>) src(%dma_wait3A_96 : memref<10000x272xf32, #tpu.memory_space<hbm>>) dst(%arg16 : memref<128x272xf32, #tpu.memory_space<vmem>>)
      %add3A_97 = arith.constant 1 : i32
      %add3A_98 = arith.addi %mul3A_42, %add3A_97 : i32
      %get3A_99 = arith.constant 0 : i32
      %get3A_100 = arith.index_cast %get3A_99 : i32 to index
      %get3A_101 = arith.constant 0 : index
      %get3A_102 = tpu.vector_load %arg13[%get3A_100, %get3A_101] {strides = array<i32>} : memref<4x16xf32, #tpu.memory_space<vmem>>, vector<1x16xf32>,
      %get3A_103 = vector.shape_cast %get3A_102 : vector<1x16xf32> to vector<16xf32>
      %get3A_104 = arith.constant 1 : i32
      %get3A_105 = arith.index_cast %get3A_104 : i32 to index
      %get3A_106 = arith.constant 0 : index
      %get3A_107 = tpu.vector_load %arg13[%get3A_105, %get3A_106] {strides = array<i32>} : memref<4x16xf32, #tpu.memory_space<vmem>>, vector<1x16xf32>,
      %get3A_108 = vector.shape_cast %get3A_107 : vector<1x16xf32> to vector<16xf32>
      %get3A_109 = arith.constant 2 : i32
      %get3A_110 = arith.index_cast %get3A_109 : i32 to index
      %get3A_111 = arith.constant 0 : index
      %get3A_112 = tpu.vector_load %arg13[%get3A_110, %get3A_111] {strides = array<i32>} : memref<4x16xf32, #tpu.memory_space<vmem>>, vector<1x16xf32>,
      %get3A_113 = vector.shape_cast %get3A_112 : vector<1x16xf32> to vector<16xf32>
      %get3A_114 = arith.constant 3 : i32
      %get3A_115 = arith.index_cast %get3A_114 : i32 to index
      %get3A_116 = arith.constant 0 : index
      %get3A_117 = tpu.vector_load %arg13[%get3A_115, %get3A_116] {strides = array<i32>} : memref<4x16xf32, #tpu.memory_space<vmem>>, vector<1x16xf32>,
      %get3A_118 = vector.shape_cast %get3A_117 : vector<1x16xf32> to vector<16xf32>
      %get3A_119 = arith.constant 0 : i32
      %get3A_120 = arith.index_cast %get3A_119 : i32 to index
      %get3A_121 = arith.constant 0 : index
      %get3A_122 = tpu.vector_load %arg14[%get3A_120, %get3A_121] {strides = array<i32>} : memref<1x16xf32, #tpu.memory_space<vmem>>, vector<1x16xf32>,
      %get3A_123 = vector.shape_cast %get3A_122 : vector<1x16xf32> to vector<16xf32>
      %scan3A_124 = arith.constant 0 : i32
      %scan3A_125 = arith.constant 0 : i32
      %scan3A_126 = arith.constant 64 : i32
      %scan3A_127 = arith.addi %scan3A_125, %scan3A_126 : i32
      %scan3A_128 = arith.constant 1 : i32
      %scan3A_129 = scf.for %scan3A_132 = %scan3A_125 to %scan3A_127 step %scan3A_128 iter_args(%scan3A_133 = %scan3A_124) -> (i32)  : i32 {
        %mul3A_134 = arith.constant 512 : i32
        %mul3A_135 = arith.muli %add3A_98, %mul3A_134 : i32
        %mul3A_136 = arith.constant 8 : i32
        %mul3A_137 = arith.muli %scan3A_132, %mul3A_136 : i32
        %add3A_138 = arith.addi %mul3A_135, %mul3A_137 : i32
        %get3A_139 = arith.index_cast %add3A_138 : i32 to index
        %get3A_140 = tpu.vector_load %arg12[%get3A_139] {strides = array<i32>} : memref<20480xf32, #tpu.memory_space<vmem>>, vector<16xf32>,
        %get3A_141 = vector.shape_cast %get3A_140 : vector<16xf32> to vector<16xf32>
        %mul3A_142 = arith.constant 2 : i32
        %mul3A_143 = arith.muli %mul3A_142, %scan3A_132 : i32
        %add3A_144 = arith.constant 0 : i32
        %add3A_145 = arith.addi %mul3A_143, %add3A_144 : i32
        %slice3A = vector.extract_strided_slice %get3A_141 {offsets = [0], sizes = [1], strides = [1]} : vector<16xf32> to vector<1xf32>
        %squeeze3A = vector.extract %slice3A[0] : f32 from vector<1xf32>
        %mul3A_146 = vector.broadcast %squeeze3A : f32 to vector<16xf32>
        %mul3A_147 = arith.mulf %mul3A_146, %get3A_103 : vector<16xf32>
        %slice3A_148 = vector.extract_strided_slice %get3A_141 {offsets = [1], sizes = [1], strides = [1]} : vector<16xf32> to vector<1xf32>
        %squeeze3A_149 = vector.extract %slice3A_148[0] : f32 from vector<1xf32>
        %mul3A_150 = vector.broadcast %squeeze3A_149 : f32 to vector<16xf32>
        %mul3A_151 = arith.mulf %mul3A_150, %get3A_108 : vector<16xf32>
        %add3A_152 = arith.addf %mul3A_147, %mul3A_151 : vector<16xf32>
        %slice3A_153 = vector.extract_strided_slice %get3A_141 {offsets = [2], sizes = [1], strides = [1]} : vector<16xf32> to vector<1xf32>
        %squeeze3A_154 = vector.extract %slice3A_153[0] : f32 from vector<1xf32>
        %mul3A_155 = vector.broadcast %squeeze3A_154 : f32 to vector<16xf32>
        %mul3A_156 = arith.mulf %mul3A_155, %get3A_113 : vector<16xf32>
        %add3A_157 = arith.addf %add3A_152, %mul3A_156 : vector<16xf32>
        %slice3A_158 = vector.extract_strided_slice %get3A_141 {offsets = [3], sizes = [1], strides = [1]} : vector<16xf32> to vector<1xf32>
        %squeeze3A_159 = vector.extract %slice3A_158[0] : f32 from vector<1xf32>
        %mul3A_160 = vector.broadcast %squeeze3A_159 : f32 to vector<16xf32>
        %mul3A_161 = arith.mulf %mul3A_160, %get3A_118 : vector<16xf32>
        %add3A_162 = arith.addf %add3A_157, %mul3A_161 : vector<16xf32>
        %add3A_163 = arith.addf %add3A_162, %get3A_123 : vector<16xf32>
        %max3A = arith.constant 0.000000e+00 : f32
        %max3A_164 = vector.broadcast %max3A : f32 to vector<16xf32>
        %max3A_165 = arith.maximumf %add3A_163, %max3A_164 : vector<16xf32>
        %get3A_166 = arith.index_cast %add3A_145 : i32 to index
        %get3A_167 = arith.constant 256 : index
        %get3A_168 = tpu.vector_load %arg16[%get3A_166, %get3A_167] {strides = array<i32>} : memref<128x272xf32, #tpu.memory_space<vmem>>, vector<1x16xf32>,
        %get3A_169 = vector.shape_cast %get3A_168 : vector<1x16xf32> to vector<16xf32>
        %slice3A_170 = vector.extract_strided_slice %max3A_165 {offsets = [0], sizes = [1], strides = [1]} : vector<16xf32> to vector<1xf32>
        %squeeze3A_171 = vector.extract %slice3A_170[0] : f32 from vector<1xf32>
        %get3A_172 = arith.index_cast %add3A_145 : i32 to index
        %get3A_173 = arith.constant 0 : index
        %get3A_174 = tpu.vector_load %arg16[%get3A_172, %get3A_173] {strides = array<i32>} : memref<128x272xf32, #tpu.memory_space<vmem>>, vector<1x16xf32>,
        %get3A_175 = vector.shape_cast %get3A_174 : vector<1x16xf32> to vector<16xf32>
        %mul3A_176 = vector.broadcast %squeeze3A_171 : f32 to vector<16xf32>
        %mul3A_177 = arith.mulf %mul3A_176, %get3A_175 : vector<16xf32>
        %slice3A_178 = vector.extract_strided_slice %max3A_165 {offsets = [1], sizes = [1], strides = [1]} : vector<16xf32> to vector<1xf32>
        %squeeze3A_179 = vector.extract %slice3A_178[0] : f32 from vector<1xf32>
        %get3A_180 = arith.index_cast %add3A_145 : i32 to index
        %get3A_181 = arith.constant 16 : index
        %get3A_182 = tpu.vector_load %arg16[%get3A_180, %get3A_181] {strides = array<i32>} : memref<128x272xf32, #tpu.memory_space<vmem>>, vector<1x16xf32>,
        %get3A_183 = vector.shape_cast %get3A_182 : vector<1x16xf32> to vector<16xf32>
        %mul3A_184 = vector.broadcast %squeeze3A_179 : f32 to vector<16xf32>
        %mul3A_185 = arith.mulf %mul3A_184, %get3A_183 : vector<16xf32>
        %slice3A_186 = vector.extract_strided_slice %max3A_165 {offsets = [2], sizes = [1], strides = [1]} : vector<16xf32> to vector<1xf32>
        %squeeze3A_187 = vector.extract %slice3A_186[0] : f32 from vector<1xf32>
        %get3A_188 = arith.index_cast %add3A_145 : i32 to index
        %get3A_189 = arith.constant 32 : index
        %get3A_190 = tpu.vector_load %arg16[%get3A_188, %get3A_189] {strides = array<i32>} : memref<128x272xf32, #tpu.memory_space<vmem>>, vector<1x16xf32>,
        %get3A_191 = vector.shape_cast %get3A_190 : vector<1x16xf32> to vector<16xf32>
        %mul3A_192 = vector.broadcast %squeeze3A_187 : f32 to vector<16xf32>
        %mul3A_193 = arith.mulf %mul3A_192, %get3A_191 : vector<16xf32>
        %slice3A_194 = vector.extract_strided_slice %max3A_165 {offsets = [3], sizes = [1], strides = [1]} : vector<16xf32> to vector<1xf32>
        %squeeze3A_195 = vector.extract %slice3A_194[0] : f32 from vector<1xf32>
        %get3A_196 = arith.index_cast %add3A_145 : i32 to index
        %get3A_197 = arith.constant 48 : index
        %get3A_198 = tpu.vector_load %arg16[%get3A_196, %get3A_197] {strides = array<i32>} : memref<128x272xf32, #tpu.memory_space<vmem>>, vector<1x16xf32>,
        %get3A_199 = vector.shape_cast %get3A_198 : vector<1x16xf32> to vector<16xf32>
        %mul3A_200 = vector.broadcast %squeeze3A_195 : f32 to vector<16xf32>
        %mul3A_201 = arith.mulf %mul3A_200, %get3A_199 : vector<16xf32>
        %add3A_202 = arith.addf %mul3A_193, %mul3A_201 : vector<16xf32>
        %slice3A_203 = vector.extract_strided_slice %max3A_165 {offsets = [4], sizes = [1], strides = [1]} : vector<16xf32> to vector<1xf32>
        %squeeze3A_204 = vector.extract %slice3A_203[0] : f32 from vector<1xf32>
        %get3A_205 = arith.index_cast %add3A_145 : i32 to index
        %get3A_206 = arith.constant 64 : index
        %get3A_207 = tpu.vector_load %arg16[%get3A_205, %get3A_206] {strides = array<i32>} : memref<128x272xf32, #tpu.memory_space<vmem>>, vector<1x16xf32>,
        %get3A_208 = vector.shape_cast %get3A_207 : vector<1x16xf32> to vector<16xf32>
        %mul3A_209 = vector.broadcast %squeeze3A_204 : f32 to vector<16xf32>
        %mul3A_210 = arith.mulf %mul3A_209, %get3A_208 : vector<16xf32>
        %add3A_211 = arith.addf %get3A_169, %mul3A_210 : vector<16xf32>
        %slice3A_212 = vector.extract_strided_slice %max3A_165 {offsets = [5], sizes = [1], strides = [1]} : vector<16xf32> to vector<1xf32>
        %squeeze3A_213 = vector.extract %slice3A_212[0] : f32 from vector<1xf32>
        %get3A_214 = arith.index_cast %add3A_145 : i32 to index
        %get3A_215 = arith.constant 80 : index
        %get3A_216 = tpu.vector_load %arg16[%get3A_214, %get3A_215] {strides = array<i32>} : memref<128x272xf32, #tpu.memory_space<vmem>>, vector<1x16xf32>,
        %get3A_217 = vector.shape_cast %get3A_216 : vector<1x16xf32> to vector<16xf32>
        %mul3A_218 = vector.broadcast %squeeze3A_213 : f32 to vector<16xf32>
        %mul3A_219 = arith.mulf %mul3A_218, %get3A_217 : vector<16xf32>
        %add3A_220 = arith.addf %mul3A_177, %mul3A_219 : vector<16xf32>
        %slice3A_221 = vector.extract_strided_slice %max3A_165 {offsets = [6], sizes = [1], strides = [1]} : vector<16xf32> to vector<1xf32>
        %squeeze3A_222 = vector.extract %slice3A_221[0] : f32 from vector<1xf32>
        %get3A_223 = arith.index_cast %add3A_145 : i32 to index
        %get3A_224 = arith.constant 96 : index
        %get3A_225 = tpu.vector_load %arg16[%get3A_223, %get3A_224] {strides = array<i32>} : memref<128x272xf32, #tpu.memory_space<vmem>>, vector<1x16xf32>,
        %get3A_226 = vector.shape_cast %get3A_225 : vector<1x16xf32> to vector<16xf32>
        %mul3A_227 = vector.broadcast %squeeze3A_222 : f32 to vector<16xf32>
        %mul3A_228 = arith.mulf %mul3A_227, %get3A_226 : vector<16xf32>
        %add3A_229 = arith.addf %mul3A_185, %mul3A_228 : vector<16xf32>
        %slice3A_230 = vector.extract_strided_slice %max3A_165 {offsets = [7], sizes = [1], strides = [1]} : vector<16xf32> to vector<1xf32>
        %squeeze3A_231 = vector.extract %slice3A_230[0] : f32 from vector<1xf32>
        %get3A_232 = arith.index_cast %add3A_145 : i32 to index
        %get3A_233 = arith.constant 112 : index
        %get3A_234 = tpu.vector_load %arg16[%get3A_232, %get3A_233] {strides = array<i32>} : memref<128x272xf32, #tpu.memory_space<vmem>>, vector<1x16xf32>,
        %get3A_235 = vector.shape_cast %get3A_234 : vector<1x16xf32> to vector<16xf32>
        %mul3A_236 = vector.broadcast %squeeze3A_231 : f32 to vector<16xf32>
        %mul3A_237 = arith.mulf %mul3A_236, %get3A_235 : vector<16xf32>
        %add3A_238 = arith.addf %add3A_202, %mul3A_237 : vector<16xf32>
        %slice3A_239 = vector.extract_strided_slice %max3A_165 {offsets = [8], sizes = [1], strides = [1]} : vector<16xf32> to vector<1xf32>
        %squeeze3A_240 = vector.extract %slice3A_239[0] : f32 from vector<1xf32>
        %get3A_241 = arith.index_cast %add3A_145 : i32 to index
        %get3A_242 = arith.constant 128 : index
        %get3A_243 = tpu.vector_load %arg16[%get3A_241, %get3A_242] {strides = array<i32>} : memref<128x272xf32, #tpu.memory_space<vmem>>, vector<1x16xf32>,
        %get3A_244 = vector.shape_cast %get3A_243 : vector<1x16xf32> to vector<16xf32>
        %mul3A_245 = vector.broadcast %squeeze3A_240 : f32 to vector<16xf32>
        %mul3A_246 = arith.mulf %mul3A_245, %get3A_244 : vector<16xf32>
        %add3A_247 = arith.addf %add3A_211, %mul3A_246 : vector<16xf32>
        %slice3A_248 = vector.extract_strided_slice %max3A_165 {offsets = [9], sizes = [1], strides = [1]} : vector<16xf32> to vector<1xf32>
        %squeeze3A_249 = vector.extract %slice3A_248[0] : f32 from vector<1xf32>
        %get3A_250 = arith.index_cast %add3A_145 : i32 to index
        %get3A_251 = arith.constant 144 : index
        %get3A_252 = tpu.vector_load %arg16[%get3A_250, %get3A_251] {strides = array<i32>} : memref<128x272xf32, #tpu.memory_space<vmem>>, vector<1x16xf32>,
        %get3A_253 = vector.shape_cast %get3A_252 : vector<1x16xf32> to vector<16xf32>
        %mul3A_254 = vector.broadcast %squeeze3A_249 : f32 to vector<16xf32>
        %mul3A_255 = arith.mulf %mul3A_254, %get3A_253 : vector<16xf32>
        %add3A_256 = arith.addf %add3A_220, %mul3A_255 : vector<16xf32>
        %slice3A_257 = vector.extract_strided_slice %max3A_165 {offsets = [10], sizes = [1], strides = [1]} : vector<16xf32> to vector<1xf32>
        %squeeze3A_258 = vector.extract %slice3A_257[0] : f32 from vector<1xf32>
        %get3A_259 = arith.index_cast %add3A_145 : i32 to index
        %get3A_260 = arith.constant 160 : index
        %get3A_261 = tpu.vector_load %arg16[%get3A_259, %get3A_260] {strides = array<i32>} : memref<128x272xf32, #tpu.memory_space<vmem>>, vector<1x16xf32>,
        %get3A_262 = vector.shape_cast %get3A_261 : vector<1x16xf32> to vector<16xf32>
        %mul3A_263 = vector.broadcast %squeeze3A_258 : f32 to vector<16xf32>
        %mul3A_264 = arith.mulf %mul3A_263, %get3A_262 : vector<16xf32>
        %add3A_265 = arith.addf %add3A_229, %mul3A_264 : vector<16xf32>
        %slice3A_266 = vector.extract_strided_slice %max3A_165 {offsets = [11], sizes = [1], strides = [1]} : vector<16xf32> to vector<1xf32>
        %squeeze3A_267 = vector.extract %slice3A_266[0] : f32 from vector<1xf32>
        %get3A_268 = arith.index_cast %add3A_145 : i32 to index
        %get3A_269 = arith.constant 176 : index
        %get3A_270 = tpu.vector_load %arg16[%get3A_268, %get3A_269] {strides = array<i32>} : memref<128x272xf32, #tpu.memory_space<vmem>>, vector<1x16xf32>,
        %get3A_271 = vector.shape_cast %get3A_270 : vector<1x16xf32> to vector<16xf32>
        %mul3A_272 = vector.broadcast %squeeze3A_267 : f32 to vector<16xf32>
        %mul3A_273 = arith.mulf %mul3A_272, %get3A_271 : vector<16xf32>
        %add3A_274 = arith.addf %add3A_238, %mul3A_273 : vector<16xf32>
        %slice3A_275 = vector.extract_strided_slice %max3A_165 {offsets = [12], sizes = [1], strides = [1]} : vector<16xf32> to vector<1xf32>
        %squeeze3A_276 = vector.extract %slice3A_275[0] : f32 from vector<1xf32>
        %get3A_277 = arith.index_cast %add3A_145 : i32 to index
        %get3A_278 = arith.constant 192 : index
        %get3A_279 = tpu.vector_load %arg16[%get3A_277, %get3A_278] {strides = array<i32>} : memref<128x272xf32, #tpu.memory_space<vmem>>, vector<1x16xf32>,
        %get3A_280 = vector.shape_cast %get3A_279 : vector<1x16xf32> to vector<16xf32>
        %mul3A_281 = vector.broadcast %squeeze3A_276 : f32 to vector<16xf32>
        %mul3A_282 = arith.mulf %mul3A_281, %get3A_280 : vector<16xf32>
        %add3A_283 = arith.addf %add3A_247, %mul3A_282 : vector<16xf32>
        %slice3A_284 = vector.extract_strided_slice %max3A_165 {offsets = [13], sizes = [1], strides = [1]} : vector<16xf32> to vector<1xf32>
        %squeeze3A_285 = vector.extract %slice3A_284[0] : f32 from vector<1xf32>
        %get3A_286 = arith.index_cast %add3A_145 : i32 to index
        %get3A_287 = arith.constant 208 : index
        %get3A_288 = tpu.vector_load %arg16[%get3A_286, %get3A_287] {strides = array<i32>} : memref<128x272xf32, #tpu.memory_space<vmem>>, vector<1x16xf32>,
        %get3A_289 = vector.shape_cast %get3A_288 : vector<1x16xf32> to vector<16xf32>
        %mul3A_290 = vector.broadcast %squeeze3A_285 : f32 to vector<16xf32>
        %mul3A_291 = arith.mulf %mul3A_290, %get3A_289 : vector<16xf32>
        %add3A_292 = arith.addf %add3A_256, %mul3A_291 : vector<16xf32>
        %slice3A_293 = vector.extract_strided_slice %max3A_165 {offsets = [14], sizes = [1], strides = [1]} : vector<16xf32> to vector<1xf32>
        %squeeze3A_294 = vector.extract %slice3A_293[0] : f32 from vector<1xf32>
        %get3A_295 = arith.index_cast %add3A_145 : i32 to index
        %get3A_296 = arith.constant 224 : index
        %get3A_297 = tpu.vector_load %arg16[%get3A_295, %get3A_296] {strides = array<i32>} : memref<128x272xf32, #tpu.memory_space<vmem>>, vector<1x16xf32>,
        %get3A_298 = vector.shape_cast %get3A_297 : vector<1x16xf32> to vector<16xf32>
        %mul3A_299 = vector.broadcast %squeeze3A_294 : f32 to vector<16xf32>
        %mul3A_300 = arith.mulf %mul3A_299, %get3A_298 : vector<16xf32>
        %add3A_301 = arith.addf %add3A_265, %mul3A_300 : vector<16xf32>
        %slice3A_302 = vector.extract_strided_slice %max3A_165 {offsets = [15], sizes = [1], strides = [1]} : vector<16xf32> to vector<1xf32>
        %squeeze3A_303 = vector.extract %slice3A_302[0] : f32 from vector<1xf32>
        %get3A_304 = arith.index_cast %add3A_145 : i32 to index
        %get3A_305 = arith.constant 240 : index
        %get3A_306 = tpu.vector_load %arg16[%get3A_304, %get3A_305] {strides = array<i32>} : memref<128x272xf32, #tpu.memory_space<vmem>>, vector<1x16xf32>,
        %get3A_307 = vector.shape_cast %get3A_306 : vector<1x16xf32> to vector<16xf32>
        %mul3A_308 = vector.broadcast %squeeze3A_303 : f32 to vector<16xf32>
        %mul3A_309 = arith.mulf %mul3A_308, %get3A_307 : vector<16xf32>
        %add3A_310 = arith.addf %add3A_274, %mul3A_309 : vector<16xf32>
        %add3A_311 = arith.addf %add3A_283, %add3A_292 : vector<16xf32>
        %add3A_312 = arith.addf %add3A_301, %add3A_310 : vector<16xf32>
        %add3A_313 = arith.addf %add3A_311, %add3A_312 : vector<16xf32>
        %swap3A = arith.index_cast %add3A_145 : i32 to index
        %swap3A_314 = arith.constant 0 : index
        %swap3A_315 = tpu.vector_load %arg17[%swap3A, %swap3A_314] {strides = array<i32>} : memref<128x32xf32, #tpu.memory_space<vmem>>, vector<1x16xf32>,
        %swap3A_316 = vector.shape_cast %swap3A_315 : vector<1x16xf32> to vector<16xf32>
        %swap3A_317 = vector.shape_cast %add3A_313 : vector<16xf32> to vector<1x16xf32>
        tpu.vector_store %arg17[%swap3A, %swap3A_314], %swap3A_317 {strides = array<i32>} : memref<128x32xf32, #tpu.memory_space<vmem>>, vector<1x16xf32>,
        %mul3A_318 = arith.constant 2 : i32
        %mul3A_319 = arith.muli %mul3A_318, %scan3A_132 : i32
        %add3A_320 = arith.constant 1 : i32
        %add3A_321 = arith.addi %mul3A_319, %add3A_320 : i32
        %slice3A_322 = vector.extract_strided_slice %get3A_141 {offsets = [4], sizes = [1], strides = [1]} : vector<16xf32> to vector<1xf32>
        %squeeze3A_323 = vector.extract %slice3A_322[0] : f32 from vector<1xf32>
        %mul3A_324 = vector.broadcast %squeeze3A_323 : f32 to vector<16xf32>
        %mul3A_325 = arith.mulf %mul3A_324, %get3A_103 : vector<16xf32>
        %slice3A_326 = vector.extract_strided_slice %get3A_141 {offsets = [5], sizes = [1], strides = [1]} : vector<16xf32> to vector<1xf32>
        %squeeze3A_327 = vector.extract %slice3A_326[0] : f32 from vector<1xf32>
        %mul3A_328 = vector.broadcast %squeeze3A_327 : f32 to vector<16xf32>
        %mul3A_329 = arith.mulf %mul3A_328, %get3A_108 : vector<16xf32>
        %add3A_330 = arith.addf %mul3A_325, %mul3A_329 : vector<16xf32>
        %slice3A_331 = vector.extract_strided_slice %get3A_141 {offsets = [6], sizes = [1], strides = [1]} : vector<16xf32> to vector<1xf32>
        %squeeze3A_332 = vector.extract %slice3A_331[0] : f32 from vector<1xf32>
        %mul3A_333 = vector.broadcast %squeeze3A_332 : f32 to vector<16xf32>
        %mul3A_334 = arith.mulf %mul3A_333, %get3A_113 : vector<16xf32>
        %add3A_335 = arith.addf %add3A_330, %mul3A_334 : vector<16xf32>
        %slice3A_336 = vector.extract_strided_slice %get3A_141 {offsets = [7], sizes = [1], strides = [1]} : vector<16xf32> to vector<1xf32>
        %squeeze3A_337 = vector.extract %slice3A_336[0] : f32 from vector<1xf32>
        %mul3A_338 = vector.broadcast %squeeze3A_337 : f32 to vector<16xf32>
        %mul3A_339 = arith.mulf %mul3A_338, %get3A_118 : vector<16xf32>
        %add3A_340 = arith.addf %add3A_335, %mul3A_339 : vector<16xf32>
        %add3A_341 = arith.addf %add3A_340, %get3A_123 : vector<16xf32>
        %max3A_342 = arith.constant 0.000000e+00 : f32
        %max3A_343 = vector.broadcast %max3A_342 : f32 to vector<16xf32>
        %max3A_344 = arith.maximumf %add3A_341, %max3A_343 : vector<16xf32>
        %get3A_345 = arith.index_cast %add3A_321 : i32 to index
        %get3A_346 = arith.constant 256 : index
        %get3A_347 = tpu.vector_load %arg16[%get3A_345, %get3A_346] {strides = array<i32>} : memref<128x272xf32, #tpu.memory_space<vmem>>, vector<1x16xf32>,
        %get3A_348 = vector.shape_cast %get3A_347 : vector<1x16xf32> to vector<16xf32>
        %slice3A_349 = vector.extract_strided_slice %max3A_344 {offsets = [0], sizes = [1], strides = [1]} : vector<16xf32> to vector<1xf32>
        %squeeze3A_350 = vector.extract %slice3A_349[0] : f32 from vector<1xf32>
        %get3A_351 = arith.index_cast %add3A_321 : i32 to index
        %get3A_352 = arith.constant 0 : index
        %get3A_353 = tpu.vector_load %arg16[%get3A_351, %get3A_352] {strides = array<i32>} : memref<128x272xf32, #tpu.memory_space<vmem>>, vector<1x16xf32>,
        %get3A_354 = vector.shape_cast %get3A_353 : vector<1x16xf32> to vector<16xf32>
        %mul3A_355 = vector.broadcast %squeeze3A_350 : f32 to vector<16xf32>
        %mul3A_356 = arith.mulf %mul3A_355, %get3A_354 : vector<16xf32>
        %slice3A_357 = vector.extract_strided_slice %max3A_344 {offsets = [1], sizes = [1], strides = [1]} : vector<16xf32> to vector<1xf32>
        %squeeze3A_358 = vector.extract %slice3A_357[0] : f32 from vector<1xf32>
        %get3A_359 = arith.index_cast %add3A_321 : i32 to index
        %get3A_360 = arith.constant 16 : index
        %get3A_361 = tpu.vector_load %arg16[%get3A_359, %get3A_360] {strides = array<i32>} : memref<128x272xf32, #tpu.memory_space<vmem>>, vector<1x16xf32>,
        %get3A_362 = vector.shape_cast %get3A_361 : vector<1x16xf32> to vector<16xf32>
        %mul3A_363 = vector.broadcast %squeeze3A_358 : f32 to vector<16xf32>
        %mul3A_364 = arith.mulf %mul3A_363, %get3A_362 : vector<16xf32>
        %slice3A_365 = vector.extract_strided_slice %max3A_344 {offsets = [2], sizes = [1], strides = [1]} : vector<16xf32> to vector<1xf32>
        %squeeze3A_366 = vector.extract %slice3A_365[0] : f32 from vector<1xf32>
        %get3A_367 = arith.index_cast %add3A_321 : i32 to index
        %get3A_368 = arith.constant 32 : index
        %get3A_369 = tpu.vector_load %arg16[%get3A_367, %get3A_368] {strides = array<i32>} : memref<128x272xf32, #tpu.memory_space<vmem>>, vector<1x16xf32>,
        %get3A_370 = vector.shape_cast %get3A_369 : vector<1x16xf32> to vector<16xf32>
        %mul3A_371 = vector.broadcast %squeeze3A_366 : f32 to vector<16xf32>
        %mul3A_372 = arith.mulf %mul3A_371, %get3A_370 : vector<16xf32>
        %slice3A_373 = vector.extract_strided_slice %max3A_344 {offsets = [3], sizes = [1], strides = [1]} : vector<16xf32> to vector<1xf32>
        %squeeze3A_374 = vector.extract %slice3A_373[0] : f32 from vector<1xf32>
        %get3A_375 = arith.index_cast %add3A_321 : i32 to index
        %get3A_376 = arith.constant 48 : index
        %get3A_377 = tpu.vector_load %arg16[%get3A_375, %get3A_376] {strides = array<i32>} : memref<128x272xf32, #tpu.memory_space<vmem>>, vector<1x16xf32>,
        %get3A_378 = vector.shape_cast %get3A_377 : vector<1x16xf32> to vector<16xf32>
        %mul3A_379 = vector.broadcast %squeeze3A_374 : f32 to vector<16xf32>
        %mul3A_380 = arith.mulf %mul3A_379, %get3A_378 : vector<16xf32>
        %add3A_381 = arith.addf %mul3A_372, %mul3A_380 : vector<16xf32>
        %slice3A_382 = vector.extract_strided_slice %max3A_344 {offsets = [4], sizes = [1], strides = [1]} : vector<16xf32> to vector<1xf32>
        %squeeze3A_383 = vector.extract %slice3A_382[0] : f32 from vector<1xf32>
        %get3A_384 = arith.index_cast %add3A_321 : i32 to index
        %get3A_385 = arith.constant 64 : index
        %get3A_386 = tpu.vector_load %arg16[%get3A_384, %get3A_385] {strides = array<i32>} : memref<128x272xf32, #tpu.memory_space<vmem>>, vector<1x16xf32>,
        %get3A_387 = vector.shape_cast %get3A_386 : vector<1x16xf32> to vector<16xf32>
        %mul3A_388 = vector.broadcast %squeeze3A_383 : f32 to vector<16xf32>
        %mul3A_389 = arith.mulf %mul3A_388, %get3A_387 : vector<16xf32>
        %add3A_390 = arith.addf %get3A_348, %mul3A_389 : vector<16xf32>
        %slice3A_391 = vector.extract_strided_slice %max3A_344 {offsets = [5], sizes = [1], strides = [1]} : vector<16xf32> to vector<1xf32>
        %squeeze3A_392 = vector.extract %slice3A_391[0] : f32 from vector<1xf32>
        %get3A_393 = arith.index_cast %add3A_321 : i32 to index
        %get3A_394 = arith.constant 80 : index
        %get3A_395 = tpu.vector_load %arg16[%get3A_393, %get3A_394] {strides = array<i32>} : memref<128x272xf32, #tpu.memory_space<vmem>>, vector<1x16xf32>,
        %get3A_396 = vector.shape_cast %get3A_395 : vector<1x16xf32> to vector<16xf32>
        %mul3A_397 = vector.broadcast %squeeze3A_392 : f32 to vector<16xf32>
        %mul3A_398 = arith.mulf %mul3A_397, %get3A_396 : vector<16xf32>
        %add3A_399 = arith.addf %mul3A_356, %mul3A_398 : vector<16xf32>
        %slice3A_400 = vector.extract_strided_slice %max3A_344 {offsets = [6], sizes = [1], strides = [1]} : vector<16xf32> to vector<1xf32>
        %squeeze3A_401 = vector.extract %slice3A_400[0] : f32 from vector<1xf32>
        %get3A_402 = arith.index_cast %add3A_321 : i32 to index
        %get3A_403 = arith.constant 96 : index
        %get3A_404 = tpu.vector_load %arg16[%get3A_402, %get3A_403] {strides = array<i32>} : memref<128x272xf32, #tpu.memory_space<vmem>>, vector<1x16xf32>,
        %get3A_405 = vector.shape_cast %get3A_404 : vector<1x16xf32> to vector<16xf32>
        %mul3A_406 = vector.broadcast %squeeze3A_401 : f32 to vector<16xf32>
        %mul3A_407 = arith.mulf %mul3A_406, %get3A_405 : vector<16xf32>
        %add3A_408 = arith.addf %mul3A_364, %mul3A_407 : vector<16xf32>
        %slice3A_409 = vector.extract_strided_slice %max3A_344 {offsets = [7], sizes = [1], strides = [1]} : vector<16xf32> to vector<1xf32>
        %squeeze3A_410 = vector.extract %slice3A_409[0] : f32 from vector<1xf32>
        %get3A_411 = arith.index_cast %add3A_321 : i32 to index
        %get3A_412 = arith.constant 112 : index
        %get3A_413 = tpu.vector_load %arg16[%get3A_411, %get3A_412] {strides = array<i32>} : memref<128x272xf32, #tpu.memory_space<vmem>>, vector<1x16xf32>,
        %get3A_414 = vector.shape_cast %get3A_413 : vector<1x16xf32> to vector<16xf32>
        %mul3A_415 = vector.broadcast %squeeze3A_410 : f32 to vector<16xf32>
        %mul3A_416 = arith.mulf %mul3A_415, %get3A_414 : vector<16xf32>
        %add3A_417 = arith.addf %add3A_381, %mul3A_416 : vector<16xf32>
        %slice3A_418 = vector.extract_strided_slice %max3A_344 {offsets = [8], sizes = [1], strides = [1]} : vector<16xf32> to vector<1xf32>
        %squeeze3A_419 = vector.extract %slice3A_418[0] : f32 from vector<1xf32>
        %get3A_420 = arith.index_cast %add3A_321 : i32 to index
        %get3A_421 = arith.constant 128 : index
        %get3A_422 = tpu.vector_load %arg16[%get3A_420, %get3A_421] {strides = array<i32>} : memref<128x272xf32, #tpu.memory_space<vmem>>, vector<1x16xf32>,
        %get3A_423 = vector.shape_cast %get3A_422 : vector<1x16xf32> to vector<16xf32>
        %mul3A_424 = vector.broadcast %squeeze3A_419 : f32 to vector<16xf32>
        %mul3A_425 = arith.mulf %mul3A_424, %get3A_423 : vector<16xf32>
        %add3A_426 = arith.addf %add3A_390, %mul3A_425 : vector<16xf32>
        %slice3A_427 = vector.extract_strided_slice %max3A_344 {offsets = [9], sizes = [1], strides = [1]} : vector<16xf32> to vector<1xf32>
        %squeeze3A_428 = vector.extract %slice3A_427[0] : f32 from vector<1xf32>
        %get3A_429 = arith.index_cast %add3A_321 : i32 to index
        %get3A_430 = arith.constant 144 : index
        %get3A_431 = tpu.vector_load %arg16[%get3A_429, %get3A_430] {strides = array<i32>} : memref<128x272xf32, #tpu.memory_space<vmem>>, vector<1x16xf32>,
        %get3A_432 = vector.shape_cast %get3A_431 : vector<1x16xf32> to vector<16xf32>
        %mul3A_433 = vector.broadcast %squeeze3A_428 : f32 to vector<16xf32>
        %mul3A_434 = arith.mulf %mul3A_433, %get3A_432 : vector<16xf32>
        %add3A_435 = arith.addf %add3A_399, %mul3A_434 : vector<16xf32>
        %slice3A_436 = vector.extract_strided_slice %max3A_344 {offsets = [10], sizes = [1], strides = [1]} : vector<16xf32> to vector<1xf32>
        %squeeze3A_437 = vector.extract %slice3A_436[0] : f32 from vector<1xf32>
        %get3A_438 = arith.index_cast %add3A_321 : i32 to index
        %get3A_439 = arith.constant 160 : index
        %get3A_440 = tpu.vector_load %arg16[%get3A_438, %get3A_439] {strides = array<i32>} : memref<128x272xf32, #tpu.memory_space<vmem>>, vector<1x16xf32>,
        %get3A_441 = vector.shape_cast %get3A_440 : vector<1x16xf32> to vector<16xf32>
        %mul3A_442 = vector.broadcast %squeeze3A_437 : f32 to vector<16xf32>
        %mul3A_443 = arith.mulf %mul3A_442, %get3A_441 : vector<16xf32>
        %add3A_444 = arith.addf %add3A_408, %mul3A_443 : vector<16xf32>
        %slice3A_445 = vector.extract_strided_slice %max3A_344 {offsets = [11], sizes = [1], strides = [1]} : vector<16xf32> to vector<1xf32>
        %squeeze3A_446 = vector.extract %slice3A_445[0] : f32 from vector<1xf32>
        %get3A_447 = arith.index_cast %add3A_321 : i32 to index
        %get3A_448 = arith.constant 176 : index
        %get3A_449 = tpu.vector_load %arg16[%get3A_447, %get3A_448] {strides = array<i32>} : memref<128x272xf32, #tpu.memory_space<vmem>>, vector<1x16xf32>,
        %get3A_450 = vector.shape_cast %get3A_449 : vector<1x16xf32> to vector<16xf32>
        %mul3A_451 = vector.broadcast %squeeze3A_446 : f32 to vector<16xf32>
        %mul3A_452 = arith.mulf %mul3A_451, %get3A_450 : vector<16xf32>
        %add3A_453 = arith.addf %add3A_417, %mul3A_452 : vector<16xf32>
        %slice3A_454 = vector.extract_strided_slice %max3A_344 {offsets = [12], sizes = [1], strides = [1]} : vector<16xf32> to vector<1xf32>
        %squeeze3A_455 = vector.extract %slice3A_454[0] : f32 from vector<1xf32>
        %get3A_456 = arith.index_cast %add3A_321 : i32 to index
        %get3A_457 = arith.constant 192 : index
        %get3A_458 = tpu.vector_load %arg16[%get3A_456, %get3A_457] {strides = array<i32>} : memref<128x272xf32, #tpu.memory_space<vmem>>, vector<1x16xf32>,
        %get3A_459 = vector.shape_cast %get3A_458 : vector<1x16xf32> to vector<16xf32>
        %mul3A_460 = vector.broadcast %squeeze3A_455 : f32 to vector<16xf32>
        %mul3A_461 = arith.mulf %mul3A_460, %get3A_459 : vector<16xf32>
        %add3A_462 = arith.addf %add3A_426, %mul3A_461 : vector<16xf32>
        %slice3A_463 = vector.extract_strided_slice %max3A_344 {offsets = [13], sizes = [1], strides = [1]} : vector<16xf32> to vector<1xf32>
        %squeeze3A_464 = vector.extract %slice3A_463[0] : f32 from vector<1xf32>
        %get3A_465 = arith.index_cast %add3A_321 : i32 to index
        %get3A_466 = arith.constant 208 : index
        %get3A_467 = tpu.vector_load %arg16[%get3A_465, %get3A_466] {strides = array<i32>} : memref<128x272xf32, #tpu.memory_space<vmem>>, vector<1x16xf32>,
        %get3A_468 = vector.shape_cast %get3A_467 : vector<1x16xf32> to vector<16xf32>
        %mul3A_469 = vector.broadcast %squeeze3A_464 : f32 to vector<16xf32>
        %mul3A_470 = arith.mulf %mul3A_469, %get3A_468 : vector<16xf32>
        %add3A_471 = arith.addf %add3A_435, %mul3A_470 : vector<16xf32>
        %slice3A_472 = vector.extract_strided_slice %max3A_344 {offsets = [14], sizes = [1], strides = [1]} : vector<16xf32> to vector<1xf32>
        %squeeze3A_473 = vector.extract %slice3A_472[0] : f32 from vector<1xf32>
        %get3A_474 = arith.index_cast %add3A_321 : i32 to index
        %get3A_475 = arith.constant 224 : index
        %get3A_476 = tpu.vector_load %arg16[%get3A_474, %get3A_475] {strides = array<i32>} : memref<128x272xf32, #tpu.memory_space<vmem>>, vector<1x16xf32>,
        %get3A_477 = vector.shape_cast %get3A_476 : vector<1x16xf32> to vector<16xf32>
        %mul3A_478 = vector.broadcast %squeeze3A_473 : f32 to vector<16xf32>
        %mul3A_479 = arith.mulf %mul3A_478, %get3A_477 : vector<16xf32>
        %add3A_480 = arith.addf %add3A_444, %mul3A_479 : vector<16xf32>
        %slice3A_481 = vector.extract_strided_slice %max3A_344 {offsets = [15], sizes = [1], strides = [1]} : vector<16xf32> to vector<1xf32>
        %squeeze3A_482 = vector.extract %slice3A_481[0] : f32 from vector<1xf32>
        %get3A_483 = arith.index_cast %add3A_321 : i32 to index
        %get3A_484 = arith.constant 240 : index
        %get3A_485 = tpu.vector_load %arg16[%get3A_483, %get3A_484] {strides = array<i32>} : memref<128x272xf32, #tpu.memory_space<vmem>>, vector<1x16xf32>,
        %get3A_486 = vector.shape_cast %get3A_485 : vector<1x16xf32> to vector<16xf32>
        %mul3A_487 = vector.broadcast %squeeze3A_482 : f32 to vector<16xf32>
        %mul3A_488 = arith.mulf %mul3A_487, %get3A_486 : vector<16xf32>
        %add3A_489 = arith.addf %add3A_453, %mul3A_488 : vector<16xf32>
        %add3A_490 = arith.addf %add3A_462, %add3A_471 : vector<16xf32>
        %add3A_491 = arith.addf %add3A_480, %add3A_489 : vector<16xf32>
        %add3A_492 = arith.addf %add3A_490, %add3A_491 : vector<16xf32>
        %swap3A_493 = arith.index_cast %add3A_321 : i32 to index
        %swap3A_494 = arith.constant 0 : index
        %swap3A_495 = tpu.vector_load %arg17[%swap3A_493, %swap3A_494] {strides = array<i32>} : memref<128x32xf32, #tpu.memory_space<vmem>>, vector<1x16xf32>,
        %swap3A_496 = vector.shape_cast %swap3A_495 : vector<1x16xf32> to vector<16xf32>
        %swap3A_497 = vector.shape_cast %add3A_492 : vector<16xf32> to vector<1x16xf32>
        tpu.vector_store %arg17[%swap3A_493, %swap3A_494], %swap3A_497 {strides = array<i32>} : memref<128x32xf32, #tpu.memory_space<vmem>>, vector<1x16xf32>,
        %scan3A_498 = arith.constant 0 : i32
        scf.yield %scan3A_498 : i32
      }
      %scan3A_130 = arith.constant 64 : i32
      "tpu.region"() ({
        %run_scoped3A = tpu.sem_alloc : memref<!tpu.dma_semaphore, #tpu.memory_space<semaphore_mem>>
        %dma_start3A_132 = arith.constant 0 : i32
        %dma_start3A_133 = tpu.memref_slice %arg11[%add3A_98, %dma_start3A_132] : memref<40x128xi32, #tpu.memory_space<vmem>> -> memref<1x128xi32, #tpu.memory_space<vmem>>
        %dma_start3A_134 = tpu.memref_squeeze %dma_start3A_133 : memref<1x128xi32, #tpu.memory_space<vmem>> -> memref<128xi32, #tpu.memory_space<vmem>>
        %dma_start3A_135 = arith.constant 0 : i32
        %dma_start3A_136 = arith.constant 0 : i32
        %dma_start3A_137 = tpu.memref_slice %arg18[%dma_start3A_135, %dma_start3A_136] : memref<10112x32xf32, #tpu.memory_space<vmem_shared>> -> memref<10112x32xf32, #tpu.memory_space<vmem_shared>>
        tpu.enqueue_indirect_dma source(%arg17 : memref<128x32xf32, #tpu.memory_space<vmem>>) target(%dma_start3A_137 : memref<10112x32xf32, #tpu.memory_space<vmem_shared>>) offsets(%dma_start3A_134 : memref<128xi32, #tpu.memory_space<vmem>>) semaphore(%run_scoped3A : memref<!tpu.dma_semaphore, #tpu.memory_space<semaphore_mem>>) {add = true}
        %dma_wait3A_138 = arith.constant 0 : i32
        %dma_wait3A_139 = tpu.memref_slice %arg11[%add3A_98, %dma_wait3A_138] : memref<40x128xi32, #tpu.memory_space<vmem>> -> memref<1x128xi32, #tpu.memory_space<vmem>>
        %dma_wait3A_140 = tpu.memref_squeeze %dma_wait3A_139 : memref<1x128xi32, #tpu.memory_space<vmem>> -> memref<128xi32, #tpu.memory_space<vmem>>
        %dma_wait3A_141 = arith.constant 0 : i32
        %dma_wait3A_142 = arith.constant 0 : i32
        %dma_wait3A_143 = tpu.memref_slice %arg18[%dma_wait3A_141, %dma_wait3A_142] : memref<10112x32xf32, #tpu.memory_space<vmem_shared>> -> memref<10112x32xf32, #tpu.memory_space<vmem_shared>>
        tpu.wait_indirect_dma semaphore(%run_scoped3A : memref<!tpu.dma_semaphore, #tpu.memory_space<semaphore_mem>>) src(%arg17 : memref<128x32xf32, #tpu.memory_space<vmem>>) dst(%dma_wait3A_143 : memref<10112x32xf32, #tpu.memory_space<vmem_shared>>)
        tpu.yield
      }) : () -> ()
      %scan3A_131 = arith.constant 0 : i32
      scf.yield %scan3A_131 : i32
    }
    %scan3A_33 = arith.constant 20 : i32
    %barrier3A_34 = arith.constant 0 : index
    tpu.barrier barrier_id(%barrier3A_34)
    %mul3A_35 = arith.constant 632 : i32
    %mul3A_36 = arith.muli %arg1, %mul3A_35 : i32
    %mul3A_37 = arith.constant 632 : i32
    %mul3A_38 = arith.muli %arg1, %mul3A_37 : i32
    "tpu.region"() ({
      %run_scoped3A = tpu.sem_alloc : memref<!tpu.dma_semaphore, #tpu.memory_space<semaphore_mem>>
      %dma_start3A_39 = arith.constant 0 : i32
      %dma_start3A_40 = tpu.memref_slice %arg9[%arg0, %mul3A_38, %dma_start3A_39] : memref<2x10112x32xf32, #tpu.memory_space<hbm>> -> memref<1x632x32xf32, #tpu.memory_space<hbm>>
      %dma_start3A_41 = tpu.memref_squeeze %dma_start3A_40 : memref<1x632x32xf32, #tpu.memory_space<hbm>> -> memref<632x32xf32, #tpu.memory_space<hbm>>
      %dma_start3A_42 = arith.constant 0 : i32
      %dma_start3A_43 = tpu.memref_slice %arg18[%mul3A_36, %dma_start3A_42] : memref<10112x32xf32, #tpu.memory_space<vmem_shared>> -> memref<632x32xf32, #tpu.memory_space<vmem_shared>>
      tpu.enqueue_dma source(%dma_start3A_43 : memref<632x32xf32, #tpu.memory_space<vmem_shared>>) target(%dma_start3A_41 : memref<632x32xf32, #tpu.memory_space<hbm>>) target_semaphore(%run_scoped3A : memref<!tpu.dma_semaphore, #tpu.memory_space<semaphore_mem>>)
      %dma_wait3A = arith.constant 0 : i32
      %dma_wait3A_44 = tpu.memref_slice %arg9[%arg0, %mul3A_38, %dma_wait3A] : memref<2x10112x32xf32, #tpu.memory_space<hbm>> -> memref<1x632x32xf32, #tpu.memory_space<hbm>>
      %dma_wait3A_45 = tpu.memref_squeeze %dma_wait3A_44 : memref<1x632x32xf32, #tpu.memory_space<hbm>> -> memref<632x32xf32, #tpu.memory_space<hbm>>
      %dma_wait3A_46 = arith.constant 0 : i32
      %dma_wait3A_47 = tpu.memref_slice %arg18[%mul3A_36, %dma_wait3A_46] : memref<10112x32xf32, #tpu.memory_space<vmem_shared>> -> memref<632x32xf32, #tpu.memory_space<vmem_shared>>
      tpu.wait_dma2 semaphore(%run_scoped3A : memref<!tpu.dma_semaphore, #tpu.memory_space<semaphore_mem>>) src(%dma_wait3A_47 : memref<632x32xf32, #tpu.memory_space<vmem_shared>>) dst(%dma_wait3A_45 : memref<632x32xf32, #tpu.memory_space<hbm>>)
      tpu.yield
    }) : () -> ()
    return
  }
}

#map = affine_map<(d0, d1) -> (0, 0)>
#map1 = affine_map<(d0, d1) -> (0)>
#map2 = affine_map<(d0, d1) -> (0, 0, 0)>
module attributes {stable_mosaic.version = 14 : i64} {
  func.func @k(%arg0: i32, %arg1: i32, %arg2: memref<10000x272xf32, #tpu.memory_space<hbm>>, %arg3: memref<655360xf32, #tpu.memory_space<hbm>>, %arg4: memref<4x16xf32, #tpu.memory_space<hbm>>, %arg5: memref<1x16xf32, #tpu.memory_space<hbm>>, %arg6: memref<1280x128xi32, #tpu.memory_space<hbm>>, %arg7: memref<1280x128xi32, #tpu.memory_space<hbm>>, %arg8: memref<632x32xf32, #tpu.memory_space<hbm>>, %arg9: memref<2x10112x32xf32, #tpu.memory_space<hbm>>, %arg10: memref<40x128xi32, #tpu.memory_space<vmem>>, %arg11: memref<40x128xi32, #tpu.memory_space<vmem>>, %arg12: memref<20480xf32, #tpu.memory_space<vmem>>, %arg13: memref<4x16xf32, #tpu.memory_space<vmem>>, %arg14: memref<1x16xf32, #tpu.memory_space<vmem>>, %arg15: memref<128x272xf32, #tpu.memory_space<vmem>>, %arg16: memref<128x272xf32, #tpu.memory_space<vmem>>, %arg17: memref<128x32xf32, #tpu.memory_space<vmem>>, %arg18: memref<10112x32xf32, #tpu.memory_space<vmem_shared>>, %arg19: memref<!tpu.dma_semaphore, #tpu.memory_space<semaphore_mem>>, %arg20: memref<!tpu.dma_semaphore, #tpu.memory_space<semaphore_mem>>) attributes {dimension_semantics = [#tpu.dimension_semantics<core_parallel>, #tpu.dimension_semantics<subcore_parallel>], iteration_bounds = array<i64: 2, 16>, scalar_prefetch = 0 : i64, scratch_operands = 11 : i64, tpu.core_type = #tpu.core_type<sc_vector_subcore>, window_params = [{transform_indices = #map}, {transform_indices = #map1}, {transform_indices = #map}, {transform_indices = #map}, {transform_indices = #map}, {transform_indices = #map}, {transform_indices = #map}, {transform_indices = #map2}]} {
    %mul3A = arith.constant 16 : i32
    %mul3A_0 = arith.muli %arg0, %mul3A : i32
    %add3A = arith.addi %mul3A_0, %arg1 : i32
    %mul3A_1 = arith.constant 632 : i32
    %mul3A_2 = arith.muli %arg1, %mul3A_1 : i32
    "tpu.region"() ({
      %run_scoped3A = tpu.sem_alloc : memref<!tpu.dma_semaphore, #tpu.memory_space<semaphore_mem>>
      %dma_start3A_39 = arith.constant 0 : i32
      %dma_start3A_40 = tpu.memref_slice %arg18[%mul3A_2, %dma_start3A_39] : memref<10112x32xf32, #tpu.memory_space<vmem_shared>> -> memref<632x32xf32, #tpu.memory_space<vmem_shared>>
      tpu.enqueue_dma source(%arg8 : memref<632x32xf32, #tpu.memory_space<hbm>>) target(%dma_start3A_40 : memref<632x32xf32, #tpu.memory_space<vmem_shared>>) target_semaphore(%run_scoped3A : memref<!tpu.dma_semaphore, #tpu.memory_space<semaphore_mem>>)
      %dma_wait3A = arith.constant 0 : i32
      %dma_wait3A_41 = tpu.memref_slice %arg18[%mul3A_2, %dma_wait3A] : memref<10112x32xf32, #tpu.memory_space<vmem_shared>> -> memref<632x32xf32, #tpu.memory_space<vmem_shared>>
      tpu.wait_dma2 semaphore(%run_scoped3A : memref<!tpu.dma_semaphore, #tpu.memory_space<semaphore_mem>>) src(%arg8 : memref<632x32xf32, #tpu.memory_space<hbm>>) dst(%dma_wait3A_41 : memref<632x32xf32, #tpu.memory_space<vmem_shared>>)
      tpu.yield
    }) : () -> ()
    %mul3A_3 = arith.constant 40 : i32
    %mul3A_4 = arith.muli %add3A, %mul3A_3 : i32
    "tpu.region"() ({
      %run_scoped3A = tpu.sem_alloc : memref<!tpu.dma_semaphore, #tpu.memory_space<semaphore_mem>>
      %dma_start3A_39 = arith.constant 0 : i32
      %dma_start3A_40 = tpu.memref_slice %arg6[%mul3A_4, %dma_start3A_39] : memref<1280x128xi32, #tpu.memory_space<hbm>> -> memref<40x128xi32, #tpu.memory_space<hbm>>
      %dma_start3A_41 = arith.constant 0 : i32
      %dma_start3A_42 = tpu.memref_slice %arg6[%mul3A_4, %dma_start3A_41] : memref<1280x128xi32, #tpu.memory_space<hbm>> -> memref<40x128xi32, #tpu.memory_space<hbm>>
      tpu.enqueue_dma source(%dma_start3A_42 : memref<40x128xi32, #tpu.memory_space<hbm>>) target(%arg10 : memref<40x128xi32, #tpu.memory_space<vmem>>) target_semaphore(%run_scoped3A : memref<!tpu.dma_semaphore, #tpu.memory_space<semaphore_mem>>)
      %dma_wait3A = arith.constant 0 : i32
      %dma_wait3A_43 = tpu.memref_slice %arg6[%mul3A_4, %dma_wait3A] : memref<1280x128xi32, #tpu.memory_space<hbm>> -> memref<40x128xi32, #tpu.memory_space<hbm>>
      %dma_wait3A_44 = arith.constant 0 : i32
      %dma_wait3A_45 = tpu.memref_slice %arg6[%mul3A_4, %dma_wait3A_44] : memref<1280x128xi32, #tpu.memory_space<hbm>> -> memref<40x128xi32, #tpu.memory_space<hbm>>
      tpu.wait_dma2 semaphore(%run_scoped3A : memref<!tpu.dma_semaphore, #tpu.memory_space<semaphore_mem>>) src(%dma_wait3A_45 : memref<40x128xi32, #tpu.memory_space<hbm>>) dst(%arg10 : memref<40x128xi32, #tpu.memory_space<vmem>>)
      tpu.yield
    }) : () -> ()
    %mul3A_5 = arith.constant 40 : i32
    %mul3A_6 = arith.muli %add3A, %mul3A_5 : i32
    "tpu.region"() ({
      %run_scoped3A = tpu.sem_alloc : memref<!tpu.dma_semaphore, #tpu.memory_space<semaphore_mem>>
      %dma_start3A_39 = arith.constant 0 : i32
      %dma_start3A_40 = tpu.memref_slice %arg7[%mul3A_6, %dma_start3A_39] : memref<1280x128xi32, #tpu.memory_space<hbm>> -> memref<40x128xi32, #tpu.memory_space<hbm>>
      %dma_start3A_41 = arith.constant 0 : i32
      %dma_start3A_42 = tpu.memref_slice %arg7[%mul3A_6, %dma_start3A_41] : memref<1280x128xi32, #tpu.memory_space<hbm>> -> memref<40x128xi32, #tpu.memory_space<hbm>>
      tpu.enqueue_dma source(%dma_start3A_42 : memref<40x128xi32, #tpu.memory_space<hbm>>) target(%arg11 : memref<40x128xi32, #tpu.memory_space<vmem>>) target_semaphore(%run_scoped3A : memref<!tpu.dma_semaphore, #tpu.memory_space<semaphore_mem>>)
      %dma_wait3A = arith.constant 0 : i32
      %dma_wait3A_43 = tpu.memref_slice %arg7[%mul3A_6, %dma_wait3A] : memref<1280x128xi32, #tpu.memory_space<hbm>> -> memref<40x128xi32, #tpu.memory_space<hbm>>
      %dma_wait3A_44 = arith.constant 0 : i32
      %dma_wait3A_45 = tpu.memref_slice %arg7[%mul3A_6, %dma_wait3A_44] : memref<1280x128xi32, #tpu.memory_space<hbm>> -> memref<40x128xi32, #tpu.memory_space<hbm>>
      tpu.wait_dma2 semaphore(%run_scoped3A : memref<!tpu.dma_semaphore, #tpu.memory_space<semaphore_mem>>) src(%dma_wait3A_45 : memref<40x128xi32, #tpu.memory_space<hbm>>) dst(%arg11 : memref<40x128xi32, #tpu.memory_space<vmem>>)
      tpu.yield
    }) : () -> ()
    %mul3A_7 = arith.constant 5120 : i32
    %mul3A_8 = arith.muli %add3A, %mul3A_7 : i32
    %mul3A_9 = arith.constant 4 : i32
    %mul3A_10 = arith.muli %mul3A_8, %mul3A_9 : i32
    "tpu.region"() ({
      %run_scoped3A = tpu.sem_alloc : memref<!tpu.dma_semaphore, #tpu.memory_space<semaphore_mem>>
      %dma_start3A_39 = tpu.memref_slice %arg3[%mul3A_10] : memref<655360xf32, #tpu.memory_space<hbm>> -> memref<20480xf32, #tpu.memory_space<hbm>>
      %dma_start3A_40 = tpu.memref_slice %arg3[%mul3A_10] : memref<655360xf32, #tpu.memory_space<hbm>> -> memref<20480xf32, #tpu.memory_space<hbm>>
      tpu.enqueue_dma source(%dma_start3A_40 : memref<20480xf32, #tpu.memory_space<hbm>>) target(%arg12 : memref<20480xf32, #tpu.memory_space<vmem>>) target_semaphore(%run_scoped3A : memref<!tpu.dma_semaphore, #tpu.memory_space<semaphore_mem>>)
      %dma_wait3A = tpu.memref_slice %arg3[%mul3A_10] : memref<655360xf32, #tpu.memory_space<hbm>> -> memref<20480xf32, #tpu.memory_space<hbm>>
      %dma_wait3A_41 = tpu.memref_slice %arg3[%mul3A_10] : memref<655360xf32, #tpu.memory_space<hbm>> -> memref<20480xf32, #tpu.memory_space<hbm>>
      tpu.wait_dma2 semaphore(%run_scoped3A : memref<!tpu.dma_semaphore, #tpu.memory_space<semaphore_mem>>) src(%dma_wait3A_41 : memref<20480xf32, #tpu.memory_space<hbm>>) dst(%arg12 : memref<20480xf32, #tpu.memory_space<vmem>>)
      tpu.yield
    }) : () -> ()
    "tpu.region"() ({
      %run_scoped3A = tpu.sem_alloc : memref<!tpu.dma_semaphore, #tpu.memory_space<semaphore_mem>>
      tpu.enqueue_dma source(%arg4 : memref<4x16xf32, #tpu.memory_space<hbm>>) target(%arg13 : memref<4x16xf32, #tpu.memory_space<vmem>>) target_semaphore(%run_scoped3A : memref<!tpu.dma_semaphore, #tpu.memory_space<semaphore_mem>>)
      tpu.wait_dma2 semaphore(%run_scoped3A : memref<!tpu.dma_semaphore, #tpu.memory_space<semaphore_mem>>) src(%arg4 : memref<4x16xf32, #tpu.memory_space<hbm>>) dst(%arg13 : memref<4x16xf32, #tpu.memory_space<vmem>>)
      tpu.yield
    }) : () -> ()
    "tpu.region"() ({
      %run_scoped3A = tpu.sem_alloc : memref<!tpu.dma_semaphore, #tpu.memory_space<semaphore_mem>>
      tpu.enqueue_dma source(%arg5 : memref<1x16xf32, #tpu.memory_space<hbm>>) target(%arg14 : memref<1x16xf32, #tpu.memory_space<vmem>>) target_semaphore(%run_scoped3A : memref<!tpu.dma_semaphore, #tpu.memory_space<semaphore_mem>>)
      tpu.wait_dma2 semaphore(%run_scoped3A : memref<!tpu.dma_semaphore, #tpu.memory_space<semaphore_mem>>) src(%arg5 : memref<1x16xf32, #tpu.memory_space<hbm>>) dst(%arg14 : memref<1x16xf32, #tpu.memory_space<vmem>>)
      tpu.yield
    }) : () -> ()
    %iota3A = tpu.iota {dimensions = array<i32: 0>} : vector<16xi32>
    %eq3A = arith.constant 0 : i32
    %eq3A_11 = vector.broadcast %eq3A : i32 to vector<16xi32>
    %eq3A_12 = arith.cmpi eq, %iota3A, %eq3A_11 : vector<16xi32>
    %jit3A = arith.constant 1.000000e+00 : f32
    %jit3A_13 = arith.constant 0.000000e+00 : f32
    %broadcast_in_dim3A = vector.broadcast %jit3A : f32 to vector<16xf32>
    %broadcast_in_dim3A_14 = vector.broadcast %jit3A_13 : f32 to vector<16xf32>
    %select_n3A = arith.select %eq3A_12, %broadcast_in_dim3A, %broadcast_in_dim3A_14 : vector<16xi1>, vector<16xf32>
    %scan3A = arith.constant 0 : i32
    %scan3A_15 = arith.constant 0 : i32
    %scan3A_16 = arith.constant 128 : i32
    %scan3A_17 = arith.addi %scan3A_15, %scan3A_16 : i32
    %scan3A_18 = arith.constant 1 : i32
    %scan3A_19 = scf.for %scan3A_39 = %scan3A_15 to %scan3A_17 step %scan3A_18 iter_args(%scan3A_40 = %scan3A) -> (i32)  : i32 {
      %swap3A = arith.index_cast %scan3A_39 : i32 to index
      %swap3A_41 = arith.constant 16 : index
      %swap3A_42 = tpu.vector_load %arg17[%swap3A, %swap3A_41] {strides = array<i32>} : memref<128x32xf32, #tpu.memory_space<vmem>>, vector<1x16xf32>,
      %swap3A_43 = vector.shape_cast %swap3A_42 : vector<1x16xf32> to vector<16xf32>
      %swap3A_44 = vector.shape_cast %select_n3A : vector<16xf32> to vector<1x16xf32>
      tpu.vector_store %arg17[%swap3A, %swap3A_41], %swap3A_44 {strides = array<i32>} : memref<128x32xf32, #tpu.memory_space<vmem>>, vector<1x16xf32>,
      %scan3A_45 = arith.constant 0 : i32
      scf.yield %scan3A_45 : i32
    }
    %scan3A_20 = arith.constant 128 : i32
    %barrier3A = arith.constant 0 : index
    tpu.barrier barrier_id(%barrier3A)
    %dma_start3A = arith.constant 0 : i32
    %dma_start3A_21 = arith.constant 0 : i32
    %dma_start3A_22 = tpu.memref_slice %arg10[%dma_start3A, %dma_start3A_21] : memref<40x128xi32, #tpu.memory_space<vmem>> -> memref<1x128xi32, #tpu.memory_space<vmem>>
    %dma_start3A_23 = tpu.memref_squeeze %dma_start3A_22 : memref<1x128xi32, #tpu.memory_space<vmem>> -> memref<128xi32, #tpu.memory_space<vmem>>
    %dma_start3A_24 = arith.constant 0 : i32
    %dma_start3A_25 = arith.constant 0 : i32
    %dma_start3A_26 = tpu.memref_slice %arg2[%dma_start3A_24, %dma_start3A_25] : memref<10000x272xf32, #tpu.memory_space<hbm>> -> memref<10000x272xf32, #tpu.memory_space<hbm>>
    tpu.enqueue_indirect_dma source(%dma_start3A_26 : memref<10000x272xf32, #tpu.memory_space<hbm>>) target(%arg15 : memref<128x272xf32, #tpu.memory_space<vmem>>) offsets(%dma_start3A_23 : memref<128xi32, #tpu.memory_space<vmem>>) semaphore(%arg19 : memref<!tpu.dma_semaphore, #tpu.memory_space<semaphore_mem>>)
    %scan3A_27 = arith.constant 0 : i32
    %scan3A_28 = arith.constant 0 : i32
    %scan3A_29 = arith.constant 20 : i32
    %scan3A_30 = arith.addi %scan3A_28, %scan3A_29 : i32
    %scan3A_31 = arith.constant 1 : i32
    %scan3A_32 = scf.for %scan3A_39 = %scan3A_28 to %scan3A_30 step %scan3A_31 iter_args(%scan3A_40 = %scan3A_27) -> (i32)  : i32 {
      %mul3A_41 = arith.constant 2 : i32
      %mul3A_42 = arith.muli %mul3A_41, %scan3A_39 : i32
      %add3A_43 = arith.constant 1 : i32
      %add3A_44 = arith.addi %mul3A_42, %add3A_43 : i32
      %dma_start3A_45 = arith.constant 0 : i32
      %dma_start3A_46 = tpu.memref_slice %arg10[%add3A_44, %dma_start3A_45] : memref<40x128xi32, #tpu.memory_space<vmem>> -> memref<1x128xi32, #tpu.memory_space<vmem>>
      %dma_start3A_47 = tpu.memref_squeeze %dma_start3A_46 : memref<1x128xi32, #tpu.memory_space<vmem>> -> memref<128xi32, #tpu.memory_space<vmem>>
      %dma_start3A_48 = arith.constant 0 : i32
      %dma_start3A_49 = arith.constant 0 : i32
      %dma_start3A_50 = tpu.memref_slice %arg2[%dma_start3A_48, %dma_start3A_49] : memref<10000x272xf32, #tpu.memory_space<hbm>> -> memref<10000x272xf32, #tpu.memory_space<hbm>>
      tpu.enqueue_indirect_dma source(%dma_start3A_50 : memref<10000x272xf32, #tpu.memory_space<hbm>>) target(%arg16 : memref<128x272xf32, #tpu.memory_space<vmem>>) offsets(%dma_start3A_47 : memref<128xi32, #tpu.memory_space<vmem>>) semaphore(%arg20 : memref<!tpu.dma_semaphore, #tpu.memory_space<semaphore_mem>>)
      %dma_wait3A = arith.constant 0 : i32
      %dma_wait3A_51 = arith.constant 0 : i32
      %dma_wait3A_52 = tpu.memref_slice %arg10[%dma_wait3A, %dma_wait3A_51] : memref<40x128xi32, #tpu.memory_space<vmem>> -> memref<1x128xi32, #tpu.memory_space<vmem>>
      %dma_wait3A_53 = tpu.memref_squeeze %dma_wait3A_52 : memref<1x128xi32, #tpu.memory_space<vmem>> -> memref<128xi32, #tpu.memory_space<vmem>>
      %dma_wait3A_54 = arith.constant 0 : i32
      %dma_wait3A_55 = arith.constant 0 : i32
      %dma_wait3A_56 = tpu.memref_slice %arg2[%dma_wait3A_54, %dma_wait3A_55] : memref<10000x272xf32, #tpu.memory_space<hbm>> -> memref<10000x272xf32, #tpu.memory_space<hbm>>
      tpu.wait_indirect_dma semaphore(%arg19 : memref<!tpu.dma_semaphore, #tpu.memory_space<semaphore_mem>>) src(%dma_wait3A_56 : memref<10000x272xf32, #tpu.memory_space<hbm>>) dst(%arg15 : memref<128x272xf32, #tpu.memory_space<vmem>>)
      %get3A = arith.constant 0 : i32
      %get3A_57 = arith.index_cast %get3A : i32 to index
      %get3A_58 = arith.constant 0 : index
      %get3A_59 = tpu.vector_load %arg13[%get3A_57, %get3A_58] {strides = array<i32>} : memref<4x16xf32, #tpu.memory_space<vmem>>, vector<1x16xf32>,
      %get3A_60 = vector.shape_cast %get3A_59 : vector<1x16xf32> to vector<16xf32>
      %get3A_61 = arith.constant 1 : i32
      %get3A_62 = arith.index_cast %get3A_61 : i32 to index
      %get3A_63 = arith.constant 0 : index
      %get3A_64 = tpu.vector_load %arg13[%get3A_62, %get3A_63] {strides = array<i32>} : memref<4x16xf32, #tpu.memory_space<vmem>>, vector<1x16xf32>,
      %get3A_65 = vector.shape_cast %get3A_64 : vector<1x16xf32> to vector<16xf32>
      %get3A_66 = arith.constant 2 : i32
      %get3A_67 = arith.index_cast %get3A_66 : i32 to index
      %get3A_68 = arith.constant 0 : index
      %get3A_69 = tpu.vector_load %arg13[%get3A_67, %get3A_68] {strides = array<i32>} : memref<4x16xf32, #tpu.memory_space<vmem>>, vector<1x16xf32>,
      %get3A_70 = vector.shape_cast %get3A_69 : vector<1x16xf32> to vector<16xf32>
      %get3A_71 = arith.constant 3 : i32
      %get3A_72 = arith.index_cast %get3A_71 : i32 to index
      %get3A_73 = arith.constant 0 : index
      %get3A_74 = tpu.vector_load %arg13[%get3A_72, %get3A_73] {strides = array<i32>} : memref<4x16xf32, #tpu.memory_space<vmem>>, vector<1x16xf32>,
      %get3A_75 = vector.shape_cast %get3A_74 : vector<1x16xf32> to vector<16xf32>
      %get3A_76 = arith.constant 0 : i32
      %get3A_77 = arith.index_cast %get3A_76 : i32 to index
      %get3A_78 = arith.constant 0 : index
      %get3A_79 = tpu.vector_load %arg14[%get3A_77, %get3A_78] {strides = array<i32>} : memref<1x16xf32, #tpu.memory_space<vmem>>, vector<1x16xf32>,
      %get3A_80 = vector.shape_cast %get3A_79 : vector<1x16xf32> to vector<16xf32>
      %scan3A_81 = arith.constant 0 : i32
      %scan3A_82 = arith.constant 0 : i32
      %scan3A_83 = arith.constant 64 : i32
      %scan3A_84 = arith.addi %scan3A_82, %scan3A_83 : i32
      %scan3A_85 = arith.constant 1 : i32
      %scan3A_86 = scf.for %scan3A_132 = %scan3A_82 to %scan3A_84 step %scan3A_85 iter_args(%scan3A_133 = %scan3A_81) -> (i32)  : i32 {
        %mul3A_134 = arith.constant 512 : i32
        %mul3A_135 = arith.muli %mul3A_42, %mul3A_134 : i32
        %mul3A_136 = arith.constant 8 : i32
        %mul3A_137 = arith.muli %scan3A_132, %mul3A_136 : i32
        %add3A_138 = arith.addi %mul3A_135, %mul3A_137 : i32
        %get3A_139 = arith.index_cast %add3A_138 : i32 to index
        %get3A_140 = tpu.vector_load %arg12[%get3A_139] {strides = array<i32>} : memref<20480xf32, #tpu.memory_space<vmem>>, vector<16xf32>,
        %get3A_141 = vector.shape_cast %get3A_140 : vector<16xf32> to vector<16xf32>
        %mul3A_142 = arith.constant 2 : i32
        %mul3A_143 = arith.muli %mul3A_142, %scan3A_132 : i32
        %add3A_144 = arith.constant 0 : i32
        %add3A_145 = arith.addi %mul3A_143, %add3A_144 : i32
        %slice3A = vector.extract_strided_slice %get3A_141 {offsets = [0], sizes = [1], strides = [1]} : vector<16xf32> to vector<1xf32>
        %squeeze3A = vector.extract %slice3A[0] : f32 from vector<1xf32>
        %mul3A_146 = vector.broadcast %squeeze3A : f32 to vector<16xf32>
        %mul3A_147 = arith.mulf %mul3A_146, %get3A_60 : vector<16xf32>
        %slice3A_148 = vector.extract_strided_slice %get3A_141 {offsets = [1], sizes = [1], strides = [1]} : vector<16xf32> to vector<1xf32>
        %squeeze3A_149 = vector.extract %slice3A_148[0] : f32 from vector<1xf32>
        %mul3A_150 = vector.broadcast %squeeze3A_149 : f32 to vector<16xf32>
        %mul3A_151 = arith.mulf %mul3A_150, %get3A_65 : vector<16xf32>
        %add3A_152 = arith.addf %mul3A_147, %mul3A_151 : vector<16xf32>
        %slice3A_153 = vector.extract_strided_slice %get3A_141 {offsets = [2], sizes = [1], strides = [1]} : vector<16xf32> to vector<1xf32>
        %squeeze3A_154 = vector.extract %slice3A_153[0] : f32 from vector<1xf32>
        %mul3A_155 = vector.broadcast %squeeze3A_154 : f32 to vector<16xf32>
        %mul3A_156 = arith.mulf %mul3A_155, %get3A_70 : vector<16xf32>
        %add3A_157 = arith.addf %add3A_152, %mul3A_156 : vector<16xf32>
        %slice3A_158 = vector.extract_strided_slice %get3A_141 {offsets = [3], sizes = [1], strides = [1]} : vector<16xf32> to vector<1xf32>
        %squeeze3A_159 = vector.extract %slice3A_158[0] : f32 from vector<1xf32>
        %mul3A_160 = vector.broadcast %squeeze3A_159 : f32 to vector<16xf32>
        %mul3A_161 = arith.mulf %mul3A_160, %get3A_75 : vector<16xf32>
        %add3A_162 = arith.addf %add3A_157, %mul3A_161 : vector<16xf32>
        %add3A_163 = arith.addf %add3A_162, %get3A_80 : vector<16xf32>
        %max3A = arith.constant 0.000000e+00 : f32
        %max3A_164 = vector.broadcast %max3A : f32 to vector<16xf32>
        %max3A_165 = arith.maximumf %add3A_163, %max3A_164 : vector<16xf32>
        %get3A_166 = arith.index_cast %add3A_145 : i32 to index
        %get3A_167 = arith.constant 256 : index
        %get3A_168 = tpu.vector_load %arg15[%get3A_166, %get3A_167] {strides = array<i32>} : memref<128x272xf32, #tpu.memory_space<vmem>>, vector<1x16xf32>,
        %get3A_169 = vector.shape_cast %get3A_168 : vector<1x16xf32> to vector<16xf32>
        %slice3A_170 = vector.extract_strided_slice %max3A_165 {offsets = [0], sizes = [1], strides = [1]} : vector<16xf32> to vector<1xf32>
        %squeeze3A_171 = vector.extract %slice3A_170[0] : f32 from vector<1xf32>
        %get3A_172 = arith.index_cast %add3A_145 : i32 to index
        %get3A_173 = arith.constant 0 : index
        %get3A_174 = tpu.vector_load %arg15[%get3A_172, %get3A_173] {strides = array<i32>} : memref<128x272xf32, #tpu.memory_space<vmem>>, vector<1x16xf32>,
        %get3A_175 = vector.shape_cast %get3A_174 : vector<1x16xf32> to vector<16xf32>
        %mul3A_176 = vector.broadcast %squeeze3A_171 : f32 to vector<16xf32>
        %mul3A_177 = arith.mulf %mul3A_176, %get3A_175 : vector<16xf32>
        %slice3A_178 = vector.extract_strided_slice %max3A_165 {offsets = [1], sizes = [1], strides = [1]} : vector<16xf32> to vector<1xf32>
        %squeeze3A_179 = vector.extract %slice3A_178[0] : f32 from vector<1xf32>
        %get3A_180 = arith.index_cast %add3A_145 : i32 to index
        %get3A_181 = arith.constant 16 : index
        %get3A_182 = tpu.vector_load %arg15[%get3A_180, %get3A_181] {strides = array<i32>} : memref<128x272xf32, #tpu.memory_space<vmem>>, vector<1x16xf32>,
        %get3A_183 = vector.shape_cast %get3A_182 : vector<1x16xf32> to vector<16xf32>
        %mul3A_184 = vector.broadcast %squeeze3A_179 : f32 to vector<16xf32>
        %mul3A_185 = arith.mulf %mul3A_184, %get3A_183 : vector<16xf32>
        %slice3A_186 = vector.extract_strided_slice %max3A_165 {offsets = [2], sizes = [1], strides = [1]} : vector<16xf32> to vector<1xf32>
        %squeeze3A_187 = vector.extract %slice3A_186[0] : f32 from vector<1xf32>
        %get3A_188 = arith.index_cast %add3A_145 : i32 to index
        %get3A_189 = arith.constant 32 : index
        %get3A_190 = tpu.vector_load %arg15[%get3A_188, %get3A_189] {strides = array<i32>} : memref<128x272xf32, #tpu.memory_space<vmem>>, vector<1x16xf32>,
        %get3A_191 = vector.shape_cast %get3A_190 : vector<1x16xf32> to vector<16xf32>
        %mul3A_192 = vector.broadcast %squeeze3A_187 : f32 to vector<16xf32>
        %mul3A_193 = arith.mulf %mul3A_192, %get3A_191 : vector<16xf32>
        %slice3A_194 = vector.extract_strided_slice %max3A_165 {offsets = [3], sizes = [1], strides = [1]} : vector<16xf32> to vector<1xf32>
        %squeeze3A_195 = vector.extract %slice3A_194[0] : f32 from vector<1xf32>
        %get3A_196 = arith.index_cast %add3A_145 : i32 to index
        %get3A_197 = arith.constant 48 : index
        %get3A_198 = tpu.vector_load %arg15[%get3A_196, %get3A_197] {strides = array<i32>} : memref<128x272xf32, #tpu.memory_space<vmem>>, vector<1x16xf32>,
        %get3A_199 = vector.shape_cast %get3A_198 : vector<1x16xf32> to vector<16xf32>
        %mul3A_200 = vector.broadcast %squeeze3A_195 : f32 to vector<16xf32>
        %mul3A_201 = arith.mulf %mul3A_200, %get3A_199 : vector<16xf32>
        %add3A_202 = arith.addf %mul3A_193, %mul3A_201 : vector<16xf32>
        %slice3A_203 = vector.extract_strided_slice %max3A_165 {offsets = [4], sizes = [1], strides = [1]} : vector<16xf32> to vector<1xf32>
        %squeeze3A_204 = vector.extract %slice3A_203[0] : f32 from vector<1xf32>
        %get3A_205 = arith.index_cast %add3A_145 : i32 to index
        %get3A_206 = arith.constant 64 : index
        %get3A_207 = tpu.vector_load %arg15[%get3A_205, %get3A_206] {strides = array<i32>} : memref<128x272xf32, #tpu.memory_space<vmem>>, vector<1x16xf32>,
        %get3A_208 = vector.shape_cast %get3A_207 : vector<1x16xf32> to vector<16xf32>
        %mul3A_209 = vector.broadcast %squeeze3A_204 : f32 to vector<16xf32>
        %mul3A_210 = arith.mulf %mul3A_209, %get3A_208 : vector<16xf32>
        %add3A_211 = arith.addf %get3A_169, %mul3A_210 : vector<16xf32>
        %slice3A_212 = vector.extract_strided_slice %max3A_165 {offsets = [5], sizes = [1], strides = [1]} : vector<16xf32> to vector<1xf32>
        %squeeze3A_213 = vector.extract %slice3A_212[0] : f32 from vector<1xf32>
        %get3A_214 = arith.index_cast %add3A_145 : i32 to index
        %get3A_215 = arith.constant 80 : index
        %get3A_216 = tpu.vector_load %arg15[%get3A_214, %get3A_215] {strides = array<i32>} : memref<128x272xf32, #tpu.memory_space<vmem>>, vector<1x16xf32>,
        %get3A_217 = vector.shape_cast %get3A_216 : vector<1x16xf32> to vector<16xf32>
        %mul3A_218 = vector.broadcast %squeeze3A_213 : f32 to vector<16xf32>
        %mul3A_219 = arith.mulf %mul3A_218, %get3A_217 : vector<16xf32>
        %add3A_220 = arith.addf %mul3A_177, %mul3A_219 : vector<16xf32>
        %slice3A_221 = vector.extract_strided_slice %max3A_165 {offsets = [6], sizes = [1], strides = [1]} : vector<16xf32> to vector<1xf32>
        %squeeze3A_222 = vector.extract %slice3A_221[0] : f32 from vector<1xf32>
        %get3A_223 = arith.index_cast %add3A_145 : i32 to index
        %get3A_224 = arith.constant 96 : index
        %get3A_225 = tpu.vector_load %arg15[%get3A_223, %get3A_224] {strides = array<i32>} : memref<128x272xf32, #tpu.memory_space<vmem>>, vector<1x16xf32>,
        %get3A_226 = vector.shape_cast %get3A_225 : vector<1x16xf32> to vector<16xf32>
        %mul3A_227 = vector.broadcast %squeeze3A_222 : f32 to vector<16xf32>
        %mul3A_228 = arith.mulf %mul3A_227, %get3A_226 : vector<16xf32>
        %add3A_229 = arith.addf %mul3A_185, %mul3A_228 : vector<16xf32>
        %slice3A_230 = vector.extract_strided_slice %max3A_165 {offsets = [7], sizes = [1], strides = [1]} : vector<16xf32> to vector<1xf32>
        %squeeze3A_231 = vector.extract %slice3A_230[0] : f32 from vector<1xf32>
        %get3A_232 = arith.index_cast %add3A_145 : i32 to index
        %get3A_233 = arith.constant 112 : index
        %get3A_234 = tpu.vector_load %arg15[%get3A_232, %get3A_233] {strides = array<i32>} : memref<128x272xf32, #tpu.memory_space<vmem>>, vector<1x16xf32>,
        %get3A_235 = vector.shape_cast %get3A_234 : vector<1x16xf32> to vector<16xf32>
        %mul3A_236 = vector.broadcast %squeeze3A_231 : f32 to vector<16xf32>
        %mul3A_237 = arith.mulf %mul3A_236, %get3A_235 : vector<16xf32>
        %add3A_238 = arith.addf %add3A_202, %mul3A_237 : vector<16xf32>
        %slice3A_239 = vector.extract_strided_slice %max3A_165 {offsets = [8], sizes = [1], strides = [1]} : vector<16xf32> to vector<1xf32>
        %squeeze3A_240 = vector.extract %slice3A_239[0] : f32 from vector<1xf32>
        %get3A_241 = arith.index_cast %add3A_145 : i32 to index
        %get3A_242 = arith.constant 128 : index
        %get3A_243 = tpu.vector_load %arg15[%get3A_241, %get3A_242] {strides = array<i32>} : memref<128x272xf32, #tpu.memory_space<vmem>>, vector<1x16xf32>,
        %get3A_244 = vector.shape_cast %get3A_243 : vector<1x16xf32> to vector<16xf32>
        %mul3A_245 = vector.broadcast %squeeze3A_240 : f32 to vector<16xf32>
        %mul3A_246 = arith.mulf %mul3A_245, %get3A_244 : vector<16xf32>
        %add3A_247 = arith.addf %add3A_211, %mul3A_246 : vector<16xf32>
        %slice3A_248 = vector.extract_strided_slice %max3A_165 {offsets = [9], sizes = [1], strides = [1]} : vector<16xf32> to vector<1xf32>
        %squeeze3A_249 = vector.extract %slice3A_248[0] : f32 from vector<1xf32>
        %get3A_250 = arith.index_cast %add3A_145 : i32 to index
        %get3A_251 = arith.constant 144 : index
        %get3A_252 = tpu.vector_load %arg15[%get3A_250, %get3A_251] {strides = array<i32>} : memref<128x272xf32, #tpu.memory_space<vmem>>, vector<1x16xf32>,
        %get3A_253 = vector.shape_cast %get3A_252 : vector<1x16xf32> to vector<16xf32>
        %mul3A_254 = vector.broadcast %squeeze3A_249 : f32 to vector<16xf32>
        %mul3A_255 = arith.mulf %mul3A_254, %get3A_253 : vector<16xf32>
        %add3A_256 = arith.addf %add3A_220, %mul3A_255 : vector<16xf32>
        %slice3A_257 = vector.extract_strided_slice %max3A_165 {offsets = [10], sizes = [1], strides = [1]} : vector<16xf32> to vector<1xf32>
        %squeeze3A_258 = vector.extract %slice3A_257[0] : f32 from vector<1xf32>
        %get3A_259 = arith.index_cast %add3A_145 : i32 to index
        %get3A_260 = arith.constant 160 : index
        %get3A_261 = tpu.vector_load %arg15[%get3A_259, %get3A_260] {strides = array<i32>} : memref<128x272xf32, #tpu.memory_space<vmem>>, vector<1x16xf32>,
        %get3A_262 = vector.shape_cast %get3A_261 : vector<1x16xf32> to vector<16xf32>
        %mul3A_263 = vector.broadcast %squeeze3A_258 : f32 to vector<16xf32>
        %mul3A_264 = arith.mulf %mul3A_263, %get3A_262 : vector<16xf32>
        %add3A_265 = arith.addf %add3A_229, %mul3A_264 : vector<16xf32>
        %slice3A_266 = vector.extract_strided_slice %max3A_165 {offsets = [11], sizes = [1], strides = [1]} : vector<16xf32> to vector<1xf32>
        %squeeze3A_267 = vector.extract %slice3A_266[0] : f32 from vector<1xf32>
        %get3A_268 = arith.index_cast %add3A_145 : i32 to index
        %get3A_269 = arith.constant 176 : index
        %get3A_270 = tpu.vector_load %arg15[%get3A_268, %get3A_269] {strides = array<i32>} : memref<128x272xf32, #tpu.memory_space<vmem>>, vector<1x16xf32>,
        %get3A_271 = vector.shape_cast %get3A_270 : vector<1x16xf32> to vector<16xf32>
        %mul3A_272 = vector.broadcast %squeeze3A_267 : f32 to vector<16xf32>
        %mul3A_273 = arith.mulf %mul3A_272, %get3A_271 : vector<16xf32>
        %add3A_274 = arith.addf %add3A_238, %mul3A_273 : vector<16xf32>
        %slice3A_275 = vector.extract_strided_slice %max3A_165 {offsets = [12], sizes = [1], strides = [1]} : vector<16xf32> to vector<1xf32>
        %squeeze3A_276 = vector.extract %slice3A_275[0] : f32 from vector<1xf32>
        %get3A_277 = arith.index_cast %add3A_145 : i32 to index
        %get3A_278 = arith.constant 192 : index
        %get3A_279 = tpu.vector_load %arg15[%get3A_277, %get3A_278] {strides = array<i32>} : memref<128x272xf32, #tpu.memory_space<vmem>>, vector<1x16xf32>,
        %get3A_280 = vector.shape_cast %get3A_279 : vector<1x16xf32> to vector<16xf32>
        %mul3A_281 = vector.broadcast %squeeze3A_276 : f32 to vector<16xf32>
        %mul3A_282 = arith.mulf %mul3A_281, %get3A_280 : vector<16xf32>
        %add3A_283 = arith.addf %add3A_247, %mul3A_282 : vector<16xf32>
        %slice3A_284 = vector.extract_strided_slice %max3A_165 {offsets = [13], sizes = [1], strides = [1]} : vector<16xf32> to vector<1xf32>
        %squeeze3A_285 = vector.extract %slice3A_284[0] : f32 from vector<1xf32>
        %get3A_286 = arith.index_cast %add3A_145 : i32 to index
        %get3A_287 = arith.constant 208 : index
        %get3A_288 = tpu.vector_load %arg15[%get3A_286, %get3A_287] {strides = array<i32>} : memref<128x272xf32, #tpu.memory_space<vmem>>, vector<1x16xf32>,
        %get3A_289 = vector.shape_cast %get3A_288 : vector<1x16xf32> to vector<16xf32>
        %mul3A_290 = vector.broadcast %squeeze3A_285 : f32 to vector<16xf32>
        %mul3A_291 = arith.mulf %mul3A_290, %get3A_289 : vector<16xf32>
        %add3A_292 = arith.addf %add3A_256, %mul3A_291 : vector<16xf32>
        %slice3A_293 = vector.extract_strided_slice %max3A_165 {offsets = [14], sizes = [1], strides = [1]} : vector<16xf32> to vector<1xf32>
        %squeeze3A_294 = vector.extract %slice3A_293[0] : f32 from vector<1xf32>
        %get3A_295 = arith.index_cast %add3A_145 : i32 to index
        %get3A_296 = arith.constant 224 : index
        %get3A_297 = tpu.vector_load %arg15[%get3A_295, %get3A_296] {strides = array<i32>} : memref<128x272xf32, #tpu.memory_space<vmem>>, vector<1x16xf32>,
        %get3A_298 = vector.shape_cast %get3A_297 : vector<1x16xf32> to vector<16xf32>
        %mul3A_299 = vector.broadcast %squeeze3A_294 : f32 to vector<16xf32>
        %mul3A_300 = arith.mulf %mul3A_299, %get3A_298 : vector<16xf32>
        %add3A_301 = arith.addf %add3A_265, %mul3A_300 : vector<16xf32>
        %slice3A_302 = vector.extract_strided_slice %max3A_165 {offsets = [15], sizes = [1], strides = [1]} : vector<16xf32> to vector<1xf32>
        %squeeze3A_303 = vector.extract %slice3A_302[0] : f32 from vector<1xf32>
        %get3A_304 = arith.index_cast %add3A_145 : i32 to index
        %get3A_305 = arith.constant 240 : index
        %get3A_306 = tpu.vector_load %arg15[%get3A_304, %get3A_305] {strides = array<i32>} : memref<128x272xf32, #tpu.memory_space<vmem>>, vector<1x16xf32>,
        %get3A_307 = vector.shape_cast %get3A_306 : vector<1x16xf32> to vector<16xf32>
        %mul3A_308 = vector.broadcast %squeeze3A_303 : f32 to vector<16xf32>
        %mul3A_309 = arith.mulf %mul3A_308, %get3A_307 : vector<16xf32>
        %add3A_310 = arith.addf %add3A_274, %mul3A_309 : vector<16xf32>
        %add3A_311 = arith.addf %add3A_283, %add3A_292 : vector<16xf32>
        %add3A_312 = arith.addf %add3A_301, %add3A_310 : vector<16xf32>
        %add3A_313 = arith.addf %add3A_311, %add3A_312 : vector<16xf32>
        %swap3A = arith.index_cast %add3A_145 : i32 to index
        %swap3A_314 = arith.constant 0 : index
        %swap3A_315 = tpu.vector_load %arg17[%swap3A, %swap3A_314] {strides = array<i32>} : memref<128x32xf32, #tpu.memory_space<vmem>>, vector<1x16xf32>,
        %swap3A_316 = vector.shape_cast %swap3A_315 : vector<1x16xf32> to vector<16xf32>
        %swap3A_317 = vector.shape_cast %add3A_313 : vector<16xf32> to vector<1x16xf32>
        tpu.vector_store %arg17[%swap3A, %swap3A_314], %swap3A_317 {strides = array<i32>} : memref<128x32xf32, #tpu.memory_space<vmem>>, vector<1x16xf32>,
        %mul3A_318 = arith.constant 2 : i32
        %mul3A_319 = arith.muli %mul3A_318, %scan3A_132 : i32
        %add3A_320 = arith.constant 1 : i32
        %add3A_321 = arith.addi %mul3A_319, %add3A_320 : i32
        %slice3A_322 = vector.extract_strided_slice %get3A_141 {offsets = [4], sizes = [1], strides = [1]} : vector<16xf32> to vector<1xf32>
        %squeeze3A_323 = vector.extract %slice3A_322[0] : f32 from vector<1xf32>
        %mul3A_324 = vector.broadcast %squeeze3A_323 : f32 to vector<16xf32>
        %mul3A_325 = arith.mulf %mul3A_324, %get3A_60 : vector<16xf32>
        %slice3A_326 = vector.extract_strided_slice %get3A_141 {offsets = [5], sizes = [1], strides = [1]} : vector<16xf32> to vector<1xf32>
        %squeeze3A_327 = vector.extract %slice3A_326[0] : f32 from vector<1xf32>
        %mul3A_328 = vector.broadcast %squeeze3A_327 : f32 to vector<16xf32>
        %mul3A_329 = arith.mulf %mul3A_328, %get3A_65 : vector<16xf32>
        %add3A_330 = arith.addf %mul3A_325, %mul3A_329 : vector<16xf32>
        %slice3A_331 = vector.extract_strided_slice %get3A_141 {offsets = [6], sizes = [1], strides = [1]} : vector<16xf32> to vector<1xf32>
        %squeeze3A_332 = vector.extract %slice3A_331[0] : f32 from vector<1xf32>
        %mul3A_333 = vector.broadcast %squeeze3A_332 : f32 to vector<16xf32>
        %mul3A_334 = arith.mulf %mul3A_333, %get3A_70 : vector<16xf32>
        %add3A_335 = arith.addf %add3A_330, %mul3A_334 : vector<16xf32>
        %slice3A_336 = vector.extract_strided_slice %get3A_141 {offsets = [7], sizes = [1], strides = [1]} : vector<16xf32> to vector<1xf32>
        %squeeze3A_337 = vector.extract %slice3A_336[0] : f32 from vector<1xf32>
        %mul3A_338 = vector.broadcast %squeeze3A_337 : f32 to vector<16xf32>
        %mul3A_339 = arith.mulf %mul3A_338, %get3A_75 : vector<16xf32>
        %add3A_340 = arith.addf %add3A_335, %mul3A_339 : vector<16xf32>
        %add3A_341 = arith.addf %add3A_340, %get3A_80 : vector<16xf32>
        %max3A_342 = arith.constant 0.000000e+00 : f32
        %max3A_343 = vector.broadcast %max3A_342 : f32 to vector<16xf32>
        %max3A_344 = arith.maximumf %add3A_341, %max3A_343 : vector<16xf32>
        %get3A_345 = arith.index_cast %add3A_321 : i32 to index
        %get3A_346 = arith.constant 256 : index
        %get3A_347 = tpu.vector_load %arg15[%get3A_345, %get3A_346] {strides = array<i32>} : memref<128x272xf32, #tpu.memory_space<vmem>>, vector<1x16xf32>,
        %get3A_348 = vector.shape_cast %get3A_347 : vector<1x16xf32> to vector<16xf32>
        %slice3A_349 = vector.extract_strided_slice %max3A_344 {offsets = [0], sizes = [1], strides = [1]} : vector<16xf32> to vector<1xf32>
        %squeeze3A_350 = vector.extract %slice3A_349[0] : f32 from vector<1xf32>
        %get3A_351 = arith.index_cast %add3A_321 : i32 to index
        %get3A_352 = arith.constant 0 : index
        %get3A_353 = tpu.vector_load %arg15[%get3A_351, %get3A_352] {strides = array<i32>} : memref<128x272xf32, #tpu.memory_space<vmem>>, vector<1x16xf32>,
        %get3A_354 = vector.shape_cast %get3A_353 : vector<1x16xf32> to vector<16xf32>
        %mul3A_355 = vector.broadcast %squeeze3A_350 : f32 to vector<16xf32>
        %mul3A_356 = arith.mulf %mul3A_355, %get3A_354 : vector<16xf32>
        %slice3A_357 = vector.extract_strided_slice %max3A_344 {offsets = [1], sizes = [1], strides = [1]} : vector<16xf32> to vector<1xf32>
        %squeeze3A_358 = vector.extract %slice3A_357[0] : f32 from vector<1xf32>
        %get3A_359 = arith.index_cast %add3A_321 : i32 to index
        %get3A_360 = arith.constant 16 : index
        %get3A_361 = tpu.vector_load %arg15[%get3A_359, %get3A_360] {strides = array<i32>} : memref<128x272xf32, #tpu.memory_space<vmem>>, vector<1x16xf32>,
        %get3A_362 = vector.shape_cast %get3A_361 : vector<1x16xf32> to vector<16xf32>
        %mul3A_363 = vector.broadcast %squeeze3A_358 : f32 to vector<16xf32>
        %mul3A_364 = arith.mulf %mul3A_363, %get3A_362 : vector<16xf32>
        %slice3A_365 = vector.extract_strided_slice %max3A_344 {offsets = [2], sizes = [1], strides = [1]} : vector<16xf32> to vector<1xf32>
        %squeeze3A_366 = vector.extract %slice3A_365[0] : f32 from vector<1xf32>
        %get3A_367 = arith.index_cast %add3A_321 : i32 to index
        %get3A_368 = arith.constant 32 : index
        %get3A_369 = tpu.vector_load %arg15[%get3A_367, %get3A_368] {strides = array<i32>} : memref<128x272xf32, #tpu.memory_space<vmem>>, vector<1x16xf32>,
        %get3A_370 = vector.shape_cast %get3A_369 : vector<1x16xf32> to vector<16xf32>
        %mul3A_371 = vector.broadcast %squeeze3A_366 : f32 to vector<16xf32>
        %mul3A_372 = arith.mulf %mul3A_371, %get3A_370 : vector<16xf32>
        %slice3A_373 = vector.extract_strided_slice %max3A_344 {offsets = [3], sizes = [1], strides = [1]} : vector<16xf32> to vector<1xf32>
        %squeeze3A_374 = vector.extract %slice3A_373[0] : f32 from vector<1xf32>
        %get3A_375 = arith.index_cast %add3A_321 : i32 to index
        %get3A_376 = arith.constant 48 : index
        %get3A_377 = tpu.vector_load %arg15[%get3A_375, %get3A_376] {strides = array<i32>} : memref<128x272xf32, #tpu.memory_space<vmem>>, vector<1x16xf32>,
        %get3A_378 = vector.shape_cast %get3A_377 : vector<1x16xf32> to vector<16xf32>
        %mul3A_379 = vector.broadcast %squeeze3A_374 : f32 to vector<16xf32>
        %mul3A_380 = arith.mulf %mul3A_379, %get3A_378 : vector<16xf32>
        %add3A_381 = arith.addf %mul3A_372, %mul3A_380 : vector<16xf32>
        %slice3A_382 = vector.extract_strided_slice %max3A_344 {offsets = [4], sizes = [1], strides = [1]} : vector<16xf32> to vector<1xf32>
        %squeeze3A_383 = vector.extract %slice3A_382[0] : f32 from vector<1xf32>
        %get3A_384 = arith.index_cast %add3A_321 : i32 to index
        %get3A_385 = arith.constant 64 : index
        %get3A_386 = tpu.vector_load %arg15[%get3A_384, %get3A_385] {strides = array<i32>} : memref<128x272xf32, #tpu.memory_space<vmem>>, vector<1x16xf32>,
        %get3A_387 = vector.shape_cast %get3A_386 : vector<1x16xf32> to vector<16xf32>
        %mul3A_388 = vector.broadcast %squeeze3A_383 : f32 to vector<16xf32>
        %mul3A_389 = arith.mulf %mul3A_388, %get3A_387 : vector<16xf32>
        %add3A_390 = arith.addf %get3A_348, %mul3A_389 : vector<16xf32>
        %slice3A_391 = vector.extract_strided_slice %max3A_344 {offsets = [5], sizes = [1], strides = [1]} : vector<16xf32> to vector<1xf32>
        %squeeze3A_392 = vector.extract %slice3A_391[0] : f32 from vector<1xf32>
        %get3A_393 = arith.index_cast %add3A_321 : i32 to index
        %get3A_394 = arith.constant 80 : index
        %get3A_395 = tpu.vector_load %arg15[%get3A_393, %get3A_394] {strides = array<i32>} : memref<128x272xf32, #tpu.memory_space<vmem>>, vector<1x16xf32>,
        %get3A_396 = vector.shape_cast %get3A_395 : vector<1x16xf32> to vector<16xf32>
        %mul3A_397 = vector.broadcast %squeeze3A_392 : f32 to vector<16xf32>
        %mul3A_398 = arith.mulf %mul3A_397, %get3A_396 : vector<16xf32>
        %add3A_399 = arith.addf %mul3A_356, %mul3A_398 : vector<16xf32>
        %slice3A_400 = vector.extract_strided_slice %max3A_344 {offsets = [6], sizes = [1], strides = [1]} : vector<16xf32> to vector<1xf32>
        %squeeze3A_401 = vector.extract %slice3A_400[0] : f32 from vector<1xf32>
        %get3A_402 = arith.index_cast %add3A_321 : i32 to index
        %get3A_403 = arith.constant 96 : index
        %get3A_404 = tpu.vector_load %arg15[%get3A_402, %get3A_403] {strides = array<i32>} : memref<128x272xf32, #tpu.memory_space<vmem>>, vector<1x16xf32>,
        %get3A_405 = vector.shape_cast %get3A_404 : vector<1x16xf32> to vector<16xf32>
        %mul3A_406 = vector.broadcast %squeeze3A_401 : f32 to vector<16xf32>
        %mul3A_407 = arith.mulf %mul3A_406, %get3A_405 : vector<16xf32>
        %add3A_408 = arith.addf %mul3A_364, %mul3A_407 : vector<16xf32>
        %slice3A_409 = vector.extract_strided_slice %max3A_344 {offsets = [7], sizes = [1], strides = [1]} : vector<16xf32> to vector<1xf32>
        %squeeze3A_410 = vector.extract %slice3A_409[0] : f32 from vector<1xf32>
        %get3A_411 = arith.index_cast %add3A_321 : i32 to index
        %get3A_412 = arith.constant 112 : index
        %get3A_413 = tpu.vector_load %arg15[%get3A_411, %get3A_412] {strides = array<i32>} : memref<128x272xf32, #tpu.memory_space<vmem>>, vector<1x16xf32>,
        %get3A_414 = vector.shape_cast %get3A_413 : vector<1x16xf32> to vector<16xf32>
        %mul3A_415 = vector.broadcast %squeeze3A_410 : f32 to vector<16xf32>
        %mul3A_416 = arith.mulf %mul3A_415, %get3A_414 : vector<16xf32>
        %add3A_417 = arith.addf %add3A_381, %mul3A_416 : vector<16xf32>
        %slice3A_418 = vector.extract_strided_slice %max3A_344 {offsets = [8], sizes = [1], strides = [1]} : vector<16xf32> to vector<1xf32>
        %squeeze3A_419 = vector.extract %slice3A_418[0] : f32 from vector<1xf32>
        %get3A_420 = arith.index_cast %add3A_321 : i32 to index
        %get3A_421 = arith.constant 128 : index
        %get3A_422 = tpu.vector_load %arg15[%get3A_420, %get3A_421] {strides = array<i32>} : memref<128x272xf32, #tpu.memory_space<vmem>>, vector<1x16xf32>,
        %get3A_423 = vector.shape_cast %get3A_422 : vector<1x16xf32> to vector<16xf32>
        %mul3A_424 = vector.broadcast %squeeze3A_419 : f32 to vector<16xf32>
        %mul3A_425 = arith.mulf %mul3A_424, %get3A_423 : vector<16xf32>
        %add3A_426 = arith.addf %add3A_390, %mul3A_425 : vector<16xf32>
        %slice3A_427 = vector.extract_strided_slice %max3A_344 {offsets = [9], sizes = [1], strides = [1]} : vector<16xf32> to vector<1xf32>
        %squeeze3A_428 = vector.extract %slice3A_427[0] : f32 from vector<1xf32>
        %get3A_429 = arith.index_cast %add3A_321 : i32 to index
        %get3A_430 = arith.constant 144 : index
        %get3A_431 = tpu.vector_load %arg15[%get3A_429, %get3A_430] {strides = array<i32>} : memref<128x272xf32, #tpu.memory_space<vmem>>, vector<1x16xf32>,
        %get3A_432 = vector.shape_cast %get3A_431 : vector<1x16xf32> to vector<16xf32>
        %mul3A_433 = vector.broadcast %squeeze3A_428 : f32 to vector<16xf32>
        %mul3A_434 = arith.mulf %mul3A_433, %get3A_432 : vector<16xf32>
        %add3A_435 = arith.addf %add3A_399, %mul3A_434 : vector<16xf32>
        %slice3A_436 = vector.extract_strided_slice %max3A_344 {offsets = [10], sizes = [1], strides = [1]} : vector<16xf32> to vector<1xf32>
        %squeeze3A_437 = vector.extract %slice3A_436[0] : f32 from vector<1xf32>
        %get3A_438 = arith.index_cast %add3A_321 : i32 to index
        %get3A_439 = arith.constant 160 : index
        %get3A_440 = tpu.vector_load %arg15[%get3A_438, %get3A_439] {strides = array<i32>} : memref<128x272xf32, #tpu.memory_space<vmem>>, vector<1x16xf32>,
        %get3A_441 = vector.shape_cast %get3A_440 : vector<1x16xf32> to vector<16xf32>
        %mul3A_442 = vector.broadcast %squeeze3A_437 : f32 to vector<16xf32>
        %mul3A_443 = arith.mulf %mul3A_442, %get3A_441 : vector<16xf32>
        %add3A_444 = arith.addf %add3A_408, %mul3A_443 : vector<16xf32>
        %slice3A_445 = vector.extract_strided_slice %max3A_344 {offsets = [11], sizes = [1], strides = [1]} : vector<16xf32> to vector<1xf32>
        %squeeze3A_446 = vector.extract %slice3A_445[0] : f32 from vector<1xf32>
        %get3A_447 = arith.index_cast %add3A_321 : i32 to index
        %get3A_448 = arith.constant 176 : index
        %get3A_449 = tpu.vector_load %arg15[%get3A_447, %get3A_448] {strides = array<i32>} : memref<128x272xf32, #tpu.memory_space<vmem>>, vector<1x16xf32>,
        %get3A_450 = vector.shape_cast %get3A_449 : vector<1x16xf32> to vector<16xf32>
        %mul3A_451 = vector.broadcast %squeeze3A_446 : f32 to vector<16xf32>
        %mul3A_452 = arith.mulf %mul3A_451, %get3A_450 : vector<16xf32>
        %add3A_453 = arith.addf %add3A_417, %mul3A_452 : vector<16xf32>
        %slice3A_454 = vector.extract_strided_slice %max3A_344 {offsets = [12], sizes = [1], strides = [1]} : vector<16xf32> to vector<1xf32>
        %squeeze3A_455 = vector.extract %slice3A_454[0] : f32 from vector<1xf32>
        %get3A_456 = arith.index_cast %add3A_321 : i32 to index
        %get3A_457 = arith.constant 192 : index
        %get3A_458 = tpu.vector_load %arg15[%get3A_456, %get3A_457] {strides = array<i32>} : memref<128x272xf32, #tpu.memory_space<vmem>>, vector<1x16xf32>,
        %get3A_459 = vector.shape_cast %get3A_458 : vector<1x16xf32> to vector<16xf32>
        %mul3A_460 = vector.broadcast %squeeze3A_455 : f32 to vector<16xf32>
        %mul3A_461 = arith.mulf %mul3A_460, %get3A_459 : vector<16xf32>
        %add3A_462 = arith.addf %add3A_426, %mul3A_461 : vector<16xf32>
        %slice3A_463 = vector.extract_strided_slice %max3A_344 {offsets = [13], sizes = [1], strides = [1]} : vector<16xf32> to vector<1xf32>
        %squeeze3A_464 = vector.extract %slice3A_463[0] : f32 from vector<1xf32>
        %get3A_465 = arith.index_cast %add3A_321 : i32 to index
        %get3A_466 = arith.constant 208 : index
        %get3A_467 = tpu.vector_load %arg15[%get3A_465, %get3A_466] {strides = array<i32>} : memref<128x272xf32, #tpu.memory_space<vmem>>, vector<1x16xf32>,
        %get3A_468 = vector.shape_cast %get3A_467 : vector<1x16xf32> to vector<16xf32>
        %mul3A_469 = vector.broadcast %squeeze3A_464 : f32 to vector<16xf32>
        %mul3A_470 = arith.mulf %mul3A_469, %get3A_468 : vector<16xf32>
        %add3A_471 = arith.addf %add3A_435, %mul3A_470 : vector<16xf32>
        %slice3A_472 = vector.extract_strided_slice %max3A_344 {offsets = [14], sizes = [1], strides = [1]} : vector<16xf32> to vector<1xf32>
        %squeeze3A_473 = vector.extract %slice3A_472[0] : f32 from vector<1xf32>
        %get3A_474 = arith.index_cast %add3A_321 : i32 to index
        %get3A_475 = arith.constant 224 : index
        %get3A_476 = tpu.vector_load %arg15[%get3A_474, %get3A_475] {strides = array<i32>} : memref<128x272xf32, #tpu.memory_space<vmem>>, vector<1x16xf32>,
        %get3A_477 = vector.shape_cast %get3A_476 : vector<1x16xf32> to vector<16xf32>
        %mul3A_478 = vector.broadcast %squeeze3A_473 : f32 to vector<16xf32>
        %mul3A_479 = arith.mulf %mul3A_478, %get3A_477 : vector<16xf32>
        %add3A_480 = arith.addf %add3A_444, %mul3A_479 : vector<16xf32>
        %slice3A_481 = vector.extract_strided_slice %max3A_344 {offsets = [15], sizes = [1], strides = [1]} : vector<16xf32> to vector<1xf32>
        %squeeze3A_482 = vector.extract %slice3A_481[0] : f32 from vector<1xf32>
        %get3A_483 = arith.index_cast %add3A_321 : i32 to index
        %get3A_484 = arith.constant 240 : index
        %get3A_485 = tpu.vector_load %arg15[%get3A_483, %get3A_484] {strides = array<i32>} : memref<128x272xf32, #tpu.memory_space<vmem>>, vector<1x16xf32>,
        %get3A_486 = vector.shape_cast %get3A_485 : vector<1x16xf32> to vector<16xf32>
        %mul3A_487 = vector.broadcast %squeeze3A_482 : f32 to vector<16xf32>
        %mul3A_488 = arith.mulf %mul3A_487, %get3A_486 : vector<16xf32>
        %add3A_489 = arith.addf %add3A_453, %mul3A_488 : vector<16xf32>
        %add3A_490 = arith.addf %add3A_462, %add3A_471 : vector<16xf32>
        %add3A_491 = arith.addf %add3A_480, %add3A_489 : vector<16xf32>
        %add3A_492 = arith.addf %add3A_490, %add3A_491 : vector<16xf32>
        %swap3A_493 = arith.index_cast %add3A_321 : i32 to index
        %swap3A_494 = arith.constant 0 : index
        %swap3A_495 = tpu.vector_load %arg17[%swap3A_493, %swap3A_494] {strides = array<i32>} : memref<128x32xf32, #tpu.memory_space<vmem>>, vector<1x16xf32>,
        %swap3A_496 = vector.shape_cast %swap3A_495 : vector<1x16xf32> to vector<16xf32>
        %swap3A_497 = vector.shape_cast %add3A_492 : vector<16xf32> to vector<1x16xf32>
        tpu.vector_store %arg17[%swap3A_493, %swap3A_494], %swap3A_497 {strides = array<i32>} : memref<128x32xf32, #tpu.memory_space<vmem>>, vector<1x16xf32>,
        %scan3A_498 = arith.constant 0 : i32
        scf.yield %scan3A_498 : i32
      }
      %scan3A_87 = arith.constant 64 : i32
      "tpu.region"() ({
        %run_scoped3A = tpu.sem_alloc : memref<!tpu.dma_semaphore, #tpu.memory_space<semaphore_mem>>
        %dma_start3A_132 = arith.constant 0 : i32
        %dma_start3A_133 = tpu.memref_slice %arg11[%mul3A_42, %dma_start3A_132] : memref<40x128xi32, #tpu.memory_space<vmem>> -> memref<1x128xi32, #tpu.memory_space<vmem>>
        %dma_start3A_134 = tpu.memref_squeeze %dma_start3A_133 : memref<1x128xi32, #tpu.memory_space<vmem>> -> memref<128xi32, #tpu.memory_space<vmem>>
        %dma_start3A_135 = arith.constant 0 : i32
        %dma_start3A_136 = arith.constant 0 : i32
        %dma_start3A_137 = tpu.memref_slice %arg18[%dma_start3A_135, %dma_start3A_136] : memref<10112x32xf32, #tpu.memory_space<vmem_shared>> -> memref<10112x32xf32, #tpu.memory_space<vmem_shared>>
        tpu.enqueue_indirect_dma source(%arg17 : memref<128x32xf32, #tpu.memory_space<vmem>>) target(%dma_start3A_137 : memref<10112x32xf32, #tpu.memory_space<vmem_shared>>) offsets(%dma_start3A_134 : memref<128xi32, #tpu.memory_space<vmem>>) semaphore(%run_scoped3A : memref<!tpu.dma_semaphore, #tpu.memory_space<semaphore_mem>>) {add = true}
        %dma_wait3A_138 = arith.constant 0 : i32
        %dma_wait3A_139 = tpu.memref_slice %arg11[%mul3A_42, %dma_wait3A_138] : memref<40x128xi32, #tpu.memory_space<vmem>> -> memref<1x128xi32, #tpu.memory_space<vmem>>
        %dma_wait3A_140 = tpu.memref_squeeze %dma_wait3A_139 : memref<1x128xi32, #tpu.memory_space<vmem>> -> memref<128xi32, #tpu.memory_space<vmem>>
        %dma_wait3A_141 = arith.constant 0 : i32
        %dma_wait3A_142 = arith.constant 0 : i32
        %dma_wait3A_143 = tpu.memref_slice %arg18[%dma_wait3A_141, %dma_wait3A_142] : memref<10112x32xf32, #tpu.memory_space<vmem_shared>> -> memref<10112x32xf32, #tpu.memory_space<vmem_shared>>
        tpu.wait_indirect_dma semaphore(%run_scoped3A : memref<!tpu.dma_semaphore, #tpu.memory_space<semaphore_mem>>) src(%arg17 : memref<128x32xf32, #tpu.memory_space<vmem>>) dst(%dma_wait3A_143 : memref<10112x32xf32, #tpu.memory_space<vmem_shared>>)
        tpu.yield
      }) : () -> ()
      %lt3A = arith.constant 19 : i32
      %lt3A_88 = arith.cmpi slt, %scan3A_39, %lt3A : i32
      %convert_element_type3A = arith.extui %lt3A_88 : i1 to i32
      %cond3A = arith.constant 0 : i32
      %cond3A_89 = arith.cmpi ne, %convert_element_type3A, %cond3A : i32
      scf.if %cond3A_89 {
        %add3A_132 = arith.constant 2 : i32
        %add3A_133 = arith.addi %mul3A_42, %add3A_132 : i32
        %dma_start3A_134 = arith.constant 0 : i32
        %dma_start3A_135 = tpu.memref_slice %arg10[%add3A_133, %dma_start3A_134] : memref<40x128xi32, #tpu.memory_space<vmem>> -> memref<1x128xi32, #tpu.memory_space<vmem>>
        %dma_start3A_136 = tpu.memref_squeeze %dma_start3A_135 : memref<1x128xi32, #tpu.memory_space<vmem>> -> memref<128xi32, #tpu.memory_space<vmem>>
        %dma_start3A_137 = arith.constant 0 : i32
        %dma_start3A_138 = arith.constant 0 : i32
        %dma_start3A_139 = tpu.memref_slice %arg2[%dma_start3A_137, %dma_start3A_138] : memref<10000x272xf32, #tpu.memory_space<hbm>> -> memref<10000x272xf32, #tpu.memory_space<hbm>>
        tpu.enqueue_indirect_dma source(%dma_start3A_139 : memref<10000x272xf32, #tpu.memory_space<hbm>>) target(%arg15 : memref<128x272xf32, #tpu.memory_space<vmem>>) offsets(%dma_start3A_136 : memref<128xi32, #tpu.memory_space<vmem>>) semaphore(%arg19 : memref<!tpu.dma_semaphore, #tpu.memory_space<semaphore_mem>>)
      } else {
      }
      %dma_wait3A_90 = arith.constant 0 : i32
      %dma_wait3A_91 = arith.constant 0 : i32
      %dma_wait3A_92 = tpu.memref_slice %arg10[%dma_wait3A_90, %dma_wait3A_91] : memref<40x128xi32, #tpu.memory_space<vmem>> -> memref<1x128xi32, #tpu.memory_space<vmem>>
      %dma_wait3A_93 = tpu.memref_squeeze %dma_wait3A_92 : memref<1x128xi32, #tpu.memory_space<vmem>> -> memref<128xi32, #tpu.memory_space<vmem>>
      %dma_wait3A_94 = arith.constant 0 : i32
      %dma_wait3A_95 = arith.constant 0 : i32
      %dma_wait3A_96 = tpu.memref_slice %arg2[%dma_wait3A_94, %dma_wait3A_95] : memref<10000x272xf32, #tpu.memory_space<hbm>> -> memref<10000x272xf32, #tpu.memory_space<hbm>>
      tpu.wait_indirect_dma semaphore(%arg20 : memref<!tpu.dma_semaphore, #tpu.memory_space<semaphore_mem>>) src(%dma_wait3A_96 : memref<10000x272xf32, #tpu.memory_space<hbm>>) dst(%arg16 : memref<128x272xf32, #tpu.memory_space<vmem>>)
      %add3A_97 = arith.constant 1 : i32
      %add3A_98 = arith.addi %mul3A_42, %add3A_97 : i32
      %get3A_99 = arith.constant 0 : i32
      %get3A_100 = arith.index_cast %get3A_99 : i32 to index
      %get3A_101 = arith.constant 0 : index
      %get3A_102 = tpu.vector_load %arg13[%get3A_100, %get3A_101] {strides = array<i32>} : memref<4x16xf32, #tpu.memory_space<vmem>>, vector<1x16xf32>,
      %get3A_103 = vector.shape_cast %get3A_102 : vector<1x16xf32> to vector<16xf32>
      %get3A_104 = arith.constant 1 : i32
      %get3A_105 = arith.index_cast %get3A_104 : i32 to index
      %get3A_106 = arith.constant 0 : index
      %get3A_107 = tpu.vector_load %arg13[%get3A_105, %get3A_106] {strides = array<i32>} : memref<4x16xf32, #tpu.memory_space<vmem>>, vector<1x16xf32>,
      %get3A_108 = vector.shape_cast %get3A_107 : vector<1x16xf32> to vector<16xf32>
      %get3A_109 = arith.constant 2 : i32
      %get3A_110 = arith.index_cast %get3A_109 : i32 to index
      %get3A_111 = arith.constant 0 : index
      %get3A_112 = tpu.vector_load %arg13[%get3A_110, %get3A_111] {strides = array<i32>} : memref<4x16xf32, #tpu.memory_space<vmem>>, vector<1x16xf32>,
      %get3A_113 = vector.shape_cast %get3A_112 : vector<1x16xf32> to vector<16xf32>
      %get3A_114 = arith.constant 3 : i32
      %get3A_115 = arith.index_cast %get3A_114 : i32 to index
      %get3A_116 = arith.constant 0 : index
      %get3A_117 = tpu.vector_load %arg13[%get3A_115, %get3A_116] {strides = array<i32>} : memref<4x16xf32, #tpu.memory_space<vmem>>, vector<1x16xf32>,
      %get3A_118 = vector.shape_cast %get3A_117 : vector<1x16xf32> to vector<16xf32>
      %get3A_119 = arith.constant 0 : i32
      %get3A_120 = arith.index_cast %get3A_119 : i32 to index
      %get3A_121 = arith.constant 0 : index
      %get3A_122 = tpu.vector_load %arg14[%get3A_120, %get3A_121] {strides = array<i32>} : memref<1x16xf32, #tpu.memory_space<vmem>>, vector<1x16xf32>,
      %get3A_123 = vector.shape_cast %get3A_122 : vector<1x16xf32> to vector<16xf32>
      %scan3A_124 = arith.constant 0 : i32
      %scan3A_125 = arith.constant 0 : i32
      %scan3A_126 = arith.constant 64 : i32
      %scan3A_127 = arith.addi %scan3A_125, %scan3A_126 : i32
      %scan3A_128 = arith.constant 1 : i32
      %scan3A_129 = scf.for %scan3A_132 = %scan3A_125 to %scan3A_127 step %scan3A_128 iter_args(%scan3A_133 = %scan3A_124) -> (i32)  : i32 {
        %mul3A_134 = arith.constant 512 : i32
        %mul3A_135 = arith.muli %add3A_98, %mul3A_134 : i32
        %mul3A_136 = arith.constant 8 : i32
        %mul3A_137 = arith.muli %scan3A_132, %mul3A_136 : i32
        %add3A_138 = arith.addi %mul3A_135, %mul3A_137 : i32
        %get3A_139 = arith.index_cast %add3A_138 : i32 to index
        %get3A_140 = tpu.vector_load %arg12[%get3A_139] {strides = array<i32>} : memref<20480xf32, #tpu.memory_space<vmem>>, vector<16xf32>,
        %get3A_141 = vector.shape_cast %get3A_140 : vector<16xf32> to vector<16xf32>
        %mul3A_142 = arith.constant 2 : i32
        %mul3A_143 = arith.muli %mul3A_142, %scan3A_132 : i32
        %add3A_144 = arith.constant 0 : i32
        %add3A_145 = arith.addi %mul3A_143, %add3A_144 : i32
        %slice3A = vector.extract_strided_slice %get3A_141 {offsets = [0], sizes = [1], strides = [1]} : vector<16xf32> to vector<1xf32>
        %squeeze3A = vector.extract %slice3A[0] : f32 from vector<1xf32>
        %mul3A_146 = vector.broadcast %squeeze3A : f32 to vector<16xf32>
        %mul3A_147 = arith.mulf %mul3A_146, %get3A_103 : vector<16xf32>
        %slice3A_148 = vector.extract_strided_slice %get3A_141 {offsets = [1], sizes = [1], strides = [1]} : vector<16xf32> to vector<1xf32>
        %squeeze3A_149 = vector.extract %slice3A_148[0] : f32 from vector<1xf32>
        %mul3A_150 = vector.broadcast %squeeze3A_149 : f32 to vector<16xf32>
        %mul3A_151 = arith.mulf %mul3A_150, %get3A_108 : vector<16xf32>
        %add3A_152 = arith.addf %mul3A_147, %mul3A_151 : vector<16xf32>
        %slice3A_153 = vector.extract_strided_slice %get3A_141 {offsets = [2], sizes = [1], strides = [1]} : vector<16xf32> to vector<1xf32>
        %squeeze3A_154 = vector.extract %slice3A_153[0] : f32 from vector<1xf32>
        %mul3A_155 = vector.broadcast %squeeze3A_154 : f32 to vector<16xf32>
        %mul3A_156 = arith.mulf %mul3A_155, %get3A_113 : vector<16xf32>
        %add3A_157 = arith.addf %add3A_152, %mul3A_156 : vector<16xf32>
        %slice3A_158 = vector.extract_strided_slice %get3A_141 {offsets = [3], sizes = [1], strides = [1]} : vector<16xf32> to vector<1xf32>
        %squeeze3A_159 = vector.extract %slice3A_158[0] : f32 from vector<1xf32>
        %mul3A_160 = vector.broadcast %squeeze3A_159 : f32 to vector<16xf32>
        %mul3A_161 = arith.mulf %mul3A_160, %get3A_118 : vector<16xf32>
        %add3A_162 = arith.addf %add3A_157, %mul3A_161 : vector<16xf32>
        %add3A_163 = arith.addf %add3A_162, %get3A_123 : vector<16xf32>
        %max3A = arith.constant 0.000000e+00 : f32
        %max3A_164 = vector.broadcast %max3A : f32 to vector<16xf32>
        %max3A_165 = arith.maximumf %add3A_163, %max3A_164 : vector<16xf32>
        %get3A_166 = arith.index_cast %add3A_145 : i32 to index
        %get3A_167 = arith.constant 256 : index
        %get3A_168 = tpu.vector_load %arg16[%get3A_166, %get3A_167] {strides = array<i32>} : memref<128x272xf32, #tpu.memory_space<vmem>>, vector<1x16xf32>,
        %get3A_169 = vector.shape_cast %get3A_168 : vector<1x16xf32> to vector<16xf32>
        %slice3A_170 = vector.extract_strided_slice %max3A_165 {offsets = [0], sizes = [1], strides = [1]} : vector<16xf32> to vector<1xf32>
        %squeeze3A_171 = vector.extract %slice3A_170[0] : f32 from vector<1xf32>
        %get3A_172 = arith.index_cast %add3A_145 : i32 to index
        %get3A_173 = arith.constant 0 : index
        %get3A_174 = tpu.vector_load %arg16[%get3A_172, %get3A_173] {strides = array<i32>} : memref<128x272xf32, #tpu.memory_space<vmem>>, vector<1x16xf32>,
        %get3A_175 = vector.shape_cast %get3A_174 : vector<1x16xf32> to vector<16xf32>
        %mul3A_176 = vector.broadcast %squeeze3A_171 : f32 to vector<16xf32>
        %mul3A_177 = arith.mulf %mul3A_176, %get3A_175 : vector<16xf32>
        %slice3A_178 = vector.extract_strided_slice %max3A_165 {offsets = [1], sizes = [1], strides = [1]} : vector<16xf32> to vector<1xf32>
        %squeeze3A_179 = vector.extract %slice3A_178[0] : f32 from vector<1xf32>
        %get3A_180 = arith.index_cast %add3A_145 : i32 to index
        %get3A_181 = arith.constant 16 : index
        %get3A_182 = tpu.vector_load %arg16[%get3A_180, %get3A_181] {strides = array<i32>} : memref<128x272xf32, #tpu.memory_space<vmem>>, vector<1x16xf32>,
        %get3A_183 = vector.shape_cast %get3A_182 : vector<1x16xf32> to vector<16xf32>
        %mul3A_184 = vector.broadcast %squeeze3A_179 : f32 to vector<16xf32>
        %mul3A_185 = arith.mulf %mul3A_184, %get3A_183 : vector<16xf32>
        %slice3A_186 = vector.extract_strided_slice %max3A_165 {offsets = [2], sizes = [1], strides = [1]} : vector<16xf32> to vector<1xf32>
        %squeeze3A_187 = vector.extract %slice3A_186[0] : f32 from vector<1xf32>
        %get3A_188 = arith.index_cast %add3A_145 : i32 to index
        %get3A_189 = arith.constant 32 : index
        %get3A_190 = tpu.vector_load %arg16[%get3A_188, %get3A_189] {strides = array<i32>} : memref<128x272xf32, #tpu.memory_space<vmem>>, vector<1x16xf32>,
        %get3A_191 = vector.shape_cast %get3A_190 : vector<1x16xf32> to vector<16xf32>
        %mul3A_192 = vector.broadcast %squeeze3A_187 : f32 to vector<16xf32>
        %mul3A_193 = arith.mulf %mul3A_192, %get3A_191 : vector<16xf32>
        %slice3A_194 = vector.extract_strided_slice %max3A_165 {offsets = [3], sizes = [1], strides = [1]} : vector<16xf32> to vector<1xf32>
        %squeeze3A_195 = vector.extract %slice3A_194[0] : f32 from vector<1xf32>
        %get3A_196 = arith.index_cast %add3A_145 : i32 to index
        %get3A_197 = arith.constant 48 : index
        %get3A_198 = tpu.vector_load %arg16[%get3A_196, %get3A_197] {strides = array<i32>} : memref<128x272xf32, #tpu.memory_space<vmem>>, vector<1x16xf32>,
        %get3A_199 = vector.shape_cast %get3A_198 : vector<1x16xf32> to vector<16xf32>
        %mul3A_200 = vector.broadcast %squeeze3A_195 : f32 to vector<16xf32>
        %mul3A_201 = arith.mulf %mul3A_200, %get3A_199 : vector<16xf32>
        %add3A_202 = arith.addf %mul3A_193, %mul3A_201 : vector<16xf32>
        %slice3A_203 = vector.extract_strided_slice %max3A_165 {offsets = [4], sizes = [1], strides = [1]} : vector<16xf32> to vector<1xf32>
        %squeeze3A_204 = vector.extract %slice3A_203[0] : f32 from vector<1xf32>
        %get3A_205 = arith.index_cast %add3A_145 : i32 to index
        %get3A_206 = arith.constant 64 : index
        %get3A_207 = tpu.vector_load %arg16[%get3A_205, %get3A_206] {strides = array<i32>} : memref<128x272xf32, #tpu.memory_space<vmem>>, vector<1x16xf32>,
        %get3A_208 = vector.shape_cast %get3A_207 : vector<1x16xf32> to vector<16xf32>
        %mul3A_209 = vector.broadcast %squeeze3A_204 : f32 to vector<16xf32>
        %mul3A_210 = arith.mulf %mul3A_209, %get3A_208 : vector<16xf32>
        %add3A_211 = arith.addf %get3A_169, %mul3A_210 : vector<16xf32>
        %slice3A_212 = vector.extract_strided_slice %max3A_165 {offsets = [5], sizes = [1], strides = [1]} : vector<16xf32> to vector<1xf32>
        %squeeze3A_213 = vector.extract %slice3A_212[0] : f32 from vector<1xf32>
        %get3A_214 = arith.index_cast %add3A_145 : i32 to index
        %get3A_215 = arith.constant 80 : index
        %get3A_216 = tpu.vector_load %arg16[%get3A_214, %get3A_215] {strides = array<i32>} : memref<128x272xf32, #tpu.memory_space<vmem>>, vector<1x16xf32>,
        %get3A_217 = vector.shape_cast %get3A_216 : vector<1x16xf32> to vector<16xf32>
        %mul3A_218 = vector.broadcast %squeeze3A_213 : f32 to vector<16xf32>
        %mul3A_219 = arith.mulf %mul3A_218, %get3A_217 : vector<16xf32>
        %add3A_220 = arith.addf %mul3A_177, %mul3A_219 : vector<16xf32>
        %slice3A_221 = vector.extract_strided_slice %max3A_165 {offsets = [6], sizes = [1], strides = [1]} : vector<16xf32> to vector<1xf32>
        %squeeze3A_222 = vector.extract %slice3A_221[0] : f32 from vector<1xf32>
        %get3A_223 = arith.index_cast %add3A_145 : i32 to index
        %get3A_224 = arith.constant 96 : index
        %get3A_225 = tpu.vector_load %arg16[%get3A_223, %get3A_224] {strides = array<i32>} : memref<128x272xf32, #tpu.memory_space<vmem>>, vector<1x16xf32>,
        %get3A_226 = vector.shape_cast %get3A_225 : vector<1x16xf32> to vector<16xf32>
        %mul3A_227 = vector.broadcast %squeeze3A_222 : f32 to vector<16xf32>
        %mul3A_228 = arith.mulf %mul3A_227, %get3A_226 : vector<16xf32>
        %add3A_229 = arith.addf %mul3A_185, %mul3A_228 : vector<16xf32>
        %slice3A_230 = vector.extract_strided_slice %max3A_165 {offsets = [7], sizes = [1], strides = [1]} : vector<16xf32> to vector<1xf32>
        %squeeze3A_231 = vector.extract %slice3A_230[0] : f32 from vector<1xf32>
        %get3A_232 = arith.index_cast %add3A_145 : i32 to index
        %get3A_233 = arith.constant 112 : index
        %get3A_234 = tpu.vector_load %arg16[%get3A_232, %get3A_233] {strides = array<i32>} : memref<128x272xf32, #tpu.memory_space<vmem>>, vector<1x16xf32>,
        %get3A_235 = vector.shape_cast %get3A_234 : vector<1x16xf32> to vector<16xf32>
        %mul3A_236 = vector.broadcast %squeeze3A_231 : f32 to vector<16xf32>
        %mul3A_237 = arith.mulf %mul3A_236, %get3A_235 : vector<16xf32>
        %add3A_238 = arith.addf %add3A_202, %mul3A_237 : vector<16xf32>
        %slice3A_239 = vector.extract_strided_slice %max3A_165 {offsets = [8], sizes = [1], strides = [1]} : vector<16xf32> to vector<1xf32>
        %squeeze3A_240 = vector.extract %slice3A_239[0] : f32 from vector<1xf32>
        %get3A_241 = arith.index_cast %add3A_145 : i32 to index
        %get3A_242 = arith.constant 128 : index
        %get3A_243 = tpu.vector_load %arg16[%get3A_241, %get3A_242] {strides = array<i32>} : memref<128x272xf32, #tpu.memory_space<vmem>>, vector<1x16xf32>,
        %get3A_244 = vector.shape_cast %get3A_243 : vector<1x16xf32> to vector<16xf32>
        %mul3A_245 = vector.broadcast %squeeze3A_240 : f32 to vector<16xf32>
        %mul3A_246 = arith.mulf %mul3A_245, %get3A_244 : vector<16xf32>
        %add3A_247 = arith.addf %add3A_211, %mul3A_246 : vector<16xf32>
        %slice3A_248 = vector.extract_strided_slice %max3A_165 {offsets = [9], sizes = [1], strides = [1]} : vector<16xf32> to vector<1xf32>
        %squeeze3A_249 = vector.extract %slice3A_248[0] : f32 from vector<1xf32>
        %get3A_250 = arith.index_cast %add3A_145 : i32 to index
        %get3A_251 = arith.constant 144 : index
        %get3A_252 = tpu.vector_load %arg16[%get3A_250, %get3A_251] {strides = array<i32>} : memref<128x272xf32, #tpu.memory_space<vmem>>, vector<1x16xf32>,
        %get3A_253 = vector.shape_cast %get3A_252 : vector<1x16xf32> to vector<16xf32>
        %mul3A_254 = vector.broadcast %squeeze3A_249 : f32 to vector<16xf32>
        %mul3A_255 = arith.mulf %mul3A_254, %get3A_253 : vector<16xf32>
        %add3A_256 = arith.addf %add3A_220, %mul3A_255 : vector<16xf32>
        %slice3A_257 = vector.extract_strided_slice %max3A_165 {offsets = [10], sizes = [1], strides = [1]} : vector<16xf32> to vector<1xf32>
        %squeeze3A_258 = vector.extract %slice3A_257[0] : f32 from vector<1xf32>
        %get3A_259 = arith.index_cast %add3A_145 : i32 to index
        %get3A_260 = arith.constant 160 : index
        %get3A_261 = tpu.vector_load %arg16[%get3A_259, %get3A_260] {strides = array<i32>} : memref<128x272xf32, #tpu.memory_space<vmem>>, vector<1x16xf32>,
        %get3A_262 = vector.shape_cast %get3A_261 : vector<1x16xf32> to vector<16xf32>
        %mul3A_263 = vector.broadcast %squeeze3A_258 : f32 to vector<16xf32>
        %mul3A_264 = arith.mulf %mul3A_263, %get3A_262 : vector<16xf32>
        %add3A_265 = arith.addf %add3A_229, %mul3A_264 : vector<16xf32>
        %slice3A_266 = vector.extract_strided_slice %max3A_165 {offsets = [11], sizes = [1], strides = [1]} : vector<16xf32> to vector<1xf32>
        %squeeze3A_267 = vector.extract %slice3A_266[0] : f32 from vector<1xf32>
        %get3A_268 = arith.index_cast %add3A_145 : i32 to index
        %get3A_269 = arith.constant 176 : index
        %get3A_270 = tpu.vector_load %arg16[%get3A_268, %get3A_269] {strides = array<i32>} : memref<128x272xf32, #tpu.memory_space<vmem>>, vector<1x16xf32>,
        %get3A_271 = vector.shape_cast %get3A_270 : vector<1x16xf32> to vector<16xf32>
        %mul3A_272 = vector.broadcast %squeeze3A_267 : f32 to vector<16xf32>
        %mul3A_273 = arith.mulf %mul3A_272, %get3A_271 : vector<16xf32>
        %add3A_274 = arith.addf %add3A_238, %mul3A_273 : vector<16xf32>
        %slice3A_275 = vector.extract_strided_slice %max3A_165 {offsets = [12], sizes = [1], strides = [1]} : vector<16xf32> to vector<1xf32>
        %squeeze3A_276 = vector.extract %slice3A_275[0] : f32 from vector<1xf32>
        %get3A_277 = arith.index_cast %add3A_145 : i32 to index
        %get3A_278 = arith.constant 192 : index
        %get3A_279 = tpu.vector_load %arg16[%get3A_277, %get3A_278] {strides = array<i32>} : memref<128x272xf32, #tpu.memory_space<vmem>>, vector<1x16xf32>,
        %get3A_280 = vector.shape_cast %get3A_279 : vector<1x16xf32> to vector<16xf32>
        %mul3A_281 = vector.broadcast %squeeze3A_276 : f32 to vector<16xf32>
        %mul3A_282 = arith.mulf %mul3A_281, %get3A_280 : vector<16xf32>
        %add3A_283 = arith.addf %add3A_247, %mul3A_282 : vector<16xf32>
        %slice3A_284 = vector.extract_strided_slice %max3A_165 {offsets = [13], sizes = [1], strides = [1]} : vector<16xf32> to vector<1xf32>
        %squeeze3A_285 = vector.extract %slice3A_284[0] : f32 from vector<1xf32>
        %get3A_286 = arith.index_cast %add3A_145 : i32 to index
        %get3A_287 = arith.constant 208 : index
        %get3A_288 = tpu.vector_load %arg16[%get3A_286, %get3A_287] {strides = array<i32>} : memref<128x272xf32, #tpu.memory_space<vmem>>, vector<1x16xf32>,
        %get3A_289 = vector.shape_cast %get3A_288 : vector<1x16xf32> to vector<16xf32>
        %mul3A_290 = vector.broadcast %squeeze3A_285 : f32 to vector<16xf32>
        %mul3A_291 = arith.mulf %mul3A_290, %get3A_289 : vector<16xf32>
        %add3A_292 = arith.addf %add3A_256, %mul3A_291 : vector<16xf32>
        %slice3A_293 = vector.extract_strided_slice %max3A_165 {offsets = [14], sizes = [1], strides = [1]} : vector<16xf32> to vector<1xf32>
        %squeeze3A_294 = vector.extract %slice3A_293[0] : f32 from vector<1xf32>
        %get3A_295 = arith.index_cast %add3A_145 : i32 to index
        %get3A_296 = arith.constant 224 : index
        %get3A_297 = tpu.vector_load %arg16[%get3A_295, %get3A_296] {strides = array<i32>} : memref<128x272xf32, #tpu.memory_space<vmem>>, vector<1x16xf32>,
        %get3A_298 = vector.shape_cast %get3A_297 : vector<1x16xf32> to vector<16xf32>
        %mul3A_299 = vector.broadcast %squeeze3A_294 : f32 to vector<16xf32>
        %mul3A_300 = arith.mulf %mul3A_299, %get3A_298 : vector<16xf32>
        %add3A_301 = arith.addf %add3A_265, %mul3A_300 : vector<16xf32>
        %slice3A_302 = vector.extract_strided_slice %max3A_165 {offsets = [15], sizes = [1], strides = [1]} : vector<16xf32> to vector<1xf32>
        %squeeze3A_303 = vector.extract %slice3A_302[0] : f32 from vector<1xf32>
        %get3A_304 = arith.index_cast %add3A_145 : i32 to index
        %get3A_305 = arith.constant 240 : index
        %get3A_306 = tpu.vector_load %arg16[%get3A_304, %get3A_305] {strides = array<i32>} : memref<128x272xf32, #tpu.memory_space<vmem>>, vector<1x16xf32>,
        %get3A_307 = vector.shape_cast %get3A_306 : vector<1x16xf32> to vector<16xf32>
        %mul3A_308 = vector.broadcast %squeeze3A_303 : f32 to vector<16xf32>
        %mul3A_309 = arith.mulf %mul3A_308, %get3A_307 : vector<16xf32>
        %add3A_310 = arith.addf %add3A_274, %mul3A_309 : vector<16xf32>
        %add3A_311 = arith.addf %add3A_283, %add3A_292 : vector<16xf32>
        %add3A_312 = arith.addf %add3A_301, %add3A_310 : vector<16xf32>
        %add3A_313 = arith.addf %add3A_311, %add3A_312 : vector<16xf32>
        %swap3A = arith.index_cast %add3A_145 : i32 to index
        %swap3A_314 = arith.constant 0 : index
        %swap3A_315 = tpu.vector_load %arg17[%swap3A, %swap3A_314] {strides = array<i32>} : memref<128x32xf32, #tpu.memory_space<vmem>>, vector<1x16xf32>,
        %swap3A_316 = vector.shape_cast %swap3A_315 : vector<1x16xf32> to vector<16xf32>
        %swap3A_317 = vector.shape_cast %add3A_313 : vector<16xf32> to vector<1x16xf32>
        tpu.vector_store %arg17[%swap3A, %swap3A_314], %swap3A_317 {strides = array<i32>} : memref<128x32xf32, #tpu.memory_space<vmem>>, vector<1x16xf32>,
        %mul3A_318 = arith.constant 2 : i32
        %mul3A_319 = arith.muli %mul3A_318, %scan3A_132 : i32
        %add3A_320 = arith.constant 1 : i32
        %add3A_321 = arith.addi %mul3A_319, %add3A_320 : i32
        %slice3A_322 = vector.extract_strided_slice %get3A_141 {offsets = [4], sizes = [1], strides = [1]} : vector<16xf32> to vector<1xf32>
        %squeeze3A_323 = vector.extract %slice3A_322[0] : f32 from vector<1xf32>
        %mul3A_324 = vector.broadcast %squeeze3A_323 : f32 to vector<16xf32>
        %mul3A_325 = arith.mulf %mul3A_324, %get3A_103 : vector<16xf32>
        %slice3A_326 = vector.extract_strided_slice %get3A_141 {offsets = [5], sizes = [1], strides = [1]} : vector<16xf32> to vector<1xf32>
        %squeeze3A_327 = vector.extract %slice3A_326[0] : f32 from vector<1xf32>
        %mul3A_328 = vector.broadcast %squeeze3A_327 : f32 to vector<16xf32>
        %mul3A_329 = arith.mulf %mul3A_328, %get3A_108 : vector<16xf32>
        %add3A_330 = arith.addf %mul3A_325, %mul3A_329 : vector<16xf32>
        %slice3A_331 = vector.extract_strided_slice %get3A_141 {offsets = [6], sizes = [1], strides = [1]} : vector<16xf32> to vector<1xf32>
        %squeeze3A_332 = vector.extract %slice3A_331[0] : f32 from vector<1xf32>
        %mul3A_333 = vector.broadcast %squeeze3A_332 : f32 to vector<16xf32>
        %mul3A_334 = arith.mulf %mul3A_333, %get3A_113 : vector<16xf32>
        %add3A_335 = arith.addf %add3A_330, %mul3A_334 : vector<16xf32>
        %slice3A_336 = vector.extract_strided_slice %get3A_141 {offsets = [7], sizes = [1], strides = [1]} : vector<16xf32> to vector<1xf32>
        %squeeze3A_337 = vector.extract %slice3A_336[0] : f32 from vector<1xf32>
        %mul3A_338 = vector.broadcast %squeeze3A_337 : f32 to vector<16xf32>
        %mul3A_339 = arith.mulf %mul3A_338, %get3A_118 : vector<16xf32>
        %add3A_340 = arith.addf %add3A_335, %mul3A_339 : vector<16xf32>
        %add3A_341 = arith.addf %add3A_340, %get3A_123 : vector<16xf32>
        %max3A_342 = arith.constant 0.000000e+00 : f32
        %max3A_343 = vector.broadcast %max3A_342 : f32 to vector<16xf32>
        %max3A_344 = arith.maximumf %add3A_341, %max3A_343 : vector<16xf32>
        %get3A_345 = arith.index_cast %add3A_321 : i32 to index
        %get3A_346 = arith.constant 256 : index
        %get3A_347 = tpu.vector_load %arg16[%get3A_345, %get3A_346] {strides = array<i32>} : memref<128x272xf32, #tpu.memory_space<vmem>>, vector<1x16xf32>,
        %get3A_348 = vector.shape_cast %get3A_347 : vector<1x16xf32> to vector<16xf32>
        %slice3A_349 = vector.extract_strided_slice %max3A_344 {offsets = [0], sizes = [1], strides = [1]} : vector<16xf32> to vector<1xf32>
        %squeeze3A_350 = vector.extract %slice3A_349[0] : f32 from vector<1xf32>
        %get3A_351 = arith.index_cast %add3A_321 : i32 to index
        %get3A_352 = arith.constant 0 : index
        %get3A_353 = tpu.vector_load %arg16[%get3A_351, %get3A_352] {strides = array<i32>} : memref<128x272xf32, #tpu.memory_space<vmem>>, vector<1x16xf32>,
        %get3A_354 = vector.shape_cast %get3A_353 : vector<1x16xf32> to vector<16xf32>
        %mul3A_355 = vector.broadcast %squeeze3A_350 : f32 to vector<16xf32>
        %mul3A_356 = arith.mulf %mul3A_355, %get3A_354 : vector<16xf32>
        %slice3A_357 = vector.extract_strided_slice %max3A_344 {offsets = [1], sizes = [1], strides = [1]} : vector<16xf32> to vector<1xf32>
        %squeeze3A_358 = vector.extract %slice3A_357[0] : f32 from vector<1xf32>
        %get3A_359 = arith.index_cast %add3A_321 : i32 to index
        %get3A_360 = arith.constant 16 : index
        %get3A_361 = tpu.vector_load %arg16[%get3A_359, %get3A_360] {strides = array<i32>} : memref<128x272xf32, #tpu.memory_space<vmem>>, vector<1x16xf32>,
        %get3A_362 = vector.shape_cast %get3A_361 : vector<1x16xf32> to vector<16xf32>
        %mul3A_363 = vector.broadcast %squeeze3A_358 : f32 to vector<16xf32>
        %mul3A_364 = arith.mulf %mul3A_363, %get3A_362 : vector<16xf32>
        %slice3A_365 = vector.extract_strided_slice %max3A_344 {offsets = [2], sizes = [1], strides = [1]} : vector<16xf32> to vector<1xf32>
        %squeeze3A_366 = vector.extract %slice3A_365[0] : f32 from vector<1xf32>
        %get3A_367 = arith.index_cast %add3A_321 : i32 to index
        %get3A_368 = arith.constant 32 : index
        %get3A_369 = tpu.vector_load %arg16[%get3A_367, %get3A_368] {strides = array<i32>} : memref<128x272xf32, #tpu.memory_space<vmem>>, vector<1x16xf32>,
        %get3A_370 = vector.shape_cast %get3A_369 : vector<1x16xf32> to vector<16xf32>
        %mul3A_371 = vector.broadcast %squeeze3A_366 : f32 to vector<16xf32>
        %mul3A_372 = arith.mulf %mul3A_371, %get3A_370 : vector<16xf32>
        %slice3A_373 = vector.extract_strided_slice %max3A_344 {offsets = [3], sizes = [1], strides = [1]} : vector<16xf32> to vector<1xf32>
        %squeeze3A_374 = vector.extract %slice3A_373[0] : f32 from vector<1xf32>
        %get3A_375 = arith.index_cast %add3A_321 : i32 to index
        %get3A_376 = arith.constant 48 : index
        %get3A_377 = tpu.vector_load %arg16[%get3A_375, %get3A_376] {strides = array<i32>} : memref<128x272xf32, #tpu.memory_space<vmem>>, vector<1x16xf32>,
        %get3A_378 = vector.shape_cast %get3A_377 : vector<1x16xf32> to vector<16xf32>
        %mul3A_379 = vector.broadcast %squeeze3A_374 : f32 to vector<16xf32>
        %mul3A_380 = arith.mulf %mul3A_379, %get3A_378 : vector<16xf32>
        %add3A_381 = arith.addf %mul3A_372, %mul3A_380 : vector<16xf32>
        %slice3A_382 = vector.extract_strided_slice %max3A_344 {offsets = [4], sizes = [1], strides = [1]} : vector<16xf32> to vector<1xf32>
        %squeeze3A_383 = vector.extract %slice3A_382[0] : f32 from vector<1xf32>
        %get3A_384 = arith.index_cast %add3A_321 : i32 to index
        %get3A_385 = arith.constant 64 : index
        %get3A_386 = tpu.vector_load %arg16[%get3A_384, %get3A_385] {strides = array<i32>} : memref<128x272xf32, #tpu.memory_space<vmem>>, vector<1x16xf32>,
        %get3A_387 = vector.shape_cast %get3A_386 : vector<1x16xf32> to vector<16xf32>
        %mul3A_388 = vector.broadcast %squeeze3A_383 : f32 to vector<16xf32>
        %mul3A_389 = arith.mulf %mul3A_388, %get3A_387 : vector<16xf32>
        %add3A_390 = arith.addf %get3A_348, %mul3A_389 : vector<16xf32>
        %slice3A_391 = vector.extract_strided_slice %max3A_344 {offsets = [5], sizes = [1], strides = [1]} : vector<16xf32> to vector<1xf32>
        %squeeze3A_392 = vector.extract %slice3A_391[0] : f32 from vector<1xf32>
        %get3A_393 = arith.index_cast %add3A_321 : i32 to index
        %get3A_394 = arith.constant 80 : index
        %get3A_395 = tpu.vector_load %arg16[%get3A_393, %get3A_394] {strides = array<i32>} : memref<128x272xf32, #tpu.memory_space<vmem>>, vector<1x16xf32>,
        %get3A_396 = vector.shape_cast %get3A_395 : vector<1x16xf32> to vector<16xf32>
        %mul3A_397 = vector.broadcast %squeeze3A_392 : f32 to vector<16xf32>
        %mul3A_398 = arith.mulf %mul3A_397, %get3A_396 : vector<16xf32>
        %add3A_399 = arith.addf %mul3A_356, %mul3A_398 : vector<16xf32>
        %slice3A_400 = vector.extract_strided_slice %max3A_344 {offsets = [6], sizes = [1], strides = [1]} : vector<16xf32> to vector<1xf32>
        %squeeze3A_401 = vector.extract %slice3A_400[0] : f32 from vector<1xf32>
        %get3A_402 = arith.index_cast %add3A_321 : i32 to index
        %get3A_403 = arith.constant 96 : index
        %get3A_404 = tpu.vector_load %arg16[%get3A_402, %get3A_403] {strides = array<i32>} : memref<128x272xf32, #tpu.memory_space<vmem>>, vector<1x16xf32>,
        %get3A_405 = vector.shape_cast %get3A_404 : vector<1x16xf32> to vector<16xf32>
        %mul3A_406 = vector.broadcast %squeeze3A_401 : f32 to vector<16xf32>
        %mul3A_407 = arith.mulf %mul3A_406, %get3A_405 : vector<16xf32>
        %add3A_408 = arith.addf %mul3A_364, %mul3A_407 : vector<16xf32>
        %slice3A_409 = vector.extract_strided_slice %max3A_344 {offsets = [7], sizes = [1], strides = [1]} : vector<16xf32> to vector<1xf32>
        %squeeze3A_410 = vector.extract %slice3A_409[0] : f32 from vector<1xf32>
        %get3A_411 = arith.index_cast %add3A_321 : i32 to index
        %get3A_412 = arith.constant 112 : index
        %get3A_413 = tpu.vector_load %arg16[%get3A_411, %get3A_412] {strides = array<i32>} : memref<128x272xf32, #tpu.memory_space<vmem>>, vector<1x16xf32>,
        %get3A_414 = vector.shape_cast %get3A_413 : vector<1x16xf32> to vector<16xf32>
        %mul3A_415 = vector.broadcast %squeeze3A_410 : f32 to vector<16xf32>
        %mul3A_416 = arith.mulf %mul3A_415, %get3A_414 : vector<16xf32>
        %add3A_417 = arith.addf %add3A_381, %mul3A_416 : vector<16xf32>
        %slice3A_418 = vector.extract_strided_slice %max3A_344 {offsets = [8], sizes = [1], strides = [1]} : vector<16xf32> to vector<1xf32>
        %squeeze3A_419 = vector.extract %slice3A_418[0] : f32 from vector<1xf32>
        %get3A_420 = arith.index_cast %add3A_321 : i32 to index
        %get3A_421 = arith.constant 128 : index
        %get3A_422 = tpu.vector_load %arg16[%get3A_420, %get3A_421] {strides = array<i32>} : memref<128x272xf32, #tpu.memory_space<vmem>>, vector<1x16xf32>,
        %get3A_423 = vector.shape_cast %get3A_422 : vector<1x16xf32> to vector<16xf32>
        %mul3A_424 = vector.broadcast %squeeze3A_419 : f32 to vector<16xf32>
        %mul3A_425 = arith.mulf %mul3A_424, %get3A_423 : vector<16xf32>
        %add3A_426 = arith.addf %add3A_390, %mul3A_425 : vector<16xf32>
        %slice3A_427 = vector.extract_strided_slice %max3A_344 {offsets = [9], sizes = [1], strides = [1]} : vector<16xf32> to vector<1xf32>
        %squeeze3A_428 = vector.extract %slice3A_427[0] : f32 from vector<1xf32>
        %get3A_429 = arith.index_cast %add3A_321 : i32 to index
        %get3A_430 = arith.constant 144 : index
        %get3A_431 = tpu.vector_load %arg16[%get3A_429, %get3A_430] {strides = array<i32>} : memref<128x272xf32, #tpu.memory_space<vmem>>, vector<1x16xf32>,
        %get3A_432 = vector.shape_cast %get3A_431 : vector<1x16xf32> to vector<16xf32>
        %mul3A_433 = vector.broadcast %squeeze3A_428 : f32 to vector<16xf32>
        %mul3A_434 = arith.mulf %mul3A_433, %get3A_432 : vector<16xf32>
        %add3A_435 = arith.addf %add3A_399, %mul3A_434 : vector<16xf32>
        %slice3A_436 = vector.extract_strided_slice %max3A_344 {offsets = [10], sizes = [1], strides = [1]} : vector<16xf32> to vector<1xf32>
        %squeeze3A_437 = vector.extract %slice3A_436[0] : f32 from vector<1xf32>
        %get3A_438 = arith.index_cast %add3A_321 : i32 to index
        %get3A_439 = arith.constant 160 : index
        %get3A_440 = tpu.vector_load %arg16[%get3A_438, %get3A_439] {strides = array<i32>} : memref<128x272xf32, #tpu.memory_space<vmem>>, vector<1x16xf32>,
        %get3A_441 = vector.shape_cast %get3A_440 : vector<1x16xf32> to vector<16xf32>
        %mul3A_442 = vector.broadcast %squeeze3A_437 : f32 to vector<16xf32>
        %mul3A_443 = arith.mulf %mul3A_442, %get3A_441 : vector<16xf32>
        %add3A_444 = arith.addf %add3A_408, %mul3A_443 : vector<16xf32>
        %slice3A_445 = vector.extract_strided_slice %max3A_344 {offsets = [11], sizes = [1], strides = [1]} : vector<16xf32> to vector<1xf32>
        %squeeze3A_446 = vector.extract %slice3A_445[0] : f32 from vector<1xf32>
        %get3A_447 = arith.index_cast %add3A_321 : i32 to index
        %get3A_448 = arith.constant 176 : index
        %get3A_449 = tpu.vector_load %arg16[%get3A_447, %get3A_448] {strides = array<i32>} : memref<128x272xf32, #tpu.memory_space<vmem>>, vector<1x16xf32>,
        %get3A_450 = vector.shape_cast %get3A_449 : vector<1x16xf32> to vector<16xf32>
        %mul3A_451 = vector.broadcast %squeeze3A_446 : f32 to vector<16xf32>
        %mul3A_452 = arith.mulf %mul3A_451, %get3A_450 : vector<16xf32>
        %add3A_453 = arith.addf %add3A_417, %mul3A_452 : vector<16xf32>
        %slice3A_454 = vector.extract_strided_slice %max3A_344 {offsets = [12], sizes = [1], strides = [1]} : vector<16xf32> to vector<1xf32>
        %squeeze3A_455 = vector.extract %slice3A_454[0] : f32 from vector<1xf32>
        %get3A_456 = arith.index_cast %add3A_321 : i32 to index
        %get3A_457 = arith.constant 192 : index
        %get3A_458 = tpu.vector_load %arg16[%get3A_456, %get3A_457] {strides = array<i32>} : memref<128x272xf32, #tpu.memory_space<vmem>>, vector<1x16xf32>,
        %get3A_459 = vector.shape_cast %get3A_458 : vector<1x16xf32> to vector<16xf32>
        %mul3A_460 = vector.broadcast %squeeze3A_455 : f32 to vector<16xf32>
        %mul3A_461 = arith.mulf %mul3A_460, %get3A_459 : vector<16xf32>
        %add3A_462 = arith.addf %add3A_426, %mul3A_461 : vector<16xf32>
        %slice3A_463 = vector.extract_strided_slice %max3A_344 {offsets = [13], sizes = [1], strides = [1]} : vector<16xf32> to vector<1xf32>
        %squeeze3A_464 = vector.extract %slice3A_463[0] : f32 from vector<1xf32>
        %get3A_465 = arith.index_cast %add3A_321 : i32 to index
        %get3A_466 = arith.constant 208 : index
        %get3A_467 = tpu.vector_load %arg16[%get3A_465, %get3A_466] {strides = array<i32>} : memref<128x272xf32, #tpu.memory_space<vmem>>, vector<1x16xf32>,
        %get3A_468 = vector.shape_cast %get3A_467 : vector<1x16xf32> to vector<16xf32>
        %mul3A_469 = vector.broadcast %squeeze3A_464 : f32 to vector<16xf32>
        %mul3A_470 = arith.mulf %mul3A_469, %get3A_468 : vector<16xf32>
        %add3A_471 = arith.addf %add3A_435, %mul3A_470 : vector<16xf32>
        %slice3A_472 = vector.extract_strided_slice %max3A_344 {offsets = [14], sizes = [1], strides = [1]} : vector<16xf32> to vector<1xf32>
        %squeeze3A_473 = vector.extract %slice3A_472[0] : f32 from vector<1xf32>
        %get3A_474 = arith.index_cast %add3A_321 : i32 to index
        %get3A_475 = arith.constant 224 : index
        %get3A_476 = tpu.vector_load %arg16[%get3A_474, %get3A_475] {strides = array<i32>} : memref<128x272xf32, #tpu.memory_space<vmem>>, vector<1x16xf32>,
        %get3A_477 = vector.shape_cast %get3A_476 : vector<1x16xf32> to vector<16xf32>
        %mul3A_478 = vector.broadcast %squeeze3A_473 : f32 to vector<16xf32>
        %mul3A_479 = arith.mulf %mul3A_478, %get3A_477 : vector<16xf32>
        %add3A_480 = arith.addf %add3A_444, %mul3A_479 : vector<16xf32>
        %slice3A_481 = vector.extract_strided_slice %max3A_344 {offsets = [15], sizes = [1], strides = [1]} : vector<16xf32> to vector<1xf32>
        %squeeze3A_482 = vector.extract %slice3A_481[0] : f32 from vector<1xf32>
        %get3A_483 = arith.index_cast %add3A_321 : i32 to index
        %get3A_484 = arith.constant 240 : index
        %get3A_485 = tpu.vector_load %arg16[%get3A_483, %get3A_484] {strides = array<i32>} : memref<128x272xf32, #tpu.memory_space<vmem>>, vector<1x16xf32>,
        %get3A_486 = vector.shape_cast %get3A_485 : vector<1x16xf32> to vector<16xf32>
        %mul3A_487 = vector.broadcast %squeeze3A_482 : f32 to vector<16xf32>
        %mul3A_488 = arith.mulf %mul3A_487, %get3A_486 : vector<16xf32>
        %add3A_489 = arith.addf %add3A_453, %mul3A_488 : vector<16xf32>
        %add3A_490 = arith.addf %add3A_462, %add3A_471 : vector<16xf32>
        %add3A_491 = arith.addf %add3A_480, %add3A_489 : vector<16xf32>
        %add3A_492 = arith.addf %add3A_490, %add3A_491 : vector<16xf32>
        %swap3A_493 = arith.index_cast %add3A_321 : i32 to index
        %swap3A_494 = arith.constant 0 : index
        %swap3A_495 = tpu.vector_load %arg17[%swap3A_493, %swap3A_494] {strides = array<i32>} : memref<128x32xf32, #tpu.memory_space<vmem>>, vector<1x16xf32>,
        %swap3A_496 = vector.shape_cast %swap3A_495 : vector<1x16xf32> to vector<16xf32>
        %swap3A_497 = vector.shape_cast %add3A_492 : vector<16xf32> to vector<1x16xf32>
        tpu.vector_store %arg17[%swap3A_493, %swap3A_494], %swap3A_497 {strides = array<i32>} : memref<128x32xf32, #tpu.memory_space<vmem>>, vector<1x16xf32>,
        %scan3A_498 = arith.constant 0 : i32
        scf.yield %scan3A_498 : i32
      }
      %scan3A_130 = arith.constant 64 : i32
      "tpu.region"() ({
        %run_scoped3A = tpu.sem_alloc : memref<!tpu.dma_semaphore, #tpu.memory_space<semaphore_mem>>
        %dma_start3A_132 = arith.constant 0 : i32
        %dma_start3A_133 = tpu.memref_slice %arg11[%add3A_98, %dma_start3A_132] : memref<40x128xi32, #tpu.memory_space<vmem>> -> memref<1x128xi32, #tpu.memory_space<vmem>>
        %dma_start3A_134 = tpu.memref_squeeze %dma_start3A_133 : memref<1x128xi32, #tpu.memory_space<vmem>> -> memref<128xi32, #tpu.memory_space<vmem>>
        %dma_start3A_135 = arith.constant 0 : i32
        %dma_start3A_136 = arith.constant 0 : i32
        %dma_start3A_137 = tpu.memref_slice %arg18[%dma_start3A_135, %dma_start3A_136] : memref<10112x32xf32, #tpu.memory_space<vmem_shared>> -> memref<10112x32xf32, #tpu.memory_space<vmem_shared>>
        tpu.enqueue_indirect_dma source(%arg17 : memref<128x32xf32, #tpu.memory_space<vmem>>) target(%dma_start3A_137 : memref<10112x32xf32, #tpu.memory_space<vmem_shared>>) offsets(%dma_start3A_134 : memref<128xi32, #tpu.memory_space<vmem>>) semaphore(%run_scoped3A : memref<!tpu.dma_semaphore, #tpu.memory_space<semaphore_mem>>) {add = true}
        %dma_wait3A_138 = arith.constant 0 : i32
        %dma_wait3A_139 = tpu.memref_slice %arg11[%add3A_98, %dma_wait3A_138] : memref<40x128xi32, #tpu.memory_space<vmem>> -> memref<1x128xi32, #tpu.memory_space<vmem>>
        %dma_wait3A_140 = tpu.memref_squeeze %dma_wait3A_139 : memref<1x128xi32, #tpu.memory_space<vmem>> -> memref<128xi32, #tpu.memory_space<vmem>>
        %dma_wait3A_141 = arith.constant 0 : i32
        %dma_wait3A_142 = arith.constant 0 : i32
        %dma_wait3A_143 = tpu.memref_slice %arg18[%dma_wait3A_141, %dma_wait3A_142] : memref<10112x32xf32, #tpu.memory_space<vmem_shared>> -> memref<10112x32xf32, #tpu.memory_space<vmem_shared>>
        tpu.wait_indirect_dma semaphore(%run_scoped3A : memref<!tpu.dma_semaphore, #tpu.memory_space<semaphore_mem>>) src(%arg17 : memref<128x32xf32, #tpu.memory_space<vmem>>) dst(%dma_wait3A_143 : memref<10112x32xf32, #tpu.memory_space<vmem_shared>>)
        tpu.yield
      }) : () -> ()
      %scan3A_131 = arith.constant 0 : i32
      scf.yield %scan3A_131 : i32
    }
    %scan3A_33 = arith.constant 20 : i32
    %barrier3A_34 = arith.constant 0 : index
    tpu.barrier barrier_id(%barrier3A_34)
    %mul3A_35 = arith.constant 632 : i32
    %mul3A_36 = arith.muli %arg1, %mul3A_35 : i32
    %mul3A_37 = arith.constant 632 : i32
    %mul3A_38 = arith.muli %arg1, %mul3A_37 : i32
    "tpu.region"() ({
      %run_scoped3A = tpu.sem_alloc : memref<!tpu.dma_semaphore, #tpu.memory_space<semaphore_mem>>
      %dma_start3A_39 = arith.constant 0 : i32
      %dma_start3A_40 = tpu.memref_slice %arg9[%arg0, %mul3A_38, %dma_start3A_39] : memref<2x10112x32xf32, #tpu.memory_space<hbm>> -> memref<1x632x32xf32, #tpu.memory_space<hbm>>
      %dma_start3A_41 = tpu.memref_squeeze %dma_start3A_40 : memref<1x632x32xf32, #tpu.memory_space<hbm>> -> memref<632x32xf32, #tpu.memory_space<hbm>>
      %dma_start3A_42 = arith.constant 0 : i32
      %dma_start3A_43 = tpu.memref_slice %arg18[%mul3A_36, %dma_start3A_42] : memref<10112x32xf32, #tpu.memory_space<vmem_shared>> -> memref<632x32xf32, #tpu.memory_space<vmem_shared>>
      tpu.enqueue_dma source(%dma_start3A_43 : memref<632x32xf32, #tpu.memory_space<vmem_shared>>) target(%dma_start3A_41 : memref<632x32xf32, #tpu.memory_space<hbm>>) target_semaphore(%run_scoped3A : memref<!tpu.dma_semaphore, #tpu.memory_space<semaphore_mem>>)
      %dma_wait3A = arith.constant 0 : i32
      %dma_wait3A_44 = tpu.memref_slice %arg9[%arg0, %mul3A_38, %dma_wait3A] : memref<2x10112x32xf32, #tpu.memory_space<hbm>> -> memref<1x632x32xf32, #tpu.memory_space<hbm>>
      %dma_wait3A_45 = tpu.memref_squeeze %dma_wait3A_44 : memref<1x632x32xf32, #tpu.memory_space<hbm>> -> memref<632x32xf32, #tpu.memory_space<hbm>>
      %dma_wait3A_46 = arith.constant 0 : i32
      %dma_wait3A_47 = tpu.memref_slice %arg18[%mul3A_36, %dma_wait3A_46] : memref<10112x32xf32, #tpu.memory_space<vmem_shared>> -> memref<632x32xf32, #tpu.memory_space<vmem_shared>>
      tpu.wait_dma2 semaphore(%run_scoped3A : memref<!tpu.dma_semaphore, #tpu.memory_space<semaphore_mem>>) src(%dma_wait3A_47 : memref<632x32xf32, #tpu.memory_space<vmem_shared>>) dst(%dma_wait3A_45 : memref<632x32xf32, #tpu.memory_space<hbm>>)
      tpu.yield
    }) : () -> ()
    return
  }
}

#map = affine_map<(d0, d1) -> (0, 0)>
#map1 = affine_map<(d0, d1) -> (0)>
#map2 = affine_map<(d0, d1) -> (0, 0, 0)>
module attributes {stable_mosaic.version = 14 : i64} {
  func.func @k(%arg0: i32, %arg1: i32, %arg2: memref<10000x272xf32, #tpu.memory_space<hbm>>, %arg3: memref<655360xf32, #tpu.memory_space<hbm>>, %arg4: memref<4x16xf32, #tpu.memory_space<hbm>>, %arg5: memref<1x16xf32, #tpu.memory_space<hbm>>, %arg6: memref<1280x128xi32, #tpu.memory_space<hbm>>, %arg7: memref<1280x128xi32, #tpu.memory_space<hbm>>, %arg8: memref<632x32xf32, #tpu.memory_space<hbm>>, %arg9: memref<2x10112x32xf32, #tpu.memory_space<hbm>>, %arg10: memref<40x128xi32, #tpu.memory_space<vmem>>, %arg11: memref<40x128xi32, #tpu.memory_space<vmem>>, %arg12: memref<20480xf32, #tpu.memory_space<vmem>>, %arg13: memref<4x16xf32, #tpu.memory_space<vmem>>, %arg14: memref<1x16xf32, #tpu.memory_space<vmem>>, %arg15: memref<128x272xf32, #tpu.memory_space<vmem>>, %arg16: memref<128x272xf32, #tpu.memory_space<vmem>>, %arg17: memref<128x32xf32, #tpu.memory_space<vmem>>, %arg18: memref<10112x32xf32, #tpu.memory_space<vmem_shared>>, %arg19: memref<!tpu.dma_semaphore, #tpu.memory_space<semaphore_mem>>, %arg20: memref<!tpu.dma_semaphore, #tpu.memory_space<semaphore_mem>>) attributes {dimension_semantics = [#tpu.dimension_semantics<core_parallel>, #tpu.dimension_semantics<subcore_parallel>], iteration_bounds = array<i64: 2, 16>, scalar_prefetch = 0 : i64, scratch_operands = 11 : i64, tpu.core_type = #tpu.core_type<sc_vector_subcore>, window_params = [{transform_indices = #map}, {transform_indices = #map1}, {transform_indices = #map}, {transform_indices = #map}, {transform_indices = #map}, {transform_indices = #map}, {transform_indices = #map}, {transform_indices = #map2}]} {
    %mul3A = arith.constant 16 : i32
    %mul3A_0 = arith.muli %arg0, %mul3A : i32
    %add3A = arith.addi %mul3A_0, %arg1 : i32
    %mul3A_1 = arith.constant 632 : i32
    %mul3A_2 = arith.muli %arg1, %mul3A_1 : i32
    "tpu.region"() ({
      %run_scoped3A = tpu.sem_alloc : memref<!tpu.dma_semaphore, #tpu.memory_space<semaphore_mem>>
      %dma_start3A_39 = arith.constant 0 : i32
      %dma_start3A_40 = tpu.memref_slice %arg18[%mul3A_2, %dma_start3A_39] : memref<10112x32xf32, #tpu.memory_space<vmem_shared>> -> memref<632x32xf32, #tpu.memory_space<vmem_shared>>
      tpu.enqueue_dma source(%arg8 : memref<632x32xf32, #tpu.memory_space<hbm>>) target(%dma_start3A_40 : memref<632x32xf32, #tpu.memory_space<vmem_shared>>) target_semaphore(%run_scoped3A : memref<!tpu.dma_semaphore, #tpu.memory_space<semaphore_mem>>)
      %dma_wait3A = arith.constant 0 : i32
      %dma_wait3A_41 = tpu.memref_slice %arg18[%mul3A_2, %dma_wait3A] : memref<10112x32xf32, #tpu.memory_space<vmem_shared>> -> memref<632x32xf32, #tpu.memory_space<vmem_shared>>
      tpu.wait_dma2 semaphore(%run_scoped3A : memref<!tpu.dma_semaphore, #tpu.memory_space<semaphore_mem>>) src(%arg8 : memref<632x32xf32, #tpu.memory_space<hbm>>) dst(%dma_wait3A_41 : memref<632x32xf32, #tpu.memory_space<vmem_shared>>)
      tpu.yield
    }) : () -> ()
    %mul3A_3 = arith.constant 40 : i32
    %mul3A_4 = arith.muli %add3A, %mul3A_3 : i32
    "tpu.region"() ({
      %run_scoped3A = tpu.sem_alloc : memref<!tpu.dma_semaphore, #tpu.memory_space<semaphore_mem>>
      %dma_start3A_39 = arith.constant 0 : i32
      %dma_start3A_40 = tpu.memref_slice %arg6[%mul3A_4, %dma_start3A_39] : memref<1280x128xi32, #tpu.memory_space<hbm>> -> memref<40x128xi32, #tpu.memory_space<hbm>>
      %dma_start3A_41 = arith.constant 0 : i32
      %dma_start3A_42 = tpu.memref_slice %arg6[%mul3A_4, %dma_start3A_41] : memref<1280x128xi32, #tpu.memory_space<hbm>> -> memref<40x128xi32, #tpu.memory_space<hbm>>
      tpu.enqueue_dma source(%dma_start3A_42 : memref<40x128xi32, #tpu.memory_space<hbm>>) target(%arg10 : memref<40x128xi32, #tpu.memory_space<vmem>>) target_semaphore(%run_scoped3A : memref<!tpu.dma_semaphore, #tpu.memory_space<semaphore_mem>>)
      %dma_wait3A = arith.constant 0 : i32
      %dma_wait3A_43 = tpu.memref_slice %arg6[%mul3A_4, %dma_wait3A] : memref<1280x128xi32, #tpu.memory_space<hbm>> -> memref<40x128xi32, #tpu.memory_space<hbm>>
      %dma_wait3A_44 = arith.constant 0 : i32
      %dma_wait3A_45 = tpu.memref_slice %arg6[%mul3A_4, %dma_wait3A_44] : memref<1280x128xi32, #tpu.memory_space<hbm>> -> memref<40x128xi32, #tpu.memory_space<hbm>>
      tpu.wait_dma2 semaphore(%run_scoped3A : memref<!tpu.dma_semaphore, #tpu.memory_space<semaphore_mem>>) src(%dma_wait3A_45 : memref<40x128xi32, #tpu.memory_space<hbm>>) dst(%arg10 : memref<40x128xi32, #tpu.memory_space<vmem>>)
      tpu.yield
    }) : () -> ()
    %mul3A_5 = arith.constant 40 : i32
    %mul3A_6 = arith.muli %add3A, %mul3A_5 : i32
    "tpu.region"() ({
      %run_scoped3A = tpu.sem_alloc : memref<!tpu.dma_semaphore, #tpu.memory_space<semaphore_mem>>
      %dma_start3A_39 = arith.constant 0 : i32
      %dma_start3A_40 = tpu.memref_slice %arg7[%mul3A_6, %dma_start3A_39] : memref<1280x128xi32, #tpu.memory_space<hbm>> -> memref<40x128xi32, #tpu.memory_space<hbm>>
      %dma_start3A_41 = arith.constant 0 : i32
      %dma_start3A_42 = tpu.memref_slice %arg7[%mul3A_6, %dma_start3A_41] : memref<1280x128xi32, #tpu.memory_space<hbm>> -> memref<40x128xi32, #tpu.memory_space<hbm>>
      tpu.enqueue_dma source(%dma_start3A_42 : memref<40x128xi32, #tpu.memory_space<hbm>>) target(%arg11 : memref<40x128xi32, #tpu.memory_space<vmem>>) target_semaphore(%run_scoped3A : memref<!tpu.dma_semaphore, #tpu.memory_space<semaphore_mem>>)
      %dma_wait3A = arith.constant 0 : i32
      %dma_wait3A_43 = tpu.memref_slice %arg7[%mul3A_6, %dma_wait3A] : memref<1280x128xi32, #tpu.memory_space<hbm>> -> memref<40x128xi32, #tpu.memory_space<hbm>>
      %dma_wait3A_44 = arith.constant 0 : i32
      %dma_wait3A_45 = tpu.memref_slice %arg7[%mul3A_6, %dma_wait3A_44] : memref<1280x128xi32, #tpu.memory_space<hbm>> -> memref<40x128xi32, #tpu.memory_space<hbm>>
      tpu.wait_dma2 semaphore(%run_scoped3A : memref<!tpu.dma_semaphore, #tpu.memory_space<semaphore_mem>>) src(%dma_wait3A_45 : memref<40x128xi32, #tpu.memory_space<hbm>>) dst(%arg11 : memref<40x128xi32, #tpu.memory_space<vmem>>)
      tpu.yield
    }) : () -> ()
    %mul3A_7 = arith.constant 5120 : i32
    %mul3A_8 = arith.muli %add3A, %mul3A_7 : i32
    %mul3A_9 = arith.constant 4 : i32
    %mul3A_10 = arith.muli %mul3A_8, %mul3A_9 : i32
    "tpu.region"() ({
      %run_scoped3A = tpu.sem_alloc : memref<!tpu.dma_semaphore, #tpu.memory_space<semaphore_mem>>
      %dma_start3A_39 = tpu.memref_slice %arg3[%mul3A_10] : memref<655360xf32, #tpu.memory_space<hbm>> -> memref<20480xf32, #tpu.memory_space<hbm>>
      %dma_start3A_40 = tpu.memref_slice %arg3[%mul3A_10] : memref<655360xf32, #tpu.memory_space<hbm>> -> memref<20480xf32, #tpu.memory_space<hbm>>
      tpu.enqueue_dma source(%dma_start3A_40 : memref<20480xf32, #tpu.memory_space<hbm>>) target(%arg12 : memref<20480xf32, #tpu.memory_space<vmem>>) target_semaphore(%run_scoped3A : memref<!tpu.dma_semaphore, #tpu.memory_space<semaphore_mem>>)
      %dma_wait3A = tpu.memref_slice %arg3[%mul3A_10] : memref<655360xf32, #tpu.memory_space<hbm>> -> memref<20480xf32, #tpu.memory_space<hbm>>
      %dma_wait3A_41 = tpu.memref_slice %arg3[%mul3A_10] : memref<655360xf32, #tpu.memory_space<hbm>> -> memref<20480xf32, #tpu.memory_space<hbm>>
      tpu.wait_dma2 semaphore(%run_scoped3A : memref<!tpu.dma_semaphore, #tpu.memory_space<semaphore_mem>>) src(%dma_wait3A_41 : memref<20480xf32, #tpu.memory_space<hbm>>) dst(%arg12 : memref<20480xf32, #tpu.memory_space<vmem>>)
      tpu.yield
    }) : () -> ()
    "tpu.region"() ({
      %run_scoped3A = tpu.sem_alloc : memref<!tpu.dma_semaphore, #tpu.memory_space<semaphore_mem>>
      tpu.enqueue_dma source(%arg4 : memref<4x16xf32, #tpu.memory_space<hbm>>) target(%arg13 : memref<4x16xf32, #tpu.memory_space<vmem>>) target_semaphore(%run_scoped3A : memref<!tpu.dma_semaphore, #tpu.memory_space<semaphore_mem>>)
      tpu.wait_dma2 semaphore(%run_scoped3A : memref<!tpu.dma_semaphore, #tpu.memory_space<semaphore_mem>>) src(%arg4 : memref<4x16xf32, #tpu.memory_space<hbm>>) dst(%arg13 : memref<4x16xf32, #tpu.memory_space<vmem>>)
      tpu.yield
    }) : () -> ()
    "tpu.region"() ({
      %run_scoped3A = tpu.sem_alloc : memref<!tpu.dma_semaphore, #tpu.memory_space<semaphore_mem>>
      tpu.enqueue_dma source(%arg5 : memref<1x16xf32, #tpu.memory_space<hbm>>) target(%arg14 : memref<1x16xf32, #tpu.memory_space<vmem>>) target_semaphore(%run_scoped3A : memref<!tpu.dma_semaphore, #tpu.memory_space<semaphore_mem>>)
      tpu.wait_dma2 semaphore(%run_scoped3A : memref<!tpu.dma_semaphore, #tpu.memory_space<semaphore_mem>>) src(%arg5 : memref<1x16xf32, #tpu.memory_space<hbm>>) dst(%arg14 : memref<1x16xf32, #tpu.memory_space<vmem>>)
      tpu.yield
    }) : () -> ()
    %iota3A = tpu.iota {dimensions = array<i32: 0>} : vector<16xi32>
    %eq3A = arith.constant 0 : i32
    %eq3A_11 = vector.broadcast %eq3A : i32 to vector<16xi32>
    %eq3A_12 = arith.cmpi eq, %iota3A, %eq3A_11 : vector<16xi32>
    %jit3A = arith.constant 1.000000e+00 : f32
    %jit3A_13 = arith.constant 0.000000e+00 : f32
    %broadcast_in_dim3A = vector.broadcast %jit3A : f32 to vector<16xf32>
    %broadcast_in_dim3A_14 = vector.broadcast %jit3A_13 : f32 to vector<16xf32>
    %select_n3A = arith.select %eq3A_12, %broadcast_in_dim3A, %broadcast_in_dim3A_14 : vector<16xi1>, vector<16xf32>
    %scan3A = arith.constant 0 : i32
    %scan3A_15 = arith.constant 0 : i32
    %scan3A_16 = arith.constant 128 : i32
    %scan3A_17 = arith.addi %scan3A_15, %scan3A_16 : i32
    %scan3A_18 = arith.constant 1 : i32
    %scan3A_19 = scf.for %scan3A_39 = %scan3A_15 to %scan3A_17 step %scan3A_18 iter_args(%scan3A_40 = %scan3A) -> (i32)  : i32 {
      %swap3A = arith.index_cast %scan3A_39 : i32 to index
      %swap3A_41 = arith.constant 16 : index
      %swap3A_42 = tpu.vector_load %arg17[%swap3A, %swap3A_41] {strides = array<i32>} : memref<128x32xf32, #tpu.memory_space<vmem>>, vector<1x16xf32>,
      %swap3A_43 = vector.shape_cast %swap3A_42 : vector<1x16xf32> to vector<16xf32>
      %swap3A_44 = vector.shape_cast %select_n3A : vector<16xf32> to vector<1x16xf32>
      tpu.vector_store %arg17[%swap3A, %swap3A_41], %swap3A_44 {strides = array<i32>} : memref<128x32xf32, #tpu.memory_space<vmem>>, vector<1x16xf32>,
      %scan3A_45 = arith.constant 0 : i32
      scf.yield %scan3A_45 : i32
    }
    %scan3A_20 = arith.constant 128 : i32
    %barrier3A = arith.constant 0 : index
    tpu.barrier barrier_id(%barrier3A)
    %dma_start3A = arith.constant 0 : i32
    %dma_start3A_21 = arith.constant 0 : i32
    %dma_start3A_22 = tpu.memref_slice %arg10[%dma_start3A, %dma_start3A_21] : memref<40x128xi32, #tpu.memory_space<vmem>> -> memref<1x128xi32, #tpu.memory_space<vmem>>
    %dma_start3A_23 = tpu.memref_squeeze %dma_start3A_22 : memref<1x128xi32, #tpu.memory_space<vmem>> -> memref<128xi32, #tpu.memory_space<vmem>>
    %dma_start3A_24 = arith.constant 0 : i32
    %dma_start3A_25 = arith.constant 0 : i32
    %dma_start3A_26 = tpu.memref_slice %arg2[%dma_start3A_24, %dma_start3A_25] : memref<10000x272xf32, #tpu.memory_space<hbm>> -> memref<10000x272xf32, #tpu.memory_space<hbm>>
    tpu.enqueue_indirect_dma source(%dma_start3A_26 : memref<10000x272xf32, #tpu.memory_space<hbm>>) target(%arg15 : memref<128x272xf32, #tpu.memory_space<vmem>>) offsets(%dma_start3A_23 : memref<128xi32, #tpu.memory_space<vmem>>) semaphore(%arg19 : memref<!tpu.dma_semaphore, #tpu.memory_space<semaphore_mem>>)
    %scan3A_27 = arith.constant 0 : i32
    %scan3A_28 = arith.constant 0 : i32
    %scan3A_29 = arith.constant 20 : i32
    %scan3A_30 = arith.addi %scan3A_28, %scan3A_29 : i32
    %scan3A_31 = arith.constant 1 : i32
    %scan3A_32 = scf.for %scan3A_39 = %scan3A_28 to %scan3A_30 step %scan3A_31 iter_args(%scan3A_40 = %scan3A_27) -> (i32)  : i32 {
      %mul3A_41 = arith.constant 2 : i32
      %mul3A_42 = arith.muli %mul3A_41, %scan3A_39 : i32
      %add3A_43 = arith.constant 1 : i32
      %add3A_44 = arith.addi %mul3A_42, %add3A_43 : i32
      %dma_start3A_45 = arith.constant 0 : i32
      %dma_start3A_46 = tpu.memref_slice %arg10[%add3A_44, %dma_start3A_45] : memref<40x128xi32, #tpu.memory_space<vmem>> -> memref<1x128xi32, #tpu.memory_space<vmem>>
      %dma_start3A_47 = tpu.memref_squeeze %dma_start3A_46 : memref<1x128xi32, #tpu.memory_space<vmem>> -> memref<128xi32, #tpu.memory_space<vmem>>
      %dma_start3A_48 = arith.constant 0 : i32
      %dma_start3A_49 = arith.constant 0 : i32
      %dma_start3A_50 = tpu.memref_slice %arg2[%dma_start3A_48, %dma_start3A_49] : memref<10000x272xf32, #tpu.memory_space<hbm>> -> memref<10000x272xf32, #tpu.memory_space<hbm>>
      tpu.enqueue_indirect_dma source(%dma_start3A_50 : memref<10000x272xf32, #tpu.memory_space<hbm>>) target(%arg16 : memref<128x272xf32, #tpu.memory_space<vmem>>) offsets(%dma_start3A_47 : memref<128xi32, #tpu.memory_space<vmem>>) semaphore(%arg20 : memref<!tpu.dma_semaphore, #tpu.memory_space<semaphore_mem>>)
      %dma_wait3A = arith.constant 0 : i32
      %dma_wait3A_51 = arith.constant 0 : i32
      %dma_wait3A_52 = tpu.memref_slice %arg10[%dma_wait3A, %dma_wait3A_51] : memref<40x128xi32, #tpu.memory_space<vmem>> -> memref<1x128xi32, #tpu.memory_space<vmem>>
      %dma_wait3A_53 = tpu.memref_squeeze %dma_wait3A_52 : memref<1x128xi32, #tpu.memory_space<vmem>> -> memref<128xi32, #tpu.memory_space<vmem>>
      %dma_wait3A_54 = arith.constant 0 : i32
      %dma_wait3A_55 = arith.constant 0 : i32
      %dma_wait3A_56 = tpu.memref_slice %arg2[%dma_wait3A_54, %dma_wait3A_55] : memref<10000x272xf32, #tpu.memory_space<hbm>> -> memref<10000x272xf32, #tpu.memory_space<hbm>>
      tpu.wait_indirect_dma semaphore(%arg19 : memref<!tpu.dma_semaphore, #tpu.memory_space<semaphore_mem>>) src(%dma_wait3A_56 : memref<10000x272xf32, #tpu.memory_space<hbm>>) dst(%arg15 : memref<128x272xf32, #tpu.memory_space<vmem>>)
      %get3A = arith.constant 0 : i32
      %get3A_57 = arith.index_cast %get3A : i32 to index
      %get3A_58 = arith.constant 0 : index
      %get3A_59 = tpu.vector_load %arg13[%get3A_57, %get3A_58] {strides = array<i32>} : memref<4x16xf32, #tpu.memory_space<vmem>>, vector<1x16xf32>,
      %get3A_60 = vector.shape_cast %get3A_59 : vector<1x16xf32> to vector<16xf32>
      %get3A_61 = arith.constant 1 : i32
      %get3A_62 = arith.index_cast %get3A_61 : i32 to index
      %get3A_63 = arith.constant 0 : index
      %get3A_64 = tpu.vector_load %arg13[%get3A_62, %get3A_63] {strides = array<i32>} : memref<4x16xf32, #tpu.memory_space<vmem>>, vector<1x16xf32>,
      %get3A_65 = vector.shape_cast %get3A_64 : vector<1x16xf32> to vector<16xf32>
      %get3A_66 = arith.constant 2 : i32
      %get3A_67 = arith.index_cast %get3A_66 : i32 to index
      %get3A_68 = arith.constant 0 : index
      %get3A_69 = tpu.vector_load %arg13[%get3A_67, %get3A_68] {strides = array<i32>} : memref<4x16xf32, #tpu.memory_space<vmem>>, vector<1x16xf32>,
      %get3A_70 = vector.shape_cast %get3A_69 : vector<1x16xf32> to vector<16xf32>
      %get3A_71 = arith.constant 3 : i32
      %get3A_72 = arith.index_cast %get3A_71 : i32 to index
      %get3A_73 = arith.constant 0 : index
      %get3A_74 = tpu.vector_load %arg13[%get3A_72, %get3A_73] {strides = array<i32>} : memref<4x16xf32, #tpu.memory_space<vmem>>, vector<1x16xf32>,
      %get3A_75 = vector.shape_cast %get3A_74 : vector<1x16xf32> to vector<16xf32>
      %get3A_76 = arith.constant 0 : i32
      %get3A_77 = arith.index_cast %get3A_76 : i32 to index
      %get3A_78 = arith.constant 0 : index
      %get3A_79 = tpu.vector_load %arg14[%get3A_77, %get3A_78] {strides = array<i32>} : memref<1x16xf32, #tpu.memory_space<vmem>>, vector<1x16xf32>,
      %get3A_80 = vector.shape_cast %get3A_79 : vector<1x16xf32> to vector<16xf32>
      %scan3A_81 = arith.constant 0 : i32
      %scan3A_82 = arith.constant 0 : i32
      %scan3A_83 = arith.constant 64 : i32
      %scan3A_84 = arith.addi %scan3A_82, %scan3A_83 : i32
      %scan3A_85 = arith.constant 1 : i32
      %scan3A_86 = scf.for %scan3A_132 = %scan3A_82 to %scan3A_84 step %scan3A_85 iter_args(%scan3A_133 = %scan3A_81) -> (i32)  : i32 {
        %mul3A_134 = arith.constant 512 : i32
        %mul3A_135 = arith.muli %mul3A_42, %mul3A_134 : i32
        %mul3A_136 = arith.constant 8 : i32
        %mul3A_137 = arith.muli %scan3A_132, %mul3A_136 : i32
        %add3A_138 = arith.addi %mul3A_135, %mul3A_137 : i32
        %get3A_139 = arith.index_cast %add3A_138 : i32 to index
        %get3A_140 = tpu.vector_load %arg12[%get3A_139] {strides = array<i32>} : memref<20480xf32, #tpu.memory_space<vmem>>, vector<16xf32>,
        %get3A_141 = vector.shape_cast %get3A_140 : vector<16xf32> to vector<16xf32>
        %mul3A_142 = arith.constant 2 : i32
        %mul3A_143 = arith.muli %mul3A_142, %scan3A_132 : i32
        %add3A_144 = arith.constant 0 : i32
        %add3A_145 = arith.addi %mul3A_143, %add3A_144 : i32
        %slice3A = vector.extract_strided_slice %get3A_141 {offsets = [0], sizes = [1], strides = [1]} : vector<16xf32> to vector<1xf32>
        %squeeze3A = vector.extract %slice3A[0] : f32 from vector<1xf32>
        %mul3A_146 = vector.broadcast %squeeze3A : f32 to vector<16xf32>
        %mul3A_147 = arith.mulf %mul3A_146, %get3A_60 : vector<16xf32>
        %slice3A_148 = vector.extract_strided_slice %get3A_141 {offsets = [1], sizes = [1], strides = [1]} : vector<16xf32> to vector<1xf32>
        %squeeze3A_149 = vector.extract %slice3A_148[0] : f32 from vector<1xf32>
        %mul3A_150 = vector.broadcast %squeeze3A_149 : f32 to vector<16xf32>
        %mul3A_151 = arith.mulf %mul3A_150, %get3A_65 : vector<16xf32>
        %add3A_152 = arith.addf %mul3A_147, %mul3A_151 : vector<16xf32>
        %slice3A_153 = vector.extract_strided_slice %get3A_141 {offsets = [2], sizes = [1], strides = [1]} : vector<16xf32> to vector<1xf32>
        %squeeze3A_154 = vector.extract %slice3A_153[0] : f32 from vector<1xf32>
        %mul3A_155 = vector.broadcast %squeeze3A_154 : f32 to vector<16xf32>
        %mul3A_156 = arith.mulf %mul3A_155, %get3A_70 : vector<16xf32>
        %add3A_157 = arith.addf %add3A_152, %mul3A_156 : vector<16xf32>
        %slice3A_158 = vector.extract_strided_slice %get3A_141 {offsets = [3], sizes = [1], strides = [1]} : vector<16xf32> to vector<1xf32>
        %squeeze3A_159 = vector.extract %slice3A_158[0] : f32 from vector<1xf32>
        %mul3A_160 = vector.broadcast %squeeze3A_159 : f32 to vector<16xf32>
        %mul3A_161 = arith.mulf %mul3A_160, %get3A_75 : vector<16xf32>
        %add3A_162 = arith.addf %add3A_157, %mul3A_161 : vector<16xf32>
        %add3A_163 = arith.addf %add3A_162, %get3A_80 : vector<16xf32>
        %max3A = arith.constant 0.000000e+00 : f32
        %max3A_164 = vector.broadcast %max3A : f32 to vector<16xf32>
        %max3A_165 = arith.maximumf %add3A_163, %max3A_164 : vector<16xf32>
        %get3A_166 = arith.index_cast %add3A_145 : i32 to index
        %get3A_167 = arith.constant 256 : index
        %get3A_168 = tpu.vector_load %arg15[%get3A_166, %get3A_167] {strides = array<i32>} : memref<128x272xf32, #tpu.memory_space<vmem>>, vector<1x16xf32>,
        %get3A_169 = vector.shape_cast %get3A_168 : vector<1x16xf32> to vector<16xf32>
        %slice3A_170 = vector.extract_strided_slice %max3A_165 {offsets = [0], sizes = [1], strides = [1]} : vector<16xf32> to vector<1xf32>
        %squeeze3A_171 = vector.extract %slice3A_170[0] : f32 from vector<1xf32>
        %get3A_172 = arith.index_cast %add3A_145 : i32 to index
        %get3A_173 = arith.constant 0 : index
        %get3A_174 = tpu.vector_load %arg15[%get3A_172, %get3A_173] {strides = array<i32>} : memref<128x272xf32, #tpu.memory_space<vmem>>, vector<1x16xf32>,
        %get3A_175 = vector.shape_cast %get3A_174 : vector<1x16xf32> to vector<16xf32>
        %mul3A_176 = vector.broadcast %squeeze3A_171 : f32 to vector<16xf32>
        %mul3A_177 = arith.mulf %mul3A_176, %get3A_175 : vector<16xf32>
        %slice3A_178 = vector.extract_strided_slice %max3A_165 {offsets = [1], sizes = [1], strides = [1]} : vector<16xf32> to vector<1xf32>
        %squeeze3A_179 = vector.extract %slice3A_178[0] : f32 from vector<1xf32>
        %get3A_180 = arith.index_cast %add3A_145 : i32 to index
        %get3A_181 = arith.constant 16 : index
        %get3A_182 = tpu.vector_load %arg15[%get3A_180, %get3A_181] {strides = array<i32>} : memref<128x272xf32, #tpu.memory_space<vmem>>, vector<1x16xf32>,
        %get3A_183 = vector.shape_cast %get3A_182 : vector<1x16xf32> to vector<16xf32>
        %mul3A_184 = vector.broadcast %squeeze3A_179 : f32 to vector<16xf32>
        %mul3A_185 = arith.mulf %mul3A_184, %get3A_183 : vector<16xf32>
        %slice3A_186 = vector.extract_strided_slice %max3A_165 {offsets = [2], sizes = [1], strides = [1]} : vector<16xf32> to vector<1xf32>
        %squeeze3A_187 = vector.extract %slice3A_186[0] : f32 from vector<1xf32>
        %get3A_188 = arith.index_cast %add3A_145 : i32 to index
        %get3A_189 = arith.constant 32 : index
        %get3A_190 = tpu.vector_load %arg15[%get3A_188, %get3A_189] {strides = array<i32>} : memref<128x272xf32, #tpu.memory_space<vmem>>, vector<1x16xf32>,
        %get3A_191 = vector.shape_cast %get3A_190 : vector<1x16xf32> to vector<16xf32>
        %mul3A_192 = vector.broadcast %squeeze3A_187 : f32 to vector<16xf32>
        %mul3A_193 = arith.mulf %mul3A_192, %get3A_191 : vector<16xf32>
        %slice3A_194 = vector.extract_strided_slice %max3A_165 {offsets = [3], sizes = [1], strides = [1]} : vector<16xf32> to vector<1xf32>
        %squeeze3A_195 = vector.extract %slice3A_194[0] : f32 from vector<1xf32>
        %get3A_196 = arith.index_cast %add3A_145 : i32 to index
        %get3A_197 = arith.constant 48 : index
        %get3A_198 = tpu.vector_load %arg15[%get3A_196, %get3A_197] {strides = array<i32>} : memref<128x272xf32, #tpu.memory_space<vmem>>, vector<1x16xf32>,
        %get3A_199 = vector.shape_cast %get3A_198 : vector<1x16xf32> to vector<16xf32>
        %mul3A_200 = vector.broadcast %squeeze3A_195 : f32 to vector<16xf32>
        %mul3A_201 = arith.mulf %mul3A_200, %get3A_199 : vector<16xf32>
        %add3A_202 = arith.addf %mul3A_193, %mul3A_201 : vector<16xf32>
        %slice3A_203 = vector.extract_strided_slice %max3A_165 {offsets = [4], sizes = [1], strides = [1]} : vector<16xf32> to vector<1xf32>
        %squeeze3A_204 = vector.extract %slice3A_203[0] : f32 from vector<1xf32>
        %get3A_205 = arith.index_cast %add3A_145 : i32 to index
        %get3A_206 = arith.constant 64 : index
        %get3A_207 = tpu.vector_load %arg15[%get3A_205, %get3A_206] {strides = array<i32>} : memref<128x272xf32, #tpu.memory_space<vmem>>, vector<1x16xf32>,
        %get3A_208 = vector.shape_cast %get3A_207 : vector<1x16xf32> to vector<16xf32>
        %mul3A_209 = vector.broadcast %squeeze3A_204 : f32 to vector<16xf32>
        %mul3A_210 = arith.mulf %mul3A_209, %get3A_208 : vector<16xf32>
        %add3A_211 = arith.addf %get3A_169, %mul3A_210 : vector<16xf32>
        %slice3A_212 = vector.extract_strided_slice %max3A_165 {offsets = [5], sizes = [1], strides = [1]} : vector<16xf32> to vector<1xf32>
        %squeeze3A_213 = vector.extract %slice3A_212[0] : f32 from vector<1xf32>
        %get3A_214 = arith.index_cast %add3A_145 : i32 to index
        %get3A_215 = arith.constant 80 : index
        %get3A_216 = tpu.vector_load %arg15[%get3A_214, %get3A_215] {strides = array<i32>} : memref<128x272xf32, #tpu.memory_space<vmem>>, vector<1x16xf32>,
        %get3A_217 = vector.shape_cast %get3A_216 : vector<1x16xf32> to vector<16xf32>
        %mul3A_218 = vector.broadcast %squeeze3A_213 : f32 to vector<16xf32>
        %mul3A_219 = arith.mulf %mul3A_218, %get3A_217 : vector<16xf32>
        %add3A_220 = arith.addf %mul3A_177, %mul3A_219 : vector<16xf32>
        %slice3A_221 = vector.extract_strided_slice %max3A_165 {offsets = [6], sizes = [1], strides = [1]} : vector<16xf32> to vector<1xf32>
        %squeeze3A_222 = vector.extract %slice3A_221[0] : f32 from vector<1xf32>
        %get3A_223 = arith.index_cast %add3A_145 : i32 to index
        %get3A_224 = arith.constant 96 : index
        %get3A_225 = tpu.vector_load %arg15[%get3A_223, %get3A_224] {strides = array<i32>} : memref<128x272xf32, #tpu.memory_space<vmem>>, vector<1x16xf32>,
        %get3A_226 = vector.shape_cast %get3A_225 : vector<1x16xf32> to vector<16xf32>
        %mul3A_227 = vector.broadcast %squeeze3A_222 : f32 to vector<16xf32>
        %mul3A_228 = arith.mulf %mul3A_227, %get3A_226 : vector<16xf32>
        %add3A_229 = arith.addf %mul3A_185, %mul3A_228 : vector<16xf32>
        %slice3A_230 = vector.extract_strided_slice %max3A_165 {offsets = [7], sizes = [1], strides = [1]} : vector<16xf32> to vector<1xf32>
        %squeeze3A_231 = vector.extract %slice3A_230[0] : f32 from vector<1xf32>
        %get3A_232 = arith.index_cast %add3A_145 : i32 to index
        %get3A_233 = arith.constant 112 : index
        %get3A_234 = tpu.vector_load %arg15[%get3A_232, %get3A_233] {strides = array<i32>} : memref<128x272xf32, #tpu.memory_space<vmem>>, vector<1x16xf32>,
        %get3A_235 = vector.shape_cast %get3A_234 : vector<1x16xf32> to vector<16xf32>
        %mul3A_236 = vector.broadcast %squeeze3A_231 : f32 to vector<16xf32>
        %mul3A_237 = arith.mulf %mul3A_236, %get3A_235 : vector<16xf32>
        %add3A_238 = arith.addf %add3A_202, %mul3A_237 : vector<16xf32>
        %slice3A_239 = vector.extract_strided_slice %max3A_165 {offsets = [8], sizes = [1], strides = [1]} : vector<16xf32> to vector<1xf32>
        %squeeze3A_240 = vector.extract %slice3A_239[0] : f32 from vector<1xf32>
        %get3A_241 = arith.index_cast %add3A_145 : i32 to index
        %get3A_242 = arith.constant 128 : index
        %get3A_243 = tpu.vector_load %arg15[%get3A_241, %get3A_242] {strides = array<i32>} : memref<128x272xf32, #tpu.memory_space<vmem>>, vector<1x16xf32>,
        %get3A_244 = vector.shape_cast %get3A_243 : vector<1x16xf32> to vector<16xf32>
        %mul3A_245 = vector.broadcast %squeeze3A_240 : f32 to vector<16xf32>
        %mul3A_246 = arith.mulf %mul3A_245, %get3A_244 : vector<16xf32>
        %add3A_247 = arith.addf %add3A_211, %mul3A_246 : vector<16xf32>
        %slice3A_248 = vector.extract_strided_slice %max3A_165 {offsets = [9], sizes = [1], strides = [1]} : vector<16xf32> to vector<1xf32>
        %squeeze3A_249 = vector.extract %slice3A_248[0] : f32 from vector<1xf32>
        %get3A_250 = arith.index_cast %add3A_145 : i32 to index
        %get3A_251 = arith.constant 144 : index
        %get3A_252 = tpu.vector_load %arg15[%get3A_250, %get3A_251] {strides = array<i32>} : memref<128x272xf32, #tpu.memory_space<vmem>>, vector<1x16xf32>,
        %get3A_253 = vector.shape_cast %get3A_252 : vector<1x16xf32> to vector<16xf32>
        %mul3A_254 = vector.broadcast %squeeze3A_249 : f32 to vector<16xf32>
        %mul3A_255 = arith.mulf %mul3A_254, %get3A_253 : vector<16xf32>
        %add3A_256 = arith.addf %add3A_220, %mul3A_255 : vector<16xf32>
        %slice3A_257 = vector.extract_strided_slice %max3A_165 {offsets = [10], sizes = [1], strides = [1]} : vector<16xf32> to vector<1xf32>
        %squeeze3A_258 = vector.extract %slice3A_257[0] : f32 from vector<1xf32>
        %get3A_259 = arith.index_cast %add3A_145 : i32 to index
        %get3A_260 = arith.constant 160 : index
        %get3A_261 = tpu.vector_load %arg15[%get3A_259, %get3A_260] {strides = array<i32>} : memref<128x272xf32, #tpu.memory_space<vmem>>, vector<1x16xf32>,
        %get3A_262 = vector.shape_cast %get3A_261 : vector<1x16xf32> to vector<16xf32>
        %mul3A_263 = vector.broadcast %squeeze3A_258 : f32 to vector<16xf32>
        %mul3A_264 = arith.mulf %mul3A_263, %get3A_262 : vector<16xf32>
        %add3A_265 = arith.addf %add3A_229, %mul3A_264 : vector<16xf32>
        %slice3A_266 = vector.extract_strided_slice %max3A_165 {offsets = [11], sizes = [1], strides = [1]} : vector<16xf32> to vector<1xf32>
        %squeeze3A_267 = vector.extract %slice3A_266[0] : f32 from vector<1xf32>
        %get3A_268 = arith.index_cast %add3A_145 : i32 to index
        %get3A_269 = arith.constant 176 : index
        %get3A_270 = tpu.vector_load %arg15[%get3A_268, %get3A_269] {strides = array<i32>} : memref<128x272xf32, #tpu.memory_space<vmem>>, vector<1x16xf32>,
        %get3A_271 = vector.shape_cast %get3A_270 : vector<1x16xf32> to vector<16xf32>
        %mul3A_272 = vector.broadcast %squeeze3A_267 : f32 to vector<16xf32>
        %mul3A_273 = arith.mulf %mul3A_272, %get3A_271 : vector<16xf32>
        %add3A_274 = arith.addf %add3A_238, %mul3A_273 : vector<16xf32>
        %slice3A_275 = vector.extract_strided_slice %max3A_165 {offsets = [12], sizes = [1], strides = [1]} : vector<16xf32> to vector<1xf32>
        %squeeze3A_276 = vector.extract %slice3A_275[0] : f32 from vector<1xf32>
        %get3A_277 = arith.index_cast %add3A_145 : i32 to index
        %get3A_278 = arith.constant 192 : index
        %get3A_279 = tpu.vector_load %arg15[%get3A_277, %get3A_278] {strides = array<i32>} : memref<128x272xf32, #tpu.memory_space<vmem>>, vector<1x16xf32>,
        %get3A_280 = vector.shape_cast %get3A_279 : vector<1x16xf32> to vector<16xf32>
        %mul3A_281 = vector.broadcast %squeeze3A_276 : f32 to vector<16xf32>
        %mul3A_282 = arith.mulf %mul3A_281, %get3A_280 : vector<16xf32>
        %add3A_283 = arith.addf %add3A_247, %mul3A_282 : vector<16xf32>
        %slice3A_284 = vector.extract_strided_slice %max3A_165 {offsets = [13], sizes = [1], strides = [1]} : vector<16xf32> to vector<1xf32>
        %squeeze3A_285 = vector.extract %slice3A_284[0] : f32 from vector<1xf32>
        %get3A_286 = arith.index_cast %add3A_145 : i32 to index
        %get3A_287 = arith.constant 208 : index
        %get3A_288 = tpu.vector_load %arg15[%get3A_286, %get3A_287] {strides = array<i32>} : memref<128x272xf32, #tpu.memory_space<vmem>>, vector<1x16xf32>,
        %get3A_289 = vector.shape_cast %get3A_288 : vector<1x16xf32> to vector<16xf32>
        %mul3A_290 = vector.broadcast %squeeze3A_285 : f32 to vector<16xf32>
        %mul3A_291 = arith.mulf %mul3A_290, %get3A_289 : vector<16xf32>
        %add3A_292 = arith.addf %add3A_256, %mul3A_291 : vector<16xf32>
        %slice3A_293 = vector.extract_strided_slice %max3A_165 {offsets = [14], sizes = [1], strides = [1]} : vector<16xf32> to vector<1xf32>
        %squeeze3A_294 = vector.extract %slice3A_293[0] : f32 from vector<1xf32>
        %get3A_295 = arith.index_cast %add3A_145 : i32 to index
        %get3A_296 = arith.constant 224 : index
        %get3A_297 = tpu.vector_load %arg15[%get3A_295, %get3A_296] {strides = array<i32>} : memref<128x272xf32, #tpu.memory_space<vmem>>, vector<1x16xf32>,
        %get3A_298 = vector.shape_cast %get3A_297 : vector<1x16xf32> to vector<16xf32>
        %mul3A_299 = vector.broadcast %squeeze3A_294 : f32 to vector<16xf32>
        %mul3A_300 = arith.mulf %mul3A_299, %get3A_298 : vector<16xf32>
        %add3A_301 = arith.addf %add3A_265, %mul3A_300 : vector<16xf32>
        %slice3A_302 = vector.extract_strided_slice %max3A_165 {offsets = [15], sizes = [1], strides = [1]} : vector<16xf32> to vector<1xf32>
        %squeeze3A_303 = vector.extract %slice3A_302[0] : f32 from vector<1xf32>
        %get3A_304 = arith.index_cast %add3A_145 : i32 to index
        %get3A_305 = arith.constant 240 : index
        %get3A_306 = tpu.vector_load %arg15[%get3A_304, %get3A_305] {strides = array<i32>} : memref<128x272xf32, #tpu.memory_space<vmem>>, vector<1x16xf32>,
        %get3A_307 = vector.shape_cast %get3A_306 : vector<1x16xf32> to vector<16xf32>
        %mul3A_308 = vector.broadcast %squeeze3A_303 : f32 to vector<16xf32>
        %mul3A_309 = arith.mulf %mul3A_308, %get3A_307 : vector<16xf32>
        %add3A_310 = arith.addf %add3A_274, %mul3A_309 : vector<16xf32>
        %add3A_311 = arith.addf %add3A_283, %add3A_292 : vector<16xf32>
        %add3A_312 = arith.addf %add3A_301, %add3A_310 : vector<16xf32>
        %add3A_313 = arith.addf %add3A_311, %add3A_312 : vector<16xf32>
        %swap3A = arith.index_cast %add3A_145 : i32 to index
        %swap3A_314 = arith.constant 0 : index
        %swap3A_315 = tpu.vector_load %arg17[%swap3A, %swap3A_314] {strides = array<i32>} : memref<128x32xf32, #tpu.memory_space<vmem>>, vector<1x16xf32>,
        %swap3A_316 = vector.shape_cast %swap3A_315 : vector<1x16xf32> to vector<16xf32>
        %swap3A_317 = vector.shape_cast %add3A_313 : vector<16xf32> to vector<1x16xf32>
        tpu.vector_store %arg17[%swap3A, %swap3A_314], %swap3A_317 {strides = array<i32>} : memref<128x32xf32, #tpu.memory_space<vmem>>, vector<1x16xf32>,
        %mul3A_318 = arith.constant 2 : i32
        %mul3A_319 = arith.muli %mul3A_318, %scan3A_132 : i32
        %add3A_320 = arith.constant 1 : i32
        %add3A_321 = arith.addi %mul3A_319, %add3A_320 : i32
        %slice3A_322 = vector.extract_strided_slice %get3A_141 {offsets = [4], sizes = [1], strides = [1]} : vector<16xf32> to vector<1xf32>
        %squeeze3A_323 = vector.extract %slice3A_322[0] : f32 from vector<1xf32>
        %mul3A_324 = vector.broadcast %squeeze3A_323 : f32 to vector<16xf32>
        %mul3A_325 = arith.mulf %mul3A_324, %get3A_60 : vector<16xf32>
        %slice3A_326 = vector.extract_strided_slice %get3A_141 {offsets = [5], sizes = [1], strides = [1]} : vector<16xf32> to vector<1xf32>
        %squeeze3A_327 = vector.extract %slice3A_326[0] : f32 from vector<1xf32>
        %mul3A_328 = vector.broadcast %squeeze3A_327 : f32 to vector<16xf32>
        %mul3A_329 = arith.mulf %mul3A_328, %get3A_65 : vector<16xf32>
        %add3A_330 = arith.addf %mul3A_325, %mul3A_329 : vector<16xf32>
        %slice3A_331 = vector.extract_strided_slice %get3A_141 {offsets = [6], sizes = [1], strides = [1]} : vector<16xf32> to vector<1xf32>
        %squeeze3A_332 = vector.extract %slice3A_331[0] : f32 from vector<1xf32>
        %mul3A_333 = vector.broadcast %squeeze3A_332 : f32 to vector<16xf32>
        %mul3A_334 = arith.mulf %mul3A_333, %get3A_70 : vector<16xf32>
        %add3A_335 = arith.addf %add3A_330, %mul3A_334 : vector<16xf32>
        %slice3A_336 = vector.extract_strided_slice %get3A_141 {offsets = [7], sizes = [1], strides = [1]} : vector<16xf32> to vector<1xf32>
        %squeeze3A_337 = vector.extract %slice3A_336[0] : f32 from vector<1xf32>
        %mul3A_338 = vector.broadcast %squeeze3A_337 : f32 to vector<16xf32>
        %mul3A_339 = arith.mulf %mul3A_338, %get3A_75 : vector<16xf32>
        %add3A_340 = arith.addf %add3A_335, %mul3A_339 : vector<16xf32>
        %add3A_341 = arith.addf %add3A_340, %get3A_80 : vector<16xf32>
        %max3A_342 = arith.constant 0.000000e+00 : f32
        %max3A_343 = vector.broadcast %max3A_342 : f32 to vector<16xf32>
        %max3A_344 = arith.maximumf %add3A_341, %max3A_343 : vector<16xf32>
        %get3A_345 = arith.index_cast %add3A_321 : i32 to index
        %get3A_346 = arith.constant 256 : index
        %get3A_347 = tpu.vector_load %arg15[%get3A_345, %get3A_346] {strides = array<i32>} : memref<128x272xf32, #tpu.memory_space<vmem>>, vector<1x16xf32>,
        %get3A_348 = vector.shape_cast %get3A_347 : vector<1x16xf32> to vector<16xf32>
        %slice3A_349 = vector.extract_strided_slice %max3A_344 {offsets = [0], sizes = [1], strides = [1]} : vector<16xf32> to vector<1xf32>
        %squeeze3A_350 = vector.extract %slice3A_349[0] : f32 from vector<1xf32>
        %get3A_351 = arith.index_cast %add3A_321 : i32 to index
        %get3A_352 = arith.constant 0 : index
        %get3A_353 = tpu.vector_load %arg15[%get3A_351, %get3A_352] {strides = array<i32>} : memref<128x272xf32, #tpu.memory_space<vmem>>, vector<1x16xf32>,
        %get3A_354 = vector.shape_cast %get3A_353 : vector<1x16xf32> to vector<16xf32>
        %mul3A_355 = vector.broadcast %squeeze3A_350 : f32 to vector<16xf32>
        %mul3A_356 = arith.mulf %mul3A_355, %get3A_354 : vector<16xf32>
        %slice3A_357 = vector.extract_strided_slice %max3A_344 {offsets = [1], sizes = [1], strides = [1]} : vector<16xf32> to vector<1xf32>
        %squeeze3A_358 = vector.extract %slice3A_357[0] : f32 from vector<1xf32>
        %get3A_359 = arith.index_cast %add3A_321 : i32 to index
        %get3A_360 = arith.constant 16 : index
        %get3A_361 = tpu.vector_load %arg15[%get3A_359, %get3A_360] {strides = array<i32>} : memref<128x272xf32, #tpu.memory_space<vmem>>, vector<1x16xf32>,
        %get3A_362 = vector.shape_cast %get3A_361 : vector<1x16xf32> to vector<16xf32>
        %mul3A_363 = vector.broadcast %squeeze3A_358 : f32 to vector<16xf32>
        %mul3A_364 = arith.mulf %mul3A_363, %get3A_362 : vector<16xf32>
        %slice3A_365 = vector.extract_strided_slice %max3A_344 {offsets = [2], sizes = [1], strides = [1]} : vector<16xf32> to vector<1xf32>
        %squeeze3A_366 = vector.extract %slice3A_365[0] : f32 from vector<1xf32>
        %get3A_367 = arith.index_cast %add3A_321 : i32 to index
        %get3A_368 = arith.constant 32 : index
        %get3A_369 = tpu.vector_load %arg15[%get3A_367, %get3A_368] {strides = array<i32>} : memref<128x272xf32, #tpu.memory_space<vmem>>, vector<1x16xf32>,
        %get3A_370 = vector.shape_cast %get3A_369 : vector<1x16xf32> to vector<16xf32>
        %mul3A_371 = vector.broadcast %squeeze3A_366 : f32 to vector<16xf32>
        %mul3A_372 = arith.mulf %mul3A_371, %get3A_370 : vector<16xf32>
        %slice3A_373 = vector.extract_strided_slice %max3A_344 {offsets = [3], sizes = [1], strides = [1]} : vector<16xf32> to vector<1xf32>
        %squeeze3A_374 = vector.extract %slice3A_373[0] : f32 from vector<1xf32>
        %get3A_375 = arith.index_cast %add3A_321 : i32 to index
        %get3A_376 = arith.constant 48 : index
        %get3A_377 = tpu.vector_load %arg15[%get3A_375, %get3A_376] {strides = array<i32>} : memref<128x272xf32, #tpu.memory_space<vmem>>, vector<1x16xf32>,
        %get3A_378 = vector.shape_cast %get3A_377 : vector<1x16xf32> to vector<16xf32>
        %mul3A_379 = vector.broadcast %squeeze3A_374 : f32 to vector<16xf32>
        %mul3A_380 = arith.mulf %mul3A_379, %get3A_378 : vector<16xf32>
        %add3A_381 = arith.addf %mul3A_372, %mul3A_380 : vector<16xf32>
        %slice3A_382 = vector.extract_strided_slice %max3A_344 {offsets = [4], sizes = [1], strides = [1]} : vector<16xf32> to vector<1xf32>
        %squeeze3A_383 = vector.extract %slice3A_382[0] : f32 from vector<1xf32>
        %get3A_384 = arith.index_cast %add3A_321 : i32 to index
        %get3A_385 = arith.constant 64 : index
        %get3A_386 = tpu.vector_load %arg15[%get3A_384, %get3A_385] {strides = array<i32>} : memref<128x272xf32, #tpu.memory_space<vmem>>, vector<1x16xf32>,
        %get3A_387 = vector.shape_cast %get3A_386 : vector<1x16xf32> to vector<16xf32>
        %mul3A_388 = vector.broadcast %squeeze3A_383 : f32 to vector<16xf32>
        %mul3A_389 = arith.mulf %mul3A_388, %get3A_387 : vector<16xf32>
        %add3A_390 = arith.addf %get3A_348, %mul3A_389 : vector<16xf32>
        %slice3A_391 = vector.extract_strided_slice %max3A_344 {offsets = [5], sizes = [1], strides = [1]} : vector<16xf32> to vector<1xf32>
        %squeeze3A_392 = vector.extract %slice3A_391[0] : f32 from vector<1xf32>
        %get3A_393 = arith.index_cast %add3A_321 : i32 to index
        %get3A_394 = arith.constant 80 : index
        %get3A_395 = tpu.vector_load %arg15[%get3A_393, %get3A_394] {strides = array<i32>} : memref<128x272xf32, #tpu.memory_space<vmem>>, vector<1x16xf32>,
        %get3A_396 = vector.shape_cast %get3A_395 : vector<1x16xf32> to vector<16xf32>
        %mul3A_397 = vector.broadcast %squeeze3A_392 : f32 to vector<16xf32>
        %mul3A_398 = arith.mulf %mul3A_397, %get3A_396 : vector<16xf32>
        %add3A_399 = arith.addf %mul3A_356, %mul3A_398 : vector<16xf32>
        %slice3A_400 = vector.extract_strided_slice %max3A_344 {offsets = [6], sizes = [1], strides = [1]} : vector<16xf32> to vector<1xf32>
        %squeeze3A_401 = vector.extract %slice3A_400[0] : f32 from vector<1xf32>
        %get3A_402 = arith.index_cast %add3A_321 : i32 to index
        %get3A_403 = arith.constant 96 : index
        %get3A_404 = tpu.vector_load %arg15[%get3A_402, %get3A_403] {strides = array<i32>} : memref<128x272xf32, #tpu.memory_space<vmem>>, vector<1x16xf32>,
        %get3A_405 = vector.shape_cast %get3A_404 : vector<1x16xf32> to vector<16xf32>
        %mul3A_406 = vector.broadcast %squeeze3A_401 : f32 to vector<16xf32>
        %mul3A_407 = arith.mulf %mul3A_406, %get3A_405 : vector<16xf32>
        %add3A_408 = arith.addf %mul3A_364, %mul3A_407 : vector<16xf32>
        %slice3A_409 = vector.extract_strided_slice %max3A_344 {offsets = [7], sizes = [1], strides = [1]} : vector<16xf32> to vector<1xf32>
        %squeeze3A_410 = vector.extract %slice3A_409[0] : f32 from vector<1xf32>
        %get3A_411 = arith.index_cast %add3A_321 : i32 to index
        %get3A_412 = arith.constant 112 : index
        %get3A_413 = tpu.vector_load %arg15[%get3A_411, %get3A_412] {strides = array<i32>} : memref<128x272xf32, #tpu.memory_space<vmem>>, vector<1x16xf32>,
        %get3A_414 = vector.shape_cast %get3A_413 : vector<1x16xf32> to vector<16xf32>
        %mul3A_415 = vector.broadcast %squeeze3A_410 : f32 to vector<16xf32>
        %mul3A_416 = arith.mulf %mul3A_415, %get3A_414 : vector<16xf32>
        %add3A_417 = arith.addf %add3A_381, %mul3A_416 : vector<16xf32>
        %slice3A_418 = vector.extract_strided_slice %max3A_344 {offsets = [8], sizes = [1], strides = [1]} : vector<16xf32> to vector<1xf32>
        %squeeze3A_419 = vector.extract %slice3A_418[0] : f32 from vector<1xf32>
        %get3A_420 = arith.index_cast %add3A_321 : i32 to index
        %get3A_421 = arith.constant 128 : index
        %get3A_422 = tpu.vector_load %arg15[%get3A_420, %get3A_421] {strides = array<i32>} : memref<128x272xf32, #tpu.memory_space<vmem>>, vector<1x16xf32>,
        %get3A_423 = vector.shape_cast %get3A_422 : vector<1x16xf32> to vector<16xf32>
        %mul3A_424 = vector.broadcast %squeeze3A_419 : f32 to vector<16xf32>
        %mul3A_425 = arith.mulf %mul3A_424, %get3A_423 : vector<16xf32>
        %add3A_426 = arith.addf %add3A_390, %mul3A_425 : vector<16xf32>
        %slice3A_427 = vector.extract_strided_slice %max3A_344 {offsets = [9], sizes = [1], strides = [1]} : vector<16xf32> to vector<1xf32>
        %squeeze3A_428 = vector.extract %slice3A_427[0] : f32 from vector<1xf32>
        %get3A_429 = arith.index_cast %add3A_321 : i32 to index
        %get3A_430 = arith.constant 144 : index
        %get3A_431 = tpu.vector_load %arg15[%get3A_429, %get3A_430] {strides = array<i32>} : memref<128x272xf32, #tpu.memory_space<vmem>>, vector<1x16xf32>,
        %get3A_432 = vector.shape_cast %get3A_431 : vector<1x16xf32> to vector<16xf32>
        %mul3A_433 = vector.broadcast %squeeze3A_428 : f32 to vector<16xf32>
        %mul3A_434 = arith.mulf %mul3A_433, %get3A_432 : vector<16xf32>
        %add3A_435 = arith.addf %add3A_399, %mul3A_434 : vector<16xf32>
        %slice3A_436 = vector.extract_strided_slice %max3A_344 {offsets = [10], sizes = [1], strides = [1]} : vector<16xf32> to vector<1xf32>
        %squeeze3A_437 = vector.extract %slice3A_436[0] : f32 from vector<1xf32>
        %get3A_438 = arith.index_cast %add3A_321 : i32 to index
        %get3A_439 = arith.constant 160 : index
        %get3A_440 = tpu.vector_load %arg15[%get3A_438, %get3A_439] {strides = array<i32>} : memref<128x272xf32, #tpu.memory_space<vmem>>, vector<1x16xf32>,
        %get3A_441 = vector.shape_cast %get3A_440 : vector<1x16xf32> to vector<16xf32>
        %mul3A_442 = vector.broadcast %squeeze3A_437 : f32 to vector<16xf32>
        %mul3A_443 = arith.mulf %mul3A_442, %get3A_441 : vector<16xf32>
        %add3A_444 = arith.addf %add3A_408, %mul3A_443 : vector<16xf32>
        %slice3A_445 = vector.extract_strided_slice %max3A_344 {offsets = [11], sizes = [1], strides = [1]} : vector<16xf32> to vector<1xf32>
        %squeeze3A_446 = vector.extract %slice3A_445[0] : f32 from vector<1xf32>
        %get3A_447 = arith.index_cast %add3A_321 : i32 to index
        %get3A_448 = arith.constant 176 : index
        %get3A_449 = tpu.vector_load %arg15[%get3A_447, %get3A_448] {strides = array<i32>} : memref<128x272xf32, #tpu.memory_space<vmem>>, vector<1x16xf32>,
        %get3A_450 = vector.shape_cast %get3A_449 : vector<1x16xf32> to vector<16xf32>
        %mul3A_451 = vector.broadcast %squeeze3A_446 : f32 to vector<16xf32>
        %mul3A_452 = arith.mulf %mul3A_451, %get3A_450 : vector<16xf32>
        %add3A_453 = arith.addf %add3A_417, %mul3A_452 : vector<16xf32>
        %slice3A_454 = vector.extract_strided_slice %max3A_344 {offsets = [12], sizes = [1], strides = [1]} : vector<16xf32> to vector<1xf32>
        %squeeze3A_455 = vector.extract %slice3A_454[0] : f32 from vector<1xf32>
        %get3A_456 = arith.index_cast %add3A_321 : i32 to index
        %get3A_457 = arith.constant 192 : index
        %get3A_458 = tpu.vector_load %arg15[%get3A_456, %get3A_457] {strides = array<i32>} : memref<128x272xf32, #tpu.memory_space<vmem>>, vector<1x16xf32>,
        %get3A_459 = vector.shape_cast %get3A_458 : vector<1x16xf32> to vector<16xf32>
        %mul3A_460 = vector.broadcast %squeeze3A_455 : f32 to vector<16xf32>
        %mul3A_461 = arith.mulf %mul3A_460, %get3A_459 : vector<16xf32>
        %add3A_462 = arith.addf %add3A_426, %mul3A_461 : vector<16xf32>
        %slice3A_463 = vector.extract_strided_slice %max3A_344 {offsets = [13], sizes = [1], strides = [1]} : vector<16xf32> to vector<1xf32>
        %squeeze3A_464 = vector.extract %slice3A_463[0] : f32 from vector<1xf32>
        %get3A_465 = arith.index_cast %add3A_321 : i32 to index
        %get3A_466 = arith.constant 208 : index
        %get3A_467 = tpu.vector_load %arg15[%get3A_465, %get3A_466] {strides = array<i32>} : memref<128x272xf32, #tpu.memory_space<vmem>>, vector<1x16xf32>,
        %get3A_468 = vector.shape_cast %get3A_467 : vector<1x16xf32> to vector<16xf32>
        %mul3A_469 = vector.broadcast %squeeze3A_464 : f32 to vector<16xf32>
        %mul3A_470 = arith.mulf %mul3A_469, %get3A_468 : vector<16xf32>
        %add3A_471 = arith.addf %add3A_435, %mul3A_470 : vector<16xf32>
        %slice3A_472 = vector.extract_strided_slice %max3A_344 {offsets = [14], sizes = [1], strides = [1]} : vector<16xf32> to vector<1xf32>
        %squeeze3A_473 = vector.extract %slice3A_472[0] : f32 from vector<1xf32>
        %get3A_474 = arith.index_cast %add3A_321 : i32 to index
        %get3A_475 = arith.constant 224 : index
        %get3A_476 = tpu.vector_load %arg15[%get3A_474, %get3A_475] {strides = array<i32>} : memref<128x272xf32, #tpu.memory_space<vmem>>, vector<1x16xf32>,
        %get3A_477 = vector.shape_cast %get3A_476 : vector<1x16xf32> to vector<16xf32>
        %mul3A_478 = vector.broadcast %squeeze3A_473 : f32 to vector<16xf32>
        %mul3A_479 = arith.mulf %mul3A_478, %get3A_477 : vector<16xf32>
        %add3A_480 = arith.addf %add3A_444, %mul3A_479 : vector<16xf32>
        %slice3A_481 = vector.extract_strided_slice %max3A_344 {offsets = [15], sizes = [1], strides = [1]} : vector<16xf32> to vector<1xf32>
        %squeeze3A_482 = vector.extract %slice3A_481[0] : f32 from vector<1xf32>
        %get3A_483 = arith.index_cast %add3A_321 : i32 to index
        %get3A_484 = arith.constant 240 : index
        %get3A_485 = tpu.vector_load %arg15[%get3A_483, %get3A_484] {strides = array<i32>} : memref<128x272xf32, #tpu.memory_space<vmem>>, vector<1x16xf32>,
        %get3A_486 = vector.shape_cast %get3A_485 : vector<1x16xf32> to vector<16xf32>
        %mul3A_487 = vector.broadcast %squeeze3A_482 : f32 to vector<16xf32>
        %mul3A_488 = arith.mulf %mul3A_487, %get3A_486 : vector<16xf32>
        %add3A_489 = arith.addf %add3A_453, %mul3A_488 : vector<16xf32>
        %add3A_490 = arith.addf %add3A_462, %add3A_471 : vector<16xf32>
        %add3A_491 = arith.addf %add3A_480, %add3A_489 : vector<16xf32>
        %add3A_492 = arith.addf %add3A_490, %add3A_491 : vector<16xf32>
        %swap3A_493 = arith.index_cast %add3A_321 : i32 to index
        %swap3A_494 = arith.constant 0 : index
        %swap3A_495 = tpu.vector_load %arg17[%swap3A_493, %swap3A_494] {strides = array<i32>} : memref<128x32xf32, #tpu.memory_space<vmem>>, vector<1x16xf32>,
        %swap3A_496 = vector.shape_cast %swap3A_495 : vector<1x16xf32> to vector<16xf32>
        %swap3A_497 = vector.shape_cast %add3A_492 : vector<16xf32> to vector<1x16xf32>
        tpu.vector_store %arg17[%swap3A_493, %swap3A_494], %swap3A_497 {strides = array<i32>} : memref<128x32xf32, #tpu.memory_space<vmem>>, vector<1x16xf32>,
        %scan3A_498 = arith.constant 0 : i32
        scf.yield %scan3A_498 : i32
      }
      %scan3A_87 = arith.constant 64 : i32
      "tpu.region"() ({
        %run_scoped3A = tpu.sem_alloc : memref<!tpu.dma_semaphore, #tpu.memory_space<semaphore_mem>>
        %dma_start3A_132 = arith.constant 0 : i32
        %dma_start3A_133 = tpu.memref_slice %arg11[%mul3A_42, %dma_start3A_132] : memref<40x128xi32, #tpu.memory_space<vmem>> -> memref<1x128xi32, #tpu.memory_space<vmem>>
        %dma_start3A_134 = tpu.memref_squeeze %dma_start3A_133 : memref<1x128xi32, #tpu.memory_space<vmem>> -> memref<128xi32, #tpu.memory_space<vmem>>
        %dma_start3A_135 = arith.constant 0 : i32
        %dma_start3A_136 = arith.constant 0 : i32
        %dma_start3A_137 = tpu.memref_slice %arg18[%dma_start3A_135, %dma_start3A_136] : memref<10112x32xf32, #tpu.memory_space<vmem_shared>> -> memref<10112x32xf32, #tpu.memory_space<vmem_shared>>
        tpu.enqueue_indirect_dma source(%arg17 : memref<128x32xf32, #tpu.memory_space<vmem>>) target(%dma_start3A_137 : memref<10112x32xf32, #tpu.memory_space<vmem_shared>>) offsets(%dma_start3A_134 : memref<128xi32, #tpu.memory_space<vmem>>) semaphore(%run_scoped3A : memref<!tpu.dma_semaphore, #tpu.memory_space<semaphore_mem>>) {add = true}
        %dma_wait3A_138 = arith.constant 0 : i32
        %dma_wait3A_139 = tpu.memref_slice %arg11[%mul3A_42, %dma_wait3A_138] : memref<40x128xi32, #tpu.memory_space<vmem>> -> memref<1x128xi32, #tpu.memory_space<vmem>>
        %dma_wait3A_140 = tpu.memref_squeeze %dma_wait3A_139 : memref<1x128xi32, #tpu.memory_space<vmem>> -> memref<128xi32, #tpu.memory_space<vmem>>
        %dma_wait3A_141 = arith.constant 0 : i32
        %dma_wait3A_142 = arith.constant 0 : i32
        %dma_wait3A_143 = tpu.memref_slice %arg18[%dma_wait3A_141, %dma_wait3A_142] : memref<10112x32xf32, #tpu.memory_space<vmem_shared>> -> memref<10112x32xf32, #tpu.memory_space<vmem_shared>>
        tpu.wait_indirect_dma semaphore(%run_scoped3A : memref<!tpu.dma_semaphore, #tpu.memory_space<semaphore_mem>>) src(%arg17 : memref<128x32xf32, #tpu.memory_space<vmem>>) dst(%dma_wait3A_143 : memref<10112x32xf32, #tpu.memory_space<vmem_shared>>)
        tpu.yield
      }) : () -> ()
      %lt3A = arith.constant 19 : i32
      %lt3A_88 = arith.cmpi slt, %scan3A_39, %lt3A : i32
      %convert_element_type3A = arith.extui %lt3A_88 : i1 to i32
      %cond3A = arith.constant 0 : i32
      %cond3A_89 = arith.cmpi ne, %convert_element_type3A, %cond3A : i32
      scf.if %cond3A_89 {
        %add3A_132 = arith.constant 2 : i32
        %add3A_133 = arith.addi %mul3A_42, %add3A_132 : i32
        %dma_start3A_134 = arith.constant 0 : i32
        %dma_start3A_135 = tpu.memref_slice %arg10[%add3A_133, %dma_start3A_134] : memref<40x128xi32, #tpu.memory_space<vmem>> -> memref<1x128xi32, #tpu.memory_space<vmem>>
        %dma_start3A_136 = tpu.memref_squeeze %dma_start3A_135 : memref<1x128xi32, #tpu.memory_space<vmem>> -> memref<128xi32, #tpu.memory_space<vmem>>
        %dma_start3A_137 = arith.constant 0 : i32
        %dma_start3A_138 = arith.constant 0 : i32
        %dma_start3A_139 = tpu.memref_slice %arg2[%dma_start3A_137, %dma_start3A_138] : memref<10000x272xf32, #tpu.memory_space<hbm>> -> memref<10000x272xf32, #tpu.memory_space<hbm>>
        tpu.enqueue_indirect_dma source(%dma_start3A_139 : memref<10000x272xf32, #tpu.memory_space<hbm>>) target(%arg15 : memref<128x272xf32, #tpu.memory_space<vmem>>) offsets(%dma_start3A_136 : memref<128xi32, #tpu.memory_space<vmem>>) semaphore(%arg19 : memref<!tpu.dma_semaphore, #tpu.memory_space<semaphore_mem>>)
      } else {
      }
      %dma_wait3A_90 = arith.constant 0 : i32
      %dma_wait3A_91 = arith.constant 0 : i32
      %dma_wait3A_92 = tpu.memref_slice %arg10[%dma_wait3A_90, %dma_wait3A_91] : memref<40x128xi32, #tpu.memory_space<vmem>> -> memref<1x128xi32, #tpu.memory_space<vmem>>
      %dma_wait3A_93 = tpu.memref_squeeze %dma_wait3A_92 : memref<1x128xi32, #tpu.memory_space<vmem>> -> memref<128xi32, #tpu.memory_space<vmem>>
      %dma_wait3A_94 = arith.constant 0 : i32
      %dma_wait3A_95 = arith.constant 0 : i32
      %dma_wait3A_96 = tpu.memref_slice %arg2[%dma_wait3A_94, %dma_wait3A_95] : memref<10000x272xf32, #tpu.memory_space<hbm>> -> memref<10000x272xf32, #tpu.memory_space<hbm>>
      tpu.wait_indirect_dma semaphore(%arg20 : memref<!tpu.dma_semaphore, #tpu.memory_space<semaphore_mem>>) src(%dma_wait3A_96 : memref<10000x272xf32, #tpu.memory_space<hbm>>) dst(%arg16 : memref<128x272xf32, #tpu.memory_space<vmem>>)
      %add3A_97 = arith.constant 1 : i32
      %add3A_98 = arith.addi %mul3A_42, %add3A_97 : i32
      %get3A_99 = arith.constant 0 : i32
      %get3A_100 = arith.index_cast %get3A_99 : i32 to index
      %get3A_101 = arith.constant 0 : index
      %get3A_102 = tpu.vector_load %arg13[%get3A_100, %get3A_101] {strides = array<i32>} : memref<4x16xf32, #tpu.memory_space<vmem>>, vector<1x16xf32>,
      %get3A_103 = vector.shape_cast %get3A_102 : vector<1x16xf32> to vector<16xf32>
      %get3A_104 = arith.constant 1 : i32
      %get3A_105 = arith.index_cast %get3A_104 : i32 to index
      %get3A_106 = arith.constant 0 : index
      %get3A_107 = tpu.vector_load %arg13[%get3A_105, %get3A_106] {strides = array<i32>} : memref<4x16xf32, #tpu.memory_space<vmem>>, vector<1x16xf32>,
      %get3A_108 = vector.shape_cast %get3A_107 : vector<1x16xf32> to vector<16xf32>
      %get3A_109 = arith.constant 2 : i32
      %get3A_110 = arith.index_cast %get3A_109 : i32 to index
      %get3A_111 = arith.constant 0 : index
      %get3A_112 = tpu.vector_load %arg13[%get3A_110, %get3A_111] {strides = array<i32>} : memref<4x16xf32, #tpu.memory_space<vmem>>, vector<1x16xf32>,
      %get3A_113 = vector.shape_cast %get3A_112 : vector<1x16xf32> to vector<16xf32>
      %get3A_114 = arith.constant 3 : i32
      %get3A_115 = arith.index_cast %get3A_114 : i32 to index
      %get3A_116 = arith.constant 0 : index
      %get3A_117 = tpu.vector_load %arg13[%get3A_115, %get3A_116] {strides = array<i32>} : memref<4x16xf32, #tpu.memory_space<vmem>>, vector<1x16xf32>,
      %get3A_118 = vector.shape_cast %get3A_117 : vector<1x16xf32> to vector<16xf32>
      %get3A_119 = arith.constant 0 : i32
      %get3A_120 = arith.index_cast %get3A_119 : i32 to index
      %get3A_121 = arith.constant 0 : index
      %get3A_122 = tpu.vector_load %arg14[%get3A_120, %get3A_121] {strides = array<i32>} : memref<1x16xf32, #tpu.memory_space<vmem>>, vector<1x16xf32>,
      %get3A_123 = vector.shape_cast %get3A_122 : vector<1x16xf32> to vector<16xf32>
      %scan3A_124 = arith.constant 0 : i32
      %scan3A_125 = arith.constant 0 : i32
      %scan3A_126 = arith.constant 64 : i32
      %scan3A_127 = arith.addi %scan3A_125, %scan3A_126 : i32
      %scan3A_128 = arith.constant 1 : i32
      %scan3A_129 = scf.for %scan3A_132 = %scan3A_125 to %scan3A_127 step %scan3A_128 iter_args(%scan3A_133 = %scan3A_124) -> (i32)  : i32 {
        %mul3A_134 = arith.constant 512 : i32
        %mul3A_135 = arith.muli %add3A_98, %mul3A_134 : i32
        %mul3A_136 = arith.constant 8 : i32
        %mul3A_137 = arith.muli %scan3A_132, %mul3A_136 : i32
        %add3A_138 = arith.addi %mul3A_135, %mul3A_137 : i32
        %get3A_139 = arith.index_cast %add3A_138 : i32 to index
        %get3A_140 = tpu.vector_load %arg12[%get3A_139] {strides = array<i32>} : memref<20480xf32, #tpu.memory_space<vmem>>, vector<16xf32>,
        %get3A_141 = vector.shape_cast %get3A_140 : vector<16xf32> to vector<16xf32>
        %mul3A_142 = arith.constant 2 : i32
        %mul3A_143 = arith.muli %mul3A_142, %scan3A_132 : i32
        %add3A_144 = arith.constant 0 : i32
        %add3A_145 = arith.addi %mul3A_143, %add3A_144 : i32
        %slice3A = vector.extract_strided_slice %get3A_141 {offsets = [0], sizes = [1], strides = [1]} : vector<16xf32> to vector<1xf32>
        %squeeze3A = vector.extract %slice3A[0] : f32 from vector<1xf32>
        %mul3A_146 = vector.broadcast %squeeze3A : f32 to vector<16xf32>
        %mul3A_147 = arith.mulf %mul3A_146, %get3A_103 : vector<16xf32>
        %slice3A_148 = vector.extract_strided_slice %get3A_141 {offsets = [1], sizes = [1], strides = [1]} : vector<16xf32> to vector<1xf32>
        %squeeze3A_149 = vector.extract %slice3A_148[0] : f32 from vector<1xf32>
        %mul3A_150 = vector.broadcast %squeeze3A_149 : f32 to vector<16xf32>
        %mul3A_151 = arith.mulf %mul3A_150, %get3A_108 : vector<16xf32>
        %add3A_152 = arith.addf %mul3A_147, %mul3A_151 : vector<16xf32>
        %slice3A_153 = vector.extract_strided_slice %get3A_141 {offsets = [2], sizes = [1], strides = [1]} : vector<16xf32> to vector<1xf32>
        %squeeze3A_154 = vector.extract %slice3A_153[0] : f32 from vector<1xf32>
        %mul3A_155 = vector.broadcast %squeeze3A_154 : f32 to vector<16xf32>
        %mul3A_156 = arith.mulf %mul3A_155, %get3A_113 : vector<16xf32>
        %add3A_157 = arith.addf %add3A_152, %mul3A_156 : vector<16xf32>
        %slice3A_158 = vector.extract_strided_slice %get3A_141 {offsets = [3], sizes = [1], strides = [1]} : vector<16xf32> to vector<1xf32>
        %squeeze3A_159 = vector.extract %slice3A_158[0] : f32 from vector<1xf32>
        %mul3A_160 = vector.broadcast %squeeze3A_159 : f32 to vector<16xf32>
        %mul3A_161 = arith.mulf %mul3A_160, %get3A_118 : vector<16xf32>
        %add3A_162 = arith.addf %add3A_157, %mul3A_161 : vector<16xf32>
        %add3A_163 = arith.addf %add3A_162, %get3A_123 : vector<16xf32>
        %max3A = arith.constant 0.000000e+00 : f32
        %max3A_164 = vector.broadcast %max3A : f32 to vector<16xf32>
        %max3A_165 = arith.maximumf %add3A_163, %max3A_164 : vector<16xf32>
        %get3A_166 = arith.index_cast %add3A_145 : i32 to index
        %get3A_167 = arith.constant 256 : index
        %get3A_168 = tpu.vector_load %arg16[%get3A_166, %get3A_167] {strides = array<i32>} : memref<128x272xf32, #tpu.memory_space<vmem>>, vector<1x16xf32>,
        %get3A_169 = vector.shape_cast %get3A_168 : vector<1x16xf32> to vector<16xf32>
        %slice3A_170 = vector.extract_strided_slice %max3A_165 {offsets = [0], sizes = [1], strides = [1]} : vector<16xf32> to vector<1xf32>
        %squeeze3A_171 = vector.extract %slice3A_170[0] : f32 from vector<1xf32>
        %get3A_172 = arith.index_cast %add3A_145 : i32 to index
        %get3A_173 = arith.constant 0 : index
        %get3A_174 = tpu.vector_load %arg16[%get3A_172, %get3A_173] {strides = array<i32>} : memref<128x272xf32, #tpu.memory_space<vmem>>, vector<1x16xf32>,
        %get3A_175 = vector.shape_cast %get3A_174 : vector<1x16xf32> to vector<16xf32>
        %mul3A_176 = vector.broadcast %squeeze3A_171 : f32 to vector<16xf32>
        %mul3A_177 = arith.mulf %mul3A_176, %get3A_175 : vector<16xf32>
        %slice3A_178 = vector.extract_strided_slice %max3A_165 {offsets = [1], sizes = [1], strides = [1]} : vector<16xf32> to vector<1xf32>
        %squeeze3A_179 = vector.extract %slice3A_178[0] : f32 from vector<1xf32>
        %get3A_180 = arith.index_cast %add3A_145 : i32 to index
        %get3A_181 = arith.constant 16 : index
        %get3A_182 = tpu.vector_load %arg16[%get3A_180, %get3A_181] {strides = array<i32>} : memref<128x272xf32, #tpu.memory_space<vmem>>, vector<1x16xf32>,
        %get3A_183 = vector.shape_cast %get3A_182 : vector<1x16xf32> to vector<16xf32>
        %mul3A_184 = vector.broadcast %squeeze3A_179 : f32 to vector<16xf32>
        %mul3A_185 = arith.mulf %mul3A_184, %get3A_183 : vector<16xf32>
        %slice3A_186 = vector.extract_strided_slice %max3A_165 {offsets = [2], sizes = [1], strides = [1]} : vector<16xf32> to vector<1xf32>
        %squeeze3A_187 = vector.extract %slice3A_186[0] : f32 from vector<1xf32>
        %get3A_188 = arith.index_cast %add3A_145 : i32 to index
        %get3A_189 = arith.constant 32 : index
        %get3A_190 = tpu.vector_load %arg16[%get3A_188, %get3A_189] {strides = array<i32>} : memref<128x272xf32, #tpu.memory_space<vmem>>, vector<1x16xf32>,
        %get3A_191 = vector.shape_cast %get3A_190 : vector<1x16xf32> to vector<16xf32>
        %mul3A_192 = vector.broadcast %squeeze3A_187 : f32 to vector<16xf32>
        %mul3A_193 = arith.mulf %mul3A_192, %get3A_191 : vector<16xf32>
        %slice3A_194 = vector.extract_strided_slice %max3A_165 {offsets = [3], sizes = [1], strides = [1]} : vector<16xf32> to vector<1xf32>
        %squeeze3A_195 = vector.extract %slice3A_194[0] : f32 from vector<1xf32>
        %get3A_196 = arith.index_cast %add3A_145 : i32 to index
        %get3A_197 = arith.constant 48 : index
        %get3A_198 = tpu.vector_load %arg16[%get3A_196, %get3A_197] {strides = array<i32>} : memref<128x272xf32, #tpu.memory_space<vmem>>, vector<1x16xf32>,
        %get3A_199 = vector.shape_cast %get3A_198 : vector<1x16xf32> to vector<16xf32>
        %mul3A_200 = vector.broadcast %squeeze3A_195 : f32 to vector<16xf32>
        %mul3A_201 = arith.mulf %mul3A_200, %get3A_199 : vector<16xf32>
        %add3A_202 = arith.addf %mul3A_193, %mul3A_201 : vector<16xf32>
        %slice3A_203 = vector.extract_strided_slice %max3A_165 {offsets = [4], sizes = [1], strides = [1]} : vector<16xf32> to vector<1xf32>
        %squeeze3A_204 = vector.extract %slice3A_203[0] : f32 from vector<1xf32>
        %get3A_205 = arith.index_cast %add3A_145 : i32 to index
        %get3A_206 = arith.constant 64 : index
        %get3A_207 = tpu.vector_load %arg16[%get3A_205, %get3A_206] {strides = array<i32>} : memref<128x272xf32, #tpu.memory_space<vmem>>, vector<1x16xf32>,
        %get3A_208 = vector.shape_cast %get3A_207 : vector<1x16xf32> to vector<16xf32>
        %mul3A_209 = vector.broadcast %squeeze3A_204 : f32 to vector<16xf32>
        %mul3A_210 = arith.mulf %mul3A_209, %get3A_208 : vector<16xf32>
        %add3A_211 = arith.addf %get3A_169, %mul3A_210 : vector<16xf32>
        %slice3A_212 = vector.extract_strided_slice %max3A_165 {offsets = [5], sizes = [1], strides = [1]} : vector<16xf32> to vector<1xf32>
        %squeeze3A_213 = vector.extract %slice3A_212[0] : f32 from vector<1xf32>
        %get3A_214 = arith.index_cast %add3A_145 : i32 to index
        %get3A_215 = arith.constant 80 : index
        %get3A_216 = tpu.vector_load %arg16[%get3A_214, %get3A_215] {strides = array<i32>} : memref<128x272xf32, #tpu.memory_space<vmem>>, vector<1x16xf32>,
        %get3A_217 = vector.shape_cast %get3A_216 : vector<1x16xf32> to vector<16xf32>
        %mul3A_218 = vector.broadcast %squeeze3A_213 : f32 to vector<16xf32>
        %mul3A_219 = arith.mulf %mul3A_218, %get3A_217 : vector<16xf32>
        %add3A_220 = arith.addf %mul3A_177, %mul3A_219 : vector<16xf32>
        %slice3A_221 = vector.extract_strided_slice %max3A_165 {offsets = [6], sizes = [1], strides = [1]} : vector<16xf32> to vector<1xf32>
        %squeeze3A_222 = vector.extract %slice3A_221[0] : f32 from vector<1xf32>
        %get3A_223 = arith.index_cast %add3A_145 : i32 to index
        %get3A_224 = arith.constant 96 : index
        %get3A_225 = tpu.vector_load %arg16[%get3A_223, %get3A_224] {strides = array<i32>} : memref<128x272xf32, #tpu.memory_space<vmem>>, vector<1x16xf32>,
        %get3A_226 = vector.shape_cast %get3A_225 : vector<1x16xf32> to vector<16xf32>
        %mul3A_227 = vector.broadcast %squeeze3A_222 : f32 to vector<16xf32>
        %mul3A_228 = arith.mulf %mul3A_227, %get3A_226 : vector<16xf32>
        %add3A_229 = arith.addf %mul3A_185, %mul3A_228 : vector<16xf32>
        %slice3A_230 = vector.extract_strided_slice %max3A_165 {offsets = [7], sizes = [1], strides = [1]} : vector<16xf32> to vector<1xf32>
        %squeeze3A_231 = vector.extract %slice3A_230[0] : f32 from vector<1xf32>
        %get3A_232 = arith.index_cast %add3A_145 : i32 to index
        %get3A_233 = arith.constant 112 : index
        %get3A_234 = tpu.vector_load %arg16[%get3A_232, %get3A_233] {strides = array<i32>} : memref<128x272xf32, #tpu.memory_space<vmem>>, vector<1x16xf32>,
        %get3A_235 = vector.shape_cast %get3A_234 : vector<1x16xf32> to vector<16xf32>
        %mul3A_236 = vector.broadcast %squeeze3A_231 : f32 to vector<16xf32>
        %mul3A_237 = arith.mulf %mul3A_236, %get3A_235 : vector<16xf32>
        %add3A_238 = arith.addf %add3A_202, %mul3A_237 : vector<16xf32>
        %slice3A_239 = vector.extract_strided_slice %max3A_165 {offsets = [8], sizes = [1], strides = [1]} : vector<16xf32> to vector<1xf32>
        %squeeze3A_240 = vector.extract %slice3A_239[0] : f32 from vector<1xf32>
        %get3A_241 = arith.index_cast %add3A_145 : i32 to index
        %get3A_242 = arith.constant 128 : index
        %get3A_243 = tpu.vector_load %arg16[%get3A_241, %get3A_242] {strides = array<i32>} : memref<128x272xf32, #tpu.memory_space<vmem>>, vector<1x16xf32>,
        %get3A_244 = vector.shape_cast %get3A_243 : vector<1x16xf32> to vector<16xf32>
        %mul3A_245 = vector.broadcast %squeeze3A_240 : f32 to vector<16xf32>
        %mul3A_246 = arith.mulf %mul3A_245, %get3A_244 : vector<16xf32>
        %add3A_247 = arith.addf %add3A_211, %mul3A_246 : vector<16xf32>
        %slice3A_248 = vector.extract_strided_slice %max3A_165 {offsets = [9], sizes = [1], strides = [1]} : vector<16xf32> to vector<1xf32>
        %squeeze3A_249 = vector.extract %slice3A_248[0] : f32 from vector<1xf32>
        %get3A_250 = arith.index_cast %add3A_145 : i32 to index
        %get3A_251 = arith.constant 144 : index
        %get3A_252 = tpu.vector_load %arg16[%get3A_250, %get3A_251] {strides = array<i32>} : memref<128x272xf32, #tpu.memory_space<vmem>>, vector<1x16xf32>,
        %get3A_253 = vector.shape_cast %get3A_252 : vector<1x16xf32> to vector<16xf32>
        %mul3A_254 = vector.broadcast %squeeze3A_249 : f32 to vector<16xf32>
        %mul3A_255 = arith.mulf %mul3A_254, %get3A_253 : vector<16xf32>
        %add3A_256 = arith.addf %add3A_220, %mul3A_255 : vector<16xf32>
        %slice3A_257 = vector.extract_strided_slice %max3A_165 {offsets = [10], sizes = [1], strides = [1]} : vector<16xf32> to vector<1xf32>
        %squeeze3A_258 = vector.extract %slice3A_257[0] : f32 from vector<1xf32>
        %get3A_259 = arith.index_cast %add3A_145 : i32 to index
        %get3A_260 = arith.constant 160 : index
        %get3A_261 = tpu.vector_load %arg16[%get3A_259, %get3A_260] {strides = array<i32>} : memref<128x272xf32, #tpu.memory_space<vmem>>, vector<1x16xf32>,
        %get3A_262 = vector.shape_cast %get3A_261 : vector<1x16xf32> to vector<16xf32>
        %mul3A_263 = vector.broadcast %squeeze3A_258 : f32 to vector<16xf32>
        %mul3A_264 = arith.mulf %mul3A_263, %get3A_262 : vector<16xf32>
        %add3A_265 = arith.addf %add3A_229, %mul3A_264 : vector<16xf32>
        %slice3A_266 = vector.extract_strided_slice %max3A_165 {offsets = [11], sizes = [1], strides = [1]} : vector<16xf32> to vector<1xf32>
        %squeeze3A_267 = vector.extract %slice3A_266[0] : f32 from vector<1xf32>
        %get3A_268 = arith.index_cast %add3A_145 : i32 to index
        %get3A_269 = arith.constant 176 : index
        %get3A_270 = tpu.vector_load %arg16[%get3A_268, %get3A_269] {strides = array<i32>} : memref<128x272xf32, #tpu.memory_space<vmem>>, vector<1x16xf32>,
        %get3A_271 = vector.shape_cast %get3A_270 : vector<1x16xf32> to vector<16xf32>
        %mul3A_272 = vector.broadcast %squeeze3A_267 : f32 to vector<16xf32>
        %mul3A_273 = arith.mulf %mul3A_272, %get3A_271 : vector<16xf32>
        %add3A_274 = arith.addf %add3A_238, %mul3A_273 : vector<16xf32>
        %slice3A_275 = vector.extract_strided_slice %max3A_165 {offsets = [12], sizes = [1], strides = [1]} : vector<16xf32> to vector<1xf32>
        %squeeze3A_276 = vector.extract %slice3A_275[0] : f32 from vector<1xf32>
        %get3A_277 = arith.index_cast %add3A_145 : i32 to index
        %get3A_278 = arith.constant 192 : index
        %get3A_279 = tpu.vector_load %arg16[%get3A_277, %get3A_278] {strides = array<i32>} : memref<128x272xf32, #tpu.memory_space<vmem>>, vector<1x16xf32>,
        %get3A_280 = vector.shape_cast %get3A_279 : vector<1x16xf32> to vector<16xf32>
        %mul3A_281 = vector.broadcast %squeeze3A_276 : f32 to vector<16xf32>
        %mul3A_282 = arith.mulf %mul3A_281, %get3A_280 : vector<16xf32>
        %add3A_283 = arith.addf %add3A_247, %mul3A_282 : vector<16xf32>
        %slice3A_284 = vector.extract_strided_slice %max3A_165 {offsets = [13], sizes = [1], strides = [1]} : vector<16xf32> to vector<1xf32>
        %squeeze3A_285 = vector.extract %slice3A_284[0] : f32 from vector<1xf32>
        %get3A_286 = arith.index_cast %add3A_145 : i32 to index
        %get3A_287 = arith.constant 208 : index
        %get3A_288 = tpu.vector_load %arg16[%get3A_286, %get3A_287] {strides = array<i32>} : memref<128x272xf32, #tpu.memory_space<vmem>>, vector<1x16xf32>,
        %get3A_289 = vector.shape_cast %get3A_288 : vector<1x16xf32> to vector<16xf32>
        %mul3A_290 = vector.broadcast %squeeze3A_285 : f32 to vector<16xf32>
        %mul3A_291 = arith.mulf %mul3A_290, %get3A_289 : vector<16xf32>
        %add3A_292 = arith.addf %add3A_256, %mul3A_291 : vector<16xf32>
        %slice3A_293 = vector.extract_strided_slice %max3A_165 {offsets = [14], sizes = [1], strides = [1]} : vector<16xf32> to vector<1xf32>
        %squeeze3A_294 = vector.extract %slice3A_293[0] : f32 from vector<1xf32>
        %get3A_295 = arith.index_cast %add3A_145 : i32 to index
        %get3A_296 = arith.constant 224 : index
        %get3A_297 = tpu.vector_load %arg16[%get3A_295, %get3A_296] {strides = array<i32>} : memref<128x272xf32, #tpu.memory_space<vmem>>, vector<1x16xf32>,
        %get3A_298 = vector.shape_cast %get3A_297 : vector<1x16xf32> to vector<16xf32>
        %mul3A_299 = vector.broadcast %squeeze3A_294 : f32 to vector<16xf32>
        %mul3A_300 = arith.mulf %mul3A_299, %get3A_298 : vector<16xf32>
        %add3A_301 = arith.addf %add3A_265, %mul3A_300 : vector<16xf32>
        %slice3A_302 = vector.extract_strided_slice %max3A_165 {offsets = [15], sizes = [1], strides = [1]} : vector<16xf32> to vector<1xf32>
        %squeeze3A_303 = vector.extract %slice3A_302[0] : f32 from vector<1xf32>
        %get3A_304 = arith.index_cast %add3A_145 : i32 to index
        %get3A_305 = arith.constant 240 : index
        %get3A_306 = tpu.vector_load %arg16[%get3A_304, %get3A_305] {strides = array<i32>} : memref<128x272xf32, #tpu.memory_space<vmem>>, vector<1x16xf32>,
        %get3A_307 = vector.shape_cast %get3A_306 : vector<1x16xf32> to vector<16xf32>
        %mul3A_308 = vector.broadcast %squeeze3A_303 : f32 to vector<16xf32>
        %mul3A_309 = arith.mulf %mul3A_308, %get3A_307 : vector<16xf32>
        %add3A_310 = arith.addf %add3A_274, %mul3A_309 : vector<16xf32>
        %add3A_311 = arith.addf %add3A_283, %add3A_292 : vector<16xf32>
        %add3A_312 = arith.addf %add3A_301, %add3A_310 : vector<16xf32>
        %add3A_313 = arith.addf %add3A_311, %add3A_312 : vector<16xf32>
        %swap3A = arith.index_cast %add3A_145 : i32 to index
        %swap3A_314 = arith.constant 0 : index
        %swap3A_315 = tpu.vector_load %arg17[%swap3A, %swap3A_314] {strides = array<i32>} : memref<128x32xf32, #tpu.memory_space<vmem>>, vector<1x16xf32>,
        %swap3A_316 = vector.shape_cast %swap3A_315 : vector<1x16xf32> to vector<16xf32>
        %swap3A_317 = vector.shape_cast %add3A_313 : vector<16xf32> to vector<1x16xf32>
        tpu.vector_store %arg17[%swap3A, %swap3A_314], %swap3A_317 {strides = array<i32>} : memref<128x32xf32, #tpu.memory_space<vmem>>, vector<1x16xf32>,
        %mul3A_318 = arith.constant 2 : i32
        %mul3A_319 = arith.muli %mul3A_318, %scan3A_132 : i32
        %add3A_320 = arith.constant 1 : i32
        %add3A_321 = arith.addi %mul3A_319, %add3A_320 : i32
        %slice3A_322 = vector.extract_strided_slice %get3A_141 {offsets = [4], sizes = [1], strides = [1]} : vector<16xf32> to vector<1xf32>
        %squeeze3A_323 = vector.extract %slice3A_322[0] : f32 from vector<1xf32>
        %mul3A_324 = vector.broadcast %squeeze3A_323 : f32 to vector<16xf32>
        %mul3A_325 = arith.mulf %mul3A_324, %get3A_103 : vector<16xf32>
        %slice3A_326 = vector.extract_strided_slice %get3A_141 {offsets = [5], sizes = [1], strides = [1]} : vector<16xf32> to vector<1xf32>
        %squeeze3A_327 = vector.extract %slice3A_326[0] : f32 from vector<1xf32>
        %mul3A_328 = vector.broadcast %squeeze3A_327 : f32 to vector<16xf32>
        %mul3A_329 = arith.mulf %mul3A_328, %get3A_108 : vector<16xf32>
        %add3A_330 = arith.addf %mul3A_325, %mul3A_329 : vector<16xf32>
        %slice3A_331 = vector.extract_strided_slice %get3A_141 {offsets = [6], sizes = [1], strides = [1]} : vector<16xf32> to vector<1xf32>
        %squeeze3A_332 = vector.extract %slice3A_331[0] : f32 from vector<1xf32>
        %mul3A_333 = vector.broadcast %squeeze3A_332 : f32 to vector<16xf32>
        %mul3A_334 = arith.mulf %mul3A_333, %get3A_113 : vector<16xf32>
        %add3A_335 = arith.addf %add3A_330, %mul3A_334 : vector<16xf32>
        %slice3A_336 = vector.extract_strided_slice %get3A_141 {offsets = [7], sizes = [1], strides = [1]} : vector<16xf32> to vector<1xf32>
        %squeeze3A_337 = vector.extract %slice3A_336[0] : f32 from vector<1xf32>
        %mul3A_338 = vector.broadcast %squeeze3A_337 : f32 to vector<16xf32>
        %mul3A_339 = arith.mulf %mul3A_338, %get3A_118 : vector<16xf32>
        %add3A_340 = arith.addf %add3A_335, %mul3A_339 : vector<16xf32>
        %add3A_341 = arith.addf %add3A_340, %get3A_123 : vector<16xf32>
        %max3A_342 = arith.constant 0.000000e+00 : f32
        %max3A_343 = vector.broadcast %max3A_342 : f32 to vector<16xf32>
        %max3A_344 = arith.maximumf %add3A_341, %max3A_343 : vector<16xf32>
        %get3A_345 = arith.index_cast %add3A_321 : i32 to index
        %get3A_346 = arith.constant 256 : index
        %get3A_347 = tpu.vector_load %arg16[%get3A_345, %get3A_346] {strides = array<i32>} : memref<128x272xf32, #tpu.memory_space<vmem>>, vector<1x16xf32>,
        %get3A_348 = vector.shape_cast %get3A_347 : vector<1x16xf32> to vector<16xf32>
        %slice3A_349 = vector.extract_strided_slice %max3A_344 {offsets = [0], sizes = [1], strides = [1]} : vector<16xf32> to vector<1xf32>
        %squeeze3A_350 = vector.extract %slice3A_349[0] : f32 from vector<1xf32>
        %get3A_351 = arith.index_cast %add3A_321 : i32 to index
        %get3A_352 = arith.constant 0 : index
        %get3A_353 = tpu.vector_load %arg16[%get3A_351, %get3A_352] {strides = array<i32>} : memref<128x272xf32, #tpu.memory_space<vmem>>, vector<1x16xf32>,
        %get3A_354 = vector.shape_cast %get3A_353 : vector<1x16xf32> to vector<16xf32>
        %mul3A_355 = vector.broadcast %squeeze3A_350 : f32 to vector<16xf32>
        %mul3A_356 = arith.mulf %mul3A_355, %get3A_354 : vector<16xf32>
        %slice3A_357 = vector.extract_strided_slice %max3A_344 {offsets = [1], sizes = [1], strides = [1]} : vector<16xf32> to vector<1xf32>
        %squeeze3A_358 = vector.extract %slice3A_357[0] : f32 from vector<1xf32>
        %get3A_359 = arith.index_cast %add3A_321 : i32 to index
        %get3A_360 = arith.constant 16 : index
        %get3A_361 = tpu.vector_load %arg16[%get3A_359, %get3A_360] {strides = array<i32>} : memref<128x272xf32, #tpu.memory_space<vmem>>, vector<1x16xf32>,
        %get3A_362 = vector.shape_cast %get3A_361 : vector<1x16xf32> to vector<16xf32>
        %mul3A_363 = vector.broadcast %squeeze3A_358 : f32 to vector<16xf32>
        %mul3A_364 = arith.mulf %mul3A_363, %get3A_362 : vector<16xf32>
        %slice3A_365 = vector.extract_strided_slice %max3A_344 {offsets = [2], sizes = [1], strides = [1]} : vector<16xf32> to vector<1xf32>
        %squeeze3A_366 = vector.extract %slice3A_365[0] : f32 from vector<1xf32>
        %get3A_367 = arith.index_cast %add3A_321 : i32 to index
        %get3A_368 = arith.constant 32 : index
        %get3A_369 = tpu.vector_load %arg16[%get3A_367, %get3A_368] {strides = array<i32>} : memref<128x272xf32, #tpu.memory_space<vmem>>, vector<1x16xf32>,
        %get3A_370 = vector.shape_cast %get3A_369 : vector<1x16xf32> to vector<16xf32>
        %mul3A_371 = vector.broadcast %squeeze3A_366 : f32 to vector<16xf32>
        %mul3A_372 = arith.mulf %mul3A_371, %get3A_370 : vector<16xf32>
        %slice3A_373 = vector.extract_strided_slice %max3A_344 {offsets = [3], sizes = [1], strides = [1]} : vector<16xf32> to vector<1xf32>
        %squeeze3A_374 = vector.extract %slice3A_373[0] : f32 from vector<1xf32>
        %get3A_375 = arith.index_cast %add3A_321 : i32 to index
        %get3A_376 = arith.constant 48 : index
        %get3A_377 = tpu.vector_load %arg16[%get3A_375, %get3A_376] {strides = array<i32>} : memref<128x272xf32, #tpu.memory_space<vmem>>, vector<1x16xf32>,
        %get3A_378 = vector.shape_cast %get3A_377 : vector<1x16xf32> to vector<16xf32>
        %mul3A_379 = vector.broadcast %squeeze3A_374 : f32 to vector<16xf32>
        %mul3A_380 = arith.mulf %mul3A_379, %get3A_378 : vector<16xf32>
        %add3A_381 = arith.addf %mul3A_372, %mul3A_380 : vector<16xf32>
        %slice3A_382 = vector.extract_strided_slice %max3A_344 {offsets = [4], sizes = [1], strides = [1]} : vector<16xf32> to vector<1xf32>
        %squeeze3A_383 = vector.extract %slice3A_382[0] : f32 from vector<1xf32>
        %get3A_384 = arith.index_cast %add3A_321 : i32 to index
        %get3A_385 = arith.constant 64 : index
        %get3A_386 = tpu.vector_load %arg16[%get3A_384, %get3A_385] {strides = array<i32>} : memref<128x272xf32, #tpu.memory_space<vmem>>, vector<1x16xf32>,
        %get3A_387 = vector.shape_cast %get3A_386 : vector<1x16xf32> to vector<16xf32>
        %mul3A_388 = vector.broadcast %squeeze3A_383 : f32 to vector<16xf32>
        %mul3A_389 = arith.mulf %mul3A_388, %get3A_387 : vector<16xf32>
        %add3A_390 = arith.addf %get3A_348, %mul3A_389 : vector<16xf32>
        %slice3A_391 = vector.extract_strided_slice %max3A_344 {offsets = [5], sizes = [1], strides = [1]} : vector<16xf32> to vector<1xf32>
        %squeeze3A_392 = vector.extract %slice3A_391[0] : f32 from vector<1xf32>
        %get3A_393 = arith.index_cast %add3A_321 : i32 to index
        %get3A_394 = arith.constant 80 : index
        %get3A_395 = tpu.vector_load %arg16[%get3A_393, %get3A_394] {strides = array<i32>} : memref<128x272xf32, #tpu.memory_space<vmem>>, vector<1x16xf32>,
        %get3A_396 = vector.shape_cast %get3A_395 : vector<1x16xf32> to vector<16xf32>
        %mul3A_397 = vector.broadcast %squeeze3A_392 : f32 to vector<16xf32>
        %mul3A_398 = arith.mulf %mul3A_397, %get3A_396 : vector<16xf32>
        %add3A_399 = arith.addf %mul3A_356, %mul3A_398 : vector<16xf32>
        %slice3A_400 = vector.extract_strided_slice %max3A_344 {offsets = [6], sizes = [1], strides = [1]} : vector<16xf32> to vector<1xf32>
        %squeeze3A_401 = vector.extract %slice3A_400[0] : f32 from vector<1xf32>
        %get3A_402 = arith.index_cast %add3A_321 : i32 to index
        %get3A_403 = arith.constant 96 : index
        %get3A_404 = tpu.vector_load %arg16[%get3A_402, %get3A_403] {strides = array<i32>} : memref<128x272xf32, #tpu.memory_space<vmem>>, vector<1x16xf32>,
        %get3A_405 = vector.shape_cast %get3A_404 : vector<1x16xf32> to vector<16xf32>
        %mul3A_406 = vector.broadcast %squeeze3A_401 : f32 to vector<16xf32>
        %mul3A_407 = arith.mulf %mul3A_406, %get3A_405 : vector<16xf32>
        %add3A_408 = arith.addf %mul3A_364, %mul3A_407 : vector<16xf32>
        %slice3A_409 = vector.extract_strided_slice %max3A_344 {offsets = [7], sizes = [1], strides = [1]} : vector<16xf32> to vector<1xf32>
        %squeeze3A_410 = vector.extract %slice3A_409[0] : f32 from vector<1xf32>
        %get3A_411 = arith.index_cast %add3A_321 : i32 to index
        %get3A_412 = arith.constant 112 : index
        %get3A_413 = tpu.vector_load %arg16[%get3A_411, %get3A_412] {strides = array<i32>} : memref<128x272xf32, #tpu.memory_space<vmem>>, vector<1x16xf32>,
        %get3A_414 = vector.shape_cast %get3A_413 : vector<1x16xf32> to vector<16xf32>
        %mul3A_415 = vector.broadcast %squeeze3A_410 : f32 to vector<16xf32>
        %mul3A_416 = arith.mulf %mul3A_415, %get3A_414 : vector<16xf32>
        %add3A_417 = arith.addf %add3A_381, %mul3A_416 : vector<16xf32>
        %slice3A_418 = vector.extract_strided_slice %max3A_344 {offsets = [8], sizes = [1], strides = [1]} : vector<16xf32> to vector<1xf32>
        %squeeze3A_419 = vector.extract %slice3A_418[0] : f32 from vector<1xf32>
        %get3A_420 = arith.index_cast %add3A_321 : i32 to index
        %get3A_421 = arith.constant 128 : index
        %get3A_422 = tpu.vector_load %arg16[%get3A_420, %get3A_421] {strides = array<i32>} : memref<128x272xf32, #tpu.memory_space<vmem>>, vector<1x16xf32>,
        %get3A_423 = vector.shape_cast %get3A_422 : vector<1x16xf32> to vector<16xf32>
        %mul3A_424 = vector.broadcast %squeeze3A_419 : f32 to vector<16xf32>
        %mul3A_425 = arith.mulf %mul3A_424, %get3A_423 : vector<16xf32>
        %add3A_426 = arith.addf %add3A_390, %mul3A_425 : vector<16xf32>
        %slice3A_427 = vector.extract_strided_slice %max3A_344 {offsets = [9], sizes = [1], strides = [1]} : vector<16xf32> to vector<1xf32>
        %squeeze3A_428 = vector.extract %slice3A_427[0] : f32 from vector<1xf32>
        %get3A_429 = arith.index_cast %add3A_321 : i32 to index
        %get3A_430 = arith.constant 144 : index
        %get3A_431 = tpu.vector_load %arg16[%get3A_429, %get3A_430] {strides = array<i32>} : memref<128x272xf32, #tpu.memory_space<vmem>>, vector<1x16xf32>,
        %get3A_432 = vector.shape_cast %get3A_431 : vector<1x16xf32> to vector<16xf32>
        %mul3A_433 = vector.broadcast %squeeze3A_428 : f32 to vector<16xf32>
        %mul3A_434 = arith.mulf %mul3A_433, %get3A_432 : vector<16xf32>
        %add3A_435 = arith.addf %add3A_399, %mul3A_434 : vector<16xf32>
        %slice3A_436 = vector.extract_strided_slice %max3A_344 {offsets = [10], sizes = [1], strides = [1]} : vector<16xf32> to vector<1xf32>
        %squeeze3A_437 = vector.extract %slice3A_436[0] : f32 from vector<1xf32>
        %get3A_438 = arith.index_cast %add3A_321 : i32 to index
        %get3A_439 = arith.constant 160 : index
        %get3A_440 = tpu.vector_load %arg16[%get3A_438, %get3A_439] {strides = array<i32>} : memref<128x272xf32, #tpu.memory_space<vmem>>, vector<1x16xf32>,
        %get3A_441 = vector.shape_cast %get3A_440 : vector<1x16xf32> to vector<16xf32>
        %mul3A_442 = vector.broadcast %squeeze3A_437 : f32 to vector<16xf32>
        %mul3A_443 = arith.mulf %mul3A_442, %get3A_441 : vector<16xf32>
        %add3A_444 = arith.addf %add3A_408, %mul3A_443 : vector<16xf32>
        %slice3A_445 = vector.extract_strided_slice %max3A_344 {offsets = [11], sizes = [1], strides = [1]} : vector<16xf32> to vector<1xf32>
        %squeeze3A_446 = vector.extract %slice3A_445[0] : f32 from vector<1xf32>
        %get3A_447 = arith.index_cast %add3A_321 : i32 to index
        %get3A_448 = arith.constant 176 : index
        %get3A_449 = tpu.vector_load %arg16[%get3A_447, %get3A_448] {strides = array<i32>} : memref<128x272xf32, #tpu.memory_space<vmem>>, vector<1x16xf32>,
        %get3A_450 = vector.shape_cast %get3A_449 : vector<1x16xf32> to vector<16xf32>
        %mul3A_451 = vector.broadcast %squeeze3A_446 : f32 to vector<16xf32>
        %mul3A_452 = arith.mulf %mul3A_451, %get3A_450 : vector<16xf32>
        %add3A_453 = arith.addf %add3A_417, %mul3A_452 : vector<16xf32>
        %slice3A_454 = vector.extract_strided_slice %max3A_344 {offsets = [12], sizes = [1], strides = [1]} : vector<16xf32> to vector<1xf32>
        %squeeze3A_455 = vector.extract %slice3A_454[0] : f32 from vector<1xf32>
        %get3A_456 = arith.index_cast %add3A_321 : i32 to index
        %get3A_457 = arith.constant 192 : index
        %get3A_458 = tpu.vector_load %arg16[%get3A_456, %get3A_457] {strides = array<i32>} : memref<128x272xf32, #tpu.memory_space<vmem>>, vector<1x16xf32>,
        %get3A_459 = vector.shape_cast %get3A_458 : vector<1x16xf32> to vector<16xf32>
        %mul3A_460 = vector.broadcast %squeeze3A_455 : f32 to vector<16xf32>
        %mul3A_461 = arith.mulf %mul3A_460, %get3A_459 : vector<16xf32>
        %add3A_462 = arith.addf %add3A_426, %mul3A_461 : vector<16xf32>
        %slice3A_463 = vector.extract_strided_slice %max3A_344 {offsets = [13], sizes = [1], strides = [1]} : vector<16xf32> to vector<1xf32>
        %squeeze3A_464 = vector.extract %slice3A_463[0] : f32 from vector<1xf32>
        %get3A_465 = arith.index_cast %add3A_321 : i32 to index
        %get3A_466 = arith.constant 208 : index
        %get3A_467 = tpu.vector_load %arg16[%get3A_465, %get3A_466] {strides = array<i32>} : memref<128x272xf32, #tpu.memory_space<vmem>>, vector<1x16xf32>,
        %get3A_468 = vector.shape_cast %get3A_467 : vector<1x16xf32> to vector<16xf32>
        %mul3A_469 = vector.broadcast %squeeze3A_464 : f32 to vector<16xf32>
        %mul3A_470 = arith.mulf %mul3A_469, %get3A_468 : vector<16xf32>
        %add3A_471 = arith.addf %add3A_435, %mul3A_470 : vector<16xf32>
        %slice3A_472 = vector.extract_strided_slice %max3A_344 {offsets = [14], sizes = [1], strides = [1]} : vector<16xf32> to vector<1xf32>
        %squeeze3A_473 = vector.extract %slice3A_472[0] : f32 from vector<1xf32>
        %get3A_474 = arith.index_cast %add3A_321 : i32 to index
        %get3A_475 = arith.constant 224 : index
        %get3A_476 = tpu.vector_load %arg16[%get3A_474, %get3A_475] {strides = array<i32>} : memref<128x272xf32, #tpu.memory_space<vmem>>, vector<1x16xf32>,
        %get3A_477 = vector.shape_cast %get3A_476 : vector<1x16xf32> to vector<16xf32>
        %mul3A_478 = vector.broadcast %squeeze3A_473 : f32 to vector<16xf32>
        %mul3A_479 = arith.mulf %mul3A_478, %get3A_477 : vector<16xf32>
        %add3A_480 = arith.addf %add3A_444, %mul3A_479 : vector<16xf32>
        %slice3A_481 = vector.extract_strided_slice %max3A_344 {offsets = [15], sizes = [1], strides = [1]} : vector<16xf32> to vector<1xf32>
        %squeeze3A_482 = vector.extract %slice3A_481[0] : f32 from vector<1xf32>
        %get3A_483 = arith.index_cast %add3A_321 : i32 to index
        %get3A_484 = arith.constant 240 : index
        %get3A_485 = tpu.vector_load %arg16[%get3A_483, %get3A_484] {strides = array<i32>} : memref<128x272xf32, #tpu.memory_space<vmem>>, vector<1x16xf32>,
        %get3A_486 = vector.shape_cast %get3A_485 : vector<1x16xf32> to vector<16xf32>
        %mul3A_487 = vector.broadcast %squeeze3A_482 : f32 to vector<16xf32>
        %mul3A_488 = arith.mulf %mul3A_487, %get3A_486 : vector<16xf32>
        %add3A_489 = arith.addf %add3A_453, %mul3A_488 : vector<16xf32>
        %add3A_490 = arith.addf %add3A_462, %add3A_471 : vector<16xf32>
        %add3A_491 = arith.addf %add3A_480, %add3A_489 : vector<16xf32>
        %add3A_492 = arith.addf %add3A_490, %add3A_491 : vector<16xf32>
        %swap3A_493 = arith.index_cast %add3A_321 : i32 to index
        %swap3A_494 = arith.constant 0 : index
        %swap3A_495 = tpu.vector_load %arg17[%swap3A_493, %swap3A_494] {strides = array<i32>} : memref<128x32xf32, #tpu.memory_space<vmem>>, vector<1x16xf32>,
        %swap3A_496 = vector.shape_cast %swap3A_495 : vector<1x16xf32> to vector<16xf32>
        %swap3A_497 = vector.shape_cast %add3A_492 : vector<16xf32> to vector<1x16xf32>
        tpu.vector_store %arg17[%swap3A_493, %swap3A_494], %swap3A_497 {strides = array<i32>} : memref<128x32xf32, #tpu.memory_space<vmem>>, vector<1x16xf32>,
        %scan3A_498 = arith.constant 0 : i32
        scf.yield %scan3A_498 : i32
      }
      %scan3A_130 = arith.constant 64 : i32
      "tpu.region"() ({
        %run_scoped3A = tpu.sem_alloc : memref<!tpu.dma_semaphore, #tpu.memory_space<semaphore_mem>>
        %dma_start3A_132 = arith.constant 0 : i32
        %dma_start3A_133 = tpu.memref_slice %arg11[%add3A_98, %dma_start3A_132] : memref<40x128xi32, #tpu.memory_space<vmem>> -> memref<1x128xi32, #tpu.memory_space<vmem>>
        %dma_start3A_134 = tpu.memref_squeeze %dma_start3A_133 : memref<1x128xi32, #tpu.memory_space<vmem>> -> memref<128xi32, #tpu.memory_space<vmem>>
        %dma_start3A_135 = arith.constant 0 : i32
        %dma_start3A_136 = arith.constant 0 : i32
        %dma_start3A_137 = tpu.memref_slice %arg18[%dma_start3A_135, %dma_start3A_136] : memref<10112x32xf32, #tpu.memory_space<vmem_shared>> -> memref<10112x32xf32, #tpu.memory_space<vmem_shared>>
        tpu.enqueue_indirect_dma source(%arg17 : memref<128x32xf32, #tpu.memory_space<vmem>>) target(%dma_start3A_137 : memref<10112x32xf32, #tpu.memory_space<vmem_shared>>) offsets(%dma_start3A_134 : memref<128xi32, #tpu.memory_space<vmem>>) semaphore(%run_scoped3A : memref<!tpu.dma_semaphore, #tpu.memory_space<semaphore_mem>>) {add = true}
        %dma_wait3A_138 = arith.constant 0 : i32
        %dma_wait3A_139 = tpu.memref_slice %arg11[%add3A_98, %dma_wait3A_138] : memref<40x128xi32, #tpu.memory_space<vmem>> -> memref<1x128xi32, #tpu.memory_space<vmem>>
        %dma_wait3A_140 = tpu.memref_squeeze %dma_wait3A_139 : memref<1x128xi32, #tpu.memory_space<vmem>> -> memref<128xi32, #tpu.memory_space<vmem>>
        %dma_wait3A_141 = arith.constant 0 : i32
        %dma_wait3A_142 = arith.constant 0 : i32
        %dma_wait3A_143 = tpu.memref_slice %arg18[%dma_wait3A_141, %dma_wait3A_142] : memref<10112x32xf32, #tpu.memory_space<vmem_shared>> -> memref<10112x32xf32, #tpu.memory_space<vmem_shared>>
        tpu.wait_indirect_dma semaphore(%run_scoped3A : memref<!tpu.dma_semaphore, #tpu.memory_space<semaphore_mem>>) src(%arg17 : memref<128x32xf32, #tpu.memory_space<vmem>>) dst(%dma_wait3A_143 : memref<10112x32xf32, #tpu.memory_space<vmem_shared>>)
        tpu.yield
      }) : () -> ()
      %scan3A_131 = arith.constant 0 : i32
      scf.yield %scan3A_131 : i32
    }
    %scan3A_33 = arith.constant 20 : i32
    %barrier3A_34 = arith.constant 0 : index
    tpu.barrier barrier_id(%barrier3A_34)
    %mul3A_35 = arith.constant 632 : i32
    %mul3A_36 = arith.muli %arg1, %mul3A_35 : i32
    %mul3A_37 = arith.constant 632 : i32
    %mul3A_38 = arith.muli %arg1, %mul3A_37 : i32
    "tpu.region"() ({
      %run_scoped3A = tpu.sem_alloc : memref<!tpu.dma_semaphore, #tpu.memory_space<semaphore_mem>>
      %dma_start3A_39 = arith.constant 0 : i32
      %dma_start3A_40 = tpu.memref_slice %arg9[%arg0, %mul3A_38, %dma_start3A_39] : memref<2x10112x32xf32, #tpu.memory_space<hbm>> -> memref<1x632x32xf32, #tpu.memory_space<hbm>>
      %dma_start3A_41 = tpu.memref_squeeze %dma_start3A_40 : memref<1x632x32xf32, #tpu.memory_space<hbm>> -> memref<632x32xf32, #tpu.memory_space<hbm>>
      %dma_start3A_42 = arith.constant 0 : i32
      %dma_start3A_43 = tpu.memref_slice %arg18[%mul3A_36, %dma_start3A_42] : memref<10112x32xf32, #tpu.memory_space<vmem_shared>> -> memref<632x32xf32, #tpu.memory_space<vmem_shared>>
      tpu.enqueue_dma source(%dma_start3A_43 : memref<632x32xf32, #tpu.memory_space<vmem_shared>>) target(%dma_start3A_41 : memref<632x32xf32, #tpu.memory_space<hbm>>) target_semaphore(%run_scoped3A : memref<!tpu.dma_semaphore, #tpu.memory_space<semaphore_mem>>)
      %dma_wait3A = arith.constant 0 : i32
      %dma_wait3A_44 = tpu.memref_slice %arg9[%arg0, %mul3A_38, %dma_wait3A] : memref<2x10112x32xf32, #tpu.memory_space<hbm>> -> memref<1x632x32xf32, #tpu.memory_space<hbm>>
      %dma_wait3A_45 = tpu.memref_squeeze %dma_wait3A_44 : memref<1x632x32xf32, #tpu.memory_space<hbm>> -> memref<632x32xf32, #tpu.memory_space<hbm>>
      %dma_wait3A_46 = arith.constant 0 : i32
      %dma_wait3A_47 = tpu.memref_slice %arg18[%mul3A_36, %dma_wait3A_46] : memref<10112x32xf32, #tpu.memory_space<vmem_shared>> -> memref<632x32xf32, #tpu.memory_space<vmem_shared>>
      tpu.wait_dma2 semaphore(%run_scoped3A : memref<!tpu.dma_semaphore, #tpu.memory_space<semaphore_mem>>) src(%dma_wait3A_47 : memref<632x32xf32, #tpu.memory_space<vmem_shared>>) dst(%dma_wait3A_45 : memref<632x32xf32, #tpu.memory_space<hbm>>)
      tpu.yield
    }) : () -> ()
    return
  }
}

module attributes {stable_mosaic.version = 14 : i64} {
  func.func @_z_body(%arg0: i32, %arg1: memref<2000x64xf32, #tpu.memory_space<vmem>>, %arg2: memref<64x272xf32, #tpu.memory_space<vmem>>, %arg3: memref<2000x272xf32, #tpu.memory_space<vmem>>) attributes {dimension_semantics = [#tpu.dimension_semantics<arbitrary>], iteration_bounds = array<i64: 5>, scalar_prefetch = 0 : i64, scratch_operands = 0 : i64, tpu.core_type = #tpu.core_type<tc>, window_params = [{transform_indices = @transform_0, window_bounds = array<i64: 2000, 64>}, {pipeline_mode = #tpu.pipeline_mode<synchronous>, transform_indices = @transform_1, window_bounds = array<i64: 64, 272>}, {transform_indices = @transform_2, window_bounds = array<i64: 2000, 272>}]} {
    %get3A = arith.constant 0 : index
    %get3A_0 = arith.constant 0 : index
    %get3A_1 = vector.load %arg1[%get3A, %get3A_0] : memref<2000x64xf32, #tpu.memory_space<vmem>>, vector<2000x64xf32>
    %get3A_2 = arith.constant 0 : index
    %get3A_3 = arith.constant 0 : index
    %get3A_4 = vector.load %arg2[%get3A_2, %get3A_3] : memref<64x272xf32, #tpu.memory_space<vmem>>, vector<64x272xf32>
    %dot_general3A = arith.constant dense<0.000000e+00> : vector<2000x272xf32>
    %dot_general3A_5 = tpu.matmul %get3A_1, %get3A_4, %dot_general3A {dimension_numbers = #tpu.dot_dimension_numbers<[1], [0], [0], [1], [0, 0, 1, 1], [], []>, precision = #tpu.contract_precision<fp32>, transpose_lhs_hint = false} : vector<2000x64xf32>, vector<64x272xf32>, vector<2000x272xf32> -> vector<2000x272xf32>
    %swap3A = arith.constant 0 : index
    %swap3A_6 = arith.constant 0 : index
    %swap3A_7 = vector.load %arg3[%swap3A, %swap3A_6] : memref<2000x272xf32, #tpu.memory_space<vmem>>, vector<2000x272xf32>
    tpu.vector_store %arg3[%swap3A, %swap3A_6], %dot_general3A_5 {strides = array<i32>} : memref<2000x272xf32, #tpu.memory_space<vmem>>, vector<2000x272xf32>,
    return
  }
  func.func @transform_0(%arg0: i32) -> (i32, i32) {
    %c0_i32 = arith.constant 0 : i32
    %c0_i32_0 = arith.constant 0 : i32
    return %arg0, %c0_i32 : i32, i32
  }
  func.func @transform_1(%arg0: i32) -> (i32, i32) {
    %c0_i32 = arith.constant 0 : i32
    %c0_i32_0 = arith.constant 0 : i32
    %c0_i32_1 = arith.constant 0 : i32
    return %c0_i32, %c0_i32_0 : i32, i32
  }
  func.func @transform_2(%arg0: i32) -> (i32, i32) {
    %c0_i32 = arith.constant 0 : i32
    %c0_i32_0 = arith.constant 0 : i32
    return %arg0, %c0_i32 : i32, i32
  }
}

module attributes {stable_mosaic.version = 14 : i64} {
  func.func @_c1_body(%arg0: i32, %arg1: memref<2x2000x32xf32, #tpu.memory_space<vmem>>, %arg2: memref<2000x64xf32, #tpu.memory_space<vmem>>, %arg3: memref<64x16xf32, #tpu.memory_space<vmem>>, %arg4: memref<1x16xf32, #tpu.memory_space<vmem>>, %arg5: memref<2000x16xf32, #tpu.memory_space<vmem>>, %arg6: memref<2x16xf32, #tpu.memory_space<vmem>>) attributes {dimension_semantics = [#tpu.dimension_semantics<arbitrary>], iteration_bounds = array<i64: 5>, scalar_prefetch = 0 : i64, scratch_operands = 0 : i64, tpu.core_type = #tpu.core_type<tc>, window_params = [{transform_indices = @transform_0, window_bounds = array<i64: 2, 2000, 32>}, {transform_indices = @transform_1, window_bounds = array<i64: 2000, 64>}, {pipeline_mode = #tpu.pipeline_mode<synchronous>, transform_indices = @transform_2, window_bounds = array<i64: 64, 16>}, {pipeline_mode = #tpu.pipeline_mode<synchronous>, transform_indices = @transform_3, window_bounds = array<i64: 1, 16>}, {transform_indices = @transform_4, window_bounds = array<i64: 2000, 16>}, {pipeline_mode = #tpu.pipeline_mode<synchronous>, transform_indices = @transform_5, window_bounds = array<i64: 2, 16>}]} {
    %get3A = arith.constant 0 : index
    %get3A_0 = arith.constant 0 : index
    %get3A_1 = arith.constant 0 : index
    %get3A_2 = vector.load %arg1[%get3A, %get3A_0, %get3A_1] : memref<2x2000x32xf32, #tpu.memory_space<vmem>>, vector<1x2000x32xf32>
    %get3A_3 = vector.shape_cast %get3A_2 : vector<1x2000x32xf32> to vector<2000x32xf32>
    %get3A_4 = arith.constant 1 : index
    %get3A_5 = arith.constant 0 : index
    %get3A_6 = arith.constant 0 : index
    %get3A_7 = vector.load %arg1[%get3A_4, %get3A_5, %get3A_6] : memref<2x2000x32xf32, #tpu.memory_space<vmem>>, vector<1x2000x32xf32>
    %get3A_8 = vector.shape_cast %get3A_7 : vector<1x2000x32xf32> to vector<2000x32xf32>
    %slice3A = vector.extract_strided_slice %get3A_3 {offsets = [0, 0], sizes = [2000, 16], strides = [1, 1]} : vector<2000x32xf32> to vector<2000x16xf32>
    %slice3A_9 = vector.extract_strided_slice %get3A_8 {offsets = [0, 0], sizes = [2000, 16], strides = [1, 1]} : vector<2000x32xf32> to vector<2000x16xf32>
    %add3A = arith.addf %slice3A, %slice3A_9 : vector<2000x16xf32>
    %slice3A_10 = vector.extract_strided_slice %get3A_3 {offsets = [0, 16], sizes = [2000, 1], strides = [1, 1]} : vector<2000x32xf32> to vector<2000x1xf32>
    %slice3A_11 = vector.extract_strided_slice %get3A_8 {offsets = [0, 16], sizes = [2000, 1], strides = [1, 1]} : vector<2000x32xf32> to vector<2000x1xf32>
    %add3A_12 = arith.addf %slice3A_10, %slice3A_11 : vector<2000x1xf32>
    %max3A = arith.constant 1.000000e+00 : f32
    %max3A_13 = vector.broadcast %max3A : f32 to vector<2000x1xf32>
    %max3A_14 = arith.maximumf %add3A_12, %max3A_13 : vector<2000x1xf32>
    %div3A = arith.constant 1.000000e+00 : f32
    %div3A_15 = vector.broadcast %div3A : f32 to vector<2000x1xf32>
    %div3A_16 = arith.divf %div3A_15, %max3A_14 : vector<2000x1xf32>
    %mul3A = arith.mulf %max3A_14, %div3A_16 : vector<2000x1xf32>
    %sub3A = arith.constant 2.000000e+00 : f32
    %sub3A_17 = vector.broadcast %sub3A : f32 to vector<2000x1xf32>
    %sub3A_18 = arith.subf %sub3A_17, %mul3A : vector<2000x1xf32>
    %mul3A_19 = arith.mulf %div3A_16, %sub3A_18 : vector<2000x1xf32>
    %mul3A_20 = vector.broadcast %mul3A_19 : vector<2000x1xf32> to vector<2000x16xf32>
    %mul3A_21 = arith.mulf %add3A, %mul3A_20 : vector<2000x16xf32>
    %get3A_22 = arith.constant 0 : index
    %get3A_23 = arith.constant 0 : index
    %get3A_24 = vector.load %arg2[%get3A_22, %get3A_23] : memref<2000x64xf32, #tpu.memory_space<vmem>>, vector<2000x64xf32>
    %get3A_25 = arith.constant 0 : index
    %get3A_26 = arith.constant 0 : index
    %get3A_27 = vector.load %arg3[%get3A_25, %get3A_26] : memref<64x16xf32, #tpu.memory_space<vmem>>, vector<64x16xf32>
    %convert_element_type3A = arith.truncf %get3A_24 : vector<2000x64xf32> to vector<2000x64xbf16>
    %convert_element_type3A_28 = arith.truncf %get3A_27 : vector<64x16xf32> to vector<64x16xbf16>
    %dot_general3A = arith.constant dense<0.000000e+00> : vector<2000x16xf32>
    %dot_general3A_29 = tpu.matmul %convert_element_type3A, %convert_element_type3A_28, %dot_general3A {dimension_numbers = #tpu.dot_dimension_numbers<[1], [0], [0], [1], [0, 0, 1, 1], [], []>, transpose_lhs_hint = false} : vector<2000x64xbf16>, vector<64x16xbf16>, vector<2000x16xf32> -> vector<2000x16xf32>
    %add3A_30 = arith.addf %mul3A_21, %dot_general3A_29 : vector<2000x16xf32>
    %get3A_31 = arith.constant 0 : index
    %get3A_32 = arith.constant 0 : index
    %get3A_33 = vector.load %arg4[%get3A_31, %get3A_32] : memref<1x16xf32, #tpu.memory_space<vmem>>, vector<1x16xf32>
    %add3A_34 = vector.broadcast %get3A_33 : vector<1x16xf32> to vector<2000x16xf32>
    %add3A_35 = arith.addf %add3A_30, %add3A_34 : vector<2000x16xf32>
    %swap3A = arith.constant 0 : index
    %swap3A_36 = arith.constant 0 : index
    %swap3A_37 = vector.load %arg5[%swap3A, %swap3A_36] : memref<2000x16xf32, #tpu.memory_space<vmem>>, vector<2000x16xf32>
    tpu.vector_store %arg5[%swap3A, %swap3A_36], %add3A_35 {strides = array<i32>} : memref<2000x16xf32, #tpu.memory_space<vmem>>, vector<2000x16xf32>,
    %reduce_sum3A = arith.constant dense<0.000000e+00> : vector<16xf32>
    %reduce_sum3A_38 = vector.multi_reduction <add>, %add3A_35, %reduce_sum3A [0] : vector<2000x16xf32> to vector<16xf32>
    %broadcast_in_dim3A = vector.shape_cast %reduce_sum3A_38 : vector<16xf32> to vector<1x16xf32>
    %mul3A_39 = arith.mulf %add3A_35, %add3A_35 : vector<2000x16xf32>
    %reduce_sum3A_40 = arith.constant dense<0.000000e+00> : vector<16xf32>
    %reduce_sum3A_41 = vector.multi_reduction <add>, %mul3A_39, %reduce_sum3A_40 [0] : vector<2000x16xf32> to vector<16xf32>
    %broadcast_in_dim3A_42 = vector.shape_cast %reduce_sum3A_41 : vector<16xf32> to vector<1x16xf32>
    %concatenate3A = tpu.concatenate %broadcast_in_dim3A, %broadcast_in_dim3A_42 in 0 : vector<1x16xf32>, vector<1x16xf32> -> vector<2x16xf32>
    %eq3A = arith.constant 0 : i32
    %eq3A_43 = arith.cmpi eq, %arg0, %eq3A : i32
    %convert_element_type3A_44 = arith.extui %eq3A_43 : i1 to i32
    %cond3A = arith.constant 0 : i32
    %cond3A_45 = arith.cmpi ne, %convert_element_type3A_44, %cond3A : i32
    scf.if %cond3A_45 {
      %swap3A_50 = arith.constant 0 : index
      %swap3A_51 = arith.constant 0 : index
      %swap3A_52 = vector.load %arg6[%swap3A_50, %swap3A_51] : memref<2x16xf32, #tpu.memory_space<vmem>>, vector<2x16xf32>
      tpu.vector_store %arg6[%swap3A_50, %swap3A_51], %concatenate3A {strides = array<i32>} : memref<2x16xf32, #tpu.memory_space<vmem>>, vector<2x16xf32>,
    } else {
    }
    %gt3A = arith.constant 0 : i32
    %gt3A_46 = arith.cmpi sgt, %arg0, %gt3A : i32
    %convert_element_type3A_47 = arith.extui %gt3A_46 : i1 to i32
    %cond3A_48 = arith.constant 0 : i32
    %cond3A_49 = arith.cmpi ne, %convert_element_type3A_47, %cond3A_48 : i32
    scf.if %cond3A_49 {
      %get3A_50 = arith.constant 0 : index
      %get3A_51 = arith.constant 0 : index
      %get3A_52 = vector.load %arg6[%get3A_50, %get3A_51] : memref<2x16xf32, #tpu.memory_space<vmem>>, vector<2x16xf32>
      %add3A_53 = arith.addf %get3A_52, %concatenate3A : vector<2x16xf32>
      %swap3A_54 = arith.constant 0 : index
      %swap3A_55 = arith.constant 0 : index
      %swap3A_56 = vector.load %arg6[%swap3A_54, %swap3A_55] : memref<2x16xf32, #tpu.memory_space<vmem>>, vector<2x16xf32>
      tpu.vector_store %arg6[%swap3A_54, %swap3A_55], %add3A_53 {strides = array<i32>} : memref<2x16xf32, #tpu.memory_space<vmem>>, vector<2x16xf32>,
    } else {
    }
    return
  }
  func.func @transform_0(%arg0: i32) -> (i32, i32, i32) {
    %c0_i32 = arith.constant 0 : i32
    %c0_i32_0 = arith.constant 0 : i32
    %c0_i32_1 = arith.constant 0 : i32
    return %c0_i32, %arg0, %c0_i32_0 : i32, i32, i32
  }
  func.func @transform_1(%arg0: i32) -> (i32, i32) {
    %c0_i32 = arith.constant 0 : i32
    %c0_i32_0 = arith.constant 0 : i32
    return %arg0, %c0_i32 : i32, i32
  }
  func.func @transform_2(%arg0: i32) -> (i32, i32) {
    %c0_i32 = arith.constant 0 : i32
    %c0_i32_0 = arith.constant 0 : i32
    %c0_i32_1 = arith.constant 0 : i32
    return %c0_i32, %c0_i32_0 : i32, i32
  }
  func.func @transform_3(%arg0: i32) -> (i32, i32) {
    %c0_i32 = arith.constant 0 : i32
    %c0_i32_0 = arith.constant 0 : i32
    %c0_i32_1 = arith.constant 0 : i32
    return %c0_i32, %c0_i32_0 : i32, i32
  }
  func.func @transform_4(%arg0: i32) -> (i32, i32) {
    %c0_i32 = arith.constant 0 : i32
    %c0_i32_0 = arith.constant 0 : i32
    return %arg0, %c0_i32 : i32, i32
  }
  func.func @transform_5(%arg0: i32) -> (i32, i32) {
    %c0_i32 = arith.constant 0 : i32
    %c0_i32_0 = arith.constant 0 : i32
    %c0_i32_1 = arith.constant 0 : i32
    return %c0_i32, %c0_i32_0 : i32, i32
  }
}

module attributes {stable_mosaic.version = 14 : i64} {
  func.func @_c2_body_nores(%arg0: i32, %arg1: memref<2000x16xf32, #tpu.memory_space<vmem>>, %arg2: memref<2x16xf32, #tpu.memory_space<vmem>>, %arg3: memref<1x16xf32, #tpu.memory_space<vmem>>, %arg4: memref<1x16xf32, #tpu.memory_space<vmem>>, %arg5: memref<2000x16xf32, #tpu.memory_space<vmem>>) attributes {dimension_semantics = [#tpu.dimension_semantics<arbitrary>], iteration_bounds = array<i64: 5>, scalar_prefetch = 0 : i64, scratch_operands = 0 : i64, tpu.core_type = #tpu.core_type<tc>, window_params = [{transform_indices = @transform_0, window_bounds = array<i64: 2000, 16>}, {pipeline_mode = #tpu.pipeline_mode<synchronous>, transform_indices = @transform_1, window_bounds = array<i64: 2, 16>}, {pipeline_mode = #tpu.pipeline_mode<synchronous>, transform_indices = @transform_2, window_bounds = array<i64: 1, 16>}, {pipeline_mode = #tpu.pipeline_mode<synchronous>, transform_indices = @transform_3, window_bounds = array<i64: 1, 16>}, {transform_indices = @transform_4, window_bounds = array<i64: 2000, 16>}]} {
    %get3A = arith.constant 0 : index
    %get3A_0 = arith.constant 0 : index
    %get3A_1 = vector.load %arg2[%get3A, %get3A_0] : memref<2x16xf32, #tpu.memory_space<vmem>>, vector<1x16xf32>
    %mul3A = arith.constant 9.99999974E-5 : f32
    %mul3A_2 = vector.broadcast %mul3A : f32 to vector<1x16xf32>
    %mul3A_3 = arith.mulf %get3A_1, %mul3A_2 : vector<1x16xf32>
    %get3A_4 = arith.constant 1 : index
    %get3A_5 = arith.constant 0 : index
    %get3A_6 = vector.load %arg2[%get3A_4, %get3A_5] : memref<2x16xf32, #tpu.memory_space<vmem>>, vector<1x16xf32>
    %mul3A_7 = arith.constant 9.99999974E-5 : f32
    %mul3A_8 = vector.broadcast %mul3A_7 : f32 to vector<1x16xf32>
    %mul3A_9 = arith.mulf %get3A_6, %mul3A_8 : vector<1x16xf32>
    %mul3A_10 = arith.mulf %mul3A_3, %mul3A_3 : vector<1x16xf32>
    %sub3A = arith.subf %mul3A_9, %mul3A_10 : vector<1x16xf32>
    %get3A_11 = arith.constant 0 : index
    %get3A_12 = arith.constant 0 : index
    %get3A_13 = vector.load %arg1[%get3A_11, %get3A_12] : memref<2000x16xf32, #tpu.memory_space<vmem>>, vector<2000x16xf32>
    %sub3A_14 = vector.broadcast %mul3A_3 : vector<1x16xf32> to vector<2000x16xf32>
    %sub3A_15 = arith.subf %get3A_13, %sub3A_14 : vector<2000x16xf32>
    %add3A = arith.constant 9.99999974E-6 : f32
    %add3A_16 = vector.broadcast %add3A : f32 to vector<1x16xf32>
    %add3A_17 = arith.addf %sub3A, %add3A_16 : vector<1x16xf32>
    %rsqrt3A = math.rsqrt %add3A_17 : vector<1x16xf32>
    %mul3A_18 = arith.constant 5.000000e-01 : f32
    %mul3A_19 = vector.broadcast %mul3A_18 : f32 to vector<1x16xf32>
    %mul3A_20 = arith.mulf %mul3A_19, %rsqrt3A : vector<1x16xf32>
    %mul3A_21 = arith.mulf %add3A_17, %rsqrt3A : vector<1x16xf32>
    %mul3A_22 = arith.mulf %mul3A_21, %rsqrt3A : vector<1x16xf32>
    %sub3A_23 = arith.constant 3.000000e+00 : f32
    %sub3A_24 = vector.broadcast %sub3A_23 : f32 to vector<1x16xf32>
    %sub3A_25 = arith.subf %sub3A_24, %mul3A_22 : vector<1x16xf32>
    %mul3A_26 = arith.mulf %mul3A_20, %sub3A_25 : vector<1x16xf32>
    %mul3A_27 = vector.broadcast %mul3A_26 : vector<1x16xf32> to vector<2000x16xf32>
    %mul3A_28 = arith.mulf %sub3A_15, %mul3A_27 : vector<2000x16xf32>
    %get3A_29 = arith.constant 0 : index
    %get3A_30 = arith.constant 0 : index
    %get3A_31 = vector.load %arg3[%get3A_29, %get3A_30] : memref<1x16xf32, #tpu.memory_space<vmem>>, vector<1x16xf32>
    %mul3A_32 = vector.broadcast %get3A_31 : vector<1x16xf32> to vector<2000x16xf32>
    %mul3A_33 = arith.mulf %mul3A_28, %mul3A_32 : vector<2000x16xf32>
    %get3A_34 = arith.constant 0 : index
    %get3A_35 = arith.constant 0 : index
    %get3A_36 = vector.load %arg4[%get3A_34, %get3A_35] : memref<1x16xf32, #tpu.memory_space<vmem>>, vector<1x16xf32>
    %add3A_37 = vector.broadcast %get3A_36 : vector<1x16xf32> to vector<2000x16xf32>
    %add3A_38 = arith.addf %mul3A_33, %add3A_37 : vector<2000x16xf32>
    %max3A = arith.constant 0.000000e+00 : f32
    %max3A_39 = vector.broadcast %max3A : f32 to vector<2000x16xf32>
    %max3A_40 = arith.maximumf %add3A_38, %max3A_39 : vector<2000x16xf32>
    %swap3A = arith.constant 0 : index
    %swap3A_41 = arith.constant 0 : index
    %swap3A_42 = vector.load %arg5[%swap3A, %swap3A_41] : memref<2000x16xf32, #tpu.memory_space<vmem>>, vector<2000x16xf32>
    tpu.vector_store %arg5[%swap3A, %swap3A_41], %max3A_40 {strides = array<i32>} : memref<2000x16xf32, #tpu.memory_space<vmem>>, vector<2000x16xf32>,
    return
  }
  func.func @transform_0(%arg0: i32) -> (i32, i32) {
    %c0_i32 = arith.constant 0 : i32
    %c0_i32_0 = arith.constant 0 : i32
    return %arg0, %c0_i32 : i32, i32
  }
  func.func @transform_1(%arg0: i32) -> (i32, i32) {
    %c0_i32 = arith.constant 0 : i32
    %c0_i32_0 = arith.constant 0 : i32
    %c0_i32_1 = arith.constant 0 : i32
    return %c0_i32, %c0_i32_0 : i32, i32
  }
  func.func @transform_2(%arg0: i32) -> (i32, i32) {
    %c0_i32 = arith.constant 0 : i32
    %c0_i32_0 = arith.constant 0 : i32
    %c0_i32_1 = arith.constant 0 : i32
    return %c0_i32, %c0_i32_0 : i32, i32
  }
  func.func @transform_3(%arg0: i32) -> (i32, i32) {
    %c0_i32 = arith.constant 0 : i32
    %c0_i32_0 = arith.constant 0 : i32
    %c0_i32_1 = arith.constant 0 : i32
    return %c0_i32, %c0_i32_0 : i32, i32
  }
  func.func @transform_4(%arg0: i32) -> (i32, i32) {
    %c0_i32 = arith.constant 0 : i32
    %c0_i32_0 = arith.constant 0 : i32
    return %arg0, %c0_i32 : i32, i32
  }
}

module attributes {stable_mosaic.version = 14 : i64} {
  func.func @_z_body(%arg0: i32, %arg1: memref<2000x16xf32, #tpu.memory_space<vmem>>, %arg2: memref<16x272xf32, #tpu.memory_space<vmem>>, %arg3: memref<2000x272xf32, #tpu.memory_space<vmem>>) attributes {dimension_semantics = [#tpu.dimension_semantics<arbitrary>], iteration_bounds = array<i64: 5>, scalar_prefetch = 0 : i64, scratch_operands = 0 : i64, tpu.core_type = #tpu.core_type<tc>, window_params = [{transform_indices = @transform_0, window_bounds = array<i64: 2000, 16>}, {pipeline_mode = #tpu.pipeline_mode<synchronous>, transform_indices = @transform_1, window_bounds = array<i64: 16, 272>}, {transform_indices = @transform_2, window_bounds = array<i64: 2000, 272>}]} {
    %get3A = arith.constant 0 : index
    %get3A_0 = arith.constant 0 : index
    %get3A_1 = vector.load %arg1[%get3A, %get3A_0] : memref<2000x16xf32, #tpu.memory_space<vmem>>, vector<2000x16xf32>
    %get3A_2 = arith.constant 0 : index
    %get3A_3 = arith.constant 0 : index
    %get3A_4 = vector.load %arg2[%get3A_2, %get3A_3] : memref<16x272xf32, #tpu.memory_space<vmem>>, vector<16x272xf32>
    %dot_general3A = arith.constant dense<0.000000e+00> : vector<2000x272xf32>
    %dot_general3A_5 = tpu.matmul %get3A_1, %get3A_4, %dot_general3A {dimension_numbers = #tpu.dot_dimension_numbers<[1], [0], [0], [1], [0, 0, 1, 1], [], []>, precision = #tpu.contract_precision<fp32>, transpose_lhs_hint = false} : vector<2000x16xf32>, vector<16x272xf32>, vector<2000x272xf32> -> vector<2000x272xf32>
    %swap3A = arith.constant 0 : index
    %swap3A_6 = arith.constant 0 : index
    %swap3A_7 = vector.load %arg3[%swap3A, %swap3A_6] : memref<2000x272xf32, #tpu.memory_space<vmem>>, vector<2000x272xf32>
    tpu.vector_store %arg3[%swap3A, %swap3A_6], %dot_general3A_5 {strides = array<i32>} : memref<2000x272xf32, #tpu.memory_space<vmem>>, vector<2000x272xf32>,
    return
  }
  func.func @transform_0(%arg0: i32) -> (i32, i32) {
    %c0_i32 = arith.constant 0 : i32
    %c0_i32_0 = arith.constant 0 : i32
    return %arg0, %c0_i32 : i32, i32
  }
  func.func @transform_1(%arg0: i32) -> (i32, i32) {
    %c0_i32 = arith.constant 0 : i32
    %c0_i32_0 = arith.constant 0 : i32
    %c0_i32_1 = arith.constant 0 : i32
    return %c0_i32, %c0_i32_0 : i32, i32
  }
  func.func @transform_2(%arg0: i32) -> (i32, i32) {
    %c0_i32 = arith.constant 0 : i32
    %c0_i32_0 = arith.constant 0 : i32
    return %arg0, %c0_i32 : i32, i32
  }
}

module attributes {stable_mosaic.version = 14 : i64} {
  func.func @_c1_body(%arg0: i32, %arg1: memref<2x2000x32xf32, #tpu.memory_space<vmem>>, %arg2: memref<2000x16xf32, #tpu.memory_space<vmem>>, %arg3: memref<16x16xf32, #tpu.memory_space<vmem>>, %arg4: memref<1x16xf32, #tpu.memory_space<vmem>>, %arg5: memref<2000x16xf32, #tpu.memory_space<vmem>>, %arg6: memref<2x16xf32, #tpu.memory_space<vmem>>) attributes {dimension_semantics = [#tpu.dimension_semantics<arbitrary>], iteration_bounds = array<i64: 5>, scalar_prefetch = 0 : i64, scratch_operands = 0 : i64, tpu.core_type = #tpu.core_type<tc>, window_params = [{transform_indices = @transform_0, window_bounds = array<i64: 2, 2000, 32>}, {transform_indices = @transform_1, window_bounds = array<i64: 2000, 16>}, {pipeline_mode = #tpu.pipeline_mode<synchronous>, transform_indices = @transform_2, window_bounds = array<i64: 16, 16>}, {pipeline_mode = #tpu.pipeline_mode<synchronous>, transform_indices = @transform_3, window_bounds = array<i64: 1, 16>}, {transform_indices = @transform_4, window_bounds = array<i64: 2000, 16>}, {pipeline_mode = #tpu.pipeline_mode<synchronous>, transform_indices = @transform_5, window_bounds = array<i64: 2, 16>}]} {
    %get3A = arith.constant 0 : index
    %get3A_0 = arith.constant 0 : index
    %get3A_1 = arith.constant 0 : index
    %get3A_2 = vector.load %arg1[%get3A, %get3A_0, %get3A_1] : memref<2x2000x32xf32, #tpu.memory_space<vmem>>, vector<1x2000x32xf32>
    %get3A_3 = vector.shape_cast %get3A_2 : vector<1x2000x32xf32> to vector<2000x32xf32>
    %get3A_4 = arith.constant 1 : index
    %get3A_5 = arith.constant 0 : index
    %get3A_6 = arith.constant 0 : index
    %get3A_7 = vector.load %arg1[%get3A_4, %get3A_5, %get3A_6] : memref<2x2000x32xf32, #tpu.memory_space<vmem>>, vector<1x2000x32xf32>
    %get3A_8 = vector.shape_cast %get3A_7 : vector<1x2000x32xf32> to vector<2000x32xf32>
    %slice3A = vector.extract_strided_slice %get3A_3 {offsets = [0, 0], sizes = [2000, 16], strides = [1, 1]} : vector<2000x32xf32> to vector<2000x16xf32>
    %slice3A_9 = vector.extract_strided_slice %get3A_8 {offsets = [0, 0], sizes = [2000, 16], strides = [1, 1]} : vector<2000x32xf32> to vector<2000x16xf32>
    %add3A = arith.addf %slice3A, %slice3A_9 : vector<2000x16xf32>
    %slice3A_10 = vector.extract_strided_slice %get3A_3 {offsets = [0, 16], sizes = [2000, 1], strides = [1, 1]} : vector<2000x32xf32> to vector<2000x1xf32>
    %slice3A_11 = vector.extract_strided_slice %get3A_8 {offsets = [0, 16], sizes = [2000, 1], strides = [1, 1]} : vector<2000x32xf32> to vector<2000x1xf32>
    %add3A_12 = arith.addf %slice3A_10, %slice3A_11 : vector<2000x1xf32>
    %max3A = arith.constant 1.000000e+00 : f32
    %max3A_13 = vector.broadcast %max3A : f32 to vector<2000x1xf32>
    %max3A_14 = arith.maximumf %add3A_12, %max3A_13 : vector<2000x1xf32>
    %div3A = arith.constant 1.000000e+00 : f32
    %div3A_15 = vector.broadcast %div3A : f32 to vector<2000x1xf32>
    %div3A_16 = arith.divf %div3A_15, %max3A_14 : vector<2000x1xf32>
    %mul3A = arith.mulf %max3A_14, %div3A_16 : vector<2000x1xf32>
    %sub3A = arith.constant 2.000000e+00 : f32
    %sub3A_17 = vector.broadcast %sub3A : f32 to vector<2000x1xf32>
    %sub3A_18 = arith.subf %sub3A_17, %mul3A : vector<2000x1xf32>
    %mul3A_19 = arith.mulf %div3A_16, %sub3A_18 : vector<2000x1xf32>
    %mul3A_20 = vector.broadcast %mul3A_19 : vector<2000x1xf32> to vector<2000x16xf32>
    %mul3A_21 = arith.mulf %add3A, %mul3A_20 : vector<2000x16xf32>
    %get3A_22 = arith.constant 0 : index
    %get3A_23 = arith.constant 0 : index
    %get3A_24 = vector.load %arg2[%get3A_22, %get3A_23] : memref<2000x16xf32, #tpu.memory_space<vmem>>, vector<2000x16xf32>
    %get3A_25 = arith.constant 0 : index
    %get3A_26 = arith.constant 0 : index
    %get3A_27 = vector.load %arg3[%get3A_25, %get3A_26] : memref<16x16xf32, #tpu.memory_space<vmem>>, vector<16x16xf32>
    %convert_element_type3A = arith.truncf %get3A_24 : vector<2000x16xf32> to vector<2000x16xbf16>
    %convert_element_type3A_28 = arith.truncf %get3A_27 : vector<16x16xf32> to vector<16x16xbf16>
    %dot_general3A = arith.constant dense<0.000000e+00> : vector<2000x16xf32>
    %dot_general3A_29 = tpu.matmul %convert_element_type3A, %convert_element_type3A_28, %dot_general3A {dimension_numbers = #tpu.dot_dimension_numbers<[1], [0], [0], [1], [0, 0, 1, 1], [], []>, transpose_lhs_hint = false} : vector<2000x16xbf16>, vector<16x16xbf16>, vector<2000x16xf32> -> vector<2000x16xf32>
    %add3A_30 = arith.addf %mul3A_21, %dot_general3A_29 : vector<2000x16xf32>
    %get3A_31 = arith.constant 0 : index
    %get3A_32 = arith.constant 0 : index
    %get3A_33 = vector.load %arg4[%get3A_31, %get3A_32] : memref<1x16xf32, #tpu.memory_space<vmem>>, vector<1x16xf32>
    %add3A_34 = vector.broadcast %get3A_33 : vector<1x16xf32> to vector<2000x16xf32>
    %add3A_35 = arith.addf %add3A_30, %add3A_34 : vector<2000x16xf32>
    %swap3A = arith.constant 0 : index
    %swap3A_36 = arith.constant 0 : index
    %swap3A_37 = vector.load %arg5[%swap3A, %swap3A_36] : memref<2000x16xf32, #tpu.memory_space<vmem>>, vector<2000x16xf32>
    tpu.vector_store %arg5[%swap3A, %swap3A_36], %add3A_35 {strides = array<i32>} : memref<2000x16xf32, #tpu.memory_space<vmem>>, vector<2000x16xf32>,
    %reduce_sum3A = arith.constant dense<0.000000e+00> : vector<16xf32>
    %reduce_sum3A_38 = vector.multi_reduction <add>, %add3A_35, %reduce_sum3A [0] : vector<2000x16xf32> to vector<16xf32>
    %broadcast_in_dim3A = vector.shape_cast %reduce_sum3A_38 : vector<16xf32> to vector<1x16xf32>
    %mul3A_39 = arith.mulf %add3A_35, %add3A_35 : vector<2000x16xf32>
    %reduce_sum3A_40 = arith.constant dense<0.000000e+00> : vector<16xf32>
    %reduce_sum3A_41 = vector.multi_reduction <add>, %mul3A_39, %reduce_sum3A_40 [0] : vector<2000x16xf32> to vector<16xf32>
    %broadcast_in_dim3A_42 = vector.shape_cast %reduce_sum3A_41 : vector<16xf32> to vector<1x16xf32>
    %concatenate3A = tpu.concatenate %broadcast_in_dim3A, %broadcast_in_dim3A_42 in 0 : vector<1x16xf32>, vector<1x16xf32> -> vector<2x16xf32>
    %eq3A = arith.constant 0 : i32
    %eq3A_43 = arith.cmpi eq, %arg0, %eq3A : i32
    %convert_element_type3A_44 = arith.extui %eq3A_43 : i1 to i32
    %cond3A = arith.constant 0 : i32
    %cond3A_45 = arith.cmpi ne, %convert_element_type3A_44, %cond3A : i32
    scf.if %cond3A_45 {
      %swap3A_50 = arith.constant 0 : index
      %swap3A_51 = arith.constant 0 : index
      %swap3A_52 = vector.load %arg6[%swap3A_50, %swap3A_51] : memref<2x16xf32, #tpu.memory_space<vmem>>, vector<2x16xf32>
      tpu.vector_store %arg6[%swap3A_50, %swap3A_51], %concatenate3A {strides = array<i32>} : memref<2x16xf32, #tpu.memory_space<vmem>>, vector<2x16xf32>,
    } else {
    }
    %gt3A = arith.constant 0 : i32
    %gt3A_46 = arith.cmpi sgt, %arg0, %gt3A : i32
    %convert_element_type3A_47 = arith.extui %gt3A_46 : i1 to i32
    %cond3A_48 = arith.constant 0 : i32
    %cond3A_49 = arith.cmpi ne, %convert_element_type3A_47, %cond3A_48 : i32
    scf.if %cond3A_49 {
      %get3A_50 = arith.constant 0 : index
      %get3A_51 = arith.constant 0 : index
      %get3A_52 = vector.load %arg6[%get3A_50, %get3A_51] : memref<2x16xf32, #tpu.memory_space<vmem>>, vector<2x16xf32>
      %add3A_53 = arith.addf %get3A_52, %concatenate3A : vector<2x16xf32>
      %swap3A_54 = arith.constant 0 : index
      %swap3A_55 = arith.constant 0 : index
      %swap3A_56 = vector.load %arg6[%swap3A_54, %swap3A_55] : memref<2x16xf32, #tpu.memory_space<vmem>>, vector<2x16xf32>
      tpu.vector_store %arg6[%swap3A_54, %swap3A_55], %add3A_53 {strides = array<i32>} : memref<2x16xf32, #tpu.memory_space<vmem>>, vector<2x16xf32>,
    } else {
    }
    return
  }
  func.func @transform_0(%arg0: i32) -> (i32, i32, i32) {
    %c0_i32 = arith.constant 0 : i32
    %c0_i32_0 = arith.constant 0 : i32
    %c0_i32_1 = arith.constant 0 : i32
    return %c0_i32, %arg0, %c0_i32_0 : i32, i32, i32
  }
  func.func @transform_1(%arg0: i32) -> (i32, i32) {
    %c0_i32 = arith.constant 0 : i32
    %c0_i32_0 = arith.constant 0 : i32
    return %arg0, %c0_i32 : i32, i32
  }
  func.func @transform_2(%arg0: i32) -> (i32, i32) {
    %c0_i32 = arith.constant 0 : i32
    %c0_i32_0 = arith.constant 0 : i32
    %c0_i32_1 = arith.constant 0 : i32
    return %c0_i32, %c0_i32_0 : i32, i32
  }
  func.func @transform_3(%arg0: i32) -> (i32, i32) {
    %c0_i32 = arith.constant 0 : i32
    %c0_i32_0 = arith.constant 0 : i32
    %c0_i32_1 = arith.constant 0 : i32
    return %c0_i32, %c0_i32_0 : i32, i32
  }
  func.func @transform_4(%arg0: i32) -> (i32, i32) {
    %c0_i32 = arith.constant 0 : i32
    %c0_i32_0 = arith.constant 0 : i32
    return %arg0, %c0_i32 : i32, i32
  }
  func.func @transform_5(%arg0: i32) -> (i32, i32) {
    %c0_i32 = arith.constant 0 : i32
    %c0_i32_0 = arith.constant 0 : i32
    %c0_i32_1 = arith.constant 0 : i32
    return %c0_i32, %c0_i32_0 : i32, i32
  }
}

module attributes {stable_mosaic.version = 14 : i64} {
  func.func @_c2_body_res(%arg0: i32, %arg1: memref<2000x16xf32, #tpu.memory_space<vmem>>, %arg2: memref<2x16xf32, #tpu.memory_space<vmem>>, %arg3: memref<1x16xf32, #tpu.memory_space<vmem>>, %arg4: memref<1x16xf32, #tpu.memory_space<vmem>>, %arg5: memref<2000x16xf32, #tpu.memory_space<vmem>>, %arg6: memref<2000x16xf32, #tpu.memory_space<vmem>>) attributes {dimension_semantics = [#tpu.dimension_semantics<arbitrary>], iteration_bounds = array<i64: 5>, scalar_prefetch = 0 : i64, scratch_operands = 0 : i64, tpu.core_type = #tpu.core_type<tc>, window_params = [{transform_indices = @transform_0, window_bounds = array<i64: 2000, 16>}, {pipeline_mode = #tpu.pipeline_mode<synchronous>, transform_indices = @transform_1, window_bounds = array<i64: 2, 16>}, {pipeline_mode = #tpu.pipeline_mode<synchronous>, transform_indices = @transform_2, window_bounds = array<i64: 1, 16>}, {pipeline_mode = #tpu.pipeline_mode<synchronous>, transform_indices = @transform_3, window_bounds = array<i64: 1, 16>}, {transform_indices = @transform_4, window_bounds = array<i64: 2000, 16>}, {transform_indices = @transform_5, window_bounds = array<i64: 2000, 16>}]} {
    %get3A = arith.constant 0 : index
    %get3A_0 = arith.constant 0 : index
    %get3A_1 = vector.load %arg2[%get3A, %get3A_0] : memref<2x16xf32, #tpu.memory_space<vmem>>, vector<1x16xf32>
    %mul3A = arith.constant 9.99999974E-5 : f32
    %mul3A_2 = vector.broadcast %mul3A : f32 to vector<1x16xf32>
    %mul3A_3 = arith.mulf %get3A_1, %mul3A_2 : vector<1x16xf32>
    %get3A_4 = arith.constant 1 : index
    %get3A_5 = arith.constant 0 : index
    %get3A_6 = vector.load %arg2[%get3A_4, %get3A_5] : memref<2x16xf32, #tpu.memory_space<vmem>>, vector<1x16xf32>
    %mul3A_7 = arith.constant 9.99999974E-5 : f32
    %mul3A_8 = vector.broadcast %mul3A_7 : f32 to vector<1x16xf32>
    %mul3A_9 = arith.mulf %get3A_6, %mul3A_8 : vector<1x16xf32>
    %mul3A_10 = arith.mulf %mul3A_3, %mul3A_3 : vector<1x16xf32>
    %sub3A = arith.subf %mul3A_9, %mul3A_10 : vector<1x16xf32>
    %get3A_11 = arith.constant 0 : index
    %get3A_12 = arith.constant 0 : index
    %get3A_13 = vector.load %arg1[%get3A_11, %get3A_12] : memref<2000x16xf32, #tpu.memory_space<vmem>>, vector<2000x16xf32>
    %sub3A_14 = vector.broadcast %mul3A_3 : vector<1x16xf32> to vector<2000x16xf32>
    %sub3A_15 = arith.subf %get3A_13, %sub3A_14 : vector<2000x16xf32>
    %add3A = arith.constant 9.99999974E-6 : f32
    %add3A_16 = vector.broadcast %add3A : f32 to vector<1x16xf32>
    %add3A_17 = arith.addf %sub3A, %add3A_16 : vector<1x16xf32>
    %rsqrt3A = math.rsqrt %add3A_17 : vector<1x16xf32>
    %mul3A_18 = arith.constant 5.000000e-01 : f32
    %mul3A_19 = vector.broadcast %mul3A_18 : f32 to vector<1x16xf32>
    %mul3A_20 = arith.mulf %mul3A_19, %rsqrt3A : vector<1x16xf32>
    %mul3A_21 = arith.mulf %add3A_17, %rsqrt3A : vector<1x16xf32>
    %mul3A_22 = arith.mulf %mul3A_21, %rsqrt3A : vector<1x16xf32>
    %sub3A_23 = arith.constant 3.000000e+00 : f32
    %sub3A_24 = vector.broadcast %sub3A_23 : f32 to vector<1x16xf32>
    %sub3A_25 = arith.subf %sub3A_24, %mul3A_22 : vector<1x16xf32>
    %mul3A_26 = arith.mulf %mul3A_20, %sub3A_25 : vector<1x16xf32>
    %mul3A_27 = vector.broadcast %mul3A_26 : vector<1x16xf32> to vector<2000x16xf32>
    %mul3A_28 = arith.mulf %sub3A_15, %mul3A_27 : vector<2000x16xf32>
    %get3A_29 = arith.constant 0 : index
    %get3A_30 = arith.constant 0 : index
    %get3A_31 = vector.load %arg3[%get3A_29, %get3A_30] : memref<1x16xf32, #tpu.memory_space<vmem>>, vector<1x16xf32>
    %mul3A_32 = vector.broadcast %get3A_31 : vector<1x16xf32> to vector<2000x16xf32>
    %mul3A_33 = arith.mulf %mul3A_28, %mul3A_32 : vector<2000x16xf32>
    %get3A_34 = arith.constant 0 : index
    %get3A_35 = arith.constant 0 : index
    %get3A_36 = vector.load %arg4[%get3A_34, %get3A_35] : memref<1x16xf32, #tpu.memory_space<vmem>>, vector<1x16xf32>
    %add3A_37 = vector.broadcast %get3A_36 : vector<1x16xf32> to vector<2000x16xf32>
    %add3A_38 = arith.addf %mul3A_33, %add3A_37 : vector<2000x16xf32>
    %max3A = arith.constant 0.000000e+00 : f32
    %max3A_39 = vector.broadcast %max3A : f32 to vector<2000x16xf32>
    %max3A_40 = arith.maximumf %add3A_38, %max3A_39 : vector<2000x16xf32>
    %get3A_41 = arith.constant 0 : index
    %get3A_42 = arith.constant 0 : index
    %get3A_43 = vector.load %arg5[%get3A_41, %get3A_42] : memref<2000x16xf32, #tpu.memory_space<vmem>>, vector<2000x16xf32>
    %add3A_44 = arith.addf %max3A_40, %get3A_43 : vector<2000x16xf32>
    %swap3A = arith.constant 0 : index
    %swap3A_45 = arith.constant 0 : index
    %swap3A_46 = vector.load %arg6[%swap3A, %swap3A_45] : memref<2000x16xf32, #tpu.memory_space<vmem>>, vector<2000x16xf32>
    tpu.vector_store %arg6[%swap3A, %swap3A_45], %add3A_44 {strides = array<i32>} : memref<2000x16xf32, #tpu.memory_space<vmem>>, vector<2000x16xf32>,
    return
  }
  func.func @transform_0(%arg0: i32) -> (i32, i32) {
    %c0_i32 = arith.constant 0 : i32
    %c0_i32_0 = arith.constant 0 : i32
    return %arg0, %c0_i32 : i32, i32
  }
  func.func @transform_1(%arg0: i32) -> (i32, i32) {
    %c0_i32 = arith.constant 0 : i32
    %c0_i32_0 = arith.constant 0 : i32
    %c0_i32_1 = arith.constant 0 : i32
    return %c0_i32, %c0_i32_0 : i32, i32
  }
  func.func @transform_2(%arg0: i32) -> (i32, i32) {
    %c0_i32 = arith.constant 0 : i32
    %c0_i32_0 = arith.constant 0 : i32
    %c0_i32_1 = arith.constant 0 : i32
    return %c0_i32, %c0_i32_0 : i32, i32
  }
  func.func @transform_3(%arg0: i32) -> (i32, i32) {
    %c0_i32 = arith.constant 0 : i32
    %c0_i32_0 = arith.constant 0 : i32
    %c0_i32_1 = arith.constant 0 : i32
    return %c0_i32, %c0_i32_0 : i32, i32
  }
  func.func @transform_4(%arg0: i32) -> (i32, i32) {
    %c0_i32 = arith.constant 0 : i32
    %c0_i32_0 = arith.constant 0 : i32
    return %arg0, %c0_i32 : i32, i32
  }
  func.func @transform_5(%arg0: i32) -> (i32, i32) {
    %c0_i32 = arith.constant 0 : i32
    %c0_i32_0 = arith.constant 0 : i32
    return %arg0, %c0_i32 : i32, i32
  }
}

module attributes {stable_mosaic.version = 14 : i64} {
  func.func @_pool_body(%arg0: i32, %arg1: memref<2000x16xf32, #tpu.memory_space<vmem>>, %arg2: memref<2000x1xi32, #tpu.memory_space<vmem>>, %arg3: memref<64x16xf32, #tpu.memory_space<vmem>>, %arg4: memref<64x16xf32, #tpu.memory_space<vmem>>, %arg5: memref<1x64xf32, #tpu.memory_space<vmem>>) attributes {dimension_semantics = [#tpu.dimension_semantics<arbitrary>], iteration_bounds = array<i64: 5>, scalar_prefetch = 0 : i64, scratch_operands = 2 : i64, tpu.core_type = #tpu.core_type<tc>, window_params = [{transform_indices = @transform_0, window_bounds = array<i64: 2000, 16>}, {transform_indices = @transform_1, window_bounds = array<i64: 2000, 1>}, {pipeline_mode = #tpu.pipeline_mode<synchronous>, transform_indices = @transform_2, window_bounds = array<i64: 64, 16>}]} {
    %get3A = arith.constant 0 : index
    %get3A_0 = arith.constant 0 : index
    %get3A_1 = vector.load %arg2[%get3A, %get3A_0] : memref<2000x1xi32, #tpu.memory_space<vmem>>, vector<2000x1xi32>
    %get3A_2 = vector.shape_cast %get3A_1 : vector<2000x1xi32> to vector<2000xi32>
    %broadcast_in_dim3A = vector.shape_cast %get3A_2 : vector<2000xi32> to vector<2000x1xi32>
    %iota3A = tpu.iota {dimensions = array<i32: 1>} : vector<1x64xi32>
    %eq3A = vector.broadcast %broadcast_in_dim3A : vector<2000x1xi32> to vector<2000x64xi32>
    %eq3A_3 = vector.broadcast %iota3A : vector<1x64xi32> to vector<2000x64xi32>
    %eq3A_4 = arith.cmpi eq, %eq3A, %eq3A_3 : vector<2000x64xi32>
    %convert_element_type3A = arith.extui %eq3A_4 : vector<2000x64xi1> to vector<2000x64xi32>
    %convert_element_type3A_5 = arith.sitofp %convert_element_type3A : vector<2000x64xi32> to vector<2000x64xf32>
    %get3A_6 = arith.constant 0 : index
    %get3A_7 = arith.constant 0 : index
    %get3A_8 = vector.load %arg1[%get3A_6, %get3A_7] : memref<2000x16xf32, #tpu.memory_space<vmem>>, vector<2000x16xf32>
    %dot_general3A = arith.constant dense<0.000000e+00> : vector<64x16xf32>
    %dot_general3A_9 = tpu.matmul %convert_element_type3A_5, %get3A_8, %dot_general3A {dimension_numbers = #tpu.dot_dimension_numbers<[0], [0], [1], [1], [0, 1, 1, 1], [], []>, precision = #tpu.contract_precision<fp32>, transpose_lhs_hint = false} : vector<2000x64xf32>, vector<2000x16xf32>, vector<64x16xf32> -> vector<64x16xf32>
    %reduce_sum3A = arith.constant dense<0.000000e+00> : vector<64xf32>
    %reduce_sum3A_10 = vector.multi_reduction <add>, %convert_element_type3A_5, %reduce_sum3A [0] : vector<2000x64xf32> to vector<64xf32>
    %broadcast_in_dim3A_11 = vector.shape_cast %reduce_sum3A_10 : vector<64xf32> to vector<1x64xf32>
    %eq3A_12 = arith.constant 0 : i32
    %eq3A_13 = arith.cmpi eq, %arg0, %eq3A_12 : i32
    %convert_element_type3A_14 = arith.extui %eq3A_13 : i1 to i32
    %cond3A = arith.constant 0 : i32
    %cond3A_15 = arith.cmpi ne, %convert_element_type3A_14, %cond3A : i32
    scf.if %cond3A_15 {
      %swap3A = arith.constant 0 : index
      %swap3A_25 = arith.constant 0 : index
      %swap3A_26 = vector.load %arg4[%swap3A, %swap3A_25] : memref<64x16xf32, #tpu.memory_space<vmem>>, vector<64x16xf32>
      tpu.vector_store %arg4[%swap3A, %swap3A_25], %dot_general3A_9 {strides = array<i32>} : memref<64x16xf32, #tpu.memory_space<vmem>>, vector<64x16xf32>,
      %swap3A_27 = arith.constant 0 : index
      %swap3A_28 = arith.constant 0 : index
      %swap3A_29 = vector.load %arg5[%swap3A_27, %swap3A_28] : memref<1x64xf32, #tpu.memory_space<vmem>>, vector<1x64xf32>
      tpu.vector_store %arg5[%swap3A_27, %swap3A_28], %broadcast_in_dim3A_11 {strides = array<i32>} : memref<1x64xf32, #tpu.memory_space<vmem>>, vector<1x64xf32>,
    } else {
    }
    %gt3A = arith.constant 0 : i32
    %gt3A_16 = arith.cmpi sgt, %arg0, %gt3A : i32
    %convert_element_type3A_17 = arith.extui %gt3A_16 : i1 to i32
    %cond3A_18 = arith.constant 0 : i32
    %cond3A_19 = arith.cmpi ne, %convert_element_type3A_17, %cond3A_18 : i32
    scf.if %cond3A_19 {
      %get3A_25 = arith.constant 0 : index
      %get3A_26 = arith.constant 0 : index
      %get3A_27 = vector.load %arg4[%get3A_25, %get3A_26] : memref<64x16xf32, #tpu.memory_space<vmem>>, vector<64x16xf32>
      %add3A = arith.addf %get3A_27, %dot_general3A_9 : vector<64x16xf32>
      %swap3A = arith.constant 0 : index
      %swap3A_28 = arith.constant 0 : index
      %swap3A_29 = vector.load %arg4[%swap3A, %swap3A_28] : memref<64x16xf32, #tpu.memory_space<vmem>>, vector<64x16xf32>
      tpu.vector_store %arg4[%swap3A, %swap3A_28], %add3A {strides = array<i32>} : memref<64x16xf32, #tpu.memory_space<vmem>>, vector<64x16xf32>,
      %get3A_30 = arith.constant 0 : index
      %get3A_31 = arith.constant 0 : index
      %get3A_32 = vector.load %arg5[%get3A_30, %get3A_31] : memref<1x64xf32, #tpu.memory_space<vmem>>, vector<1x64xf32>
      %add3A_33 = arith.addf %get3A_32, %broadcast_in_dim3A_11 : vector<1x64xf32>
      %swap3A_34 = arith.constant 0 : index
      %swap3A_35 = arith.constant 0 : index
      %swap3A_36 = vector.load %arg5[%swap3A_34, %swap3A_35] : memref<1x64xf32, #tpu.memory_space<vmem>>, vector<1x64xf32>
      tpu.vector_store %arg5[%swap3A_34, %swap3A_35], %add3A_33 {strides = array<i32>} : memref<1x64xf32, #tpu.memory_space<vmem>>, vector<1x64xf32>,
    } else {
    }
    %eq3A_20 = arith.constant 4 : i32
    %eq3A_21 = arith.cmpi eq, %arg0, %eq3A_20 : i32
    %convert_element_type3A_22 = arith.extui %eq3A_21 : i1 to i32
    %cond3A_23 = arith.constant 0 : i32
    %cond3A_24 = arith.cmpi ne, %convert_element_type3A_22, %cond3A_23 : i32
    scf.if %cond3A_24 {
      %get3A_25 = arith.constant 0 : index
      %get3A_26 = arith.constant 0 : index
      %get3A_27 = vector.load %arg4[%get3A_25, %get3A_26] : memref<64x16xf32, #tpu.memory_space<vmem>>, vector<64x16xf32>
      %get3A_28 = arith.constant 0 : index
      %get3A_29 = arith.constant 0 : index
      %get3A_30 = vector.load %arg5[%get3A_28, %get3A_29] : memref<1x64xf32, #tpu.memory_space<vmem>>, vector<1x64xf32>
      %reshape3A = vector.shape_cast %get3A_30 : vector<1x64xf32> to vector<64x1xf32>
      %max3A = arith.constant 1.000000e+00 : f32
      %max3A_31 = vector.broadcast %max3A : f32 to vector<64x1xf32>
      %max3A_32 = arith.maximumf %reshape3A, %max3A_31 : vector<64x1xf32>
      %div3A = arith.constant 1.000000e+00 : f32
      %div3A_33 = vector.broadcast %div3A : f32 to vector<64x1xf32>
      %div3A_34 = arith.divf %div3A_33, %max3A_32 : vector<64x1xf32>
      %mul3A = arith.mulf %max3A_32, %div3A_34 : vector<64x1xf32>
      %sub3A = arith.constant 2.000000e+00 : f32
      %sub3A_35 = vector.broadcast %sub3A : f32 to vector<64x1xf32>
      %sub3A_36 = arith.subf %sub3A_35, %mul3A : vector<64x1xf32>
      %mul3A_37 = arith.mulf %div3A_34, %sub3A_36 : vector<64x1xf32>
      %mul3A_38 = vector.broadcast %mul3A_37 : vector<64x1xf32> to vector<64x16xf32>
      %mul3A_39 = arith.mulf %get3A_27, %mul3A_38 : vector<64x16xf32>
      %swap3A = arith.constant 0 : index
      %swap3A_40 = arith.constant 0 : index
      %swap3A_41 = vector.load %arg3[%swap3A, %swap3A_40] : memref<64x16xf32, #tpu.memory_space<vmem>>, vector<64x16xf32>
      tpu.vector_store %arg3[%swap3A, %swap3A_40], %mul3A_39 {strides = array<i32>} : memref<64x16xf32, #tpu.memory_space<vmem>>, vector<64x16xf32>,
    } else {
    }
    return
  }
  func.func @transform_0(%arg0: i32) -> (i32, i32) {
    %c0_i32 = arith.constant 0 : i32
    %c0_i32_0 = arith.constant 0 : i32
    return %arg0, %c0_i32 : i32, i32
  }
  func.func @transform_1(%arg0: i32) -> (i32, i32) {
    %c0_i32 = arith.constant 0 : i32
    %c0_i32_0 = arith.constant 0 : i32
    return %arg0, %c0_i32 : i32, i32
  }
  func.func @transform_2(%arg0: i32) -> (i32, i32) {
    %c0_i32 = arith.constant 0 : i32
    %c0_i32_0 = arith.constant 0 : i32
    %c0_i32_1 = arith.constant 0 : i32
    return %c0_i32, %c0_i32_0 : i32, i32
  }
}

</mosaic_0001>

<sc_bundles>
// kernel: kernel.15.cloned.1.call-start
scs
__scs_entry_jumppad:
0x0: {  	(pc) =	sbr.rel $0x88, $3  }
0x1: {  	(tag) =	ssettag $0x0;
	lr =	simm.s32 $0x1  }
0x2: {  	[smem:$0x3F81] =	sst lr;
	_ =	strace $0xD0000000  }
0x3: {  	_ = 	snop  }
0x4: {  	_ = 	snop  }
0x5: {  	_ = 	snop  }
0x6: {  	_ = 	snop  }
0x7: {  	_ = 	snop  }
__scs_overlays_trampoline_lowered:
0x8: {  	[smem:$0x3F90] =	sst s0  }
0x9: {  	[smem:$0x3F91] =	sst s1  }
0xa: {  	[smem:$0x3F92] =	sst s2  }
0xb: {  	[smem:$0x3F93] =	sst s3  }
0xc: {  	[smem:$0x3F94] =	sst s4  }
0xd: {  	[smem:$0x3F95] =	sst s5  }
0xe: {  	[smem:$0x3F96] =	sst s6  }
0xf: {  	[smem:$0x3F97] =	sst s7  }
0x10: {  	[smem:$0x3F98] =	sst s8  }
0x11: {  	[smem:$0x3F99] =	sst s9;
	s0 =	simm.s32 @!p0 $0x0  }
0x12: {  	s1 =	sld [smem:$0x3F7F];
	s0 =	simm.s32 @p0 $0x1  }
0x13: {  	[smem:$0x3F9A] =	sst s0;
	s0 =	simm.s32 @!p1 $0x0  }
0x14: {  	s2 =	sld [smem:$0x3F7E];
	s0 =	simm.s32 @p1 $0x1  }
0x15: {  	[smem:$0x3F9B] =	sst s0;
	s0 =	simm.s32 @!p2 $0x0  }
0x16: {  	s3 =	sld [smem:$0x3FDB];
	s0 =	simm.s32 @p2 $0x1  }
0x17: {  	s4 =	simm.s32 $0x1BF5;
	[smem:$0x3F9D] =	sst s0  }
0x18: {  	s0 =	sld [smem:$0x3F80];
	_ =	swait.ge [sflag:s4], $0x0  }
0x19: {  	s7 =	sld [smem:$0x3F81]  }
0x1a: {  	s8 =	sadd.s32 $0xFFFFE003, lr  }
0x1b: {  	s9 =	sadd.s32 $0xFFFFFEF7, lr;
	s5 =	simm.s32 $0xFFFFFFFF;
	p2 =	slt.u32 s8, $0xFFFFF086  }
0x1c: {  	p1 =	slt.u32 s9, $0xF7A;
	s5 =	simm.s32 @!p2 $0x0  }
0x1d: {  	s5 =	simm.s32 @p1 $0x1;
	p0 =	seq.s32 s7, s2  }
0x1e: {  	s7 =	smul.u32 @!p0 $0xF7A, s2;
	p2 =	seq.s32 @!p0 s5, $0x0  }
0x1f: {  	s9 =	smul.u32 $0xF7A, s1;
	s8 =	simm.s32 @!p0 $0x1BF5;
	p2 =	por !p2, p0  }
0x20: {  	[sflag:s8] =	ssyncset.s32 @!p0 $0xFFFFF086;
	s6 =	sadd.s32 @!p0 s3, s7;
	s7 =	simm.s32 @!p0 $0x108  }
0x21: {  	s3 =	sadd.s32 s3, s9;
	s6 =	sadd.s32 @!p0 $0x88, s6;
	s7 =	simm.s32 @p2 $0x1082  }
0x22: {  	[simem:s7], [sflag:s8] =	dma.local @!p0 [hbm:s6], $0xF7A  }
0x23: {  	s9 =	sor.u32 $0xD0000000, s2;
	s6 =	simm.s32 $0x108;
	_ =	swait.ge @!p0 [sflag:s8], $0x0  }
0x24: {  	s3 =	sadd.s32 $0x88, s3;
	s6 =	simm.s32 @!p1 $0x1082;
	[sflag:s4] =	ssyncset.s32 $0xFFFFF086  }
0x25: {  	[simem:s6], [sflag:s4] =	dma.local [hbm:s3], $0xF7A  }
0x26: {  	[smem:$0x3F81] =	sst s1;
	(tag) =	ssettag s2;
	_ =	strace s9  }
0x27: {  	s1 =	sld [smem:$0x3F91]  }
0x28: {  	s2 =	sld [smem:$0x3F92]  }
0x29: {  	s4 =	sld [smem:$0x3F94]  }
0x2a: {  	p0 =	seq.s32 s5, $0x0;
	s5 =	sld [smem:$0x3F95]  }
0x2b: {  	s6 =	sld [smem:$0x3F96]  }
0x2c: {  	s7 =	sld [smem:$0x3F97]  }
0x2d: {  	s3 =	simm.s32 $0x108;
	s8 =	sld [smem:$0x3F98]  }
0x2e: {  	s3 =	simm.s32 @!p0 $0x1082;
	s9 =	sld [smem:$0x3F99]  }
0x2f: {  	lr =	sadd.s32 s0, s3;
	s0 =	sld [smem:$0x3F90]  }
0x30: {  	s3 =	sld [smem:$0x3F93]  }
0x31: {  	[smem:$0x3F9C] =	sst s10  }
0x32: {  	s10 =	sld [smem:$0x3F9A];
	_ =	sdelay $0x3  }
0x33: {  	p0 =	seq.s32 s10, $0x1;
	s10 =	sld [smem:$0x3F9C];
	_ =	sdelay $0x3  }
0x34: {  	[smem:$0x3F9C] =	sst s10  }
0x35: {  	s10 =	sld [smem:$0x3F9B];
	_ =	sdelay $0x3  }
0x36: {  	p1 =	seq.s32 s10, $0x1;
	s10 =	sld [smem:$0x3F9C];
	_ =	sdelay $0x3  }
0x37: {  	[smem:$0x3F9C] =	sst s10  }
0x38: {  	s10 =	sld [smem:$0x3F9D]  }
0x39: {  	_ = 	snop;
	(pc) =	sbr.ind lr, $3  }
0x3a: {  	_ = 	snop  }
0x3b: {  	_ = 	snop  }
0x3c: {  	p2 =	seq.s32 s10, $0x1;
	s10 =	sld [smem:$0x3F9C]  }
0x3d: {  	_ =	shalt  }
0x3e: {  	_ =	shalt  }
0x3f: {  	_ =	shalt  }
0x40: {  	_ =	shalt  }
0x41: {  	_ =	shalt  }
0x42: {  	_ =	shalt  }
0x43: {  	_ =	shalt  }
0x44: {  	_ =	shalt  }
0x45: {  	_ =	shalt  }
0x46: {  	_ =	shalt  }
0x47: {  	_ =	shalt  }
0x48: {  	_ =	shalt  }
0x49: {  	_ =	shalt  }
0x4a: {  	_ =	shalt  }
0x4b: {  	_ =	shalt  }
0x4c: {  	_ =	shalt  }
0x4d: {  	_ =	shalt  }
0x4e: {  	_ =	shalt  }
0x4f: {  	_ =	shalt  }
0x50: {  	_ =	shalt  }
0x51: {  	_ =	shalt  }
0x52: {  	_ =	shalt  }
0x53: {  	_ =	shalt  }
0x54: {  	_ =	shalt  }
0x55: {  	_ =	shalt  }
0x56: {  	_ =	shalt  }
0x57: {  	_ =	shalt  }
0x58: {  	_ =	shalt  }
0x59: {  	_ =	shalt  }
0x5a: {  	_ =	shalt  }
0x5b: {  	_ =	shalt  }
0x5c: {  	_ =	shalt  }
0x5d: {  	_ =	shalt  }
0x5e: {  	_ =	shalt  }
0x5f: {  	_ =	shalt  }
0x60: {  	_ =	shalt  }
0x61: {  	_ =	shalt  }
0x62: {  	_ =	shalt  }
0x63: {  	_ =	shalt  }
0x64: {  	_ =	shalt  }
0x65: {  	_ =	shalt  }
0x66: {  	_ =	shalt  }
0x67: {  	_ =	shalt  }
0x68: {  	_ =	shalt  }
0x69: {  	_ =	shalt  }
0x6a: {  	_ =	shalt  }
0x6b: {  	_ =	shalt  }
0x6c: {  	_ =	shalt  }
0x6d: {  	_ =	shalt  }
0x6e: {  	_ =	shalt  }
0x6f: {  	_ =	shalt  }
0x70: {  	_ =	shalt  }
0x71: {  	_ =	shalt  }
0x72: {  	_ =	shalt  }
0x73: {  	_ =	shalt  }
0x74: {  	_ =	shalt  }
0x75: {  	_ =	shalt  }
0x76: {  	_ =	shalt  }
0x77: {  	_ =	shalt  }
0x78: {  	_ =	shalt  }
0x79: {  	_ =	shalt  }
0x7a: {  	_ =	shalt  }
0x7b: {  	_ =	shalt  }
0x7c: {  	_ =	shalt  }
0x7d: {  	_ =	shalt  }
0x7e: {  	_ =	shalt  }
0x7f: {  	_ =	shalt  }
0x80: {  	_ =	shalt  }
0x81: {  	_ =	shalt  }
0x82: {  	_ =	shalt  }
0x83: {  	_ =	shalt  }
0x84: {  	_ =	shalt  }
0x85: {  	_ =	shalt  }
0x86: {  	_ =	shalt  }
0x87: {  	_ =	shalt  }
.Lfunc_end0:
.L_simem_size_0:
called_computation_lowered:
.L_overlay_start_0:
0x88: {  	s2 =	sld [smem:$0x3FD9]  }
0x89: {  	s3 =	sld [smem:$0x3FFE];
	_ =	sdelay $0x1  }
0x8a: {  	s1 =	srdreg.scid  }
0x8b: {  	s0 =	sand.u32 $0x1, s1  }
0x8c: {  	s17 =	sshll.u32 s0, $0xA;
	s2 =	sadd.s32 s3, s2  }
0x8d: {  	s2 =	sadd.s32 s2, s17  }
0x8e: {  	[smem:$0x3FA8] =	sst s2  }
0x8f: {  	_ = 	snop  }
0x90: {  	s2 =	sld [smem:$0x3FC2]  }
0x91: {  	s18 =	sld [smem:$0x3FD0];
	(tm) =	ssettm $0x1  }
0x92: {  	s4 =	sld [smem:$0x3FFB];
	_ =	sdelay $0x3  }
0x93: {  	_ =	strace s4  }
0x94: {  	s4 =	sld [smem:$0x3FFC];
	_ =	sdelay $0x3  }
0x95: {  	_ =	strace s4  }
0x96: {  	s4 =	sld [smem:$0x3FFD];
	_ =	sdelay $0x3  }
0x97: {  	_ =	strace s4  }
0x98: {  	_ =	strace $0x8FFFFFFF  }
0x99: {  	s19 =	sld [smem:$0x3FDB];
	_ =	sdelay $0x1  }
0x9a: {  	s5 =	simm.s32 $_scs_section_size  }
0x9b: {  	s6 =	simm.s32 $_size__tile_overlayer_lowered;
	s7 =	simm.s32 $_tile_overlayer_lowered  }
0x9c: {  	s22 =	simm.s32 $0x1BFF;
	s21 =	sshll.u32 s7, $0x1;
	s4 =	sadd.s32 s5, s19  }
0x9d: {  	s8 =	simm.s32 $0x0;
	s20 =	sshll.u32 s6, $0x1;
	s6 =	sadd.s32 s21, s4  }
0x9e: {  	[timem:s8], [sflag:s22] =	dma.local [hbm:s6], s20  }
0x9f: {  	_ =	swait.ge [sflag:s22], s20  }
0xa0: {  	s5 =	ssub.s32 $0x0, s20;
	[sflag:s22] =	ssyncset.done $0x0  }
0xa1: {  	[sflag:s22] =	ssyncadd.s32 s5;
	_ =	sdelay $0x1  }
0xa2: {  	s23 =	simm.s32 $0x1B8B  }
0xa3: {  	_ =	swait.ge [sflag:s23], $0x1  }
0xa4: {  	[sflag:s23] =	ssyncset.done $0x0  }
0xa5: {  	s25 =	simm.s32 $0x1B8E;
	s24 =	sld [smem:$0x3FFE];
	[sflag:s23] =	ssyncadd.s32 $0xFFFFFFFF  }
0xa6: {  	s26 =	simm.s32 $execute0_lowered;
	[smem:$0x3FD2] =	sst s25  }
0xa7: {  	s6 =	sshll.u32 s26, $0x1;
	_ =	strace $0x80000046;
	[dreg:$0x1] =	wrdreg $0xFFFFFFFF  }
0xa8: {  	s28 =	simm.s32 $_size_execute0_lowered;
	s4 =	sadd.s32 s4, s6;
	[dreg:$0x0] =	wrdreg $0x0  }
0xa9: {  	s6 =	sshll.u32 s28, $0x1;
	[dreg:$0x2] =	wrdreg s4  }
0xaa: {  	[dreg:$0x3] =	wrdreg s6  }
0xab: {  	[dreg:$0x4] =	wrdreg $0xC0  }
0xac: {  	_ =	task [dreg:s8], $0x5FFFF  }
0xad: {  	[dreg:$0x1] =	wrdreg $0xFFFFFFFF  }
0xae: {  	[dreg:$0x0] =	wrdreg $0x60  }
0xaf: {  	[dreg:$0x2] =	wrdreg s24  }
0xb0: {  	[dreg:$0x3] =	wrdreg s18  }
0xb1: {  	[dreg:$0x4] =	wrdreg s2  }
0xb2: {  	[dreg:$0x5] =	wrdreg $0x198500  }
0xb3: {  	[dreg:$0x6] =	wrdreg $0x9  }
0xb4: {  	_ =	task.clear_ibuf [dreg:s8], $0x7FFFF;
	_ =	strace $0x90000046  }
0xb5: {  	s29 =	simm.s32 $0x9;
	_ =	strace $0x80000048  }
0xb6: {  	_ =	swait.ge [sflag:s29], $0x1  }
0xb7: {  	[sflag:s29] =	ssyncadd.s32 $0xFFFFFFFF  }
0xb8: {  	_ =	strace $0x90000048  }
0xb9: {  	_ =	sfence  }
0xba: {  	s30 =	sld [smem:$0x0];
	_ =	sdelay $0x2  }
0xbb: {  	s31 =	sshll.u32 s1, $0xD;
	s1 =	sshrl.u32 s1, $0x2  }
0xbc: {  	s3 =	sand.u32 $0x4000, s31;
	s1 =	sadd.s32 s1, s30  }
0xbd: {  	s0 =	sor.u32 s3, s0;
	s1 =	sshll.u32 s1, $0x11  }
0xbe: {  	s0 =	sor.u32 s1, s0  }
0xbf: {  	s0 =	sadd.s32 $0x8F2B, s0  }
0xc0: {  	[sflag:s0] =	ssyncadd.remote.s32 $0x1  }
0xc1: {  	_ =	sfence.sel $0xFFFF  }
0xc2: {  	[dreg:$0x0] =	wrdreg $0xFFFFFFFF;
	(pc) =	sbr.abs _section_cstart, $3  }
0xc3: {  	[dreg:$0x1] =	wrdreg $0xFFFFFFFF  }
0xc4: {  	_ =	task.clear_ibuf [dreg:s8], $0x2FFFF;
	_ =	strace $0x9FFFFFFF  }
0xc5: {  	(tm) =	ssettm $0x7FFFFFFF  }
tec
execute0_lowered:
.L_overlay_start_1:
0x0: {  	(tag) =	ssettag $0x1  }
0x1: {  	s0 =	srdreg.scid;
	s1 =	rddreg [dreg:$0x0]  }
0x2: {  	s10 =	stileid.u32;
	s4 =	rddreg [dreg:$0x3]  }
0x3: {  	s5 =	simm.s32 $0x0;
	s15 =	simm.s32 $0x3;
	s18 =	simm.s32 $0x7800  }
0x4: {  	s19 =	simm.s32 $0x7840;
	s20 =	simm.s32 $0x80;
	s21 =	simm.s32 $0x7850  }
0x5: {  	s22 =	simm.s32 $0x10050;
	s23 =	simm.s32 $0x1;
	s24 =	simm.s32 $0x18850  }
0x6: {  	s25 =	simm.s32 $0x2;
	s26 =	simm.s32 $0x0;
	s0 =	sand.u32 $0x1, s0  }
0x7: {  	s8 =	smul.u32 $0x4F00, s10;
	[smem:$0x7FF] =	sst s5;
	s6 =	sadd.s32 $0x3E00, s1  }
0x8: {  	s2 =	sshll.u32 s0, $0x4;
	s7 =	smul.u32 $0x4F000, s0;
	s0 =	ssub.s32 $0x2, s0  }
0x9: {  	_ =	strace $0x80000047;
	s2 =	sor.u32 s10, s2;
	s31 =	sshrl.u32 s0, $0x1  }
0xa: {  	s10 =	sshll.u32 s10, $0x6;
	s14 =	sadd.s32 s8, s4;
	s3 =	smul.u32 $0xA00, s2  }
0xb: {  	s2 =	smul.u32 $0x280, s2;
	s9 =	sadd.s32 s8, s7;
	s7 =	sadd.s32 $0x61000, s1  }
0xc: {  	s0 =	ssub.s32 s0, s31;
	s8 =	sor.u32 $0x1C03, s10;
	s14 =	sshrl.u32 s14, $0x3  }
0xd: {  	s9 =	sshrl.u32 s9, $0x3;
	s13 =	smax.u32 s0, $0x1;
	s2 =	sadd.s32 s2, s1  }
0xe: {  	v0 =	vimm.f32 $0.0e+00;
	vm0 =	vcmask $0x300;
	s3 =	sadd.s32 s3, s1;
	s1 =	sadd.s32 s9, s1;
	s9 =	sadd.s32 $0x5C000, s2  }
0xf: {  	v0 =	vsel vm0, $0x3F800000, v0;
	s10 =	sadd.s32 $0x57000, s2;
	s11 =	sadd.s32 $0x283E00, s3;
	s12 =	sadd.s32 $0x61A00, s1  }
.LBB2_1:
0x10: {  	[spmem:s14], [sflag:s8] =	dma.local [hbm:s7], $0x9E0  }
0x11: {  	_ =	swait.ge [sflag:s15], $0x9E0  }
0x12: {  	[sflag:s15] =	ssyncset.done $0x0  }
0x13: {  	[sflag:s15] =	ssyncadd.s32 $0xFFFFF620  }
0x14: {  	[tilespmem:s5], [sflag:$0x3] =	stream.linear.gather [hbm4b:s9+s5], $0x1400, $0x38;
	[tilespmem:$0x1E750] =	vst v63  }
0x15: {  	_ =	swait.ge [sflag:s15], $0x1400  }
0x16: {  	[sflag:s15] =	ssyncset.done $0x0  }
0x17: {  	s0 =	simm.s32 $0x1400;
	[sflag:s15] =	ssyncadd.s32 $0xFFFFEC00  }
0x18: {  	[tilespmem:s0], [sflag:$0x3] =	stream.linear.gather [hbm4b:s10+s5], $0x1400, $0x38;
	[tilespmem:$0x1E750] =	vst v63  }
0x19: {  	_ =	swait.ge [sflag:s15], $0x1400  }
0x1a: {  	[sflag:s15] =	ssyncset.done $0x0  }
0x1b: {  	s29 =	simm.s32 $0x2800;
	[sflag:s15] =	ssyncadd.s32 $0xFFFFEC00  }
0x1c: {  	[tilespmem:s29], [sflag:$0x3] =	stream.linear.gather [hbm4b:s11+s5], $0x5000, $0x38;
	[tilespmem:$0x1E750] =	vst v63  }
0x1d: {  	_ =	swait.ge [sflag:s15], $0x5000  }
0x1e: {  	[sflag:s15] =	ssyncset.done $0x0  }
0x1f: {  	[sflag:s15] =	ssyncadd.s32 $0xFFFFB000  }
0x20: {  	s30 =	rddreg [dreg:$0x1]  }
0x21: {  	[tilespmem:s18], [sflag:$0x3] =	stream.linear.gather [hbm4b:s30+s5], $0x40, $0x38;
	[tilespmem:$0x1E750] =	vst v63  }
0x22: {  	_ =	swait.ge [sflag:s15], $0x40  }
0x23: {  	[sflag:s15] =	ssyncset.done $0x0  }
0x24: {  	[sflag:s15] =	ssyncadd.s32 $0xFFFFFFC0  }
0x25: {  	s31 =	rddreg [dreg:$0x2]  }
0x26: {  	[tilespmem:s19], [sflag:$0x3] =	stream.linear.gather [hbm4b:s31+s5], $0x10, $0x38;
	[tilespmem:$0x1E750] =	vst v63  }
0x27: {  	_ =	swait.ge [sflag:s15], $0x10  }
0x28: {  	[sflag:s15] =	ssyncset.done $0x0  }
0x29: {  	s1 =	simm.s32 $0x0;
	s0 =	simm.s32 $0x80;
	[sflag:s15] =	ssyncadd.s32 $0xFFFFFFF0  }
.LBB2_2:
0x2a: {  	p0 =	sne.s32 s0, $0x3F80;
	[tilespmem:s1+$0x18860] =	vst v0;
	s1 =	smov.u32 s0;
	s0 =	sadd.s32 $0x80, s0  }
.Ltmp0:
0x2b: {  	(pc) =	sbr.rel @p0 .LBB2_2-.Ltmp0, $2  }
0x2c: {  	_ =	sdelay $0x2  }
0x2d: {  	s1 =	sshra.s32 s1, $0x2  }
0x2e: {  	[tilespmem:s1+$0x18860] =	vst v0;
	s28 =	simm.s32 $0x0  }
0x2f: {  	s29 =	simm.s32 $0x2800;
	s30 =	simm.s32 $0x2A00;
	[bflag:$0x0] =	sbarrier.arrive $0xFFFF  }
0x30: {  	[tilespmem:s21], [sflag:$0x1] =	stream.indirect.gather [hbm4b:s6+s20], $0x110, s28, s20, $0xb8;
	[tilespmem:$0x1E750] =	vst v63  }
.LBB2_4:
0x31: {  	s0 =	sshll.u32 s28, $0x8  }
0x32: {  	v1 =	vmov s29;
	s31 =	sor.u32 $0x80, s0  }
0x33: {  	[tilespmem:s22], [sflag:$0x2] =	stream.indirect.gather [hbm4b:s6+s20], $0x110, s31, s20, $0xb8;
	[tilespmem:$0x1E750] =	vst v63  }
0x34: {  	_ =	swait.ge [sflag:s23], $0x8800  }
0x35: {  	[sflag:s23] =	ssyncset.done $0x0  }
0x36: {  	s17 =	simm.s32 $0x0;
	[sflag:s23] =	ssyncadd.s32 $0xFFFF7800  }
0x37: {  	v7 =	vld.idx.msk [tilespmem:v1+s17+$0x0 ss:$0x1], $0xffff  }
0x38: {  	v2 =	vld [tilespmem:$0x7800]  }
0x39: {  	v3 =	vld [tilespmem:$0x7810];
	_ =	sdelay $0x1  }
0x3a: {  	v4 =	vld [tilespmem:$0x7820]  }
0x3b: {  	v6 =	vbroadcast v7, $0x0;
	v8 =	vbroadcast v7, $0x1  }
0x3c: {  	v5 =	vld [tilespmem:$0x7830];
	v9 =	vbroadcast v7, $0x2  }
0x3d: {  	v6 =	vmul.f32 v6, v2;
	v8 =	vmul.f32 v8, v3;
	_ =	sdelay $0x1  }
0x3e: {  	v10 =	vbroadcast v7, $0x3;
	v9 =	vmul.f32 v9, v4;
	v8 =	vadd.f32 v8, v6  }
0x3f: {  	v6 =	vld [tilespmem:$0x7840]  }
0x40: {  	v8 =	vadd.f32 v8, v9;
	v9 =	vmul.f32 v10, v5  }
0x41: {  	s1 =	simm.s32 $0x7960  }
0x42: {  	v11 =	vld [tilespmem:s1+$0xFFFFFF10];
	v8 =	vadd.f32 v8, v9  }
0x43: {  	v13 =	vld [tilespmem:s1+$0xFFFFFF60]  }
0x44: {  	v16 =	vld [tilespmem:s1+$0xFFFFFFF0];
	v12 =	vbroadcast v7, $0x4;
	v8 =	vadd.f32 v8, v6  }
0x45: {  	v19 =	vld [tilespmem:s1+$0xFFFFFFA0];
	v14 =	vbroadcast v7, $0x5  }
0x46: {  	v20 =	vld [tilespmem:s1+$0xFFFFFF30];
	v15 =	vbroadcast v7, $0x6;
	v12 =	vmul.f32 v12, v2;
	v8 =	vmax.f32 v8, $0.0e+00  }
0x47: {  	v23 =	vld [tilespmem:s1+$0xFFFFFEF0];
	v17 =	vbroadcast v8, $0x2;
	v18 =	vbroadcast v8, $0x3  }
0x48: {  	v9 =	vld [tilespmem:s1+$0xFFFFFF20];
	v21 =	vbroadcast v8, $0x7;
	v22 =	vbroadcast v8, $0xF  }
0x49: {  	v48 =	vld [tilespmem:s1+$0xFFFFFFE0];
	v49 =	vbroadcast v8, $0x4;
	v24 =	vbroadcast v8, $0x8  }
0x4a: {  	v25 =	vld [tilespmem:s1+$0xFFFFFF00];
	v26 =	vbroadcast v8, $0x0;
	v27 =	vbroadcast v8, $0x1  }
0x4b: {  	v10 =	vld [tilespmem:s1+$0xFFFFFF70];
	v53 =	vbroadcast v8, $0x6;
	v54 =	vbroadcast v8, $0x5  }
0x4c: {  	v28 =	vld [tilespmem:s1+$0xFFFFFF40];
	v57 =	vbroadcast v8, $0xA;
	v60 =	vbroadcast v8, $0x9  }
0x4d: {  	v50 =	vld [tilespmem:s1+$0xFFFFFF50];
	v11 =	vmul.f32 v17, v11;
	v9 =	vmul.f32 v18, v9  }
0x4e: {  	v52 =	vld [tilespmem:s1+$0xFFFFFFD0];
	v61 =	vbroadcast v8, $0xC;
	v62 =	vbroadcast v8, $0xE  }
0x4f: {  	v55 =	vld [tilespmem:s1+$0xFFFFFF80];
	v13 =	vmul.f32 v13, v21;
	v17 =	vbroadcast v8, $0xB;
	v9 =	vadd.f32 v9, v11  }
0x50: {  	v51 =	vld [tilespmem:s1+$0xFFFFFF90];
	v20 =	vmul.f32 v49, v20;
	v10 =	vmul.f32 v10, v24  }
0x51: {  	v58 =	vld [tilespmem:s1+$0xFFFFFFB0];
	v56 =	vmul.f32 v27, v25;
	v17 =	vmul.f32 v19, v17;
	v9 =	vadd.f32 v13, v9  }
0x52: {  	v59 =	vld [tilespmem:s1+$0xFFFFFFC0];
	v8 =	vbroadcast v8, $0xD;
	v11 =	vmul.f32 v26, v23  }
0x53: {  	v26 =	vmul.f32 v54, v28;
	v9 =	vadd.f32 v17, v9;
	v17 =	vmul.f32 v50, v53  }
0x54: {  	v18 =	vmul.f32 v55, v60;
	v63 =	vmul.f32 v52, v62;
	v16 =	vadd.f32 v20, v16  }
0x55: {  	v19 =	vmul.f32 v51, v57;
	v11 =	vadd.f32 v26, v11;
	v17 =	vadd.f32 v17, v56  }
0x56: {  	v13 =	vmul.f32 v48, v22;
	v10 =	vadd.f32 v10, v16;
	v16 =	vmul.f32 v58, v61  }
0x57: {  	v8 =	vmul.f32 v59, v8;
	v11 =	vadd.f32 v18, v11;
	v17 =	vadd.f32 v19, v17  }
0x58: {  	v14 =	vmul.f32 v14, v3;
	v10 =	vadd.f32 v16, v10;
	v9 =	vadd.f32 v13, v9  }
0x59: {  	v8 =	vadd.f32 v8, v11;
	v11 =	vadd.f32 v63, v17  }
0x5a: {  	v7 =	vbroadcast v7, $0x7;
	v12 =	vadd.f32 v14, v12;
	v13 =	vmul.f32 v15, v4  }
0x5b: {  	v8 =	vadd.f32 v8, v10;
	v9 =	vadd.f32 v9, v11  }
0x5c: {  	v7 =	vmul.f32 v7, v5;
	v10 =	vadd.f32 v12, v13  }
0x5d: {  	v8 =	vadd.f32 v9, v8  }
0x5e: {  	s2 =	simm.s32 $0x18870;
	v7 =	vadd.f32 v10, v7  }
0x5f: {  	[tilespmem:s2+$0xFFFFFFE0] =	vst v8  }
0x60: {  	v7 =	vadd.f32 v7, v6;
	v11 =	vld [tilespmem:s1+$0x20]  }
0x61: {  	v14 =	vld [tilespmem:s1+$0x30]  }
0x62: {  	v7 =	vmax.f32 v7, $0.0e+00;
	v10 =	vld [tilespmem:s1+$0x70]  }
0x63: {  	v12 =	vbroadcast v7, $0x2;
	v13 =	vld [tilespmem:s1+$0x0]  }
0x64: {  	v9 =	vbroadcast v7, $0x0;
	v15 =	vbroadcast v7, $0x3  }
0x65: {  	s3 =	simm.s32 $0x20;
	s16 =	simm.s32 $0x7960;
	s0 =	simm.s32 $0x18870;
	v8 =	vbroadcast v7, $0x7;
	v12 =	vmul.f32 v11, v12;
	v11 =	vld [tilespmem:s1+$0xB0]  }
.LBB2_5:
0x66: {  	p0 =	sne.s32 s3, $0x7E0;
	v14 =	vmul.f32 v14, v15;
	v15 =	vld [tilespmem:s1+$0xD0];
	s2 =	sadd.s32 $0x40, s2;
	s16 =	sadd.s32 $0x220, s16  }
0x67: {  	v16 =	vbroadcast v7, $0xB;
	s17 =	smov.u32 s3;
	s3 =	sadd.s32 $0x20, s3;
	v17 =	vld [tilespmem:s1+$0xF0]  }
0x68: {  	v8 =	vmul.f32 v10, v8;
	v9 =	vmul.f32 v13, v9;
	v12 =	vadd.f32 v14, v12;
	v13 =	vld [tilespmem:s1+$0x50]  }
0x69: {  	v10 =	vld [tilespmem:s1+$0x100]  }
0x6a: {  	v14 =	vbroadcast v7, $0xF;
	v8 =	vadd.f32 v8, v12;
	v12 =	vld [tilespmem:s1+$0x90];
	v11 =	vmul.f32 v11, v16  }
0x6b: {  	v16 =	vbroadcast v7, $0x5;
	v18 =	vld [tilespmem:s1+$0x80]  }
0x6c: {  	v20 =	vbroadcast v7, $0xA;
	v19 =	vld [tilespmem:s1+$0x40];
	v8 =	vadd.f32 v11, v8;
	v11 =	vmul.f32 v17, v14  }
0x6d: {  	v13 =	vmul.f32 v13, v16;
	v14 =	vld [tilespmem:s1+$0x60];
	v16 =	vbroadcast v7, $0x9  }
0x6e: {  	v21 =	vbroadcast v7, $0x8;
	v22 =	vbroadcast v7, $0xD;
	v17 =	vld [tilespmem:s1+$0x10];
	v8 =	vadd.f32 v11, v8  }
0x6f: {  	v11 =	vbroadcast v7, $0x4;
	v9 =	vadd.f32 v13, v9;
	v12 =	vmul.f32 v12, v16;
	v13 =	vld [tilespmem:s1+$0xA0]  }
0x70: {  	v23 =	vbroadcast v7, $0x6;
	v16 =	vbroadcast v7, $0x1  }
0x71: {  	v11 =	vmul.f32 v19, v11;
	v9 =	vadd.f32 v12, v9;
	v12 =	vmul.f32 v15, v22;
	v15 =	vld [tilespmem:s1+$0xE0]  }
0x72: {  	v18 =	vmul.f32 v18, v21;
	v14 =	vmul.f32 v14, v23;
	v19 =	vld [tilespmem:s1+$0xC0];
	s1 =	smov.u32 s16  }
0x73: {  	v16 =	vmul.f32 v17, v16;
	v10 =	vadd.f32 v11, v10;
	v9 =	vadd.f32 v12, v9  }
0x74: {  	v12 =	vbroadcast v7, $0xE;
	v11 =	vmul.f32 v13, v20  }
0x75: {  	v7 =	vbroadcast v7, $0xC;
	v13 =	vadd.f32 v14, v16;
	v10 =	vadd.f32 v18, v10  }
0x76: {  	v12 =	vmul.f32 v15, v12  }
0x77: {  	v11 =	vadd.f32 v11, v13;
	v7 =	vmul.f32 v19, v7;
	_ =	sdelay $0x1  }
0x78: {  	v7 =	vadd.f32 v7, v10;
	v10 =	vadd.f32 v12, v11  }
0x79: {  	s17 =	sshra.s32 s17, $0x2  }
0x7a: {  	v7 =	vadd.f32 v9, v7;
	v8 =	vadd.f32 v8, v10;
	_ =	sdelay $0x1  }
0x7b: {  	v7 =	vadd.f32 v8, v7;
	_ =	sdelay $0x1  }
0x7c: {  	[tilespmem:s0+$0x0] =	vst v7;
	s0 =	smov.u32 s2  }
0x7d: {  	v7 =	vld.idx.msk [tilespmem:v1+s17+$0x0 ss:$0x1], $0xffff;
	_ =	sdelay $0x5  }
0x7e: {  	v8 =	vbroadcast v7, $0x0;
	v9 =	vbroadcast v7, $0x1  }
0x7f: {  	v10 =	vbroadcast v7, $0x2;
	v11 =	vbroadcast v7, $0x3  }
0x80: {  	v8 =	vmul.f32 v8, v2;
	v9 =	vmul.f32 v9, v3  }
0x81: {  	v12 =	vbroadcast v7, $0x4;
	v13 =	vbroadcast v7, $0x5  }
0x82: {  	v8 =	vadd.f32 v9, v8;
	v9 =	vmul.f32 v10, v4;
	v10 =	vbroadcast v7, $0x6  }
0x83: {  	v12 =	vmul.f32 v12, v2;
	v13 =	vmul.f32 v13, v3  }
0x84: {  	v8 =	vadd.f32 v8, v9;
	v9 =	vmul.f32 v11, v5  }
0x85: {  	v7 =	vbroadcast v7, $0x7;
	v11 =	vadd.f32 v13, v12;
	v10 =	vmul.f32 v10, v4  }
0x86: {  	v8 =	vadd.f32 v8, v9;
	v9 =	vld [tilespmem:s16+$0xFFFFFF20]  }
0x87: {  	v7 =	vmul.f32 v7, v5;
	v10 =	vadd.f32 v11, v10;
	v12 =	vld [tilespmem:s16+$0xFFFFFF70]  }
0x88: {  	v8 =	vadd.f32 v8, v6;
	v11 =	vld [tilespmem:s16+$0xFFFFFF10]  }
0x89: {  	v7 =	vadd.f32 v10, v7;
	v13 =	vld [tilespmem:s16+$0xFFFFFF60]  }
0x8a: {  	v8 =	vmax.f32 v8, $0.0e+00;
	v10 =	vld [tilespmem:s16+$0xFFFFFFF0]  }
0x8b: {  	v7 =	vadd.f32 v7, v6;
	v14 =	vbroadcast v8, $0x2;
	v15 =	vbroadcast v8, $0x3;
	v16 =	vld [tilespmem:s16+$0xFFFFFFA0]  }
0x8c: {  	v18 =	vbroadcast v8, $0x7;
	v19 =	vbroadcast v8, $0xF;
	v17 =	vld [tilespmem:s16+$0xFFFFFF30]  }
0x8d: {  	v7 =	vmax.f32 v7, $0.0e+00;
	v9 =	vmul.f32 v15, v9;
	v20 =	vld [tilespmem:s16+$0xFFFFFEF0];
	v11 =	vmul.f32 v14, v11  }
0x8e: {  	v14 =	vbroadcast v8, $0xB;
	v13 =	vmul.f32 v13, v18;
	v15 =	vld [tilespmem:s16+$0xFFFFFFE0]  }
0x8f: {  	v18 =	vbroadcast v8, $0x8;
	v9 =	vadd.f32 v9, v11;
	v11 =	vbroadcast v8, $0x4;
	v21 =	vld [tilespmem:s16+$0xFFFFFFD0]  }
0x90: {  	v22 =	vbroadcast v8, $0x0;
	v24 =	vbroadcast v8, $0x1;
	v23 =	vld [tilespmem:s16+$0xFFFFFF00]  }
0x91: {  	v11 =	vmul.f32 v11, v17;
	v17 =	vld [tilespmem:s16+$0xFFFFFF50];
	v9 =	vadd.f32 v13, v9;
	v13 =	vmul.f32 v16, v14  }
0x92: {  	v12 =	vmul.f32 v12, v18;
	v14 =	vmul.f32 v22, v20;
	v16 =	vld [tilespmem:s16+$0xFFFFFF40]  }
0x93: {  	v18 =	vbroadcast v8, $0x6;
	v20 =	vld [tilespmem:s16+$0xFFFFFF90];
	v9 =	vadd.f32 v13, v9;
	v13 =	vmul.f32 v15, v19  }
0x94: {  	v10 =	vadd.f32 v11, v10;
	v15 =	vbroadcast v8, $0x9;
	v19 =	vbroadcast v8, $0xA;
	v11 =	vld [tilespmem:s16+$0xFFFFFF80]  }
0x95: {  	v22 =	vmul.f32 v24, v23;
	v23 =	vbroadcast v8, $0x5;
	v24 =	vld [tilespmem:s16+$0xFFFFFFB0];
	v13 =	vadd.f32 v13, v9  }
0x96: {  	v25 =	vbroadcast v8, $0xD;
	v9 =	vadd.f32 v12, v10;
	v10 =	vbroadcast v8, $0xC;
	v12 =	vld [tilespmem:s16+$0xFFFFFFC0]  }
0x97: {  	v17 =	vmul.f32 v17, v18;
	v16 =	vmul.f32 v23, v16  }
0x98: {  	v8 =	vbroadcast v8, $0xE;
	v18 =	vmul.f32 v20, v19  }
0x99: {  	v14 =	vadd.f32 v16, v14;
	v16 =	vadd.f32 v17, v22;
	v11 =	vmul.f32 v11, v15  }
0x9a: {  	v15 =	vmul.f32 v21, v8;
	v10 =	vmul.f32 v24, v10  }
0x9b: {  	v11 =	vadd.f32 v11, v14;
	v14 =	vadd.f32 v18, v16;
	v12 =	vmul.f32 v12, v25  }
0x9c: {  	v8 =	vbroadcast v7, $0x7;
	v10 =	vadd.f32 v10, v9;
	v9 =	vbroadcast v7, $0x0  }
0x9d: {  	v11 =	vadd.f32 v12, v11;
	v12 =	vadd.f32 v15, v14;
	_ =	sdelay $0x1  }
0x9e: {  	v10 =	vadd.f32 v11, v10;
	v11 =	vadd.f32 v13, v12;
	_ =	sdelay $0x1  }
0x9f: {  	v10 =	vadd.f32 v11, v10;
	_ =	sdelay $0x1  }
0xa0: {  	[tilespmem:s2+$0xFFFFFFE0] =	vst v10  }
0xa1: {  	v11 =	vld [tilespmem:s16+$0x20]  }
.Ltmp1:
0xa2: {  	v14 =	vld [tilespmem:s16+$0x30];
	(pc) =	sbr.rel @p0 .LBB2_5-.Ltmp1, $4  }
0xa3: {  	v10 =	vld [tilespmem:s16+$0x70]  }
0xa4: {  	v12 =	vbroadcast v7, $0x2;
	v13 =	vld [tilespmem:s16+$0x0]  }
0xa5: {  	v15 =	vbroadcast v7, $0x3  }
0xa6: {  	v12 =	vmul.f32 v11, v12;
	v11 =	vld [tilespmem:s16+$0xB0]  }
0xa7: {  	v1 =	vld [tilespmem:s1+$0xF0]  }
0xa8: {  	v2 =	vld [tilespmem:s1+$0x50]  }
0xa9: {  	v3 =	vld [tilespmem:s1+$0x100]  }
0xaa: {  	v4 =	vmul.f32 v14, v15;
	v5 =	vbroadcast v7, $0xB;
	v6 =	vld [tilespmem:s1+$0x90]  }
0xab: {  	v14 =	vbroadcast v7, $0x5;
	v15 =	vld [tilespmem:s1+$0x40];
	v19 =	vbroadcast v7, $0x4  }
0xac: {  	v16 =	vld [tilespmem:s1+$0x60];
	v20 =	vbroadcast v7, $0x1;
	v21 =	vbroadcast v7, $0x6  }
0xad: {  	v17 =	vld [tilespmem:s1+$0xA0];
	v8 =	vmul.f32 v10, v8;
	v9 =	vmul.f32 v13, v9;
	v4 =	vadd.f32 v4, v12  }
0xae: {  	v13 =	vbroadcast v7, $0xF;
	v12 =	vld [tilespmem:s1+$0x10];
	v5 =	vmul.f32 v11, v5  }
0xaf: {  	v10 =	vld [tilespmem:s1+$0x80];
	v11 =	vbroadcast v7, $0xA;
	v4 =	vadd.f32 v8, v4;
	v8 =	vbroadcast v7, $0xD  }
0xb0: {  	v18 =	vld [tilespmem:s1+$0xD0];
	v1 =	vmul.f32 v1, v13;
	v13 =	vbroadcast v7, $0x9  }
0xb1: {  	v22 =	vld [tilespmem:s1+$0xE0];
	v2 =	vmul.f32 v2, v14;
	v14 =	vbroadcast v7, $0x8  }
0xb2: {  	v4 =	vadd.f32 v5, v4;
	v5 =	vmul.f32 v6, v13;
	v6 =	vmul.f32 v15, v19;
	v13 =	vld [tilespmem:s1+$0xC0]  }
0xb3: {  	v2 =	vadd.f32 v2, v9;
	v9 =	vmul.f32 v16, v21;
	v12 =	vmul.f32 v12, v20  }
0xb4: {  	v10 =	vmul.f32 v10, v14;
	v3 =	vadd.f32 v6, v3;
	v6 =	vmul.f32 v17, v11  }
0xb5: {  	v11 =	vbroadcast v7, $0xE;
	v9 =	vadd.f32 v9, v12;
	v7 =	vbroadcast v7, $0xC  }
0xb6: {  	v2 =	vadd.f32 v5, v2;
	v5 =	vmul.f32 v18, v8;
	v3 =	vadd.f32 v10, v3  }
0xb7: {  	v8 =	vmul.f32 v22, v11;
	v6 =	vadd.f32 v6, v9;
	v7 =	vmul.f32 v13, v7  }
0xb8: {  	v1 =	vadd.f32 v1, v4;
	v2 =	vadd.f32 v5, v2  }
0xb9: {  	v4 =	vadd.f32 v8, v6;
	v3 =	vadd.f32 v7, v3;
	_ =	sdelay $0x1  }
0xba: {  	v1 =	vadd.f32 v1, v4;
	v2 =	vadd.f32 v2, v3;
	_ =	sdelay $0x1  }
0xbb: {  	s1 =	sshll.u32 s28, $0xA;
	v1 =	vadd.f32 v1, v2  }
0xbc: {  	s2 =	sshrl.u32 s1, $0x2  }
0xbd: {  	s16 =	sadd.s32 $0x1400, s2;
	[tilespmem:s0+$0x0] =	vst v1  }
0xbe: {  	[spmem:s4] =	stream.indirect.scatter.add.f32 [tilespmem:s24], [sflag:$0x3], $0x20, s16, s20, $0xb8;
	[tilespmem:$0x1E750] =	vst v63  }
0xbf: {  	p0 =	seq.s32 s28, $0x13;
	_ =	swait.ge [sflag:s15], $0x1000  }
0xc0: {  	s2 =	simm.s32 @!p0 $0x7850;
	s0 =	sshrl.u32 @!p0 s1, $0x2;
	[sflag:s15] =	ssyncset.done $0x0  }
0xc1: {  	s1 =	simm.s32 @!p0 $0x80;
	v1 =	vmov s30;
	s0 =	sadd.s32 @!p0 $0x100, s0;
	[sflag:s15] =	ssyncadd.s32 $0xFFFFF000  }
0xc2: {  	[tilespmem:s2], [sflag:$0x1] =	stream.indirect.gather @!p0 [hbm4b:s6+s1], $0x110, s0, s1, $0xb8;
	[tilespmem:$0x1E750] =	vst v63  }
0xc3: {  	_ =	swait.ge [sflag:s25], $0x8800  }
0xc4: {  	[sflag:s25] =	ssyncset.done $0x0  }
0xc5: {  	s17 =	simm.s32 $0x0;
	[sflag:s25] =	ssyncadd.s32 $0xFFFF7800  }
0xc6: {  	v7 =	vld.idx.msk [tilespmem:v1+s17+$0x0 ss:$0x1], $0xffff  }
0xc7: {  	v2 =	vld [tilespmem:$0x7800]  }
0xc8: {  	v3 =	vld [tilespmem:$0x7810];
	_ =	sdelay $0x1  }
0xc9: {  	v4 =	vld [tilespmem:$0x7820]  }
0xca: {  	v6 =	vbroadcast v7, $0x0;
	v8 =	vbroadcast v7, $0x1  }
0xcb: {  	v5 =	vld [tilespmem:$0x7830];
	v9 =	vbroadcast v7, $0x2  }
0xcc: {  	v6 =	vmul.f32 v6, v2;
	v8 =	vmul.f32 v8, v3;
	_ =	sdelay $0x1  }
0xcd: {  	v10 =	vbroadcast v7, $0x3;
	v9 =	vmul.f32 v9, v4;
	v8 =	vadd.f32 v8, v6  }
0xce: {  	v6 =	vld [tilespmem:$0x7840]  }
0xcf: {  	v8 =	vadd.f32 v8, v9;
	v9 =	vmul.f32 v10, v5  }
0xd0: {  	s1 =	simm.s32 $0x10160  }
0xd1: {  	v11 =	vld [tilespmem:s1+$0xFFFFFF10];
	v8 =	vadd.f32 v8, v9  }
0xd2: {  	v13 =	vld [tilespmem:s1+$0xFFFFFF60]  }
0xd3: {  	v16 =	vld [tilespmem:s1+$0xFFFFFFF0];
	v12 =	vbroadcast v7, $0x4;
	v8 =	vadd.f32 v8, v6  }
0xd4: {  	v44 =	vld [tilespmem:s1+$0xFFFFFFA0];
	v14 =	vbroadcast v7, $0x5  }
0xd5: {  	v45 =	vld [tilespmem:s1+$0xFFFFFF30];
	v15 =	vbroadcast v7, $0x6;
	v12 =	vmul.f32 v12, v2;
	v8 =	vmax.f32 v8, $0.0e+00  }
0xd6: {  	v23 =	vld [tilespmem:s1+$0xFFFFFEF0];
	v17 =	vbroadcast v8, $0x2;
	v43 =	vbroadcast v8, $0x3  }
0xd7: {  	v9 =	vld [tilespmem:s1+$0xFFFFFF20];
	v46 =	vbroadcast v8, $0x7;
	v47 =	vbroadcast v8, $0xF  }
0xd8: {  	v48 =	vld [tilespmem:s1+$0xFFFFFFE0];
	v49 =	vbroadcast v8, $0x4;
	v24 =	vbroadcast v8, $0x8  }
0xd9: {  	v25 =	vld [tilespmem:s1+$0xFFFFFF00];
	v26 =	vbroadcast v8, $0x0;
	v27 =	vbroadcast v8, $0x1  }
0xda: {  	v10 =	vld [tilespmem:s1+$0xFFFFFF70];
	v53 =	vbroadcast v8, $0x6;
	v54 =	vbroadcast v8, $0x5  }
0xdb: {  	v28 =	vld [tilespmem:s1+$0xFFFFFF40];
	v57 =	vbroadcast v8, $0xA;
	v60 =	vbroadcast v8, $0x9  }
0xdc: {  	v51 =	vld [tilespmem:s1+$0xFFFFFF90];
	v11 =	vmul.f32 v17, v11;
	v9 =	vmul.f32 v43, v9  }
0xdd: {  	v50 =	vld [tilespmem:s1+$0xFFFFFF50];
	v61 =	vbroadcast v8, $0xC;
	v62 =	vbroadcast v8, $0xE  }
0xde: {  	v55 =	vld [tilespmem:s1+$0xFFFFFF80];
	v13 =	vmul.f32 v13, v46;
	v17 =	vbroadcast v8, $0xB;
	v9 =	vadd.f32 v9, v11  }
0xdf: {  	v52 =	vld [tilespmem:s1+$0xFFFFFFD0];
	v20 =	vmul.f32 v49, v45;
	v10 =	vmul.f32 v10, v24  }
0xe0: {  	v58 =	vld [tilespmem:s1+$0xFFFFFFB0];
	v56 =	vmul.f32 v27, v25;
	v17 =	vmul.f32 v44, v17;
	v9 =	vadd.f32 v13, v9  }
0xe1: {  	v59 =	vld [tilespmem:s1+$0xFFFFFFC0];
	v19 =	vmul.f32 v51, v57;
	v11 =	vmul.f32 v26, v23  }
0xe2: {  	v26 =	vmul.f32 v54, v28;
	v9 =	vadd.f32 v17, v9;
	v17 =	vmul.f32 v50, v53  }
0xe3: {  	v8 =	vbroadcast v8, $0xD;
	v18 =	vmul.f32 v55, v60;
	v16 =	vadd.f32 v20, v16  }
0xe4: {  	v63 =	vmul.f32 v52, v62;
	v11 =	vadd.f32 v26, v11;
	v17 =	vadd.f32 v17, v56  }
0xe5: {  	v13 =	vmul.f32 v48, v47;
	v10 =	vadd.f32 v10, v16;
	v16 =	vmul.f32 v58, v61  }
0xe6: {  	v8 =	vmul.f32 v59, v8;
	v11 =	vadd.f32 v18, v11;
	v17 =	vadd.f32 v19, v17  }
0xe7: {  	v14 =	vmul.f32 v14, v3;
	v10 =	vadd.f32 v16, v10;
	v9 =	vadd.f32 v13, v9  }
0xe8: {  	v8 =	vadd.f32 v8, v11;
	v11 =	vadd.f32 v63, v17  }
0xe9: {  	v7 =	vbroadcast v7, $0x7;
	v12 =	vadd.f32 v14, v12;
	v13 =	vmul.f32 v15, v4  }
0xea: {  	v8 =	vadd.f32 v8, v10;
	v9 =	vadd.f32 v9, v11  }
0xeb: {  	v7 =	vmul.f32 v7, v5;
	v10 =	vadd.f32 v12, v13  }
0xec: {  	v8 =	vadd.f32 v9, v8  }
0xed: {  	s2 =	simm.s32 $0x18870;
	v7 =	vadd.f32 v10, v7  }
0xee: {  	[tilespmem:s2+$0xFFFFFFE0] =	vst v8  }
0xef: {  	v7 =	vadd.f32 v7, v6;
	v11 =	vld [tilespmem:s1+$0x20]  }
0xf0: {  	v14 =	vld [tilespmem:s1+$0x30]  }
0xf1: {  	v7 =	vmax.f32 v7, $0.0e+00;
	v10 =	vld [tilespmem:s1+$0x70]  }
0xf2: {  	v12 =	vbroadcast v7, $0x2;
	v13 =	vld [tilespmem:s1+$0x0]  }
0xf3: {  	v9 =	vbroadcast v7, $0x0;
	v15 =	vbroadcast v7, $0x3  }
0xf4: {  	s3 =	simm.s32 $0x20;
	s16 =	simm.s32 $0x10160;
	s0 =	simm.s32 $0x18870;
	v8 =	vbroadcast v7, $0x7;
	v11 =	vmul.f32 v11, v12;
	v12 =	vld [tilespmem:s1+$0xB0]  }
.LBB2_7:
0xf5: {  	p0 =	sne.s32 s3, $0x7E0;
	v14 =	vmul.f32 v14, v15;
	v15 =	vld [tilespmem:s1+$0xD0];
	s2 =	sadd.s32 $0x40, s2;
	s16 =	sadd.s32 $0x220, s16  }
0xf6: {  	v16 =	vbroadcast v7, $0xB;
	s17 =	smov.u32 s3;
	s3 =	sadd.s32 $0x20, s3;
	v17 =	vld [tilespmem:s1+$0xF0]  }
0xf7: {  	v8 =	vmul.f32 v10, v8;
	v9 =	vmul.f32 v13, v9;
	v11 =	vadd.f32 v14, v11;
	v13 =	vld [tilespmem:s1+$0x50]  }
0xf8: {  	v10 =	vld [tilespmem:s1+$0x100]  }
0xf9: {  	v14 =	vbroadcast v7, $0xF;
	v8 =	vadd.f32 v8, v11;
	v11 =	vld [tilespmem:s1+$0x90];
	v12 =	vmul.f32 v12, v16  }
0xfa: {  	v16 =	vbroadcast v7, $0x5;
	v18 =	vld [tilespmem:s1+$0x80]  }
0xfb: {  	v20 =	vbroadcast v7, $0xA;
	v19 =	vld [tilespmem:s1+$0x40];
	v8 =	vadd.f32 v12, v8;
	v12 =	vmul.f32 v17, v14  }
0xfc: {  	v13 =	vmul.f32 v13, v16;
	v14 =	vld [tilespmem:s1+$0x60];
	v16 =	vbroadcast v7, $0x9  }
0xfd: {  	v21 =	vbroadcast v7, $0x8;
	v22 =	vbroadcast v7, $0xD;
	v17 =	vld [tilespmem:s1+$0x10];
	v8 =	vadd.f32 v12, v8  }
0xfe: {  	v12 =	vbroadcast v7, $0x4;
	v9 =	vadd.f32 v13, v9;
	v11 =	vmul.f32 v11, v16;
	v13 =	vld [tilespmem:s1+$0xA0]  }
0xff: {  	v23 =	vbroadcast v7, $0x6;
	v16 =	vbroadcast v7, $0x1  }
0x100: {  	v12 =	vmul.f32 v19, v12;
	v9 =	vadd.f32 v11, v9;
	v11 =	vmul.f32 v15, v22;
	v15 =	vld [tilespmem:s1+$0xE0]  }
0x101: {  	v18 =	vmul.f32 v18, v21;
	v14 =	vmul.f32 v14, v23;
	v19 =	vld [tilespmem:s1+$0xC0];
	s1 =	smov.u32 s16  }
0x102: {  	v16 =	vmul.f32 v17, v16;
	v10 =	vadd.f32 v12, v10;
	v9 =	vadd.f32 v11, v9  }
0x103: {  	v12 =	vbroadcast v7, $0xE;
	v11 =	vmul.f32 v13, v20  }
0x104: {  	v7 =	vbroadcast v7, $0xC;
	v13 =	vadd.f32 v14, v16;
	v10 =	vadd.f32 v18, v10  }
0x105: {  	v12 =	vmul.f32 v15, v12  }
0x106: {  	v11 =	vadd.f32 v11, v13;
	v7 =	vmul.f32 v19, v7;
	_ =	sdelay $0x1  }
0x107: {  	v7 =	vadd.f32 v7, v10;
	v10 =	vadd.f32 v12, v11  }
0x108: {  	s17 =	sshra.s32 s17, $0x2  }
0x109: {  	v7 =	vadd.f32 v9, v7;
	v8 =	vadd.f32 v8, v10;
	_ =	sdelay $0x1  }
0x10a: {  	v7 =	vadd.f32 v8, v7;
	_ =	sdelay $0x1  }
0x10b: {  	[tilespmem:s0+$0x0] =	vst v7;
	s0 =	smov.u32 s2  }
0x10c: {  	v7 =	vld.idx.msk [tilespmem:v1+s17+$0x0 ss:$0x1], $0xffff;
	_ =	sdelay $0x5  }
0x10d: {  	v8 =	vbroadcast v7, $0x0;
	v9 =	vbroadcast v7, $0x1  }
0x10e: {  	v10 =	vbroadcast v7, $0x2;
	v11 =	vbroadcast v7, $0x3  }
0x10f: {  	v8 =	vmul.f32 v8, v2;
	v9 =	vmul.f32 v9, v3  }
0x110: {  	v12 =	vbroadcast v7, $0x4;
	v13 =	vbroadcast v7, $0x5  }
0x111: {  	v8 =	vadd.f32 v9, v8;
	v9 =	vmul.f32 v10, v4;
	v10 =	vbroadcast v7, $0x6  }
0x112: {  	v12 =	vmul.f32 v12, v2;
	v13 =	vmul.f32 v13, v3  }
0x113: {  	v8 =	vadd.f32 v8, v9;
	v9 =	vmul.f32 v11, v5  }
0x114: {  	v7 =	vbroadcast v7, $0x7;
	v11 =	vadd.f32 v13, v12;
	v10 =	vmul.f32 v10, v4  }
0x115: {  	v8 =	vadd.f32 v8, v9;
	v9 =	vld [tilespmem:s16+$0xFFFFFF20]  }
0x116: {  	v7 =	vmul.f32 v7, v5;
	v10 =	vadd.f32 v11, v10;
	v12 =	vld [tilespmem:s16+$0xFFFFFF70]  }
0x117: {  	v8 =	vadd.f32 v8, v6;
	v11 =	vld [tilespmem:s16+$0xFFFFFF10]  }
0x118: {  	v7 =	vadd.f32 v10, v7;
	v13 =	vld [tilespmem:s16+$0xFFFFFF60]  }
0x119: {  	v8 =	vmax.f32 v8, $0.0e+00;
	v10 =	vld [tilespmem:s16+$0xFFFFFFF0]  }
0x11a: {  	v7 =	vadd.f32 v7, v6;
	v14 =	vbroadcast v8, $0x2;
	v15 =	vbroadcast v8, $0x3;
	v16 =	vld [tilespmem:s16+$0xFFFFFFA0]  }
0x11b: {  	v18 =	vbroadcast v8, $0x7;
	v19 =	vbroadcast v8, $0xF;
	v17 =	vld [tilespmem:s16+$0xFFFFFF30]  }
0x11c: {  	v7 =	vmax.f32 v7, $0.0e+00;
	v9 =	vmul.f32 v15, v9;
	v20 =	vld [tilespmem:s16+$0xFFFFFEF0];
	v11 =	vmul.f32 v14, v11  }
0x11d: {  	v14 =	vbroadcast v8, $0xB;
	v13 =	vmul.f32 v13, v18;
	v15 =	vld [tilespmem:s16+$0xFFFFFFE0]  }
0x11e: {  	v18 =	vbroadcast v8, $0x8;
	v9 =	vadd.f32 v9, v11;
	v11 =	vbroadcast v8, $0x4;
	v21 =	vld [tilespmem:s16+$0xFFFFFFD0]  }
0x11f: {  	v22 =	vbroadcast v8, $0x0;
	v24 =	vbroadcast v8, $0x1;
	v23 =	vld [tilespmem:s16+$0xFFFFFF00]  }
0x120: {  	v11 =	vmul.f32 v11, v17;
	v17 =	vld [tilespmem:s16+$0xFFFFFF50];
	v9 =	vadd.f32 v13, v9;
	v13 =	vmul.f32 v16, v14  }
0x121: {  	v12 =	vmul.f32 v12, v18;
	v14 =	vmul.f32 v22, v20;
	v16 =	vld [tilespmem:s16+$0xFFFFFF40]  }
0x122: {  	v18 =	vbroadcast v8, $0x6;
	v20 =	vld [tilespmem:s16+$0xFFFFFF90];
	v9 =	vadd.f32 v13, v9;
	v13 =	vmul.f32 v15, v19  }
0x123: {  	v10 =	vadd.f32 v11, v10;
	v15 =	vbroadcast v8, $0x9;
	v19 =	vbroadcast v8, $0xA;
	v11 =	vld [tilespmem:s16+$0xFFFFFF80]  }
0x124: {  	v22 =	vmul.f32 v24, v23;
	v23 =	vbroadcast v8, $0x5;
	v24 =	vld [tilespmem:s16+$0xFFFFFFB0];
	v13 =	vadd.f32 v13, v9  }
0x125: {  	v25 =	vbroadcast v8, $0xD;
	v9 =	vadd.f32 v12, v10;
	v10 =	vbroadcast v8, $0xC;
	v12 =	vld [tilespmem:s16+$0xFFFFFFC0]  }
0x126: {  	v17 =	vmul.f32 v17, v18;
	v16 =	vmul.f32 v23, v16  }
0x127: {  	v8 =	vbroadcast v8, $0xE;
	v18 =	vmul.f32 v20, v19  }
0x128: {  	v14 =	vadd.f32 v16, v14;
	v16 =	vadd.f32 v17, v22;
	v11 =	vmul.f32 v11, v15  }
0x129: {  	v15 =	vmul.f32 v21, v8;
	v10 =	vmul.f32 v24, v10  }
0x12a: {  	v11 =	vadd.f32 v11, v14;
	v14 =	vadd.f32 v18, v16;
	v12 =	vmul.f32 v12, v25  }
0x12b: {  	v8 =	vbroadcast v7, $0x7;
	v10 =	vadd.f32 v10, v9;
	v9 =	vbroadcast v7, $0x0  }
0x12c: {  	v11 =	vadd.f32 v12, v11;
	v12 =	vadd.f32 v15, v14;
	_ =	sdelay $0x1  }
0x12d: {  	v10 =	vadd.f32 v11, v10;
	v11 =	vadd.f32 v13, v12;
	_ =	sdelay $0x1  }
0x12e: {  	v10 =	vadd.f32 v11, v10;
	_ =	sdelay $0x1  }
0x12f: {  	[tilespmem:s2+$0xFFFFFFE0] =	vst v10  }
0x130: {  	v11 =	vld [tilespmem:s16+$0x20]  }
.Ltmp2:
0x131: {  	v14 =	vld [tilespmem:s16+$0x30];
	(pc) =	sbr.rel @p0 .LBB2_7-.Ltmp2, $4  }
0x132: {  	v10 =	vld [tilespmem:s16+$0x70]  }
0x133: {  	v12 =	vbroadcast v7, $0x2;
	v13 =	vld [tilespmem:s16+$0x0]  }
0x134: {  	v15 =	vbroadcast v7, $0x3  }
0x135: {  	v11 =	vmul.f32 v11, v12;
	v12 =	vld [tilespmem:s16+$0xB0]  }
0x136: {  	v1 =	vld [tilespmem:s1+$0xF0]  }
0x137: {  	v2 =	vld [tilespmem:s1+$0x50]  }
0x138: {  	v3 =	vld [tilespmem:s1+$0x100];
	v4 =	vmul.f32 v14, v15;
	v5 =	vbroadcast v7, $0xB  }
0x139: {  	v6 =	vld [tilespmem:s1+$0x90];
	v44 =	vbroadcast v7, $0xF;
	v46 =	vbroadcast v7, $0x5  }
0x13a: {  	v43 =	vld [tilespmem:s1+$0x80];
	v47 =	vbroadcast v7, $0xA;
	v48 =	vbroadcast v7, $0x9  }
0x13b: {  	v45 =	vld [tilespmem:s1+$0x40];
	v50 =	vbroadcast v7, $0x4;
	v51 =	vbroadcast v7, $0x6  }
0x13c: {  	v16 =	vld [tilespmem:s1+$0x60];
	v52 =	vbroadcast v7, $0x1;
	v54 =	vbroadcast v7, $0x8  }
0x13d: {  	v49 =	vld [tilespmem:s1+$0x10];
	v57 =	vbroadcast v7, $0xD;
	v59 =	vbroadcast v7, $0xE  }
0x13e: {  	v17 =	vld [tilespmem:s1+$0xA0];
	v60 =	vbroadcast v7, $0xC;
	v8 =	vmul.f32 v10, v8  }
0x13f: {  	v18 =	vld [tilespmem:s1+$0xD0];
	v9 =	vmul.f32 v13, v9;
	v4 =	vadd.f32 v4, v11;
	v5 =	vmul.f32 v12, v5  }
0x140: {  	v53 =	vld [tilespmem:s1+$0xE0];
	v1 =	vmul.f32 v1, v44;
	v2 =	vmul.f32 v2, v46  }
0x141: {  	v55 =	vld [tilespmem:s1+$0xC0];
	v4 =	vadd.f32 v8, v4;
	v6 =	vmul.f32 v6, v48;
	v13 =	vmul.f32 v45, v50  }
0x142: {  	v8 =	vmul.f32 v16, v51;
	v56 =	vmul.f32 v49, v52  }
0x143: {  	v58 =	vmul.f32 v17, v47;
	v4 =	vadd.f32 v5, v4;
	v2 =	vadd.f32 v2, v9  }
0x144: {  	v5 =	vmul.f32 v43, v54;
	v3 =	vadd.f32 v13, v3;
	v8 =	vadd.f32 v8, v56  }
0x145: {  	v61 =	vmul.f32 v18, v57;
	v62 =	vmul.f32 v53, v59;
	v2 =	vadd.f32 v6, v2  }
0x146: {  	v7 =	vmul.f32 v55, v60;
	v3 =	vadd.f32 v5, v3;
	v8 =	vadd.f32 v58, v8  }
0x147: {  	v1 =	vadd.f32 v1, v4;
	v2 =	vadd.f32 v61, v2  }
0x148: {  	v3 =	vadd.f32 v7, v3;
	v63 =	vadd.f32 v62, v8;
	_ =	sdelay $0x1  }
0x149: {  	v2 =	vadd.f32 v2, v3;
	v1 =	vadd.f32 v1, v63;
	_ =	sdelay $0x1  }
0x14a: {  	s28 =	sadd.s32 $0x1, s28;
	v1 =	vadd.f32 v1, v2  }
0x14b: {  	p0 =	sne.s32 s28, $0x14  }
.Ltmp3:
0x14c: {  	s31 =	sadd.s32 $0x1400, s31;
	[tilespmem:s0+$0x0] =	vst v1;
	(pc) =	sbr.rel @p0 .LBB2_4-.Ltmp3, $4  }
0x14d: {  	[spmem:s4] =	stream.indirect.scatter.add.f32 [tilespmem:s24], [sflag:$0x3], $0x20, s31, s20, $0xb8;
	[tilespmem:$0x1E750] =	vst v63  }
0x14e: {  	_ =	swait.ge [sflag:s15], $0x1000  }
0x14f: {  	[sflag:s15] =	ssyncset.done $0x0  }
0x150: {  	s29 =	sadd.s32 $0x400, s29;
	s30 =	sadd.s32 $0x400, s30;
	[sflag:s15] =	ssyncadd.s32 $0xFFFFF000  }
0x151: {  	s26 =	sadd.s32 $0x1, s26  }
0x152: {  	p0 =	sne.s32 s26, s13  }
.Ltmp4:
0x153: {  	[bflag:$0x0] =	sbarrier.arrive $0xFFFF;
	(pc) =	sbr.rel @p0 .LBB2_1-.Ltmp4, $4  }
0x154: {  	[hbm:s12], [sflag:s8] =	dma.local [spmem:s14], $0x9E0  }
0x155: {  	_ =	swait.ge [sflag:s15], $0x9E0  }
0x156: {  	[sflag:s15] =	ssyncset.done $0x0  }
0x157: {  	[sflag:s15] =	ssyncadd.s32 $0xFFFFF620  }
0x158: {  	_ =	sfence.sel $0x180000  }
0x159: {  	[bflag:$0x0] =	sbarrier.arrive $0xFFFF  }
0x15a: {  	_ =	strace $0x90000047  }
0x15b: {  	s0 =	stileid.u32;
	[bflag:$0x2] =	sbarrier.arrive $0xFFFF  }
0x15c: {  	p0 =	sne.s32 s0, $0x0;
	s0 =	rddreg [dreg:$0x4]  }
0x15d: {  	s0 =	sadd.s32 @!p0 $0x100000, s0  }
0x15e: {  	[sflag:s0] =	ssyncadd.tile.s32 @!p0 $0x1;
	_ =	shalt  }
.Lfunc_end2:
_tile_overlayer_lowered:
.L_overlay_start_2:
0x15f: {  	(tag) =	ssettag $0x2  }
0x160: {  	s0 =	rddreg [dreg:$0x0];
	s2 =	stileid.u32  }
0x161: {  	s1 =	rddreg [dreg:$0x1];
	p0 =	sne.s32 s2, $0x0  }
0x162: {  	s3 =	rddreg [dreg:$0x2];
	[bflag:$0x3] =	sbarrier.arrive $0xFFFF;
	s2 =	simm.s32 @!p0 $0x1C03  }
0x163: {  	[timem:s3], [sflag:s2] =	dma.local @!p0 [hbm:s0], s1  }
0x164: {  	s0 =	simm.s32 @!p0 $0x3  }
0x165: {  	_ =	swait.ge @!p0 [sflag:s0], s1  }
0x166: {  	s1 =	ssub.s32 @!p0 $0x0, s1;
	[sflag:s0] =	ssyncset.done @!p0 $0x0  }
0x167: {  	[sflag:s0] =	ssyncadd.s32 @!p0 s1  }
0x168: {  	[bflag:$0x3] =	sbarrier.arrive $0xFFFF  }
0x169: {  	_ =	shalt  }

// kernel: kernel.18.cloned.1.call-start
scs
__scs_entry_jumppad:
0x0: {  	(pc) =	sbr.rel $0x88, $3  }
0x1: {  	(tag) =	ssettag $0x0;
	lr =	simm.s32 $0x1  }
0x2: {  	[smem:$0x3F81] =	sst lr;
	_ =	strace $0xD0000000  }
0x3: {  	_ = 	snop  }
0x4: {  	_ = 	snop  }
0x5: {  	_ = 	snop  }
0x6: {  	_ = 	snop  }
0x7: {  	_ = 	snop  }
__scs_overlays_trampoline_lowered:
0x8: {  	[smem:$0x3F90] =	sst s0  }
0x9: {  	[smem:$0x3F91] =	sst s1  }
0xa: {  	[smem:$0x3F92] =	sst s2  }
0xb: {  	[smem:$0x3F93] =	sst s3  }
0xc: {  	[smem:$0x3F94] =	sst s4  }
0xd: {  	[smem:$0x3F95] =	sst s5  }
0xe: {  	[smem:$0x3F96] =	sst s6  }
0xf: {  	[smem:$0x3F97] =	sst s7  }
0x10: {  	[smem:$0x3F98] =	sst s8  }
0x11: {  	[smem:$0x3F99] =	sst s9;
	s0 =	simm.s32 @!p0 $0x0  }
0x12: {  	s1 =	sld [smem:$0x3F7F];
	s0 =	simm.s32 @p0 $0x1  }
0x13: {  	[smem:$0x3F9A] =	sst s0;
	s0 =	simm.s32 @!p1 $0x0  }
0x14: {  	s2 =	sld [smem:$0x3F7E];
	s0 =	simm.s32 @p1 $0x1  }
0x15: {  	[smem:$0x3F9B] =	sst s0;
	s0 =	simm.s32 @!p2 $0x0  }
0x16: {  	s3 =	sld [smem:$0x3FDB];
	s0 =	simm.s32 @p2 $0x1  }
0x17: {  	s4 =	simm.s32 $0x1BF5;
	[smem:$0x3F9D] =	sst s0  }
0x18: {  	s0 =	sld [smem:$0x3F80];
	_ =	swait.ge [sflag:s4], $0x0  }
0x19: {  	s7 =	sld [smem:$0x3F81]  }
0x1a: {  	s8 =	sadd.s32 $0xFFFFE003, lr  }
0x1b: {  	s9 =	sadd.s32 $0xFFFFFEF7, lr;
	s5 =	simm.s32 $0xFFFFFFFF;
	p2 =	slt.u32 s8, $0xFFFFF086  }
0x1c: {  	p1 =	slt.u32 s9, $0xF7A;
	s5 =	simm.s32 @!p2 $0x0  }
0x1d: {  	s5 =	simm.s32 @p1 $0x1;
	p0 =	seq.s32 s7, s2  }
0x1e: {  	s7 =	smul.u32 @!p0 $0xF7A, s2;
	p2 =	seq.s32 @!p0 s5, $0x0  }
0x1f: {  	s9 =	smul.u32 $0xF7A, s1;
	s8 =	simm.s32 @!p0 $0x1BF5;
	p2 =	por !p2, p0  }
0x20: {  	[sflag:s8] =	ssyncset.s32 @!p0 $0xFFFFF086;
	s6 =	sadd.s32 @!p0 s3, s7;
	s7 =	simm.s32 @!p0 $0x108  }
0x21: {  	s3 =	sadd.s32 s3, s9;
	s6 =	sadd.s32 @!p0 $0x88, s6;
	s7 =	simm.s32 @p2 $0x1082  }
0x22: {  	[simem:s7], [sflag:s8] =	dma.local @!p0 [hbm:s6], $0xF7A  }
0x23: {  	s9 =	sor.u32 $0xD0000000, s2;
	s6 =	simm.s32 $0x108;
	_ =	swait.ge @!p0 [sflag:s8], $0x0  }
0x24: {  	s3 =	sadd.s32 $0x88, s3;
	s6 =	simm.s32 @!p1 $0x1082;
	[sflag:s4] =	ssyncset.s32 $0xFFFFF086  }
0x25: {  	[simem:s6], [sflag:s4] =	dma.local [hbm:s3], $0xF7A  }
0x26: {  	[smem:$0x3F81] =	sst s1;
	(tag) =	ssettag s2;
	_ =	strace s9  }
0x27: {  	s1 =	sld [smem:$0x3F91]  }
0x28: {  	s2 =	sld [smem:$0x3F92]  }
0x29: {  	s4 =	sld [smem:$0x3F94]  }
0x2a: {  	p0 =	seq.s32 s5, $0x0;
	s5 =	sld [smem:$0x3F95]  }
0x2b: {  	s6 =	sld [smem:$0x3F96]  }
0x2c: {  	s7 =	sld [smem:$0x3F97]  }
0x2d: {  	s3 =	simm.s32 $0x108;
	s8 =	sld [smem:$0x3F98]  }
0x2e: {  	s3 =	simm.s32 @!p0 $0x1082;
	s9 =	sld [smem:$0x3F99]  }
0x2f: {  	lr =	sadd.s32 s0, s3;
	s0 =	sld [smem:$0x3F90]  }
0x30: {  	s3 =	sld [smem:$0x3F93]  }
0x31: {  	[smem:$0x3F9C] =	sst s10  }
0x32: {  	s10 =	sld [smem:$0x3F9A];
	_ =	sdelay $0x3  }
0x33: {  	p0 =	seq.s32 s10, $0x1;
	s10 =	sld [smem:$0x3F9C];
	_ =	sdelay $0x3  }
0x34: {  	[smem:$0x3F9C] =	sst s10  }
0x35: {  	s10 =	sld [smem:$0x3F9B];
	_ =	sdelay $0x3  }
0x36: {  	p1 =	seq.s32 s10, $0x1;
	s10 =	sld [smem:$0x3F9C];
	_ =	sdelay $0x3  }
0x37: {  	[smem:$0x3F9C] =	sst s10  }
0x38: {  	s10 =	sld [smem:$0x3F9D]  }
0x39: {  	_ = 	snop;
	(pc) =	sbr.ind lr, $3  }
0x3a: {  	_ = 	snop  }
0x3b: {  	_ = 	snop  }
0x3c: {  	p2 =	seq.s32 s10, $0x1;
	s10 =	sld [smem:$0x3F9C]  }
0x3d: {  	_ =	shalt  }
0x3e: {  	_ =	shalt  }
0x3f: {  	_ =	shalt  }
0x40: {  	_ =	shalt  }
0x41: {  	_ =	shalt  }
0x42: {  	_ =	shalt  }
0x43: {  	_ =	shalt  }
0x44: {  	_ =	shalt  }
0x45: {  	_ =	shalt  }
0x46: {  	_ =	shalt  }
0x47: {  	_ =	shalt  }
0x48: {  	_ =	shalt  }
0x49: {  	_ =	shalt  }
0x4a: {  	_ =	shalt  }
0x4b: {  	_ =	shalt  }
0x4c: {  	_ =	shalt  }
0x4d: {  	_ =	shalt  }
0x4e: {  	_ =	shalt  }
0x4f: {  	_ =	shalt  }
0x50: {  	_ =	shalt  }
0x51: {  	_ =	shalt  }
0x52: {  	_ =	shalt  }
0x53: {  	_ =	shalt  }
0x54: {  	_ =	shalt  }
0x55: {  	_ =	shalt  }
0x56: {  	_ =	shalt  }
0x57: {  	_ =	shalt  }
0x58: {  	_ =	shalt  }
0x59: {  	_ =	shalt  }
0x5a: {  	_ =	shalt  }
0x5b: {  	_ =	shalt  }
0x5c: {  	_ =	shalt  }
0x5d: {  	_ =	shalt  }
0x5e: {  	_ =	shalt  }
0x5f: {  	_ =	shalt  }
0x60: {  	_ =	shalt  }
0x61: {  	_ =	shalt  }
0x62: {  	_ =	shalt  }
0x63: {  	_ =	shalt  }
0x64: {  	_ =	shalt  }
0x65: {  	_ =	shalt  }
0x66: {  	_ =	shalt  }
0x67: {  	_ =	shalt  }
0x68: {  	_ =	shalt  }
0x69: {  	_ =	shalt  }
0x6a: {  	_ =	shalt  }
0x6b: {  	_ =	shalt  }
0x6c: {  	_ =	shalt  }
0x6d: {  	_ =	shalt  }
0x6e: {  	_ =	shalt  }
0x6f: {  	_ =	shalt  }
0x70: {  	_ =	shalt  }
0x71: {  	_ =	shalt  }
0x72: {  	_ =	shalt  }
0x73: {  	_ =	shalt  }
0x74: {  	_ =	shalt  }
0x75: {  	_ =	shalt  }
0x76: {  	_ =	shalt  }
0x77: {  	_ =	shalt  }
0x78: {  	_ =	shalt  }
0x79: {  	_ =	shalt  }
0x7a: {  	_ =	shalt  }
0x7b: {  	_ =	shalt  }
0x7c: {  	_ =	shalt  }
0x7d: {  	_ =	shalt  }
0x7e: {  	_ =	shalt  }
0x7f: {  	_ =	shalt  }
0x80: {  	_ =	shalt  }
0x81: {  	_ =	shalt  }
0x82: {  	_ =	shalt  }
0x83: {  	_ =	shalt  }
0x84: {  	_ =	shalt  }
0x85: {  	_ =	shalt  }
0x86: {  	_ =	shalt  }
0x87: {  	_ =	shalt  }
.Lfunc_end0:
.L_simem_size_0:
called_computation.1_lowered:
.L_overlay_start_0:
0x88: {  	s2 =	sld [smem:$0x3FD9]  }
0x89: {  	s3 =	sld [smem:$0x3FFE];
	_ =	sdelay $0x1  }
0x8a: {  	s1 =	srdreg.scid  }
0x8b: {  	s0 =	sand.u32 $0x1, s1  }
0x8c: {  	s17 =	sshll.u32 s0, $0xA;
	s2 =	sadd.s32 s3, s2  }
0x8d: {  	s2 =	sadd.s32 s2, s17  }
0x8e: {  	[smem:$0x3FA8] =	sst s2  }
0x8f: {  	_ = 	snop  }
0x90: {  	s2 =	sld [smem:$0x3FBA];
	(tm) =	ssettm $0x1  }
0x91: {  	s18 =	sld [smem:$0x3FFB];
	_ =	sdelay $0x3  }
0x92: {  	_ =	strace s18  }
0x93: {  	s3 =	sld [smem:$0x3FFC];
	_ =	sdelay $0x3  }
0x94: {  	_ =	strace s3  }
0x95: {  	s3 =	sld [smem:$0x3FFD];
	_ =	sdelay $0x3  }
0x96: {  	_ =	strace s3  }
0x97: {  	_ =	strace $0x8FFFFFFF  }
0x98: {  	s19 =	sld [smem:$0x3FDB];
	_ =	sdelay $0x1  }
0x99: {  	s4 =	simm.s32 $_scs_section_size  }
0x9a: {  	s5 =	simm.s32 $_size__tile_overlayer_lowered;
	s6 =	simm.s32 $_tile_overlayer_lowered  }
0x9b: {  	s22 =	simm.s32 $0x1BFF;
	s21 =	sshll.u32 s6, $0x1;
	s3 =	sadd.s32 s4, s19  }
0x9c: {  	s7 =	simm.s32 $0x0;
	s20 =	sshll.u32 s5, $0x1;
	s5 =	sadd.s32 s21, s3  }
0x9d: {  	[timem:s7], [sflag:s22] =	dma.local [hbm:s5], s20  }
0x9e: {  	_ =	swait.ge [sflag:s22], s20  }
0x9f: {  	s4 =	ssub.s32 $0x0, s20;
	[sflag:s22] =	ssyncset.done $0x0  }
0xa0: {  	[sflag:s22] =	ssyncadd.s32 s4;
	_ =	sdelay $0x1  }
0xa1: {  	s23 =	simm.s32 $0x1B8B  }
0xa2: {  	_ =	swait.ge [sflag:s23], $0x1  }
0xa3: {  	[sflag:s23] =	ssyncset.done $0x0  }
0xa4: {  	s25 =	simm.s32 $0x1B8E;
	s24 =	sld [smem:$0x3FFE];
	[sflag:s23] =	ssyncadd.s32 $0xFFFFFFFF  }
0xa5: {  	s26 =	simm.s32 $execute0_lowered;
	[smem:$0x3FD2] =	sst s25  }
0xa6: {  	s5 =	sshll.u32 s26, $0x1;
	_ =	strace $0x80000049;
	[dreg:$0x1] =	wrdreg $0xFFFFFFFF  }
0xa7: {  	s28 =	simm.s32 $_size_execute0_lowered;
	s3 =	sadd.s32 s3, s5;
	[dreg:$0x0] =	wrdreg $0x0  }
0xa8: {  	s5 =	sshll.u32 s28, $0x1;
	[dreg:$0x2] =	wrdreg s3  }
0xa9: {  	[dreg:$0x3] =	wrdreg s5  }
0xaa: {  	[dreg:$0x4] =	wrdreg $0xC0  }
0xab: {  	_ =	task [dreg:s7], $0x5FFFF  }
0xac: {  	[dreg:$0x1] =	wrdreg $0xFFFFFFFF  }
0xad: {  	[dreg:$0x0] =	wrdreg $0x60  }
0xae: {  	[dreg:$0x2] =	wrdreg s24  }
0xaf: {  	[dreg:$0x3] =	wrdreg s2  }
0xb0: {  	[dreg:$0x4] =	wrdreg $0x198500  }
0xb1: {  	[dreg:$0x5] =	wrdreg $0x9  }
0xb2: {  	_ =	task.clear_ibuf [dreg:s7], $0x6FFFF;
	_ =	strace $0x90000049  }
0xb3: {  	s29 =	simm.s32 $0x9;
	_ =	strace $0x8000004B  }
0xb4: {  	_ =	swait.ge [sflag:s29], $0x1  }
0xb5: {  	[sflag:s29] =	ssyncadd.s32 $0xFFFFFFFF  }
0xb6: {  	_ =	strace $0x9000004B  }
0xb7: {  	_ =	sfence  }
0xb8: {  	s30 =	sld [smem:$0x0];
	_ =	sdelay $0x2  }
0xb9: {  	s31 =	sshll.u32 s1, $0xD;
	s1 =	sshrl.u32 s1, $0x2  }
0xba: {  	s3 =	sand.u32 $0x4000, s31;
	s1 =	sadd.s32 s1, s30  }
0xbb: {  	s0 =	sor.u32 s3, s0;
	s1 =	sshll.u32 s1, $0x11  }
0xbc: {  	s0 =	sor.u32 s1, s0  }
0xbd: {  	s0 =	sadd.s32 $0x8F2B, s0  }
0xbe: {  	[sflag:s0] =	ssyncadd.remote.s32 $0x1  }
0xbf: {  	_ =	sfence.sel $0xFFFF  }
0xc0: {  	[dreg:$0x0] =	wrdreg $0xFFFFFFFF;
	(pc) =	sbr.abs _section_cstart, $3  }
0xc1: {  	[dreg:$0x1] =	wrdreg $0xFFFFFFFF  }
0xc2: {  	_ =	task.clear_ibuf [dreg:s7], $0x2FFFF;
	_ =	strace $0x9FFFFFFF  }
0xc3: {  	(tm) =	ssettm $0x7FFFFFFF  }
tec
execute0_lowered:
.L_overlay_start_1:
0x0: {  	(tag) =	ssettag $0x1  }
0x1: {  	s0 =	srdreg.scid;
	s2 =	rddreg [dreg:$0x0]  }
0x2: {  	s10 =	stileid.u32;
	s3 =	rddreg [dreg:$0x2]  }
0x3: {  	s4 =	simm.s32 $0x0;
	s15 =	simm.s32 $0x3;
	s19 =	simm.s32 $0x7840  }
0x4: {  	s20 =	simm.s32 $0x80;
	s21 =	simm.s32 $0x7850;
	s22 =	simm.s32 $0x10050  }
0x5: {  	s23 =	simm.s32 $0x1;
	s24 =	simm.s32 $0x18850;
	s25 =	simm.s32 $0x2  }
0x6: {  	s26 =	simm.s32 $0x0;
	s0 =	sand.u32 $0x1, s0;
	s8 =	smul.u32 $0x4F00, s10  }
0x7: {  	[smem:$0x7FF] =	sst s4;
	s5 =	sadd.s32 $0x3E00, s2;
	s1 =	sshll.u32 s0, $0x4  }
0x8: {  	s7 =	smul.u32 $0x4F000, s0;
	s0 =	ssub.s32 $0x2, s0;
	s1 =	sor.u32 s10, s1  }
0x9: {  	_ =	strace $0x8000004A;
	s31 =	sshrl.u32 s0, $0x1;
	s6 =	smul.u32 $0xA00, s1  }
0xa: {  	s10 =	sshll.u32 s10, $0x6;
	s14 =	sadd.s32 s8, s3;
	s1 =	smul.u32 $0x280, s1  }
0xb: {  	s9 =	sadd.s32 s8, s7;
	s7 =	sadd.s32 $0x61000, s2;
	s0 =	ssub.s32 s0, s31  }
0xc: {  	s8 =	sor.u32 $0x1C03, s10;
	s14 =	sshrl.u32 s14, $0x3;
	s9 =	sshrl.u32 s9, $0x3  }
0xd: {  	s13 =	smax.u32 s0, $0x1;
	s11 =	sadd.s32 s6, s2;
	s1 =	sadd.s32 s1, s2  }
0xe: {  	v0 =	vimm.f32 $0.0e+00;
	vm0 =	vcmask $0x300;
	s6 =	sadd.s32 $0x75600, s2;
	s2 =	sadd.s32 s9, s2;
	s9 =	sadd.s32 $0x5C000, s1  }
0xf: {  	v0 =	vsel vm0, $0x3F800000, v0;
	s10 =	sadd.s32 $0x57000, s1;
	s11 =	sadd.s32 $0x283E00, s11;
	s12 =	sadd.s32 $0x61A00, s2  }
.LBB2_1:
0x10: {  	[spmem:s14], [sflag:s8] =	dma.local [hbm:s7], $0x9E0  }
0x11: {  	_ =	swait.ge [sflag:s15], $0x9E0  }
0x12: {  	[sflag:s15] =	ssyncset.done $0x0  }
0x13: {  	[sflag:s15] =	ssyncadd.s32 $0xFFFFF620  }
0x14: {  	[tilespmem:s4], [sflag:$0x3] =	stream.linear.gather [hbm4b:s9+s4], $0x1400, $0x38;
	[tilespmem:$0x1E750] =	vst v63  }
0x15: {  	_ =	swait.ge [sflag:s15], $0x1400  }
0x16: {  	[sflag:s15] =	ssyncset.done $0x0  }
0x17: {  	s0 =	simm.s32 $0x1400;
	[sflag:s15] =	ssyncadd.s32 $0xFFFFEC00  }
0x18: {  	[tilespmem:s0], [sflag:$0x3] =	stream.linear.gather [hbm4b:s10+s4], $0x1400, $0x38;
	[tilespmem:$0x1E750] =	vst v63  }
0x19: {  	_ =	swait.ge [sflag:s15], $0x1400  }
0x1a: {  	[sflag:s15] =	ssyncset.done $0x0  }
0x1b: {  	s29 =	simm.s32 $0x2800;
	[sflag:s15] =	ssyncadd.s32 $0xFFFFEC00  }
0x1c: {  	[tilespmem:s29], [sflag:$0x3] =	stream.linear.gather [hbm4b:s11+s4], $0x5000, $0x38;
	[tilespmem:$0x1E750] =	vst v63  }
0x1d: {  	_ =	swait.ge [sflag:s15], $0x5000  }
0x1e: {  	[sflag:s15] =	ssyncset.done $0x0  }
0x1f: {  	s30 =	simm.s32 $0x7800;
	[sflag:s15] =	ssyncadd.s32 $0xFFFFB000  }
0x20: {  	[tilespmem:s30], [sflag:$0x3] =	stream.linear.gather [hbm4b:s6+s4], $0x40, $0x38;
	[tilespmem:$0x1E750] =	vst v63  }
0x21: {  	_ =	swait.ge [sflag:s15], $0x40  }
0x22: {  	[sflag:s15] =	ssyncset.done $0x0  }
0x23: {  	[sflag:s15] =	ssyncadd.s32 $0xFFFFFFC0  }
0x24: {  	s31 =	rddreg [dreg:$0x1]  }
0x25: {  	[tilespmem:s19], [sflag:$0x3] =	stream.linear.gather [hbm4b:s31+s4], $0x10, $0x38;
	[tilespmem:$0x1E750] =	vst v63  }
0x26: {  	_ =	swait.ge [sflag:s15], $0x10  }
0x27: {  	[sflag:s15] =	ssyncset.done $0x0  }
0x28: {  	s1 =	simm.s32 $0x0;
	s0 =	simm.s32 $0x80;
	[sflag:s15] =	ssyncadd.s32 $0xFFFFFFF0  }
.LBB2_2:
0x29: {  	p0 =	sne.s32 s0, $0x3F80;
	[tilespmem:s1+$0x18860] =	vst v0;
	s1 =	smov.u32 s0;
	s0 =	sadd.s32 $0x80, s0  }
.Ltmp0:
0x2a: {  	(pc) =	sbr.rel @p0 .LBB2_2-.Ltmp0, $2  }
0x2b: {  	_ =	sdelay $0x2  }
0x2c: {  	s1 =	sshra.s32 s1, $0x2  }
0x2d: {  	[tilespmem:s1+$0x18860] =	vst v0;
	s28 =	simm.s32 $0x0  }
0x2e: {  	s29 =	simm.s32 $0x2800;
	s30 =	simm.s32 $0x2A00;
	[bflag:$0x0] =	sbarrier.arrive $0xFFFF  }
0x2f: {  	[tilespmem:s21], [sflag:$0x1] =	stream.indirect.gather [hbm4b:s5+s20], $0x110, s28, s20, $0xb8;
	[tilespmem:$0x1E750] =	vst v63  }
.LBB2_4:
0x30: {  	s0 =	sshll.u32 s28, $0x8  }
0x31: {  	v1 =	vmov s29;
	s31 =	sor.u32 $0x80, s0  }
0x32: {  	[tilespmem:s22], [sflag:$0x2] =	stream.indirect.gather [hbm4b:s5+s20], $0x110, s31, s20, $0xb8;
	[tilespmem:$0x1E750] =	vst v63  }
0x33: {  	_ =	swait.ge [sflag:s23], $0x8800  }
0x34: {  	[sflag:s23] =	ssyncset.done $0x0  }
0x35: {  	s18 =	simm.s32 $0x0;
	[sflag:s23] =	ssyncadd.s32 $0xFFFF7800  }
0x36: {  	v7 =	vld.idx.msk [tilespmem:v1+s18+$0x0 ss:$0x1], $0xffff  }
0x37: {  	v2 =	vld [tilespmem:$0x7800]  }
0x38: {  	v3 =	vld [tilespmem:$0x7810];
	_ =	sdelay $0x1  }
0x39: {  	v4 =	vld [tilespmem:$0x7820]  }
0x3a: {  	v6 =	vbroadcast v7, $0x0;
	v8 =	vbroadcast v7, $0x1  }
0x3b: {  	v5 =	vld [tilespmem:$0x7830];
	v9 =	vbroadcast v7, $0x2  }
0x3c: {  	v6 =	vmul.f32 v6, v2;
	v8 =	vmul.f32 v8, v3;
	_ =	sdelay $0x1  }
0x3d: {  	v10 =	vbroadcast v7, $0x3;
	v9 =	vmul.f32 v9, v4;
	v8 =	vadd.f32 v8, v6  }
0x3e: {  	v6 =	vld [tilespmem:$0x7840]  }
0x3f: {  	v8 =	vadd.f32 v8, v9;
	v9 =	vmul.f32 v10, v5  }
0x40: {  	s1 =	simm.s32 $0x7960  }
0x41: {  	v11 =	vld [tilespmem:s1+$0xFFFFFF10];
	v8 =	vadd.f32 v8, v9  }
0x42: {  	v13 =	vld [tilespmem:s1+$0xFFFFFF60]  }
0x43: {  	v16 =	vld [tilespmem:s1+$0xFFFFFFF0];
	v12 =	vbroadcast v7, $0x4;
	v8 =	vadd.f32 v8, v6  }
0x44: {  	v19 =	vld [tilespmem:s1+$0xFFFFFFA0];
	v14 =	vbroadcast v7, $0x5  }
0x45: {  	v20 =	vld [tilespmem:s1+$0xFFFFFF30];
	v15 =	vbroadcast v7, $0x6;
	v12 =	vmul.f32 v12, v2;
	v8 =	vmax.f32 v8, $0.0e+00  }
0x46: {  	v23 =	vld [tilespmem:s1+$0xFFFFFEF0];
	v17 =	vbroadcast v8, $0x2;
	v18 =	vbroadcast v8, $0x3  }
0x47: {  	v9 =	vld [tilespmem:s1+$0xFFFFFF20];
	v21 =	vbroadcast v8, $0x7;
	v22 =	vbroadcast v8, $0xF  }
0x48: {  	v48 =	vld [tilespmem:s1+$0xFFFFFFE0];
	v49 =	vbroadcast v8, $0x4;
	v24 =	vbroadcast v8, $0x8  }
0x49: {  	v25 =	vld [tilespmem:s1+$0xFFFFFF00];
	v26 =	vbroadcast v8, $0x0;
	v27 =	vbroadcast v8, $0x1  }
0x4a: {  	v10 =	vld [tilespmem:s1+$0xFFFFFF70];
	v53 =	vbroadcast v8, $0x6;
	v54 =	vbroadcast v8, $0x5  }
0x4b: {  	v28 =	vld [tilespmem:s1+$0xFFFFFF40];
	v57 =	vbroadcast v8, $0xA;
	v60 =	vbroadcast v8, $0x9  }
0x4c: {  	v50 =	vld [tilespmem:s1+$0xFFFFFF50];
	v11 =	vmul.f32 v17, v11;
	v9 =	vmul.f32 v18, v9  }
0x4d: {  	v52 =	vld [tilespmem:s1+$0xFFFFFFD0];
	v61 =	vbroadcast v8, $0xC;
	v62 =	vbroadcast v8, $0xE  }
0x4e: {  	v55 =	vld [tilespmem:s1+$0xFFFFFF80];
	v13 =	vmul.f32 v13, v21;
	v17 =	vbroadcast v8, $0xB;
	v9 =	vadd.f32 v9, v11  }
0x4f: {  	v51 =	vld [tilespmem:s1+$0xFFFFFF90];
	v20 =	vmul.f32 v49, v20;
	v10 =	vmul.f32 v10, v24  }
0x50: {  	v58 =	vld [tilespmem:s1+$0xFFFFFFB0];
	v56 =	vmul.f32 v27, v25;
	v17 =	vmul.f32 v19, v17;
	v9 =	vadd.f32 v13, v9  }
0x51: {  	v59 =	vld [tilespmem:s1+$0xFFFFFFC0];
	v8 =	vbroadcast v8, $0xD;
	v11 =	vmul.f32 v26, v23  }
0x52: {  	v26 =	vmul.f32 v54, v28;
	v9 =	vadd.f32 v17, v9;
	v17 =	vmul.f32 v50, v53  }
0x53: {  	v18 =	vmul.f32 v55, v60;
	v63 =	vmul.f32 v52, v62;
	v16 =	vadd.f32 v20, v16  }
0x54: {  	v19 =	vmul.f32 v51, v57;
	v11 =	vadd.f32 v26, v11;
	v17 =	vadd.f32 v17, v56  }
0x55: {  	v13 =	vmul.f32 v48, v22;
	v10 =	vadd.f32 v10, v16;
	v16 =	vmul.f32 v58, v61  }
0x56: {  	v8 =	vmul.f32 v59, v8;
	v11 =	vadd.f32 v18, v11;
	v17 =	vadd.f32 v19, v17  }
0x57: {  	v14 =	vmul.f32 v14, v3;
	v10 =	vadd.f32 v16, v10;
	v9 =	vadd.f32 v13, v9  }
0x58: {  	v8 =	vadd.f32 v8, v11;
	v11 =	vadd.f32 v63, v17  }
0x59: {  	v7 =	vbroadcast v7, $0x7;
	v12 =	vadd.f32 v14, v12;
	v13 =	vmul.f32 v15, v4  }
0x5a: {  	v8 =	vadd.f32 v8, v10;
	v9 =	vadd.f32 v9, v11  }
0x5b: {  	v7 =	vmul.f32 v7, v5;
	v10 =	vadd.f32 v12, v13  }
0x5c: {  	v8 =	vadd.f32 v9, v8  }
0x5d: {  	s2 =	simm.s32 $0x18870;
	v7 =	vadd.f32 v10, v7  }
0x5e: {  	[tilespmem:s2+$0xFFFFFFE0] =	vst v8  }
0x5f: {  	v7 =	vadd.f32 v7, v6;
	v11 =	vld [tilespmem:s1+$0x20]  }
0x60: {  	v14 =	vld [tilespmem:s1+$0x30]  }
0x61: {  	v7 =	vmax.f32 v7, $0.0e+00;
	v10 =	vld [tilespmem:s1+$0x70]  }
0x62: {  	v12 =	vbroadcast v7, $0x2;
	v13 =	vld [tilespmem:s1+$0x0]  }
0x63: {  	v9 =	vbroadcast v7, $0x0;
	v15 =	vbroadcast v7, $0x3  }
0x64: {  	s16 =	simm.s32 $0x20;
	s17 =	simm.s32 $0x7960;
	s0 =	simm.s32 $0x18870;
	v8 =	vbroadcast v7, $0x7;
	v12 =	vmul.f32 v11, v12;
	v11 =	vld [tilespmem:s1+$0xB0]  }
.LBB2_5:
0x65: {  	p0 =	sne.s32 s16, $0x7E0;
	v14 =	vmul.f32 v14, v15;
	v15 =	vld [tilespmem:s1+$0xD0];
	s2 =	sadd.s32 $0x40, s2;
	s17 =	sadd.s32 $0x220, s17  }
0x66: {  	v16 =	vbroadcast v7, $0xB;
	s18 =	smov.u32 s16;
	s16 =	sadd.s32 $0x20, s16;
	v17 =	vld [tilespmem:s1+$0xF0]  }
0x67: {  	v8 =	vmul.f32 v10, v8;
	v9 =	vmul.f32 v13, v9;
	v12 =	vadd.f32 v14, v12;
	v13 =	vld [tilespmem:s1+$0x50]  }
0x68: {  	v10 =	vld [tilespmem:s1+$0x100]  }
0x69: {  	v14 =	vbroadcast v7, $0xF;
	v8 =	vadd.f32 v8, v12;
	v12 =	vld [tilespmem:s1+$0x90];
	v11 =	vmul.f32 v11, v16  }
0x6a: {  	v16 =	vbroadcast v7, $0x5;
	v18 =	vld [tilespmem:s1+$0x80]  }
0x6b: {  	v20 =	vbroadcast v7, $0xA;
	v19 =	vld [tilespmem:s1+$0x40];
	v8 =	vadd.f32 v11, v8;
	v11 =	vmul.f32 v17, v14  }
0x6c: {  	v13 =	vmul.f32 v13, v16;
	v14 =	vld [tilespmem:s1+$0x60];
	v16 =	vbroadcast v7, $0x9  }
0x6d: {  	v21 =	vbroadcast v7, $0x8;
	v22 =	vbroadcast v7, $0xD;
	v17 =	vld [tilespmem:s1+$0x10];
	v8 =	vadd.f32 v11, v8  }
0x6e: {  	v11 =	vbroadcast v7, $0x4;
	v9 =	vadd.f32 v13, v9;
	v12 =	vmul.f32 v12, v16;
	v13 =	vld [tilespmem:s1+$0xA0]  }
0x6f: {  	v23 =	vbroadcast v7, $0x6;
	v16 =	vbroadcast v7, $0x1  }
0x70: {  	v11 =	vmul.f32 v19, v11;
	v9 =	vadd.f32 v12, v9;
	v12 =	vmul.f32 v15, v22;
	v15 =	vld [tilespmem:s1+$0xE0]  }
0x71: {  	v18 =	vmul.f32 v18, v21;
	v14 =	vmul.f32 v14, v23;
	v19 =	vld [tilespmem:s1+$0xC0];
	s1 =	smov.u32 s17  }
0x72: {  	v16 =	vmul.f32 v17, v16;
	v10 =	vadd.f32 v11, v10;
	v9 =	vadd.f32 v12, v9  }
0x73: {  	v12 =	vbroadcast v7, $0xE;
	v11 =	vmul.f32 v13, v20  }
0x74: {  	v7 =	vbroadcast v7, $0xC;
	v13 =	vadd.f32 v14, v16;
	v10 =	vadd.f32 v18, v10  }
0x75: {  	v12 =	vmul.f32 v15, v12  }
0x76: {  	v11 =	vadd.f32 v11, v13;
	v7 =	vmul.f32 v19, v7;
	_ =	sdelay $0x1  }
0x77: {  	v7 =	vadd.f32 v7, v10;
	v10 =	vadd.f32 v12, v11  }
0x78: {  	s18 =	sshra.s32 s18, $0x2  }
0x79: {  	v7 =	vadd.f32 v9, v7;
	v8 =	vadd.f32 v8, v10;
	_ =	sdelay $0x1  }
0x7a: {  	v7 =	vadd.f32 v8, v7;
	_ =	sdelay $0x1  }
0x7b: {  	[tilespmem:s0+$0x0] =	vst v7;
	s0 =	smov.u32 s2  }
0x7c: {  	v7 =	vld.idx.msk [tilespmem:v1+s18+$0x0 ss:$0x1], $0xffff;
	_ =	sdelay $0x5  }
0x7d: {  	v8 =	vbroadcast v7, $0x0;
	v9 =	vbroadcast v7, $0x1  }
0x7e: {  	v10 =	vbroadcast v7, $0x2;
	v11 =	vbroadcast v7, $0x3  }
0x7f: {  	v8 =	vmul.f32 v8, v2;
	v9 =	vmul.f32 v9, v3  }
0x80: {  	v12 =	vbroadcast v7, $0x4;
	v13 =	vbroadcast v7, $0x5  }
0x81: {  	v8 =	vadd.f32 v9, v8;
	v9 =	vmul.f32 v10, v4;
	v10 =	vbroadcast v7, $0x6  }
0x82: {  	v12 =	vmul.f32 v12, v2;
	v13 =	vmul.f32 v13, v3  }
0x83: {  	v8 =	vadd.f32 v8, v9;
	v9 =	vmul.f32 v11, v5  }
0x84: {  	v7 =	vbroadcast v7, $0x7;
	v11 =	vadd.f32 v13, v12;
	v10 =	vmul.f32 v10, v4  }
0x85: {  	v8 =	vadd.f32 v8, v9;
	v9 =	vld [tilespmem:s17+$0xFFFFFF20]  }
0x86: {  	v7 =	vmul.f32 v7, v5;
	v10 =	vadd.f32 v11, v10;
	v12 =	vld [tilespmem:s17+$0xFFFFFF70]  }
0x87: {  	v8 =	vadd.f32 v8, v6;
	v11 =	vld [tilespmem:s17+$0xFFFFFF10]  }
0x88: {  	v7 =	vadd.f32 v10, v7;
	v13 =	vld [tilespmem:s17+$0xFFFFFF60]  }
0x89: {  	v8 =	vmax.f32 v8, $0.0e+00;
	v10 =	vld [tilespmem:s17+$0xFFFFFFF0]  }
0x8a: {  	v7 =	vadd.f32 v7, v6;
	v14 =	vbroadcast v8, $0x2;
	v15 =	vbroadcast v8, $0x3;
	v16 =	vld [tilespmem:s17+$0xFFFFFFA0]  }
0x8b: {  	v18 =	vbroadcast v8, $0x7;
	v19 =	vbroadcast v8, $0xF;
	v17 =	vld [tilespmem:s17+$0xFFFFFF30]  }
0x8c: {  	v7 =	vmax.f32 v7, $0.0e+00;
	v9 =	vmul.f32 v15, v9;
	v20 =	vld [tilespmem:s17+$0xFFFFFEF0];
	v11 =	vmul.f32 v14, v11  }
0x8d: {  	v14 =	vbroadcast v8, $0xB;
	v13 =	vmul.f32 v13, v18;
	v15 =	vld [tilespmem:s17+$0xFFFFFFE0]  }
0x8e: {  	v18 =	vbroadcast v8, $0x8;
	v9 =	vadd.f32 v9, v11;
	v11 =	vbroadcast v8, $0x4;
	v21 =	vld [tilespmem:s17+$0xFFFFFFD0]  }
0x8f: {  	v22 =	vbroadcast v8, $0x0;
	v24 =	vbroadcast v8, $0x1;
	v23 =	vld [tilespmem:s17+$0xFFFFFF00]  }
0x90: {  	v11 =	vmul.f32 v11, v17;
	v17 =	vld [tilespmem:s17+$0xFFFFFF50];
	v9 =	vadd.f32 v13, v9;
	v13 =	vmul.f32 v16, v14  }
0x91: {  	v12 =	vmul.f32 v12, v18;
	v14 =	vmul.f32 v22, v20;
	v16 =	vld [tilespmem:s17+$0xFFFFFF40]  }
0x92: {  	v18 =	vbroadcast v8, $0x6;
	v20 =	vld [tilespmem:s17+$0xFFFFFF90];
	v9 =	vadd.f32 v13, v9;
	v13 =	vmul.f32 v15, v19  }
0x93: {  	v10 =	vadd.f32 v11, v10;
	v15 =	vbroadcast v8, $0x9;
	v19 =	vbroadcast v8, $0xA;
	v11 =	vld [tilespmem:s17+$0xFFFFFF80]  }
0x94: {  	v22 =	vmul.f32 v24, v23;
	v23 =	vbroadcast v8, $0x5;
	v24 =	vld [tilespmem:s17+$0xFFFFFFB0];
	v13 =	vadd.f32 v13, v9  }
0x95: {  	v25 =	vbroadcast v8, $0xD;
	v9 =	vadd.f32 v12, v10;
	v10 =	vbroadcast v8, $0xC;
	v12 =	vld [tilespmem:s17+$0xFFFFFFC0]  }
0x96: {  	v17 =	vmul.f32 v17, v18;
	v16 =	vmul.f32 v23, v16  }
0x97: {  	v8 =	vbroadcast v8, $0xE;
	v18 =	vmul.f32 v20, v19  }
0x98: {  	v14 =	vadd.f32 v16, v14;
	v16 =	vadd.f32 v17, v22;
	v11 =	vmul.f32 v11, v15  }
0x99: {  	v15 =	vmul.f32 v21, v8;
	v10 =	vmul.f32 v24, v10  }
0x9a: {  	v11 =	vadd.f32 v11, v14;
	v14 =	vadd.f32 v18, v16;
	v12 =	vmul.f32 v12, v25  }
0x9b: {  	v8 =	vbroadcast v7, $0x7;
	v10 =	vadd.f32 v10, v9;
	v9 =	vbroadcast v7, $0x0  }
0x9c: {  	v11 =	vadd.f32 v12, v11;
	v12 =	vadd.f32 v15, v14;
	_ =	sdelay $0x1  }
0x9d: {  	v10 =	vadd.f32 v11, v10;
	v11 =	vadd.f32 v13, v12;
	_ =	sdelay $0x1  }
0x9e: {  	v10 =	vadd.f32 v11, v10;
	_ =	sdelay $0x1  }
0x9f: {  	[tilespmem:s2+$0xFFFFFFE0] =	vst v10  }
0xa0: {  	v11 =	vld [tilespmem:s17+$0x20]  }
.Ltmp1:
0xa1: {  	v14 =	vld [tilespmem:s17+$0x30];
	(pc) =	sbr.rel @p0 .LBB2_5-.Ltmp1, $4  }
0xa2: {  	v10 =	vld [tilespmem:s17+$0x70]  }
0xa3: {  	v12 =	vbroadcast v7, $0x2;
	v13 =	vld [tilespmem:s17+$0x0]  }
0xa4: {  	v15 =	vbroadcast v7, $0x3  }
0xa5: {  	v12 =	vmul.f32 v11, v12;
	v11 =	vld [tilespmem:s17+$0xB0]  }
0xa6: {  	v1 =	vld [tilespmem:s1+$0xF0]  }
0xa7: {  	v2 =	vld [tilespmem:s1+$0x50]  }
0xa8: {  	v3 =	vld [tilespmem:s1+$0x100]  }
0xa9: {  	v4 =	vmul.f32 v14, v15;
	v5 =	vbroadcast v7, $0xB;
	v6 =	vld [tilespmem:s1+$0x90]  }
0xaa: {  	v14 =	vbroadcast v7, $0x5;
	v15 =	vld [tilespmem:s1+$0x40];
	v19 =	vbroadcast v7, $0x4  }
0xab: {  	v16 =	vld [tilespmem:s1+$0x60];
	v20 =	vbroadcast v7, $0x1;
	v21 =	vbroadcast v7, $0x6  }
0xac: {  	v17 =	vld [tilespmem:s1+$0xA0];
	v8 =	vmul.f32 v10, v8;
	v9 =	vmul.f32 v13, v9;
	v4 =	vadd.f32 v4, v12  }
0xad: {  	v13 =	vbroadcast v7, $0xF;
	v12 =	vld [tilespmem:s1+$0x10];
	v5 =	vmul.f32 v11, v5  }
0xae: {  	v10 =	vld [tilespmem:s1+$0x80];
	v11 =	vbroadcast v7, $0xA;
	v4 =	vadd.f32 v8, v4;
	v8 =	vbroadcast v7, $0xD  }
0xaf: {  	v18 =	vld [tilespmem:s1+$0xD0];
	v1 =	vmul.f32 v1, v13;
	v13 =	vbroadcast v7, $0x9  }
0xb0: {  	v22 =	vld [tilespmem:s1+$0xE0];
	v2 =	vmul.f32 v2, v14;
	v14 =	vbroadcast v7, $0x8  }
0xb1: {  	v4 =	vadd.f32 v5, v4;
	v5 =	vmul.f32 v6, v13;
	v6 =	vmul.f32 v15, v19;
	v13 =	vld [tilespmem:s1+$0xC0]  }
0xb2: {  	v2 =	vadd.f32 v2, v9;
	v9 =	vmul.f32 v16, v21;
	v12 =	vmul.f32 v12, v20  }
0xb3: {  	v10 =	vmul.f32 v10, v14;
	v3 =	vadd.f32 v6, v3;
	v6 =	vmul.f32 v17, v11  }
0xb4: {  	v11 =	vbroadcast v7, $0xE;
	v9 =	vadd.f32 v9, v12;
	v7 =	vbroadcast v7, $0xC  }
0xb5: {  	v2 =	vadd.f32 v5, v2;
	v5 =	vmul.f32 v18, v8;
	v3 =	vadd.f32 v10, v3  }
0xb6: {  	v8 =	vmul.f32 v22, v11;
	v6 =	vadd.f32 v6, v9;
	v7 =	vmul.f32 v13, v7  }
0xb7: {  	v1 =	vadd.f32 v1, v4;
	v2 =	vadd.f32 v5, v2  }
0xb8: {  	v4 =	vadd.f32 v8, v6;
	v3 =	vadd.f32 v7, v3;
	_ =	sdelay $0x1  }
0xb9: {  	v1 =	vadd.f32 v1, v4;
	v2 =	vadd.f32 v2, v3;
	_ =	sdelay $0x1  }
0xba: {  	s1 =	sshll.u32 s28, $0xA;
	v1 =	vadd.f32 v1, v2  }
0xbb: {  	s2 =	sshrl.u32 s1, $0x2  }
0xbc: {  	s17 =	sadd.s32 $0x1400, s2;
	[tilespmem:s0+$0x0] =	vst v1  }
0xbd: {  	[spmem:s3] =	stream.indirect.scatter.add.f32 [tilespmem:s24], [sflag:$0x3], $0x20, s17, s20, $0xb8;
	[tilespmem:$0x1E750] =	vst v63  }
0xbe: {  	p0 =	seq.s32 s28, $0x13;
	_ =	swait.ge [sflag:s15], $0x1000  }
0xbf: {  	s2 =	simm.s32 @!p0 $0x7850;
	s0 =	sshrl.u32 @!p0 s1, $0x2;
	[sflag:s15] =	ssyncset.done $0x0  }
0xc0: {  	s1 =	simm.s32 @!p0 $0x80;
	v1 =	vmov s30;
	s0 =	sadd.s32 @!p0 $0x100, s0;
	[sflag:s15] =	ssyncadd.s32 $0xFFFFF000  }
0xc1: {  	[tilespmem:s2], [sflag:$0x1] =	stream.indirect.gather @!p0 [hbm4b:s5+s1], $0x110, s0, s1, $0xb8;
	[tilespmem:$0x1E750] =	vst v63  }
0xc2: {  	_ =	swait.ge [sflag:s25], $0x8800  }
0xc3: {  	[sflag:s25] =	ssyncset.done $0x0  }
0xc4: {  	s18 =	simm.s32 $0x0;
	[sflag:s25] =	ssyncadd.s32 $0xFFFF7800  }
0xc5: {  	v7 =	vld.idx.msk [tilespmem:v1+s18+$0x0 ss:$0x1], $0xffff  }
0xc6: {  	v2 =	vld [tilespmem:$0x7800]  }
0xc7: {  	v3 =	vld [tilespmem:$0x7810];
	_ =	sdelay $0x1  }
0xc8: {  	v4 =	vld [tilespmem:$0x7820]  }
0xc9: {  	v6 =	vbroadcast v7, $0x0;
	v8 =	vbroadcast v7, $0x1  }
0xca: {  	v5 =	vld [tilespmem:$0x7830];
	v9 =	vbroadcast v7, $0x2  }
0xcb: {  	v6 =	vmul.f32 v6, v2;
	v8 =	vmul.f32 v8, v3;
	_ =	sdelay $0x1  }
0xcc: {  	v10 =	vbroadcast v7, $0x3;
	v9 =	vmul.f32 v9, v4;
	v8 =	vadd.f32 v8, v6  }
0xcd: {  	v6 =	vld [tilespmem:$0x7840]  }
0xce: {  	v8 =	vadd.f32 v8, v9;
	v9 =	vmul.f32 v10, v5  }
0xcf: {  	s1 =	simm.s32 $0x10160  }
0xd0: {  	v11 =	vld [tilespmem:s1+$0xFFFFFF10];
	v8 =	vadd.f32 v8, v9  }
0xd1: {  	v13 =	vld [tilespmem:s1+$0xFFFFFF60]  }
0xd2: {  	v16 =	vld [tilespmem:s1+$0xFFFFFFF0];
	v12 =	vbroadcast v7, $0x4;
	v8 =	vadd.f32 v8, v6  }
0xd3: {  	v44 =	vld [tilespmem:s1+$0xFFFFFFA0];
	v14 =	vbroadcast v7, $0x5  }
0xd4: {  	v45 =	vld [tilespmem:s1+$0xFFFFFF30];
	v15 =	vbroadcast v7, $0x6;
	v12 =	vmul.f32 v12, v2;
	v8 =	vmax.f32 v8, $0.0e+00  }
0xd5: {  	v23 =	vld [tilespmem:s1+$0xFFFFFEF0];
	v17 =	vbroadcast v8, $0x2;
	v43 =	vbroadcast v8, $0x3  }
0xd6: {  	v9 =	vld [tilespmem:s1+$0xFFFFFF20];
	v46 =	vbroadcast v8, $0x7;
	v47 =	vbroadcast v8, $0xF  }
0xd7: {  	v48 =	vld [tilespmem:s1+$0xFFFFFFE0];
	v49 =	vbroadcast v8, $0x4;
	v24 =	vbroadcast v8, $0x8  }
0xd8: {  	v25 =	vld [tilespmem:s1+$0xFFFFFF00];
	v26 =	vbroadcast v8, $0x0;
	v27 =	vbroadcast v8, $0x1  }
0xd9: {  	v10 =	vld [tilespmem:s1+$0xFFFFFF70];
	v53 =	vbroadcast v8, $0x6;
	v54 =	vbroadcast v8, $0x5  }
0xda: {  	v28 =	vld [tilespmem:s1+$0xFFFFFF40];
	v57 =	vbroadcast v8, $0xA;
	v60 =	vbroadcast v8, $0x9  }
0xdb: {  	v51 =	vld [tilespmem:s1+$0xFFFFFF90];
	v11 =	vmul.f32 v17, v11;
	v9 =	vmul.f32 v43, v9  }
0xdc: {  	v50 =	vld [tilespmem:s1+$0xFFFFFF50];
	v61 =	vbroadcast v8, $0xC;
	v62 =	vbroadcast v8, $0xE  }
0xdd: {  	v55 =	vld [tilespmem:s1+$0xFFFFFF80];
	v13 =	vmul.f32 v13, v46;
	v17 =	vbroadcast v8, $0xB;
	v9 =	vadd.f32 v9, v11  }
0xde: {  	v52 =	vld [tilespmem:s1+$0xFFFFFFD0];
	v20 =	vmul.f32 v49, v45;
	v10 =	vmul.f32 v10, v24  }
0xdf: {  	v58 =	vld [tilespmem:s1+$0xFFFFFFB0];
	v56 =	vmul.f32 v27, v25;
	v17 =	vmul.f32 v44, v17;
	v9 =	vadd.f32 v13, v9  }
0xe0: {  	v59 =	vld [tilespmem:s1+$0xFFFFFFC0];
	v19 =	vmul.f32 v51, v57;
	v11 =	vmul.f32 v26, v23  }
0xe1: {  	v26 =	vmul.f32 v54, v28;
	v9 =	vadd.f32 v17, v9;
	v17 =	vmul.f32 v50, v53  }
0xe2: {  	v8 =	vbroadcast v8, $0xD;
	v18 =	vmul.f32 v55, v60;
	v16 =	vadd.f32 v20, v16  }
0xe3: {  	v63 =	vmul.f32 v52, v62;
	v11 =	vadd.f32 v26, v11;
	v17 =	vadd.f32 v17, v56  }
0xe4: {  	v13 =	vmul.f32 v48, v47;
	v10 =	vadd.f32 v10, v16;
	v16 =	vmul.f32 v58, v61  }
0xe5: {  	v8 =	vmul.f32 v59, v8;
	v11 =	vadd.f32 v18, v11;
	v17 =	vadd.f32 v19, v17  }
0xe6: {  	v14 =	vmul.f32 v14, v3;
	v10 =	vadd.f32 v16, v10;
	v9 =	vadd.f32 v13, v9  }
0xe7: {  	v8 =	vadd.f32 v8, v11;
	v11 =	vadd.f32 v63, v17  }
0xe8: {  	v7 =	vbroadcast v7, $0x7;
	v12 =	vadd.f32 v14, v12;
	v13 =	vmul.f32 v15, v4  }
0xe9: {  	v8 =	vadd.f32 v8, v10;
	v9 =	vadd.f32 v9, v11  }
0xea: {  	v7 =	vmul.f32 v7, v5;
	v10 =	vadd.f32 v12, v13  }
0xeb: {  	v8 =	vadd.f32 v9, v8  }
0xec: {  	s2 =	simm.s32 $0x18870;
	v7 =	vadd.f32 v10, v7  }
0xed: {  	[tilespmem:s2+$0xFFFFFFE0] =	vst v8  }
0xee: {  	v7 =	vadd.f32 v7, v6;
	v11 =	vld [tilespmem:s1+$0x20]  }
0xef: {  	v14 =	vld [tilespmem:s1+$0x30]  }
0xf0: {  	v7 =	vmax.f32 v7, $0.0e+00;
	v10 =	vld [tilespmem:s1+$0x70]  }
0xf1: {  	v12 =	vbroadcast v7, $0x2;
	v13 =	vld [tilespmem:s1+$0x0]  }
0xf2: {  	v9 =	vbroadcast v7, $0x0;
	v15 =	vbroadcast v7, $0x3  }
0xf3: {  	s16 =	simm.s32 $0x20;
	s17 =	simm.s32 $0x10160;
	s0 =	simm.s32 $0x18870;
	v8 =	vbroadcast v7, $0x7;
	v11 =	vmul.f32 v11, v12;
	v12 =	vld [tilespmem:s1+$0xB0]  }
.LBB2_7:
0xf4: {  	p0 =	sne.s32 s16, $0x7E0;
	v14 =	vmul.f32 v14, v15;
	v15 =	vld [tilespmem:s1+$0xD0];
	s2 =	sadd.s32 $0x40, s2;
	s17 =	sadd.s32 $0x220, s17  }
0xf5: {  	v16 =	vbroadcast v7, $0xB;
	s18 =	smov.u32 s16;
	s16 =	sadd.s32 $0x20, s16;
	v17 =	vld [tilespmem:s1+$0xF0]  }
0xf6: {  	v8 =	vmul.f32 v10, v8;
	v9 =	vmul.f32 v13, v9;
	v11 =	vadd.f32 v14, v11;
	v13 =	vld [tilespmem:s1+$0x50]  }
0xf7: {  	v10 =	vld [tilespmem:s1+$0x100]  }
0xf8: {  	v14 =	vbroadcast v7, $0xF;
	v8 =	vadd.f32 v8, v11;
	v11 =	vld [tilespmem:s1+$0x90];
	v12 =	vmul.f32 v12, v16  }
0xf9: {  	v16 =	vbroadcast v7, $0x5;
	v18 =	vld [tilespmem:s1+$0x80]  }
0xfa: {  	v20 =	vbroadcast v7, $0xA;
	v19 =	vld [tilespmem:s1+$0x40];
	v8 =	vadd.f32 v12, v8;
	v12 =	vmul.f32 v17, v14  }
0xfb: {  	v13 =	vmul.f32 v13, v16;
	v14 =	vld [tilespmem:s1+$0x60];
	v16 =	vbroadcast v7, $0x9  }
0xfc: {  	v21 =	vbroadcast v7, $0x8;
	v22 =	vbroadcast v7, $0xD;
	v17 =	vld [tilespmem:s1+$0x10];
	v8 =	vadd.f32 v12, v8  }
0xfd: {  	v12 =	vbroadcast v7, $0x4;
	v9 =	vadd.f32 v13, v9;
	v11 =	vmul.f32 v11, v16;
	v13 =	vld [tilespmem:s1+$0xA0]  }
0xfe: {  	v23 =	vbroadcast v7, $0x6;
	v16 =	vbroadcast v7, $0x1  }
0xff: {  	v12 =	vmul.f32 v19, v12;
	v9 =	vadd.f32 v11, v9;
	v11 =	vmul.f32 v15, v22;
	v15 =	vld [tilespmem:s1+$0xE0]  }
0x100: {  	v18 =	vmul.f32 v18, v21;
	v14 =	vmul.f32 v14, v23;
	v19 =	vld [tilespmem:s1+$0xC0];
	s1 =	smov.u32 s17  }
0x101: {  	v16 =	vmul.f32 v17, v16;
	v10 =	vadd.f32 v12, v10;
	v9 =	vadd.f32 v11, v9  }
0x102: {  	v12 =	vbroadcast v7, $0xE;
	v11 =	vmul.f32 v13, v20  }
0x103: {  	v7 =	vbroadcast v7, $0xC;
	v13 =	vadd.f32 v14, v16;
	v10 =	vadd.f32 v18, v10  }
0x104: {  	v12 =	vmul.f32 v15, v12  }
0x105: {  	v11 =	vadd.f32 v11, v13;
	v7 =	vmul.f32 v19, v7;
	_ =	sdelay $0x1  }
0x106: {  	v7 =	vadd.f32 v7, v10;
	v10 =	vadd.f32 v12, v11  }
0x107: {  	s18 =	sshra.s32 s18, $0x2  }
0x108: {  	v7 =	vadd.f32 v9, v7;
	v8 =	vadd.f32 v8, v10;
	_ =	sdelay $0x1  }
0x109: {  	v7 =	vadd.f32 v8, v7;
	_ =	sdelay $0x1  }
0x10a: {  	[tilespmem:s0+$0x0] =	vst v7;
	s0 =	smov.u32 s2  }
0x10b: {  	v7 =	vld.idx.msk [tilespmem:v1+s18+$0x0 ss:$0x1], $0xffff;
	_ =	sdelay $0x5  }
0x10c: {  	v8 =	vbroadcast v7, $0x0;
	v9 =	vbroadcast v7, $0x1  }
0x10d: {  	v10 =	vbroadcast v7, $0x2;
	v11 =	vbroadcast v7, $0x3  }
0x10e: {  	v8 =	vmul.f32 v8, v2;
	v9 =	vmul.f32 v9, v3  }
0x10f: {  	v12 =	vbroadcast v7, $0x4;
	v13 =	vbroadcast v7, $0x5  }
0x110: {  	v8 =	vadd.f32 v9, v8;
	v9 =	vmul.f32 v10, v4;
	v10 =	vbroadcast v7, $0x6  }
0x111: {  	v12 =	vmul.f32 v12, v2;
	v13 =	vmul.f32 v13, v3  }
0x112: {  	v8 =	vadd.f32 v8, v9;
	v9 =	vmul.f32 v11, v5  }
0x113: {  	v7 =	vbroadcast v7, $0x7;
	v11 =	vadd.f32 v13, v12;
	v10 =	vmul.f32 v10, v4  }
0x114: {  	v8 =	vadd.f32 v8, v9;
	v9 =	vld [tilespmem:s17+$0xFFFFFF20]  }
0x115: {  	v7 =	vmul.f32 v7, v5;
	v10 =	vadd.f32 v11, v10;
	v12 =	vld [tilespmem:s17+$0xFFFFFF70]  }
0x116: {  	v8 =	vadd.f32 v8, v6;
	v11 =	vld [tilespmem:s17+$0xFFFFFF10]  }
0x117: {  	v7 =	vadd.f32 v10, v7;
	v13 =	vld [tilespmem:s17+$0xFFFFFF60]  }
0x118: {  	v8 =	vmax.f32 v8, $0.0e+00;
	v10 =	vld [tilespmem:s17+$0xFFFFFFF0]  }
0x119: {  	v7 =	vadd.f32 v7, v6;
	v14 =	vbroadcast v8, $0x2;
	v15 =	vbroadcast v8, $0x3;
	v16 =	vld [tilespmem:s17+$0xFFFFFFA0]  }
0x11a: {  	v18 =	vbroadcast v8, $0x7;
	v19 =	vbroadcast v8, $0xF;
	v17 =	vld [tilespmem:s17+$0xFFFFFF30]  }
0x11b: {  	v7 =	vmax.f32 v7, $0.0e+00;
	v9 =	vmul.f32 v15, v9;
	v20 =	vld [tilespmem:s17+$0xFFFFFEF0];
	v11 =	vmul.f32 v14, v11  }
0x11c: {  	v14 =	vbroadcast v8, $0xB;
	v13 =	vmul.f32 v13, v18;
	v15 =	vld [tilespmem:s17+$0xFFFFFFE0]  }
0x11d: {  	v18 =	vbroadcast v8, $0x8;
	v9 =	vadd.f32 v9, v11;
	v11 =	vbroadcast v8, $0x4;
	v21 =	vld [tilespmem:s17+$0xFFFFFFD0]  }
0x11e: {  	v22 =	vbroadcast v8, $0x0;
	v24 =	vbroadcast v8, $0x1;
	v23 =	vld [tilespmem:s17+$0xFFFFFF00]  }
0x11f: {  	v11 =	vmul.f32 v11, v17;
	v17 =	vld [tilespmem:s17+$0xFFFFFF50];
	v9 =	vadd.f32 v13, v9;
	v13 =	vmul.f32 v16, v14  }
0x120: {  	v12 =	vmul.f32 v12, v18;
	v14 =	vmul.f32 v22, v20;
	v16 =	vld [tilespmem:s17+$0xFFFFFF40]  }
0x121: {  	v18 =	vbroadcast v8, $0x6;
	v20 =	vld [tilespmem:s17+$0xFFFFFF90];
	v9 =	vadd.f32 v13, v9;
	v13 =	vmul.f32 v15, v19  }
0x122: {  	v10 =	vadd.f32 v11, v10;
	v15 =	vbroadcast v8, $0x9;
	v19 =	vbroadcast v8, $0xA;
	v11 =	vld [tilespmem:s17+$0xFFFFFF80]  }
0x123: {  	v22 =	vmul.f32 v24, v23;
	v23 =	vbroadcast v8, $0x5;
	v24 =	vld [tilespmem:s17+$0xFFFFFFB0];
	v13 =	vadd.f32 v13, v9  }
0x124: {  	v25 =	vbroadcast v8, $0xD;
	v9 =	vadd.f32 v12, v10;
	v10 =	vbroadcast v8, $0xC;
	v12 =	vld [tilespmem:s17+$0xFFFFFFC0]  }
0x125: {  	v17 =	vmul.f32 v17, v18;
	v16 =	vmul.f32 v23, v16  }
0x126: {  	v8 =	vbroadcast v8, $0xE;
	v18 =	vmul.f32 v20, v19  }
0x127: {  	v14 =	vadd.f32 v16, v14;
	v16 =	vadd.f32 v17, v22;
	v11 =	vmul.f32 v11, v15  }
0x128: {  	v15 =	vmul.f32 v21, v8;
	v10 =	vmul.f32 v24, v10  }
0x129: {  	v11 =	vadd.f32 v11, v14;
	v14 =	vadd.f32 v18, v16;
	v12 =	vmul.f32 v12, v25  }
0x12a: {  	v8 =	vbroadcast v7, $0x7;
	v10 =	vadd.f32 v10, v9;
	v9 =	vbroadcast v7, $0x0  }
0x12b: {  	v11 =	vadd.f32 v12, v11;
	v12 =	vadd.f32 v15, v14;
	_ =	sdelay $0x1  }
0x12c: {  	v10 =	vadd.f32 v11, v10;
	v11 =	vadd.f32 v13, v12;
	_ =	sdelay $0x1  }
0x12d: {  	v10 =	vadd.f32 v11, v10;
	_ =	sdelay $0x1  }
0x12e: {  	[tilespmem:s2+$0xFFFFFFE0] =	vst v10  }
0x12f: {  	v11 =	vld [tilespmem:s17+$0x20]  }
.Ltmp2:
0x130: {  	v14 =	vld [tilespmem:s17+$0x30];
	(pc) =	sbr.rel @p0 .LBB2_7-.Ltmp2, $4  }
0x131: {  	v10 =	vld [tilespmem:s17+$0x70]  }
0x132: {  	v12 =	vbroadcast v7, $0x2;
	v13 =	vld [tilespmem:s17+$0x0]  }
0x133: {  	v15 =	vbroadcast v7, $0x3  }
0x134: {  	v11 =	vmul.f32 v11, v12;
	v12 =	vld [tilespmem:s17+$0xB0]  }
0x135: {  	v1 =	vld [tilespmem:s1+$0xF0]  }
0x136: {  	v2 =	vld [tilespmem:s1+$0x50]  }
0x137: {  	v3 =	vld [tilespmem:s1+$0x100];
	v4 =	vmul.f32 v14, v15;
	v5 =	vbroadcast v7, $0xB  }
0x138: {  	v6 =	vld [tilespmem:s1+$0x90];
	v44 =	vbroadcast v7, $0xF;
	v46 =	vbroadcast v7, $0x5  }
0x139: {  	v43 =	vld [tilespmem:s1+$0x80];
	v47 =	vbroadcast v7, $0xA;
	v48 =	vbroadcast v7, $0x9  }
0x13a: {  	v45 =	vld [tilespmem:s1+$0x40];
	v50 =	vbroadcast v7, $0x4;
	v51 =	vbroadcast v7, $0x6  }
0x13b: {  	v16 =	vld [tilespmem:s1+$0x60];
	v52 =	vbroadcast v7, $0x1;
	v54 =	vbroadcast v7, $0x8  }
0x13c: {  	v49 =	vld [tilespmem:s1+$0x10];
	v57 =	vbroadcast v7, $0xD;
	v59 =	vbroadcast v7, $0xE  }
0x13d: {  	v17 =	vld [tilespmem:s1+$0xA0];
	v60 =	vbroadcast v7, $0xC;
	v8 =	vmul.f32 v10, v8  }
0x13e: {  	v18 =	vld [tilespmem:s1+$0xD0];
	v9 =	vmul.f32 v13, v9;
	v4 =	vadd.f32 v4, v11;
	v5 =	vmul.f32 v12, v5  }
0x13f: {  	v53 =	vld [tilespmem:s1+$0xE0];
	v1 =	vmul.f32 v1, v44;
	v2 =	vmul.f32 v2, v46  }
0x140: {  	v55 =	vld [tilespmem:s1+$0xC0];
	v4 =	vadd.f32 v8, v4;
	v6 =	vmul.f32 v6, v48;
	v13 =	vmul.f32 v45, v50  }
0x141: {  	v8 =	vmul.f32 v16, v51;
	v56 =	vmul.f32 v49, v52  }
0x142: {  	v58 =	vmul.f32 v17, v47;
	v4 =	vadd.f32 v5, v4;
	v2 =	vadd.f32 v2, v9  }
0x143: {  	v5 =	vmul.f32 v43, v54;
	v3 =	vadd.f32 v13, v3;
	v8 =	vadd.f32 v8, v56  }
0x144: {  	v61 =	vmul.f32 v18, v57;
	v62 =	vmul.f32 v53, v59;
	v2 =	vadd.f32 v6, v2  }
0x145: {  	v7 =	vmul.f32 v55, v60;
	v3 =	vadd.f32 v5, v3;
	v8 =	vadd.f32 v58, v8  }
0x146: {  	v1 =	vadd.f32 v1, v4;
	v2 =	vadd.f32 v61, v2  }
0x147: {  	v3 =	vadd.f32 v7, v3;
	v63 =	vadd.f32 v62, v8;
	_ =	sdelay $0x1  }
0x148: {  	v2 =	vadd.f32 v2, v3;
	v1 =	vadd.f32 v1, v63;
	_ =	sdelay $0x1  }
0x149: {  	s28 =	sadd.s32 $0x1, s28;
	v1 =	vadd.f32 v1, v2  }
0x14a: {  	p0 =	sne.s32 s28, $0x14  }
.Ltmp3:
0x14b: {  	s31 =	sadd.s32 $0x1400, s31;
	[tilespmem:s0+$0x0] =	vst v1;
	(pc) =	sbr.rel @p0 .LBB2_4-.Ltmp3, $4  }
0x14c: {  	[spmem:s3] =	stream.indirect.scatter.add.f32 [tilespmem:s24], [sflag:$0x3], $0x20, s31, s20, $0xb8;
	[tilespmem:$0x1E750] =	vst v63  }
0x14d: {  	_ =	swait.ge [sflag:s15], $0x1000  }
0x14e: {  	[sflag:s15] =	ssyncset.done $0x0  }
0x14f: {  	s29 =	sadd.s32 $0x400, s29;
	s30 =	sadd.s32 $0x400, s30;
	[sflag:s15] =	ssyncadd.s32 $0xFFFFF000  }
0x150: {  	s26 =	sadd.s32 $0x1, s26  }
0x151: {  	p0 =	sne.s32 s26, s13  }
.Ltmp4:
0x152: {  	[bflag:$0x0] =	sbarrier.arrive $0xFFFF;
	(pc) =	sbr.rel @p0 .LBB2_1-.Ltmp4, $4  }
0x153: {  	[hbm:s12], [sflag:s8] =	dma.local [spmem:s14], $0x9E0  }
0x154: {  	_ =	swait.ge [sflag:s15], $0x9E0  }
0x155: {  	[sflag:s15] =	ssyncset.done $0x0  }
0x156: {  	[sflag:s15] =	ssyncadd.s32 $0xFFFFF620  }
0x157: {  	_ =	sfence.sel $0x180000  }
0x158: {  	[bflag:$0x0] =	sbarrier.arrive $0xFFFF  }
0x159: {  	_ =	strace $0x9000004A  }
0x15a: {  	s0 =	stileid.u32;
	[bflag:$0x2] =	sbarrier.arrive $0xFFFF  }
0x15b: {  	p0 =	sne.s32 s0, $0x0;
	s0 =	rddreg [dreg:$0x3]  }
0x15c: {  	s0 =	sadd.s32 @!p0 $0x100000, s0  }
0x15d: {  	[sflag:s0] =	ssyncadd.tile.s32 @!p0 $0x1;
	_ =	shalt  }
.Lfunc_end2:
_tile_overlayer_lowered:
.L_overlay_start_2:
0x15e: {  	(tag) =	ssettag $0x2  }
0x15f: {  	s0 =	rddreg [dreg:$0x0];
	s2 =	stileid.u32  }
0x160: {  	s1 =	rddreg [dreg:$0x1];
	p0 =	sne.s32 s2, $0x0  }
0x161: {  	s3 =	rddreg [dreg:$0x2];
	[bflag:$0x3] =	sbarrier.arrive $0xFFFF;
	s2 =	simm.s32 @!p0 $0x1C03  }
0x162: {  	[timem:s3], [sflag:s2] =	dma.local @!p0 [hbm:s0], s1  }
0x163: {  	s0 =	simm.s32 @!p0 $0x3  }
0x164: {  	_ =	swait.ge @!p0 [sflag:s0], s1  }
0x165: {  	s1 =	ssub.s32 @!p0 $0x0, s1;
	[sflag:s0] =	ssyncset.done @!p0 $0x0  }
0x166: {  	[sflag:s0] =	ssyncadd.s32 @!p0 s1  }
0x167: {  	[bflag:$0x3] =	sbarrier.arrive $0xFFFF  }
0x168: {  	_ =	shalt  }

// kernel: kernel.21.cloned.1.call-start
scs
__scs_entry_jumppad:
0x0: {  	(pc) =	sbr.rel $0x88, $3  }
0x1: {  	(tag) =	ssettag $0x0;
	lr =	simm.s32 $0x1  }
0x2: {  	[smem:$0x3F81] =	sst lr;
	_ =	strace $0xD0000000  }
0x3: {  	_ = 	snop  }
0x4: {  	_ = 	snop  }
0x5: {  	_ = 	snop  }
0x6: {  	_ = 	snop  }
0x7: {  	_ = 	snop  }
__scs_overlays_trampoline_lowered:
0x8: {  	[smem:$0x3F90] =	sst s0  }
0x9: {  	[smem:$0x3F91] =	sst s1  }
0xa: {  	[smem:$0x3F92] =	sst s2  }
0xb: {  	[smem:$0x3F93] =	sst s3  }
0xc: {  	[smem:$0x3F94] =	sst s4  }
0xd: {  	[smem:$0x3F95] =	sst s5  }
0xe: {  	[smem:$0x3F96] =	sst s6  }
0xf: {  	[smem:$0x3F97] =	sst s7  }
0x10: {  	[smem:$0x3F98] =	sst s8  }
0x11: {  	[smem:$0x3F99] =	sst s9;
	s0 =	simm.s32 @!p0 $0x0  }
0x12: {  	s1 =	sld [smem:$0x3F7F];
	s0 =	simm.s32 @p0 $0x1  }
0x13: {  	[smem:$0x3F9A] =	sst s0;
	s0 =	simm.s32 @!p1 $0x0  }
0x14: {  	s2 =	sld [smem:$0x3F7E];
	s0 =	simm.s32 @p1 $0x1  }
0x15: {  	[smem:$0x3F9B] =	sst s0;
	s0 =	simm.s32 @!p2 $0x0  }
0x16: {  	s3 =	sld [smem:$0x3FDB];
	s0 =	simm.s32 @p2 $0x1  }
0x17: {  	s4 =	simm.s32 $0x1BF5;
	[smem:$0x3F9D] =	sst s0  }
0x18: {  	s0 =	sld [smem:$0x3F80];
	_ =	swait.ge [sflag:s4], $0x0  }
0x19: {  	s7 =	sld [smem:$0x3F81]  }
0x1a: {  	s8 =	sadd.s32 $0xFFFFE003, lr  }
0x1b: {  	s9 =	sadd.s32 $0xFFFFFEF7, lr;
	s5 =	simm.s32 $0xFFFFFFFF;
	p2 =	slt.u32 s8, $0xFFFFF086  }
0x1c: {  	p1 =	slt.u32 s9, $0xF7A;
	s5 =	simm.s32 @!p2 $0x0  }
0x1d: {  	s5 =	simm.s32 @p1 $0x1;
	p0 =	seq.s32 s7, s2  }
0x1e: {  	s7 =	smul.u32 @!p0 $0xF7A, s2;
	p2 =	seq.s32 @!p0 s5, $0x0  }
0x1f: {  	s9 =	smul.u32 $0xF7A, s1;
	s8 =	simm.s32 @!p0 $0x1BF5;
	p2 =	por !p2, p0  }
0x20: {  	[sflag:s8] =	ssyncset.s32 @!p0 $0xFFFFF086;
	s6 =	sadd.s32 @!p0 s3, s7;
	s7 =	simm.s32 @!p0 $0x108  }
0x21: {  	s3 =	sadd.s32 s3, s9;
	s6 =	sadd.s32 @!p0 $0x88, s6;
	s7 =	simm.s32 @p2 $0x1082  }
0x22: {  	[simem:s7], [sflag:s8] =	dma.local @!p0 [hbm:s6], $0xF7A  }
0x23: {  	s9 =	sor.u32 $0xD0000000, s2;
	s6 =	simm.s32 $0x108;
	_ =	swait.ge @!p0 [sflag:s8], $0x0  }
0x24: {  	s3 =	sadd.s32 $0x88, s3;
	s6 =	simm.s32 @!p1 $0x1082;
	[sflag:s4] =	ssyncset.s32 $0xFFFFF086  }
0x25: {  	[simem:s6], [sflag:s4] =	dma.local [hbm:s3], $0xF7A  }
0x26: {  	[smem:$0x3F81] =	sst s1;
	(tag) =	ssettag s2;
	_ =	strace s9  }
0x27: {  	s1 =	sld [smem:$0x3F91]  }
0x28: {  	s2 =	sld [smem:$0x3F92]  }
0x29: {  	s4 =	sld [smem:$0x3F94]  }
0x2a: {  	p0 =	seq.s32 s5, $0x0;
	s5 =	sld [smem:$0x3F95]  }
0x2b: {  	s6 =	sld [smem:$0x3F96]  }
0x2c: {  	s7 =	sld [smem:$0x3F97]  }
0x2d: {  	s3 =	simm.s32 $0x108;
	s8 =	sld [smem:$0x3F98]  }
0x2e: {  	s3 =	simm.s32 @!p0 $0x1082;
	s9 =	sld [smem:$0x3F99]  }
0x2f: {  	lr =	sadd.s32 s0, s3;
	s0 =	sld [smem:$0x3F90]  }
0x30: {  	s3 =	sld [smem:$0x3F93]  }
0x31: {  	[smem:$0x3F9C] =	sst s10  }
0x32: {  	s10 =	sld [smem:$0x3F9A];
	_ =	sdelay $0x3  }
0x33: {  	p0 =	seq.s32 s10, $0x1;
	s10 =	sld [smem:$0x3F9C];
	_ =	sdelay $0x3  }
0x34: {  	[smem:$0x3F9C] =	sst s10  }
0x35: {  	s10 =	sld [smem:$0x3F9B];
	_ =	sdelay $0x3  }
0x36: {  	p1 =	seq.s32 s10, $0x1;
	s10 =	sld [smem:$0x3F9C];
	_ =	sdelay $0x3  }
0x37: {  	[smem:$0x3F9C] =	sst s10  }
0x38: {  	s10 =	sld [smem:$0x3F9D]  }
0x39: {  	_ = 	snop;
	(pc) =	sbr.ind lr, $3  }
0x3a: {  	_ = 	snop  }
0x3b: {  	_ = 	snop  }
0x3c: {  	p2 =	seq.s32 s10, $0x1;
	s10 =	sld [smem:$0x3F9C]  }
0x3d: {  	_ =	shalt  }
0x3e: {  	_ =	shalt  }
0x3f: {  	_ =	shalt  }
0x40: {  	_ =	shalt  }
0x41: {  	_ =	shalt  }
0x42: {  	_ =	shalt  }
0x43: {  	_ =	shalt  }
0x44: {  	_ =	shalt  }
0x45: {  	_ =	shalt  }
0x46: {  	_ =	shalt  }
0x47: {  	_ =	shalt  }
0x48: {  	_ =	shalt  }
0x49: {  	_ =	shalt  }
0x4a: {  	_ =	shalt  }
0x4b: {  	_ =	shalt  }
0x4c: {  	_ =	shalt  }
0x4d: {  	_ =	shalt  }
0x4e: {  	_ =	shalt  }
0x4f: {  	_ =	shalt  }
0x50: {  	_ =	shalt  }
0x51: {  	_ =	shalt  }
0x52: {  	_ =	shalt  }
0x53: {  	_ =	shalt  }
0x54: {  	_ =	shalt  }
0x55: {  	_ =	shalt  }
0x56: {  	_ =	shalt  }
0x57: {  	_ =	shalt  }
0x58: {  	_ =	shalt  }
0x59: {  	_ =	shalt  }
0x5a: {  	_ =	shalt  }
0x5b: {  	_ =	shalt  }
0x5c: {  	_ =	shalt  }
0x5d: {  	_ =	shalt  }
0x5e: {  	_ =	shalt  }
0x5f: {  	_ =	shalt  }
0x60: {  	_ =	shalt  }
0x61: {  	_ =	shalt  }
0x62: {  	_ =	shalt  }
0x63: {  	_ =	shalt  }
0x64: {  	_ =	shalt  }
0x65: {  	_ =	shalt  }
0x66: {  	_ =	shalt  }
0x67: {  	_ =	shalt  }
0x68: {  	_ =	shalt  }
0x69: {  	_ =	shalt  }
0x6a: {  	_ =	shalt  }
0x6b: {  	_ =	shalt  }
0x6c: {  	_ =	shalt  }
0x6d: {  	_ =	shalt  }
0x6e: {  	_ =	shalt  }
0x6f: {  	_ =	shalt  }
0x70: {  	_ =	shalt  }
0x71: {  	_ =	shalt  }
0x72: {  	_ =	shalt  }
0x73: {  	_ =	shalt  }
0x74: {  	_ =	shalt  }
0x75: {  	_ =	shalt  }
0x76: {  	_ =	shalt  }
0x77: {  	_ =	shalt  }
0x78: {  	_ =	shalt  }
0x79: {  	_ =	shalt  }
0x7a: {  	_ =	shalt  }
0x7b: {  	_ =	shalt  }
0x7c: {  	_ =	shalt  }
0x7d: {  	_ =	shalt  }
0x7e: {  	_ =	shalt  }
0x7f: {  	_ =	shalt  }
0x80: {  	_ =	shalt  }
0x81: {  	_ =	shalt  }
0x82: {  	_ =	shalt  }
0x83: {  	_ =	shalt  }
0x84: {  	_ =	shalt  }
0x85: {  	_ =	shalt  }
0x86: {  	_ =	shalt  }
0x87: {  	_ =	shalt  }
.Lfunc_end0:
.L_simem_size_0:
called_computation.2_lowered:
.L_overlay_start_0:
0x88: {  	s2 =	sld [smem:$0x3FD9]  }
0x89: {  	s3 =	sld [smem:$0x3FFE];
	_ =	sdelay $0x1  }
0x8a: {  	s1 =	srdreg.scid  }
0x8b: {  	s0 =	sand.u32 $0x1, s1  }
0x8c: {  	s17 =	sshll.u32 s0, $0xA;
	s2 =	sadd.s32 s3, s2  }
0x8d: {  	s2 =	sadd.s32 s2, s17  }
0x8e: {  	[smem:$0x3FA8] =	sst s2  }
0x8f: {  	_ = 	snop  }
0x90: {  	s2 =	sld [smem:$0x3FB2]  }
0x91: {  	s18 =	sld [smem:$0x3FD0];
	(tm) =	ssettm $0x1  }
0x92: {  	s4 =	sld [smem:$0x3FFB];
	_ =	sdelay $0x3  }
0x93: {  	_ =	strace s4  }
0x94: {  	s4 =	sld [smem:$0x3FFC];
	_ =	sdelay $0x3  }
0x95: {  	_ =	strace s4  }
0x96: {  	s4 =	sld [smem:$0x3FFD];
	_ =	sdelay $0x3  }
0x97: {  	_ =	strace s4  }
0x98: {  	_ =	strace $0x8FFFFFFF  }
0x99: {  	s19 =	sld [smem:$0x3FDB];
	_ =	sdelay $0x1  }
0x9a: {  	s5 =	simm.s32 $_scs_section_size  }
0x9b: {  	s6 =	simm.s32 $_size__tile_overlayer_lowered;
	s7 =	simm.s32 $_tile_overlayer_lowered  }
0x9c: {  	s22 =	simm.s32 $0x1BFF;
	s21 =	sshll.u32 s7, $0x1;
	s4 =	sadd.s32 s5, s19  }
0x9d: {  	s8 =	simm.s32 $0x0;
	s20 =	sshll.u32 s6, $0x1;
	s6 =	sadd.s32 s21, s4  }
0x9e: {  	[timem:s8], [sflag:s22] =	dma.local [hbm:s6], s20  }
0x9f: {  	_ =	swait.ge [sflag:s22], s20  }
0xa0: {  	s5 =	ssub.s32 $0x0, s20;
	[sflag:s22] =	ssyncset.done $0x0  }
0xa1: {  	[sflag:s22] =	ssyncadd.s32 s5;
	_ =	sdelay $0x1  }
0xa2: {  	s23 =	simm.s32 $0x1B8B  }
0xa3: {  	_ =	swait.ge [sflag:s23], $0x1  }
0xa4: {  	[sflag:s23] =	ssyncset.done $0x0  }
0xa5: {  	s25 =	simm.s32 $0x1B8E;
	s24 =	sld [smem:$0x3FFE];
	[sflag:s23] =	ssyncadd.s32 $0xFFFFFFFF  }
0xa6: {  	s26 =	simm.s32 $execute0_lowered;
	[smem:$0x3FD2] =	sst s25  }
0xa7: {  	s6 =	sshll.u32 s26, $0x1;
	_ =	strace $0x8000004C;
	[dreg:$0x1] =	wrdreg $0xFFFFFFFF  }
0xa8: {  	s28 =	simm.s32 $_size_execute0_lowered;
	s4 =	sadd.s32 s4, s6;
	[dreg:$0x0] =	wrdreg $0x0  }
0xa9: {  	s6 =	sshll.u32 s28, $0x1;
	[dreg:$0x2] =	wrdreg s4  }
0xaa: {  	[dreg:$0x3] =	wrdreg s6  }
0xab: {  	[dreg:$0x4] =	wrdreg $0xC0  }
0xac: {  	_ =	task [dreg:s8], $0x5FFFF  }
0xad: {  	[dreg:$0x1] =	wrdreg $0xFFFFFFFF  }
0xae: {  	[dreg:$0x0] =	wrdreg $0x60  }
0xaf: {  	[dreg:$0x2] =	wrdreg s24  }
0xb0: {  	[dreg:$0x3] =	wrdreg s18  }
0xb1: {  	[dreg:$0x4] =	wrdreg s2  }
0xb2: {  	[dreg:$0x5] =	wrdreg $0x198500  }
0xb3: {  	[dreg:$0x6] =	wrdreg $0x9  }
0xb4: {  	_ =	task.clear_ibuf [dreg:s8], $0x7FFFF;
	_ =	strace $0x9000004C  }
0xb5: {  	s29 =	simm.s32 $0x9;
	_ =	strace $0x8000004E  }
0xb6: {  	_ =	swait.ge [sflag:s29], $0x1  }
0xb7: {  	[sflag:s29] =	ssyncadd.s32 $0xFFFFFFFF  }
0xb8: {  	_ =	strace $0x9000004E  }
0xb9: {  	_ =	sfence  }
0xba: {  	s30 =	sld [smem:$0x0];
	_ =	sdelay $0x2  }
0xbb: {  	s31 =	sshll.u32 s1, $0xD;
	s1 =	sshrl.u32 s1, $0x2  }
0xbc: {  	s3 =	sand.u32 $0x4000, s31;
	s1 =	sadd.s32 s1, s30  }
0xbd: {  	s0 =	sor.u32 s3, s0;
	s1 =	sshll.u32 s1, $0x11  }
0xbe: {  	s0 =	sor.u32 s1, s0  }
0xbf: {  	s0 =	sadd.s32 $0x8F2B, s0  }
0xc0: {  	[sflag:s0] =	ssyncadd.remote.s32 $0x1  }
0xc1: {  	_ =	sfence.sel $0xFFFF  }
0xc2: {  	[dreg:$0x0] =	wrdreg $0xFFFFFFFF;
	(pc) =	sbr.abs _section_cstart, $3  }
0xc3: {  	[dreg:$0x1] =	wrdreg $0xFFFFFFFF  }
0xc4: {  	_ =	task.clear_ibuf [dreg:s8], $0x2FFFF;
	_ =	strace $0x9FFFFFFF  }
0xc5: {  	(tm) =	ssettm $0x7FFFFFFF  }
tec
execute0_lowered:
.L_overlay_start_1:
0x0: {  	(tag) =	ssettag $0x1  }
0x1: {  	s0 =	srdreg.scid;
	s1 =	rddreg [dreg:$0x0]  }
0x2: {  	s10 =	stileid.u32;
	s4 =	rddreg [dreg:$0x3]  }
0x3: {  	s5 =	simm.s32 $0x0;
	s15 =	simm.s32 $0x3;
	s18 =	simm.s32 $0x7800  }
0x4: {  	s19 =	simm.s32 $0x7840;
	s20 =	simm.s32 $0x80;
	s21 =	simm.s32 $0x7850  }
0x5: {  	s22 =	simm.s32 $0x10050;
	s23 =	simm.s32 $0x1;
	s24 =	simm.s32 $0x18850  }
0x6: {  	s25 =	simm.s32 $0x2;
	s26 =	simm.s32 $0x0;
	s0 =	sand.u32 $0x1, s0  }
0x7: {  	s8 =	smul.u32 $0x4F00, s10;
	[smem:$0x7FF] =	sst s5;
	s6 =	sadd.s32 $0x3E00, s1  }
0x8: {  	s2 =	sshll.u32 s0, $0x4;
	s7 =	smul.u32 $0x4F000, s0;
	s0 =	ssub.s32 $0x2, s0  }
0x9: {  	_ =	strace $0x8000004D;
	s2 =	sor.u32 s10, s2;
	s31 =	sshrl.u32 s0, $0x1  }
0xa: {  	s10 =	sshll.u32 s10, $0x6;
	s14 =	sadd.s32 s8, s4;
	s3 =	smul.u32 $0xA00, s2  }
0xb: {  	s2 =	smul.u32 $0x280, s2;
	s9 =	sadd.s32 s8, s7;
	s7 =	sadd.s32 $0x61000, s1  }
0xc: {  	s0 =	ssub.s32 s0, s31;
	s8 =	sor.u32 $0x1C03, s10;
	s14 =	sshrl.u32 s14, $0x3  }
0xd: {  	s9 =	sshrl.u32 s9, $0x3;
	s13 =	smax.u32 s0, $0x1;
	s2 =	sadd.s32 s2, s1  }
0xe: {  	v0 =	vimm.f32 $0.0e+00;
	vm0 =	vcmask $0x300;
	s3 =	sadd.s32 s3, s1;
	s1 =	sadd.s32 s9, s1;
	s9 =	sadd.s32 $0x5C000, s2  }
0xf: {  	v0 =	vsel vm0, $0x3F800000, v0;
	s10 =	sadd.s32 $0x57000, s2;
	s11 =	sadd.s32 $0x283E00, s3;
	s12 =	sadd.s32 $0x61A00, s1  }
.LBB2_1:
0x10: {  	[spmem:s14], [sflag:s8] =	dma.local [hbm:s7], $0x9E0  }
0x11: {  	_ =	swait.ge [sflag:s15], $0x9E0  }
0x12: {  	[sflag:s15] =	ssyncset.done $0x0  }
0x13: {  	[sflag:s15] =	ssyncadd.s32 $0xFFFFF620  }
0x14: {  	[tilespmem:s5], [sflag:$0x3] =	stream.linear.gather [hbm4b:s9+s5], $0x1400, $0x38;
	[tilespmem:$0x1E750] =	vst v63  }
0x15: {  	_ =	swait.ge [sflag:s15], $0x1400  }
0x16: {  	[sflag:s15] =	ssyncset.done $0x0  }
0x17: {  	s0 =	simm.s32 $0x1400;
	[sflag:s15] =	ssyncadd.s32 $0xFFFFEC00  }
0x18: {  	[tilespmem:s0], [sflag:$0x3] =	stream.linear.gather [hbm4b:s10+s5], $0x1400, $0x38;
	[tilespmem:$0x1E750] =	vst v63  }
0x19: {  	_ =	swait.ge [sflag:s15], $0x1400  }
0x1a: {  	[sflag:s15] =	ssyncset.done $0x0  }
0x1b: {  	s29 =	simm.s32 $0x2800;
	[sflag:s15] =	ssyncadd.s32 $0xFFFFEC00  }
0x1c: {  	[tilespmem:s29], [sflag:$0x3] =	stream.linear.gather [hbm4b:s11+s5], $0x5000, $0x38;
	[tilespmem:$0x1E750] =	vst v63  }
0x1d: {  	_ =	swait.ge [sflag:s15], $0x5000  }
0x1e: {  	[sflag:s15] =	ssyncset.done $0x0  }
0x1f: {  	[sflag:s15] =	ssyncadd.s32 $0xFFFFB000  }
0x20: {  	s30 =	rddreg [dreg:$0x1]  }
0x21: {  	[tilespmem:s18], [sflag:$0x3] =	stream.linear.gather [hbm4b:s30+s5], $0x40, $0x38;
	[tilespmem:$0x1E750] =	vst v63  }
0x22: {  	_ =	swait.ge [sflag:s15], $0x40  }
0x23: {  	[sflag:s15] =	ssyncset.done $0x0  }
0x24: {  	[sflag:s15] =	ssyncadd.s32 $0xFFFFFFC0  }
0x25: {  	s31 =	rddreg [dreg:$0x2]  }
0x26: {  	[tilespmem:s19], [sflag:$0x3] =	stream.linear.gather [hbm4b:s31+s5], $0x10, $0x38;
	[tilespmem:$0x1E750] =	vst v63  }
0x27: {  	_ =	swait.ge [sflag:s15], $0x10  }
0x28: {  	[sflag:s15] =	ssyncset.done $0x0  }
0x29: {  	s1 =	simm.s32 $0x0;
	s0 =	simm.s32 $0x80;
	[sflag:s15] =	ssyncadd.s32 $0xFFFFFFF0  }
.LBB2_2:
0x2a: {  	p0 =	sne.s32 s0, $0x3F80;
	[tilespmem:s1+$0x18860] =	vst v0;
	s1 =	smov.u32 s0;
	s0 =	sadd.s32 $0x80, s0  }
.Ltmp0:
0x2b: {  	(pc) =	sbr.rel @p0 .LBB2_2-.Ltmp0, $2  }
0x2c: {  	_ =	sdelay $0x2  }
0x2d: {  	s1 =	sshra.s32 s1, $0x2  }
0x2e: {  	[tilespmem:s1+$0x18860] =	vst v0;
	s28 =	simm.s32 $0x0  }
0x2f: {  	s29 =	simm.s32 $0x2800;
	s30 =	simm.s32 $0x2A00;
	[bflag:$0x0] =	sbarrier.arrive $0xFFFF  }
0x30: {  	[tilespmem:s21], [sflag:$0x1] =	stream.indirect.gather [hbm4b:s6+s20], $0x110, s28, s20, $0xb8;
	[tilespmem:$0x1E750] =	vst v63  }
.LBB2_4:
0x31: {  	s0 =	sshll.u32 s28, $0x8  }
0x32: {  	v1 =	vmov s29;
	s31 =	sor.u32 $0x80, s0  }
0x33: {  	[tilespmem:s22], [sflag:$0x2] =	stream.indirect.gather [hbm4b:s6+s20], $0x110, s31, s20, $0xb8;
	[tilespmem:$0x1E750] =	vst v63  }
0x34: {  	_ =	swait.ge [sflag:s23], $0x8800  }
0x35: {  	[sflag:s23] =	ssyncset.done $0x0  }
0x36: {  	s17 =	simm.s32 $0x0;
	[sflag:s23] =	ssyncadd.s32 $0xFFFF7800  }
0x37: {  	v7 =	vld.idx.msk [tilespmem:v1+s17+$0x0 ss:$0x1], $0xffff  }
0x38: {  	v2 =	vld [tilespmem:$0x7800]  }
0x39: {  	v3 =	vld [tilespmem:$0x7810];
	_ =	sdelay $0x1  }
0x3a: {  	v4 =	vld [tilespmem:$0x7820]  }
0x3b: {  	v6 =	vbroadcast v7, $0x0;
	v8 =	vbroadcast v7, $0x1  }
0x3c: {  	v5 =	vld [tilespmem:$0x7830];
	v9 =	vbroadcast v7, $0x2  }
0x3d: {  	v6 =	vmul.f32 v6, v2;
	v8 =	vmul.f32 v8, v3;
	_ =	sdelay $0x1  }
0x3e: {  	v10 =	vbroadcast v7, $0x3;
	v9 =	vmul.f32 v9, v4;
	v8 =	vadd.f32 v8, v6  }
0x3f: {  	v6 =	vld [tilespmem:$0x7840]  }
0x40: {  	v8 =	vadd.f32 v8, v9;
	v9 =	vmul.f32 v10, v5  }
0x41: {  	s1 =	simm.s32 $0x7960  }
0x42: {  	v11 =	vld [tilespmem:s1+$0xFFFFFF10];
	v8 =	vadd.f32 v8, v9  }
0x43: {  	v13 =	vld [tilespmem:s1+$0xFFFFFF60]  }
0x44: {  	v16 =	vld [tilespmem:s1+$0xFFFFFFF0];
	v12 =	vbroadcast v7, $0x4;
	v8 =	vadd.f32 v8, v6  }
0x45: {  	v19 =	vld [tilespmem:s1+$0xFFFFFFA0];
	v14 =	vbroadcast v7, $0x5  }
0x46: {  	v20 =	vld [tilespmem:s1+$0xFFFFFF30];
	v15 =	vbroadcast v7, $0x6;
	v12 =	vmul.f32 v12, v2;
	v8 =	vmax.f32 v8, $0.0e+00  }
0x47: {  	v23 =	vld [tilespmem:s1+$0xFFFFFEF0];
	v17 =	vbroadcast v8, $0x2;
	v18 =	vbroadcast v8, $0x3  }
0x48: {  	v9 =	vld [tilespmem:s1+$0xFFFFFF20];
	v21 =	vbroadcast v8, $0x7;
	v22 =	vbroadcast v8, $0xF  }
0x49: {  	v48 =	vld [tilespmem:s1+$0xFFFFFFE0];
	v49 =	vbroadcast v8, $0x4;
	v24 =	vbroadcast v8, $0x8  }
0x4a: {  	v25 =	vld [tilespmem:s1+$0xFFFFFF00];
	v26 =	vbroadcast v8, $0x0;
	v27 =	vbroadcast v8, $0x1  }
0x4b: {  	v10 =	vld [tilespmem:s1+$0xFFFFFF70];
	v53 =	vbroadcast v8, $0x6;
	v54 =	vbroadcast v8, $0x5  }
0x4c: {  	v28 =	vld [tilespmem:s1+$0xFFFFFF40];
	v57 =	vbroadcast v8, $0xA;
	v60 =	vbroadcast v8, $0x9  }
0x4d: {  	v50 =	vld [tilespmem:s1+$0xFFFFFF50];
	v11 =	vmul.f32 v17, v11;
	v9 =	vmul.f32 v18, v9  }
0x4e: {  	v52 =	vld [tilespmem:s1+$0xFFFFFFD0];
	v61 =	vbroadcast v8, $0xC;
	v62 =	vbroadcast v8, $0xE  }
0x4f: {  	v55 =	vld [tilespmem:s1+$0xFFFFFF80];
	v13 =	vmul.f32 v13, v21;
	v17 =	vbroadcast v8, $0xB;
	v9 =	vadd.f32 v9, v11  }
0x50: {  	v51 =	vld [tilespmem:s1+$0xFFFFFF90];
	v20 =	vmul.f32 v49, v20;
	v10 =	vmul.f32 v10, v24  }
0x51: {  	v58 =	vld [tilespmem:s1+$0xFFFFFFB0];
	v56 =	vmul.f32 v27, v25;
	v17 =	vmul.f32 v19, v17;
	v9 =	vadd.f32 v13, v9  }
0x52: {  	v59 =	vld [tilespmem:s1+$0xFFFFFFC0];
	v8 =	vbroadcast v8, $0xD;
	v11 =	vmul.f32 v26, v23  }
0x53: {  	v26 =	vmul.f32 v54, v28;
	v9 =	vadd.f32 v17, v9;
	v17 =	vmul.f32 v50, v53  }
0x54: {  	v18 =	vmul.f32 v55, v60;
	v63 =	vmul.f32 v52, v62;
	v16 =	vadd.f32 v20, v16  }
0x55: {  	v19 =	vmul.f32 v51, v57;
	v11 =	vadd.f32 v26, v11;
	v17 =	vadd.f32 v17, v56  }
0x56: {  	v13 =	vmul.f32 v48, v22;
	v10 =	vadd.f32 v10, v16;
	v16 =	vmul.f32 v58, v61  }
0x57: {  	v8 =	vmul.f32 v59, v8;
	v11 =	vadd.f32 v18, v11;
	v17 =	vadd.f32 v19, v17  }
0x58: {  	v14 =	vmul.f32 v14, v3;
	v10 =	vadd.f32 v16, v10;
	v9 =	vadd.f32 v13, v9  }
0x59: {  	v8 =	vadd.f32 v8, v11;
	v11 =	vadd.f32 v63, v17  }
0x5a: {  	v7 =	vbroadcast v7, $0x7;
	v12 =	vadd.f32 v14, v12;
	v13 =	vmul.f32 v15, v4  }
0x5b: {  	v8 =	vadd.f32 v8, v10;
	v9 =	vadd.f32 v9, v11  }
0x5c: {  	v7 =	vmul.f32 v7, v5;
	v10 =	vadd.f32 v12, v13  }
0x5d: {  	v8 =	vadd.f32 v9, v8  }
0x5e: {  	s2 =	simm.s32 $0x18870;
	v7 =	vadd.f32 v10, v7  }
0x5f: {  	[tilespmem:s2+$0xFFFFFFE0] =	vst v8  }
0x60: {  	v7 =	vadd.f32 v7, v6;
	v11 =	vld [tilespmem:s1+$0x20]  }
0x61: {  	v14 =	vld [tilespmem:s1+$0x30]  }
0x62: {  	v7 =	vmax.f32 v7, $0.0e+00;
	v10 =	vld [tilespmem:s1+$0x70]  }
0x63: {  	v12 =	vbroadcast v7, $0x2;
	v13 =	vld [tilespmem:s1+$0x0]  }
0x64: {  	v9 =	vbroadcast v7, $0x0;
	v15 =	vbroadcast v7, $0x3  }
0x65: {  	s3 =	simm.s32 $0x20;
	s16 =	simm.s32 $0x7960;
	s0 =	simm.s32 $0x18870;
	v8 =	vbroadcast v7, $0x7;
	v12 =	vmul.f32 v11, v12;
	v11 =	vld [tilespmem:s1+$0xB0]  }
.LBB2_5:
0x66: {  	p0 =	sne.s32 s3, $0x7E0;
	v14 =	vmul.f32 v14, v15;
	v15 =	vld [tilespmem:s1+$0xD0];
	s2 =	sadd.s32 $0x40, s2;
	s16 =	sadd.s32 $0x220, s16  }
0x67: {  	v16 =	vbroadcast v7, $0xB;
	s17 =	smov.u32 s3;
	s3 =	sadd.s32 $0x20, s3;
	v17 =	vld [tilespmem:s1+$0xF0]  }
0x68: {  	v8 =	vmul.f32 v10, v8;
	v9 =	vmul.f32 v13, v9;
	v12 =	vadd.f32 v14, v12;
	v13 =	vld [tilespmem:s1+$0x50]  }
0x69: {  	v10 =	vld [tilespmem:s1+$0x100]  }
0x6a: {  	v14 =	vbroadcast v7, $0xF;
	v8 =	vadd.f32 v8, v12;
	v12 =	vld [tilespmem:s1+$0x90];
	v11 =	vmul.f32 v11, v16  }
0x6b: {  	v16 =	vbroadcast v7, $0x5;
	v18 =	vld [tilespmem:s1+$0x80]  }
0x6c: {  	v20 =	vbroadcast v7, $0xA;
	v19 =	vld [tilespmem:s1+$0x40];
	v8 =	vadd.f32 v11, v8;
	v11 =	vmul.f32 v17, v14  }
0x6d: {  	v13 =	vmul.f32 v13, v16;
	v14 =	vld [tilespmem:s1+$0x60];
	v16 =	vbroadcast v7, $0x9  }
0x6e: {  	v21 =	vbroadcast v7, $0x8;
	v22 =	vbroadcast v7, $0xD;
	v17 =	vld [tilespmem:s1+$0x10];
	v8 =	vadd.f32 v11, v8  }
0x6f: {  	v11 =	vbroadcast v7, $0x4;
	v9 =	vadd.f32 v13, v9;
	v12 =	vmul.f32 v12, v16;
	v13 =	vld [tilespmem:s1+$0xA0]  }
0x70: {  	v23 =	vbroadcast v7, $0x6;
	v16 =	vbroadcast v7, $0x1  }
0x71: {  	v11 =	vmul.f32 v19, v11;
	v9 =	vadd.f32 v12, v9;
	v12 =	vmul.f32 v15, v22;
	v15 =	vld [tilespmem:s1+$0xE0]  }
0x72: {  	v18 =	vmul.f32 v18, v21;
	v14 =	vmul.f32 v14, v23;
	v19 =	vld [tilespmem:s1+$0xC0];
	s1 =	smov.u32 s16  }
0x73: {  	v16 =	vmul.f32 v17, v16;
	v10 =	vadd.f32 v11, v10;
	v9 =	vadd.f32 v12, v9  }
0x74: {  	v12 =	vbroadcast v7, $0xE;
	v11 =	vmul.f32 v13, v20  }
0x75: {  	v7 =	vbroadcast v7, $0xC;
	v13 =	vadd.f32 v14, v16;
	v10 =	vadd.f32 v18, v10  }
0x76: {  	v12 =	vmul.f32 v15, v12  }
0x77: {  	v11 =	vadd.f32 v11, v13;
	v7 =	vmul.f32 v19, v7;
	_ =	sdelay $0x1  }
0x78: {  	v7 =	vadd.f32 v7, v10;
	v10 =	vadd.f32 v12, v11  }
0x79: {  	s17 =	sshra.s32 s17, $0x2  }
0x7a: {  	v7 =	vadd.f32 v9, v7;
	v8 =	vadd.f32 v8, v10;
	_ =	sdelay $0x1  }
0x7b: {  	v7 =	vadd.f32 v8, v7;
	_ =	sdelay $0x1  }
0x7c: {  	[tilespmem:s0+$0x0] =	vst v7;
	s0 =	smov.u32 s2  }
0x7d: {  	v7 =	vld.idx.msk [tilespmem:v1+s17+$0x0 ss:$0x1], $0xffff;
	_ =	sdelay $0x5  }
0x7e: {  	v8 =	vbroadcast v7, $0x0;
	v9 =	vbroadcast v7, $0x1  }
0x7f: {  	v10 =	vbroadcast v7, $0x2;
	v11 =	vbroadcast v7, $0x3  }
0x80: {  	v8 =	vmul.f32 v8, v2;
	v9 =	vmul.f32 v9, v3  }
0x81: {  	v12 =	vbroadcast v7, $0x4;
	v13 =	vbroadcast v7, $0x5  }
0x82: {  	v8 =	vadd.f32 v9, v8;
	v9 =	vmul.f32 v10, v4;
	v10 =	vbroadcast v7, $0x6  }
0x83: {  	v12 =	vmul.f32 v12, v2;
	v13 =	vmul.f32 v13, v3  }
0x84: {  	v8 =	vadd.f32 v8, v9;
	v9 =	vmul.f32 v11, v5  }
0x85: {  	v7 =	vbroadcast v7, $0x7;
	v11 =	vadd.f32 v13, v12;
	v10 =	vmul.f32 v10, v4  }
0x86: {  	v8 =	vadd.f32 v8, v9;
	v9 =	vld [tilespmem:s16+$0xFFFFFF20]  }
0x87: {  	v7 =	vmul.f32 v7, v5;
	v10 =	vadd.f32 v11, v10;
	v12 =	vld [tilespmem:s16+$0xFFFFFF70]  }
0x88: {  	v8 =	vadd.f32 v8, v6;
	v11 =	vld [tilespmem:s16+$0xFFFFFF10]  }
0x89: {  	v7 =	vadd.f32 v10, v7;
	v13 =	vld [tilespmem:s16+$0xFFFFFF60]  }
0x8a: {  	v8 =	vmax.f32 v8, $0.0e+00;
	v10 =	vld [tilespmem:s16+$0xFFFFFFF0]  }
0x8b: {  	v7 =	vadd.f32 v7, v6;
	v14 =	vbroadcast v8, $0x2;
	v15 =	vbroadcast v8, $0x3;
	v16 =	vld [tilespmem:s16+$0xFFFFFFA0]  }
0x8c: {  	v18 =	vbroadcast v8, $0x7;
	v19 =	vbroadcast v8, $0xF;
	v17 =	vld [tilespmem:s16+$0xFFFFFF30]  }
0x8d: {  	v7 =	vmax.f32 v7, $0.0e+00;
	v9 =	vmul.f32 v15, v9;
	v20 =	vld [tilespmem:s16+$0xFFFFFEF0];
	v11 =	vmul.f32 v14, v11  }
0x8e: {  	v14 =	vbroadcast v8, $0xB;
	v13 =	vmul.f32 v13, v18;
	v15 =	vld [tilespmem:s16+$0xFFFFFFE0]  }
0x8f: {  	v18 =	vbroadcast v8, $0x8;
	v9 =	vadd.f32 v9, v11;
	v11 =	vbroadcast v8, $0x4;
	v21 =	vld [tilespmem:s16+$0xFFFFFFD0]  }
0x90: {  	v22 =	vbroadcast v8, $0x0;
	v24 =	vbroadcast v8, $0x1;
	v23 =	vld [tilespmem:s16+$0xFFFFFF00]  }
0x91: {  	v11 =	vmul.f32 v11, v17;
	v17 =	vld [tilespmem:s16+$0xFFFFFF50];
	v9 =	vadd.f32 v13, v9;
	v13 =	vmul.f32 v16, v14  }
0x92: {  	v12 =	vmul.f32 v12, v18;
	v14 =	vmul.f32 v22, v20;
	v16 =	vld [tilespmem:s16+$0xFFFFFF40]  }
0x93: {  	v18 =	vbroadcast v8, $0x6;
	v20 =	vld [tilespmem:s16+$0xFFFFFF90];
	v9 =	vadd.f32 v13, v9;
	v13 =	vmul.f32 v15, v19  }
0x94: {  	v10 =	vadd.f32 v11, v10;
	v15 =	vbroadcast v8, $0x9;
	v19 =	vbroadcast v8, $0xA;
	v11 =	vld [tilespmem:s16+$0xFFFFFF80]  }
0x95: {  	v22 =	vmul.f32 v24, v23;
	v23 =	vbroadcast v8, $0x5;
	v24 =	vld [tilespmem:s16+$0xFFFFFFB0];
	v13 =	vadd.f32 v13, v9  }
0x96: {  	v25 =	vbroadcast v8, $0xD;
	v9 =	vadd.f32 v12, v10;
	v10 =	vbroadcast v8, $0xC;
	v12 =	vld [tilespmem:s16+$0xFFFFFFC0]  }
0x97: {  	v17 =	vmul.f32 v17, v18;
	v16 =	vmul.f32 v23, v16  }
0x98: {  	v8 =	vbroadcast v8, $0xE;
	v18 =	vmul.f32 v20, v19  }
0x99: {  	v14 =	vadd.f32 v16, v14;
	v16 =	vadd.f32 v17, v22;
	v11 =	vmul.f32 v11, v15  }
0x9a: {  	v15 =	vmul.f32 v21, v8;
	v10 =	vmul.f32 v24, v10  }
0x9b: {  	v11 =	vadd.f32 v11, v14;
	v14 =	vadd.f32 v18, v16;
	v12 =	vmul.f32 v12, v25  }
0x9c: {  	v8 =	vbroadcast v7, $0x7;
	v10 =	vadd.f32 v10, v9;
	v9 =	vbroadcast v7, $0x0  }
0x9d: {  	v11 =	vadd.f32 v12, v11;
	v12 =	vadd.f32 v15, v14;
	_ =	sdelay $0x1  }
0x9e: {  	v10 =	vadd.f32 v11, v10;
	v11 =	vadd.f32 v13, v12;
	_ =	sdelay $0x1  }
0x9f: {  	v10 =	vadd.f32 v11, v10;
	_ =	sdelay $0x1  }
0xa0: {  	[tilespmem:s2+$0xFFFFFFE0] =	vst v10  }
0xa1: {  	v11 =	vld [tilespmem:s16+$0x20]  }
.Ltmp1:
0xa2: {  	v14 =	vld [tilespmem:s16+$0x30];
	(pc) =	sbr.rel @p0 .LBB2_5-.Ltmp1, $4  }
0xa3: {  	v10 =	vld [tilespmem:s16+$0x70]  }
0xa4: {  	v12 =	vbroadcast v7, $0x2;
	v13 =	vld [tilespmem:s16+$0x0]  }
0xa5: {  	v15 =	vbroadcast v7, $0x3  }
0xa6: {  	v12 =	vmul.f32 v11, v12;
	v11 =	vld [tilespmem:s16+$0xB0]  }
0xa7: {  	v1 =	vld [tilespmem:s1+$0xF0]  }
0xa8: {  	v2 =	vld [tilespmem:s1+$0x50]  }
0xa9: {  	v3 =	vld [tilespmem:s1+$0x100]  }
0xaa: {  	v4 =	vmul.f32 v14, v15;
	v5 =	vbroadcast v7, $0xB;
	v6 =	vld [tilespmem:s1+$0x90]  }
0xab: {  	v14 =	vbroadcast v7, $0x5;
	v15 =	vld [tilespmem:s1+$0x40];
	v19 =	vbroadcast v7, $0x4  }
0xac: {  	v16 =	vld [tilespmem:s1+$0x60];
	v20 =	vbroadcast v7, $0x1;
	v21 =	vbroadcast v7, $0x6  }
0xad: {  	v17 =	vld [tilespmem:s1+$0xA0];
	v8 =	vmul.f32 v10, v8;
	v9 =	vmul.f32 v13, v9;
	v4 =	vadd.f32 v4, v12  }
0xae: {  	v13 =	vbroadcast v7, $0xF;
	v12 =	vld [tilespmem:s1+$0x10];
	v5 =	vmul.f32 v11, v5  }
0xaf: {  	v10 =	vld [tilespmem:s1+$0x80];
	v11 =	vbroadcast v7, $0xA;
	v4 =	vadd.f32 v8, v4;
	v8 =	vbroadcast v7, $0xD  }
0xb0: {  	v18 =	vld [tilespmem:s1+$0xD0];
	v1 =	vmul.f32 v1, v13;
	v13 =	vbroadcast v7, $0x9  }
0xb1: {  	v22 =	vld [tilespmem:s1+$0xE0];
	v2 =	vmul.f32 v2, v14;
	v14 =	vbroadcast v7, $0x8  }
0xb2: {  	v4 =	vadd.f32 v5, v4;
	v5 =	vmul.f32 v6, v13;
	v6 =	vmul.f32 v15, v19;
	v13 =	vld [tilespmem:s1+$0xC0]  }
0xb3: {  	v2 =	vadd.f32 v2, v9;
	v9 =	vmul.f32 v16, v21;
	v12 =	vmul.f32 v12, v20  }
0xb4: {  	v10 =	vmul.f32 v10, v14;
	v3 =	vadd.f32 v6, v3;
	v6 =	vmul.f32 v17, v11  }
0xb5: {  	v11 =	vbroadcast v7, $0xE;
	v9 =	vadd.f32 v9, v12;
	v7 =	vbroadcast v7, $0xC  }
0xb6: {  	v2 =	vadd.f32 v5, v2;
	v5 =	vmul.f32 v18, v8;
	v3 =	vadd.f32 v10, v3  }
0xb7: {  	v8 =	vmul.f32 v22, v11;
	v6 =	vadd.f32 v6, v9;
	v7 =	vmul.f32 v13, v7  }
0xb8: {  	v1 =	vadd.f32 v1, v4;
	v2 =	vadd.f32 v5, v2  }
0xb9: {  	v4 =	vadd.f32 v8, v6;
	v3 =	vadd.f32 v7, v3;
	_ =	sdelay $0x1  }
0xba: {  	v1 =	vadd.f32 v1, v4;
	v2 =	vadd.f32 v2, v3;
	_ =	sdelay $0x1  }
0xbb: {  	s1 =	sshll.u32 s28, $0xA;
	v1 =	vadd.f32 v1, v2  }
0xbc: {  	s2 =	sshrl.u32 s1, $0x2  }
0xbd: {  	s16 =	sadd.s32 $0x1400, s2;
	[tilespmem:s0+$0x0] =	vst v1  }
0xbe: {  	[spmem:s4] =	stream.indirect.scatter.add.f32 [tilespmem:s24], [sflag:$0x3], $0x20, s16, s20, $0xb8;
	[tilespmem:$0x1E750] =	vst v63  }
0xbf: {  	p0 =	seq.s32 s28, $0x13;
	_ =	swait.ge [sflag:s15], $0x1000  }
0xc0: {  	s2 =	simm.s32 @!p0 $0x7850;
	s0 =	sshrl.u32 @!p0 s1, $0x2;
	[sflag:s15] =	ssyncset.done $0x0  }
0xc1: {  	s1 =	simm.s32 @!p0 $0x80;
	v1 =	vmov s30;
	s0 =	sadd.s32 @!p0 $0x100, s0;
	[sflag:s15] =	ssyncadd.s32 $0xFFFFF000  }
0xc2: {  	[tilespmem:s2], [sflag:$0x1] =	stream.indirect.gather @!p0 [hbm4b:s6+s1], $0x110, s0, s1, $0xb8;
	[tilespmem:$0x1E750] =	vst v63  }
0xc3: {  	_ =	swait.ge [sflag:s25], $0x8800  }
0xc4: {  	[sflag:s25] =	ssyncset.done $0x0  }
0xc5: {  	s17 =	simm.s32 $0x0;
	[sflag:s25] =	ssyncadd.s32 $0xFFFF7800  }
0xc6: {  	v7 =	vld.idx.msk [tilespmem:v1+s17+$0x0 ss:$0x1], $0xffff  }
0xc7: {  	v2 =	vld [tilespmem:$0x7800]  }
0xc8: {  	v3 =	vld [tilespmem:$0x7810];
	_ =	sdelay $0x1  }
0xc9: {  	v4 =	vld [tilespmem:$0x7820]  }
0xca: {  	v6 =	vbroadcast v7, $0x0;
	v8 =	vbroadcast v7, $0x1  }
0xcb: {  	v5 =	vld [tilespmem:$0x7830];
	v9 =	vbroadcast v7, $0x2  }
0xcc: {  	v6 =	vmul.f32 v6, v2;
	v8 =	vmul.f32 v8, v3;
	_ =	sdelay $0x1  }
0xcd: {  	v10 =	vbroadcast v7, $0x3;
	v9 =	vmul.f32 v9, v4;
	v8 =	vadd.f32 v8, v6  }
0xce: {  	v6 =	vld [tilespmem:$0x7840]  }
0xcf: {  	v8 =	vadd.f32 v8, v9;
	v9 =	vmul.f32 v10, v5  }
0xd0: {  	s1 =	simm.s32 $0x10160  }
0xd1: {  	v11 =	vld [tilespmem:s1+$0xFFFFFF10];
	v8 =	vadd.f32 v8, v9  }
0xd2: {  	v13 =	vld [tilespmem:s1+$0xFFFFFF60]  }
0xd3: {  	v16 =	vld [tilespmem:s1+$0xFFFFFFF0];
	v12 =	vbroadcast v7, $0x4;
	v8 =	vadd.f32 v8, v6  }
0xd4: {  	v44 =	vld [tilespmem:s1+$0xFFFFFFA0];
	v14 =	vbroadcast v7, $0x5  }
0xd5: {  	v45 =	vld [tilespmem:s1+$0xFFFFFF30];
	v15 =	vbroadcast v7, $0x6;
	v12 =	vmul.f32 v12, v2;
	v8 =	vmax.f32 v8, $0.0e+00  }
0xd6: {  	v23 =	vld [tilespmem:s1+$0xFFFFFEF0];
	v17 =	vbroadcast v8, $0x2;
	v43 =	vbroadcast v8, $0x3  }
0xd7: {  	v9 =	vld [tilespmem:s1+$0xFFFFFF20];
	v46 =	vbroadcast v8, $0x7;
	v47 =	vbroadcast v8, $0xF  }
0xd8: {  	v48 =	vld [tilespmem:s1+$0xFFFFFFE0];
	v49 =	vbroadcast v8, $0x4;
	v24 =	vbroadcast v8, $0x8  }
0xd9: {  	v25 =	vld [tilespmem:s1+$0xFFFFFF00];
	v26 =	vbroadcast v8, $0x0;
	v27 =	vbroadcast v8, $0x1  }
0xda: {  	v10 =	vld [tilespmem:s1+$0xFFFFFF70];
	v53 =	vbroadcast v8, $0x6;
	v54 =	vbroadcast v8, $0x5  }
0xdb: {  	v28 =	vld [tilespmem:s1+$0xFFFFFF40];
	v57 =	vbroadcast v8, $0xA;
	v60 =	vbroadcast v8, $0x9  }
0xdc: {  	v51 =	vld [tilespmem:s1+$0xFFFFFF90];
	v11 =	vmul.f32 v17, v11;
	v9 =	vmul.f32 v43, v9  }
0xdd: {  	v50 =	vld [tilespmem:s1+$0xFFFFFF50];
	v61 =	vbroadcast v8, $0xC;
	v62 =	vbroadcast v8, $0xE  }
0xde: {  	v55 =	vld [tilespmem:s1+$0xFFFFFF80];
	v13 =	vmul.f32 v13, v46;
	v17 =	vbroadcast v8, $0xB;
	v9 =	vadd.f32 v9, v11  }
0xdf: {  	v52 =	vld [tilespmem:s1+$0xFFFFFFD0];
	v20 =	vmul.f32 v49, v45;
	v10 =	vmul.f32 v10, v24  }
0xe0: {  	v58 =	vld [tilespmem:s1+$0xFFFFFFB0];
	v56 =	vmul.f32 v27, v25;
	v17 =	vmul.f32 v44, v17;
	v9 =	vadd.f32 v13, v9  }
0xe1: {  	v59 =	vld [tilespmem:s1+$0xFFFFFFC0];
	v19 =	vmul.f32 v51, v57;
	v11 =	vmul.f32 v26, v23  }
0xe2: {  	v26 =	vmul.f32 v54, v28;
	v9 =	vadd.f32 v17, v9;
	v17 =	vmul.f32 v50, v53  }
0xe3: {  	v8 =	vbroadcast v8, $0xD;
	v18 =	vmul.f32 v55, v60;
	v16 =	vadd.f32 v20, v16  }
0xe4: {  	v63 =	vmul.f32 v52, v62;
	v11 =	vadd.f32 v26, v11;
	v17 =	vadd.f32 v17, v56  }
0xe5: {  	v13 =	vmul.f32 v48, v47;
	v10 =	vadd.f32 v10, v16;
	v16 =	vmul.f32 v58, v61  }
0xe6: {  	v8 =	vmul.f32 v59, v8;
	v11 =	vadd.f32 v18, v11;
	v17 =	vadd.f32 v19, v17  }
0xe7: {  	v14 =	vmul.f32 v14, v3;
	v10 =	vadd.f32 v16, v10;
	v9 =	vadd.f32 v13, v9  }
0xe8: {  	v8 =	vadd.f32 v8, v11;
	v11 =	vadd.f32 v63, v17  }
0xe9: {  	v7 =	vbroadcast v7, $0x7;
	v12 =	vadd.f32 v14, v12;
	v13 =	vmul.f32 v15, v4  }
0xea: {  	v8 =	vadd.f32 v8, v10;
	v9 =	vadd.f32 v9, v11  }
0xeb: {  	v7 =	vmul.f32 v7, v5;
	v10 =	vadd.f32 v12, v13  }
0xec: {  	v8 =	vadd.f32 v9, v8  }
0xed: {  	s2 =	simm.s32 $0x18870;
	v7 =	vadd.f32 v10, v7  }
0xee: {  	[tilespmem:s2+$0xFFFFFFE0] =	vst v8  }
0xef: {  	v7 =	vadd.f32 v7, v6;
	v11 =	vld [tilespmem:s1+$0x20]  }
0xf0: {  	v14 =	vld [tilespmem:s1+$0x30]  }
0xf1: {  	v7 =	vmax.f32 v7, $0.0e+00;
	v10 =	vld [tilespmem:s1+$0x70]  }
0xf2: {  	v12 =	vbroadcast v7, $0x2;
	v13 =	vld [tilespmem:s1+$0x0]  }
0xf3: {  	v9 =	vbroadcast v7, $0x0;
	v15 =	vbroadcast v7, $0x3  }
0xf4: {  	s3 =	simm.s32 $0x20;
	s16 =	simm.s32 $0x10160;
	s0 =	simm.s32 $0x18870;
	v8 =	vbroadcast v7, $0x7;
	v11 =	vmul.f32 v11, v12;
	v12 =	vld [tilespmem:s1+$0xB0]  }
.LBB2_7:
0xf5: {  	p0 =	sne.s32 s3, $0x7E0;
	v14 =	vmul.f32 v14, v15;
	v15 =	vld [tilespmem:s1+$0xD0];
	s2 =	sadd.s32 $0x40, s2;
	s16 =	sadd.s32 $0x220, s16  }
0xf6: {  	v16 =	vbroadcast v7, $0xB;
	s17 =	smov.u32 s3;
	s3 =	sadd.s32 $0x20, s3;
	v17 =	vld [tilespmem:s1+$0xF0]  }
0xf7: {  	v8 =	vmul.f32 v10, v8;
	v9 =	vmul.f32 v13, v9;
	v11 =	vadd.f32 v14, v11;
	v13 =	vld [tilespmem:s1+$0x50]  }
0xf8: {  	v10 =	vld [tilespmem:s1+$0x100]  }
0xf9: {  	v14 =	vbroadcast v7, $0xF;
	v8 =	vadd.f32 v8, v11;
	v11 =	vld [tilespmem:s1+$0x90];
	v12 =	vmul.f32 v12, v16  }
0xfa: {  	v16 =	vbroadcast v7, $0x5;
	v18 =	vld [tilespmem:s1+$0x80]  }
0xfb: {  	v20 =	vbroadcast v7, $0xA;
	v19 =	vld [tilespmem:s1+$0x40];
	v8 =	vadd.f32 v12, v8;
	v12 =	vmul.f32 v17, v14  }
0xfc: {  	v13 =	vmul.f32 v13, v16;
	v14 =	vld [tilespmem:s1+$0x60];
	v16 =	vbroadcast v7, $0x9  }
0xfd: {  	v21 =	vbroadcast v7, $0x8;
	v22 =	vbroadcast v7, $0xD;
	v17 =	vld [tilespmem:s1+$0x10];
	v8 =	vadd.f32 v12, v8  }
0xfe: {  	v12 =	vbroadcast v7, $0x4;
	v9 =	vadd.f32 v13, v9;
	v11 =	vmul.f32 v11, v16;
	v13 =	vld [tilespmem:s1+$0xA0]  }
0xff: {  	v23 =	vbroadcast v7, $0x6;
	v16 =	vbroadcast v7, $0x1  }
0x100: {  	v12 =	vmul.f32 v19, v12;
	v9 =	vadd.f32 v11, v9;
	v11 =	vmul.f32 v15, v22;
	v15 =	vld [tilespmem:s1+$0xE0]  }
0x101: {  	v18 =	vmul.f32 v18, v21;
	v14 =	vmul.f32 v14, v23;
	v19 =	vld [tilespmem:s1+$0xC0];
	s1 =	smov.u32 s16  }
0x102: {  	v16 =	vmul.f32 v17, v16;
	v10 =	vadd.f32 v12, v10;
	v9 =	vadd.f32 v11, v9  }
0x103: {  	v12 =	vbroadcast v7, $0xE;
	v11 =	vmul.f32 v13, v20  }
0x104: {  	v7 =	vbroadcast v7, $0xC;
	v13 =	vadd.f32 v14, v16;
	v10 =	vadd.f32 v18, v10  }
0x105: {  	v12 =	vmul.f32 v15, v12  }
0x106: {  	v11 =	vadd.f32 v11, v13;
	v7 =	vmul.f32 v19, v7;
	_ =	sdelay $0x1  }
0x107: {  	v7 =	vadd.f32 v7, v10;
	v10 =	vadd.f32 v12, v11  }
0x108: {  	s17 =	sshra.s32 s17, $0x2  }
0x109: {  	v7 =	vadd.f32 v9, v7;
	v8 =	vadd.f32 v8, v10;
	_ =	sdelay $0x1  }
0x10a: {  	v7 =	vadd.f32 v8, v7;
	_ =	sdelay $0x1  }
0x10b: {  	[tilespmem:s0+$0x0] =	vst v7;
	s0 =	smov.u32 s2  }
0x10c: {  	v7 =	vld.idx.msk [tilespmem:v1+s17+$0x0 ss:$0x1], $0xffff;
	_ =	sdelay $0x5  }
0x10d: {  	v8 =	vbroadcast v7, $0x0;
	v9 =	vbroadcast v7, $0x1  }
0x10e: {  	v10 =	vbroadcast v7, $0x2;
	v11 =	vbroadcast v7, $0x3  }
0x10f: {  	v8 =	vmul.f32 v8, v2;
	v9 =	vmul.f32 v9, v3  }
0x110: {  	v12 =	vbroadcast v7, $0x4;
	v13 =	vbroadcast v7, $0x5  }
0x111: {  	v8 =	vadd.f32 v9, v8;
	v9 =	vmul.f32 v10, v4;
	v10 =	vbroadcast v7, $0x6  }
0x112: {  	v12 =	vmul.f32 v12, v2;
	v13 =	vmul.f32 v13, v3  }
0x113: {  	v8 =	vadd.f32 v8, v9;
	v9 =	vmul.f32 v11, v5  }
0x114: {  	v7 =	vbroadcast v7, $0x7;
	v11 =	vadd.f32 v13, v12;
	v10 =	vmul.f32 v10, v4  }
0x115: {  	v8 =	vadd.f32 v8, v9;
	v9 =	vld [tilespmem:s16+$0xFFFFFF20]  }
0x116: {  	v7 =	vmul.f32 v7, v5;
	v10 =	vadd.f32 v11, v10;
	v12 =	vld [tilespmem:s16+$0xFFFFFF70]  }
0x117: {  	v8 =	vadd.f32 v8, v6;
	v11 =	vld [tilespmem:s16+$0xFFFFFF10]  }
0x118: {  	v7 =	vadd.f32 v10, v7;
	v13 =	vld [tilespmem:s16+$0xFFFFFF60]  }
0x119: {  	v8 =	vmax.f32 v8, $0.0e+00;
	v10 =	vld [tilespmem:s16+$0xFFFFFFF0]  }
0x11a: {  	v7 =	vadd.f32 v7, v6;
	v14 =	vbroadcast v8, $0x2;
	v15 =	vbroadcast v8, $0x3;
	v16 =	vld [tilespmem:s16+$0xFFFFFFA0]  }
0x11b: {  	v18 =	vbroadcast v8, $0x7;
	v19 =	vbroadcast v8, $0xF;
	v17 =	vld [tilespmem:s16+$0xFFFFFF30]  }
0x11c: {  	v7 =	vmax.f32 v7, $0.0e+00;
	v9 =	vmul.f32 v15, v9;
	v20 =	vld [tilespmem:s16+$0xFFFFFEF0];
	v11 =	vmul.f32 v14, v11  }
0x11d: {  	v14 =	vbroadcast v8, $0xB;
	v13 =	vmul.f32 v13, v18;
	v15 =	vld [tilespmem:s16+$0xFFFFFFE0]  }
0x11e: {  	v18 =	vbroadcast v8, $0x8;
	v9 =	vadd.f32 v9, v11;
	v11 =	vbroadcast v8, $0x4;
	v21 =	vld [tilespmem:s16+$0xFFFFFFD0]  }
0x11f: {  	v22 =	vbroadcast v8, $0x0;
	v24 =	vbroadcast v8, $0x1;
	v23 =	vld [tilespmem:s16+$0xFFFFFF00]  }
0x120: {  	v11 =	vmul.f32 v11, v17;
	v17 =	vld [tilespmem:s16+$0xFFFFFF50];
	v9 =	vadd.f32 v13, v9;
	v13 =	vmul.f32 v16, v14  }
0x121: {  	v12 =	vmul.f32 v12, v18;
	v14 =	vmul.f32 v22, v20;
	v16 =	vld [tilespmem:s16+$0xFFFFFF40]  }
0x122: {  	v18 =	vbroadcast v8, $0x6;
	v20 =	vld [tilespmem:s16+$0xFFFFFF90];
	v9 =	vadd.f32 v13, v9;
	v13 =	vmul.f32 v15, v19  }
0x123: {  	v10 =	vadd.f32 v11, v10;
	v15 =	vbroadcast v8, $0x9;
	v19 =	vbroadcast v8, $0xA;
	v11 =	vld [tilespmem:s16+$0xFFFFFF80]  }
0x124: {  	v22 =	vmul.f32 v24, v23;
	v23 =	vbroadcast v8, $0x5;
	v24 =	vld [tilespmem:s16+$0xFFFFFFB0];
	v13 =	vadd.f32 v13, v9  }
0x125: {  	v25 =	vbroadcast v8, $0xD;
	v9 =	vadd.f32 v12, v10;
	v10 =	vbroadcast v8, $0xC;
	v12 =	vld [tilespmem:s16+$0xFFFFFFC0]  }
0x126: {  	v17 =	vmul.f32 v17, v18;
	v16 =	vmul.f32 v23, v16  }
0x127: {  	v8 =	vbroadcast v8, $0xE;
	v18 =	vmul.f32 v20, v19  }
0x128: {  	v14 =	vadd.f32 v16, v14;
	v16 =	vadd.f32 v17, v22;
	v11 =	vmul.f32 v11, v15  }
0x129: {  	v15 =	vmul.f32 v21, v8;
	v10 =	vmul.f32 v24, v10  }
0x12a: {  	v11 =	vadd.f32 v11, v14;
	v14 =	vadd.f32 v18, v16;
	v12 =	vmul.f32 v12, v25  }
0x12b: {  	v8 =	vbroadcast v7, $0x7;
	v10 =	vadd.f32 v10, v9;
	v9 =	vbroadcast v7, $0x0  }
0x12c: {  	v11 =	vadd.f32 v12, v11;
	v12 =	vadd.f32 v15, v14;
	_ =	sdelay $0x1  }
0x12d: {  	v10 =	vadd.f32 v11, v10;
	v11 =	vadd.f32 v13, v12;
	_ =	sdelay $0x1  }
0x12e: {  	v10 =	vadd.f32 v11, v10;
	_ =	sdelay $0x1  }
0x12f: {  	[tilespmem:s2+$0xFFFFFFE0] =	vst v10  }
0x130: {  	v11 =	vld [tilespmem:s16+$0x20]  }
.Ltmp2:
0x131: {  	v14 =	vld [tilespmem:s16+$0x30];
	(pc) =	sbr.rel @p0 .LBB2_7-.Ltmp2, $4  }
0x132: {  	v10 =	vld [tilespmem:s16+$0x70]  }
0x133: {  	v12 =	vbroadcast v7, $0x2;
	v13 =	vld [tilespmem:s16+$0x0]  }
0x134: {  	v15 =	vbroadcast v7, $0x3  }
0x135: {  	v11 =	vmul.f32 v11, v12;
	v12 =	vld [tilespmem:s16+$0xB0]  }
0x136: {  	v1 =	vld [tilespmem:s1+$0xF0]  }
0x137: {  	v2 =	vld [tilespmem:s1+$0x50]  }
0x138: {  	v3 =	vld [tilespmem:s1+$0x100];
	v4 =	vmul.f32 v14, v15;
	v5 =	vbroadcast v7, $0xB  }
0x139: {  	v6 =	vld [tilespmem:s1+$0x90];
	v44 =	vbroadcast v7, $0xF;
	v46 =	vbroadcast v7, $0x5  }
0x13a: {  	v43 =	vld [tilespmem:s1+$0x80];
	v47 =	vbroadcast v7, $0xA;
	v48 =	vbroadcast v7, $0x9  }
0x13b: {  	v45 =	vld [tilespmem:s1+$0x40];
	v50 =	vbroadcast v7, $0x4;
	v51 =	vbroadcast v7, $0x6  }
0x13c: {  	v16 =	vld [tilespmem:s1+$0x60];
	v52 =	vbroadcast v7, $0x1;
	v54 =	vbroadcast v7, $0x8  }
0x13d: {  	v49 =	vld [tilespmem:s1+$0x10];
	v57 =	vbroadcast v7, $0xD;
	v59 =	vbroadcast v7, $0xE  }
0x13e: {  	v17 =	vld [tilespmem:s1+$0xA0];
	v60 =	vbroadcast v7, $0xC;
	v8 =	vmul.f32 v10, v8  }
0x13f: {  	v18 =	vld [tilespmem:s1+$0xD0];
	v9 =	vmul.f32 v13, v9;
	v4 =	vadd.f32 v4, v11;
	v5 =	vmul.f32 v12, v5  }
0x140: {  	v53 =	vld [tilespmem:s1+$0xE0];
	v1 =	vmul.f32 v1, v44;
	v2 =	vmul.f32 v2, v46  }
0x141: {  	v55 =	vld [tilespmem:s1+$0xC0];
	v4 =	vadd.f32 v8, v4;
	v6 =	vmul.f32 v6, v48;
	v13 =	vmul.f32 v45, v50  }
0x142: {  	v8 =	vmul.f32 v16, v51;
	v56 =	vmul.f32 v49, v52  }
0x143: {  	v58 =	vmul.f32 v17, v47;
	v4 =	vadd.f32 v5, v4;
	v2 =	vadd.f32 v2, v9  }
0x144: {  	v5 =	vmul.f32 v43, v54;
	v3 =	vadd.f32 v13, v3;
	v8 =	vadd.f32 v8, v56  }
0x145: {  	v61 =	vmul.f32 v18, v57;
	v62 =	vmul.f32 v53, v59;
	v2 =	vadd.f32 v6, v2  }
0x146: {  	v7 =	vmul.f32 v55, v60;
	v3 =	vadd.f32 v5, v3;
	v8 =	vadd.f32 v58, v8  }
0x147: {  	v1 =	vadd.f32 v1, v4;
	v2 =	vadd.f32 v61, v2  }
0x148: {  	v3 =	vadd.f32 v7, v3;
	v63 =	vadd.f32 v62, v8;
	_ =	sdelay $0x1  }
0x149: {  	v2 =	vadd.f32 v2, v3;
	v1 =	vadd.f32 v1, v63;
	_ =	sdelay $0x1  }
0x14a: {  	s28 =	sadd.s32 $0x1, s28;
	v1 =	vadd.f32 v1, v2  }
0x14b: {  	p0 =	sne.s32 s28, $0x14  }
.Ltmp3:
0x14c: {  	s31 =	sadd.s32 $0x1400, s31;
	[tilespmem:s0+$0x0] =	vst v1;
	(pc) =	sbr.rel @p0 .LBB2_4-.Ltmp3, $4  }
0x14d: {  	[spmem:s4] =	stream.indirect.scatter.add.f32 [tilespmem:s24], [sflag:$0x3], $0x20, s31, s20, $0xb8;
	[tilespmem:$0x1E750] =	vst v63  }
0x14e: {  	_ =	swait.ge [sflag:s15], $0x1000  }
0x14f: {  	[sflag:s15] =	ssyncset.done $0x0  }
0x150: {  	s29 =	sadd.s32 $0x400, s29;
	s30 =	sadd.s32 $0x400, s30;
	[sflag:s15] =	ssyncadd.s32 $0xFFFFF000  }
0x151: {  	s26 =	sadd.s32 $0x1, s26  }
0x152: {  	p0 =	sne.s32 s26, s13  }
.Ltmp4:
0x153: {  	[bflag:$0x0] =	sbarrier.arrive $0xFFFF;
	(pc) =	sbr.rel @p0 .LBB2_1-.Ltmp4, $4  }
0x154: {  	[hbm:s12], [sflag:s8] =	dma.local [spmem:s14], $0x9E0  }
0x155: {  	_ =	swait.ge [sflag:s15], $0x9E0  }
0x156: {  	[sflag:s15] =	ssyncset.done $0x0  }
0x157: {  	[sflag:s15] =	ssyncadd.s32 $0xFFFFF620  }
0x158: {  	_ =	sfence.sel $0x180000  }
0x159: {  	[bflag:$0x0] =	sbarrier.arrive $0xFFFF  }
0x15a: {  	_ =	strace $0x9000004D  }
0x15b: {  	s0 =	stileid.u32;
	[bflag:$0x2] =	sbarrier.arrive $0xFFFF  }
0x15c: {  	p0 =	sne.s32 s0, $0x0;
	s0 =	rddreg [dreg:$0x4]  }
0x15d: {  	s0 =	sadd.s32 @!p0 $0x100000, s0  }
0x15e: {  	[sflag:s0] =	ssyncadd.tile.s32 @!p0 $0x1;
	_ =	shalt  }
.Lfunc_end2:
_tile_overlayer_lowered:
.L_overlay_start_2:
0x15f: {  	(tag) =	ssettag $0x2  }
0x160: {  	s0 =	rddreg [dreg:$0x0];
	s2 =	stileid.u32  }
0x161: {  	s1 =	rddreg [dreg:$0x1];
	p0 =	sne.s32 s2, $0x0  }
0x162: {  	s3 =	rddreg [dreg:$0x2];
	[bflag:$0x3] =	sbarrier.arrive $0xFFFF;
	s2 =	simm.s32 @!p0 $0x1C03  }
0x163: {  	[timem:s3], [sflag:s2] =	dma.local @!p0 [hbm:s0], s1  }
0x164: {  	s0 =	simm.s32 @!p0 $0x3  }
0x165: {  	_ =	swait.ge @!p0 [sflag:s0], s1  }
0x166: {  	s1 =	ssub.s32 @!p0 $0x0, s1;
	[sflag:s0] =	ssyncset.done @!p0 $0x0  }
0x167: {  	[sflag:s0] =	ssyncadd.s32 @!p0 s1  }
0x168: {  	[bflag:$0x3] =	sbarrier.arrive $0xFFFF  }
0x169: {  	_ =	shalt  }

</sc_bundles>
